<compile_context>
chip_gen: v7x
topology: tpu7x:2x2x1
jax: 0.10.2.dev20260603
libtpu: 0.0.44.dev20260713+nightly
codegen_flags: <defaults>
</compile_context>

<pallas_src>
import functools

import jax
import jax.numpy as jnp
from jax import lax
from jax.experimental import pallas as pl
from jax.experimental.pallas import tpu as pltpu
from jax.experimental.pallas import tpu_sc as plsc

R = 256
C = 100000
N = 16384
NC, NS, L = 2, 16, 16
NW = NC * NS
CW = 3136
RB = 112
NBLK = CW // RB
CHUNK = 128
NCH = 25
LSZ = NCH * CHUNK


def _make_sc_kernel(interpret=False):
    mesh = plsc.VectorSubcoreMesh(core_axis_name="c", subcore_axis_name="s",
                                  num_cores=NC, num_subcores=NS)

    @functools.partial(
        pl.kernel,
        out_type=jax.ShapeDtypeStruct((C, R), jnp.float32),
        mesh=mesh,
        scratch_types=[
            pltpu.VMEM((N,), jnp.int32),
            pltpu.VMEM((CW,), jnp.int32),
            pltpu.VMEM((LSZ,), jnp.int32),
            pltpu.VMEM((LSZ,), jnp.int32),
            pltpu.VMEM((NCH, CHUNK), jnp.int32),
            pltpu.VMEM((CHUNK, R), jnp.float32),
            pltpu.VMEM((RB, R), jnp.float32),
            pltpu.VMEM((RB, R), jnp.float32),
            pltpu.VMEM((L,), jnp.int32),
            pltpu.SemaphoreType.DMA,
            pltpu.SemaphoreType.DMA,
            pltpu.SemaphoreType.DMA,
            pltpu.SemaphoreType.DMA,
            pltpu.SemaphoreType.DMA,
            pltpu.SemaphoreType.DMA,
        ],
        compiler_params=pltpu.CompilerParams(needs_layout_passes=False),
        interpret=interpret,
    )
    def k(in_hbm, idx_hbm, val_hbm, out_hbm,
          idx_v, W, jlist, rlist, sidx, P, buf0, buf1, nbuf,
          gsem, ssem, si0, si1, so0, so1):
        wid = lax.axis_index("c") * NS + lax.axis_index("s")
        row0 = jnp.minimum(wid * CW, C - CW)
        lane = lax.iota(jnp.int32, L)
        four = jnp.full((L,), 4, jnp.int32)

        pltpu.sync_copy(idx_hbm, idx_v)

        def init_body(t, c):
            W[pl.ds(t * L, L)] = jnp.full((L,), -1, jnp.int32)
            return c
        lax.fori_loop(0, CW // L, init_body, 0)

        def scan_body(t, c):
            iv = idx_v[pl.ds(t * L, L)]
            jv = t * L + lane
            key = iv * L + lane
            skey, sj = plsc.sort_key_val(key, jv)
            srv = lax.shift_right_logical(skey, four)
            nbuf[...] = srv
            nxt = plsc.load_gather(nbuf, [jnp.minimum(lane + 1, L - 1)])
            rl = srv - row0
            valid = (rl >= 0) & (rl < CW)
            keep = ((srv != nxt) | (lane == L - 1)) & valid
            r_safe = jnp.clip(rl, 0, CW - 1)
            plsc.store_scatter(W, [r_safe], sj, mask=keep)
            return c

        bufs = (buf0, buf1)
        sis = (si0, si1)
        sos = (so0, so1)
        nv = N // L
        spb = -(-nv // NBLK)

        def blk(b):
            return in_hbm.at[pl.ds(row0 + b * RB, RB), :]

        def oblk(b):
            return out_hbm.at[pl.ds(row0 + b * RB, RB), :]

        din = [None, None]
        dout = [None, None]
        din[0] = pltpu.async_copy(blk(0), bufs[0], sis[0])
        for b in range(NBLK):
            B = b % 2
            lo, hi = min(b * spb, nv), min((b + 1) * spb, nv)
            if lo < hi:
                lax.fori_loop(lo, hi, scan_body, 0)
            din[B].wait()
            dout[B] = pltpu.async_copy(bufs[B], oblk(b), sos[B])
            if b + 1 < NBLK:
                if b >= 1:
                    dout[1 - B].wait()
                din[1 - B] = pltpu.async_copy(blk(b + 1), bufs[1 - B],
                                              sis[1 - B])
        dout[(NBLK - 2) % 2].wait()
        dout[(NBLK - 1) % 2].wait()

        def comp_body(t, off):
            wv = W[pl.ds(t * L, L)]
            m = wv >= 0
            rv = t * L + lane
            plsc.store_compressed(rlist.at[pl.ds(off, L)], rv, mask=m)
            plsc.store_compressed(jlist.at[pl.ds(off, L)], wv, mask=m)
            return off + jnp.sum(jnp.where(m, 1, 0))
        nk = lax.fori_loop(0, CW // L, comp_body, jnp.int32(0))

        nch = (nk + (CHUNK - 1)) // CHUNK
        lastp = jnp.maximum(nk - 1, 0)
        lastr = plsc.load_gather(rlist, [jnp.zeros((L,), jnp.int32) + lastp])
        lastj = plsc.load_gather(jlist, [jnp.zeros((L,), jnp.int32) + lastp])

        def pad_tail(t, c):
            pos = t * L + lane
            m = (pos >= nk) & (pos < nch * CHUNK)
            plsc.store_scatter(rlist, [jnp.clip(pos, 0, LSZ - 1)], lastr,
                               mask=m)
            plsc.store_scatter(jlist, [jnp.clip(pos, 0, LSZ - 1)], lastj,
                               mask=m)
            return c
        lax.fori_loop(lastp // L, jnp.minimum(lastp // L + (CHUNK // L) + 1,
                                              LSZ // L), pad_tail, 0)

        def repack_body(t, c):
            q = t // (CHUNK // L)
            p = t % (CHUNK // L)
            rv = rlist[pl.ds(t * L, L)] + row0
            plsc.store_scatter(sidx, [jnp.zeros((L,), jnp.int32) + q,
                                      p * L + lane], rv)
            return c
        lax.fori_loop(0, nch * (CHUNK // L), repack_body, 0)

        plsc.subcore_barrier()

        def patch_body(q, c):
            pltpu.async_copy(val_hbm.at[jlist.at[pl.ds(q * CHUNK, CHUNK)]],
                             P, gsem).wait()
            pltpu.async_copy(P, out_hbm.at[sidx.at[q]], ssem).wait()
            return c
        lax.fori_loop(0, nch, patch_body, 0)

    return k


def kernel(input, index, value):
    index = index.astype(jnp.int32)
    outt = _make_sc_kernel()(input.T, index, value.T)
    return outt.T

# --- scband reference (transcript-rebuilt; emitter-appended) ---
"""Pipeline reference for scband-index-put-impl2-dnone-index-static-module-72782515798808 (READ-ONLY COPY).

The authoritative reference and input builder live on the scoring server;
editing this copy changes nothing except your own understanding.
"""

import jax, jax.numpy as jnp
import numpy as np


def setup_inputs(seed: int = 0) -> dict:
    key = jax.random.key(seed)
    k1, k2, k3 = jax.random.split(key, 3)
    inp = jax.random.normal(k1, (256, 100000), dtype=jnp.float32)
    index = jax.random.randint(k2, (16384,), 0, 100000, dtype=jnp.int64)
    value = jax.random.normal(k3, (256, 16384), dtype=jnp.float32)
    return {"input": inp, "index": index, "value": value}


def reference(input, index, value):
    # torch.ops.aten._index_put_impl_(input, (None, index), value, accumulate=False)
    # i.e. input[:, index] = value (overwrite scatter along dim 1)
    out = input.at[:, index].set(value)
    return out

if __name__ == "__main__":
    import jax
    _d = setup_inputs()
    print(jax.jit(kernel)(*tuple(_d.values())))

</pallas_src>

<mosaic_0001>
#map = affine_map<(d0, d1) -> (0, 0)>
#map1 = affine_map<(d0, d1) -> (0)>
module attributes {stable_mosaic.version = 14 : i64} {
  func.func @k(%arg0: i32, %arg1: i32, %arg2: memref<100000x256xf32, #tpu.memory_space<hbm>>, %arg3: memref<16384xi32, #tpu.memory_space<hbm>>, %arg4: memref<16384x256xf32, #tpu.memory_space<hbm>>, %arg5: memref<100000x256xf32, #tpu.memory_space<hbm>>, %arg6: memref<16384xi32, #tpu.memory_space<vmem>>, %arg7: memref<3136xi32, #tpu.memory_space<vmem>>, %arg8: memref<3200xi32, #tpu.memory_space<vmem>>, %arg9: memref<3200xi32, #tpu.memory_space<vmem>>, %arg10: memref<25x128xi32, #tpu.memory_space<vmem>>, %arg11: memref<128x256xf32, #tpu.memory_space<vmem>>, %arg12: memref<112x256xf32, #tpu.memory_space<vmem>>, %arg13: memref<112x256xf32, #tpu.memory_space<vmem>>, %arg14: memref<16xi32, #tpu.memory_space<vmem>>, %arg15: memref<!tpu.dma_semaphore, #tpu.memory_space<semaphore_mem>>, %arg16: memref<!tpu.dma_semaphore, #tpu.memory_space<semaphore_mem>>, %arg17: memref<!tpu.dma_semaphore, #tpu.memory_space<semaphore_mem>>, %arg18: memref<!tpu.dma_semaphore, #tpu.memory_space<semaphore_mem>>, %arg19: memref<!tpu.dma_semaphore, #tpu.memory_space<semaphore_mem>>, %arg20: memref<!tpu.dma_semaphore, #tpu.memory_space<semaphore_mem>>) attributes {dimension_semantics = [#tpu.dimension_semantics<core_parallel>, #tpu.dimension_semantics<subcore_parallel>], iteration_bounds = array<i64: 2, 16>, scalar_prefetch = 0 : i64, scratch_operands = 15 : i64, tpu.core_type = #tpu.core_type<sc_vector_subcore>, window_params = [{transform_indices = #map}, {transform_indices = #map1}, {transform_indices = #map}, {transform_indices = #map}]} {
    %mul3A = arith.constant 16 : i32
    %mul3A_0 = arith.muli %arg0, %mul3A : i32
    %add3A = arith.addi %mul3A_0, %arg1 : i32
    %mul3A_1 = arith.constant 3136 : i32
    %mul3A_2 = arith.muli %add3A, %mul3A_1 : i32
    %min3A = arith.constant 96864 : i32
    %min3A_3 = arith.minsi %mul3A_2, %min3A : i32
    %iota3A = tpu.iota {dimensions = array<i32: 0>} : vector<16xi32>
    %broadcast_in_dim3A = arith.constant 4 : i32
    %broadcast_in_dim3A_4 = vector.broadcast %broadcast_in_dim3A : i32 to vector<16xi32>
    "tpu.region"() ({
      %run_scoped3A = tpu.sem_alloc : memref<!tpu.dma_semaphore, #tpu.memory_space<semaphore_mem>>
      tpu.enqueue_dma source(%arg3 : memref<16384xi32, #tpu.memory_space<hbm>>) target(%arg6 : memref<16384xi32, #tpu.memory_space<vmem>>) target_semaphore(%run_scoped3A : memref<!tpu.dma_semaphore, #tpu.memory_space<semaphore_mem>>)
      tpu.wait_dma2 semaphore(%run_scoped3A : memref<!tpu.dma_semaphore, #tpu.memory_space<semaphore_mem>>) src(%arg3 : memref<16384xi32, #tpu.memory_space<hbm>>) dst(%arg6 : memref<16384xi32, #tpu.memory_space<vmem>>)
      tpu.yield
    }) : () -> ()
    %scan3A = arith.constant 0 : i32
    %scan3A_5 = arith.constant 0 : i32
    %scan3A_6 = arith.constant 196 : i32
    %scan3A_7 = arith.addi %scan3A_5, %scan3A_6 : i32
    %scan3A_8 = arith.constant 1 : i32
    scf.for %scan3A_857 = %scan3A_5 to %scan3A_7 step %scan3A_8  : i32 {
      %broadcast_in_dim3A_858 = arith.constant -1 : i32
      %broadcast_in_dim3A_859 = vector.broadcast %broadcast_in_dim3A_858 : i32 to vector<16xi32>
      %mul3A_860 = arith.constant 16 : i32
      %mul3A_861 = arith.muli %scan3A_857, %mul3A_860 : i32
      %swap3A = arith.index_cast %mul3A_861 : i32 to index
      %swap3A_862 = tpu.vector_load %arg7[%swap3A] {strides = array<i32>} : memref<3136xi32, #tpu.memory_space<vmem>>, vector<16xi32>,
      tpu.vector_store %arg7[%swap3A], %broadcast_in_dim3A_859 {strides = array<i32>} : memref<3136xi32, #tpu.memory_space<vmem>>, vector<16xi32>,
    }
    %scan3A_9 = arith.constant 196 : i32
    %add3A_10 = arith.constant 0 : i32
    %add3A_11 = arith.addi %min3A_3, %add3A_10 : i32
    %dma_start3A = arith.constant 0 : i32
    %dma_start3A_12 = tpu.memref_slice %arg2[%add3A_11, %dma_start3A] : memref<100000x256xf32, #tpu.memory_space<hbm>> -> memref<112x256xf32, #tpu.memory_space<hbm>>
    %dma_start3A_13 = arith.constant 0 : i32
    %dma_start3A_14 = tpu.memref_slice %arg2[%add3A_11, %dma_start3A_13] : memref<100000x256xf32, #tpu.memory_space<hbm>> -> memref<112x256xf32, #tpu.memory_space<hbm>>
    tpu.enqueue_dma source(%dma_start3A_14 : memref<112x256xf32, #tpu.memory_space<hbm>>) target(%arg12 : memref<112x256xf32, #tpu.memory_space<vmem>>) target_semaphore(%arg17 : memref<!tpu.dma_semaphore, #tpu.memory_space<semaphore_mem>>)
    %scan3A_15 = arith.constant 0 : i32
    %scan3A_16 = arith.constant 0 : i32
    %scan3A_17 = arith.constant 37 : i32
    %scan3A_18 = arith.addi %scan3A_16, %scan3A_17 : i32
    %scan3A_19 = arith.constant 1 : i32
    scf.for %scan3A_857 = %scan3A_16 to %scan3A_18 step %scan3A_19  : i32 {
      %mul3A_858 = arith.constant 16 : i32
      %mul3A_859 = arith.muli %scan3A_857, %mul3A_858 : i32
      %get3A = arith.index_cast %mul3A_859 : i32 to index
      %get3A_860 = tpu.vector_load %arg6[%get3A] {strides = array<i32>} : memref<16384xi32, #tpu.memory_space<vmem>>, vector<16xi32>,
      %mul3A_861 = arith.constant 16 : i32
      %mul3A_862 = arith.muli %scan3A_857, %mul3A_861 : i32
      %add3A_863 = vector.broadcast %mul3A_862 : i32 to vector<16xi32>
      %add3A_864 = arith.addi %add3A_863, %iota3A : vector<16xi32>
      %mul3A_865 = arith.constant 16 : i32
      %mul3A_866 = vector.broadcast %mul3A_865 : i32 to vector<16xi32>
      %mul3A_867 = arith.muli %get3A_860, %mul3A_866 : vector<16xi32>
      %add3A_868 = arith.addi %mul3A_867, %iota3A : vector<16xi32>
      %masked_sort3A = arith.constant dense<true> : vector<16xi1>
      %masked_sort3A_869 = arith.constant -2147483648 : i32
      %masked_sort3A_870 = vector.broadcast %masked_sort3A_869 : i32 to vector<16xi32>
      %masked_sort3A_871 = arith.xori %add3A_868, %masked_sort3A_870 : vector<16xi32>
      %masked_sort3A_872, %masked_sort3A_873, %masked_sort3A_874 = tpu.sort %masked_sort3A_871, %add3A_864 masked %masked_sort3A : (vector<16xi32>, vector<16xi32>, vector<16xi1>) -> (vector<16xi1>, vector<16xi32>, vector<16xi32>)
      %masked_sort3A_875 = arith.xori %masked_sort3A_873, %masked_sort3A_870 : vector<16xi32>
      %shift_right_logical3A = arith.shrui %masked_sort3A_875, %broadcast_in_dim3A_4 : vector<16xi32>
      %swap3A = arith.constant 0 : index
      %swap3A_876 = tpu.vector_load %arg14[%swap3A] {strides = array<i32>} : memref<16xi32, #tpu.memory_space<vmem>>, vector<16xi32>,
      tpu.vector_store %arg14[%swap3A], %shift_right_logical3A {strides = array<i32>} : memref<16xi32, #tpu.memory_space<vmem>>, vector<16xi32>,
      %add3A_877 = arith.constant 1 : i32
      %add3A_878 = vector.broadcast %add3A_877 : i32 to vector<16xi32>
      %add3A_879 = arith.addi %iota3A, %add3A_878 : vector<16xi32>
      %min3A_880 = arith.constant 15 : i32
      %min3A_881 = vector.broadcast %min3A_880 : i32 to vector<16xi32>
      %min3A_882 = arith.minsi %add3A_879, %min3A_881 : vector<16xi32>
      %gather3A_883 = tpu.vector_load_idx %arg14[%min3A_882] : memref<16xi32, #tpu.memory_space<vmem>>[vector<16xi32>], vector<16xi32>,
      %sub3A_884 = vector.broadcast %min3A_3 : i32 to vector<16xi32>
      %sub3A_885 = arith.subi %shift_right_logical3A, %sub3A_884 : vector<16xi32>
      %ge3A = arith.constant 0 : i32
      %ge3A_886 = vector.broadcast %ge3A : i32 to vector<16xi32>
      %ge3A_887 = arith.cmpi sge, %sub3A_885, %ge3A_886 : vector<16xi32>
      %lt3A = arith.constant 3136 : i32
      %lt3A_888 = vector.broadcast %lt3A : i32 to vector<16xi32>
      %lt3A_889 = arith.cmpi slt, %sub3A_885, %lt3A_888 : vector<16xi32>
      %and3A_890 = arith.andi %ge3A_887, %lt3A_889 : vector<16xi1>
      %ne3A_891 = arith.cmpi ne, %shift_right_logical3A, %gather3A_883 : vector<16xi32>
      %eq3A = arith.constant 15 : i32
      %eq3A_892 = vector.broadcast %eq3A : i32 to vector<16xi32>
      %eq3A_893 = arith.cmpi eq, %iota3A, %eq3A_892 : vector<16xi32>
      %or3A = arith.ori %ne3A_891, %eq3A_893 : vector<16xi1>
      %and3A_894 = arith.andi %or3A, %and3A_890 : vector<16xi1>
      %jit3A_895 = arith.constant 0 : i32
      %jit3A_896 = arith.constant 3135 : i32
      %max3A_897 = vector.broadcast %jit3A_895 : i32 to vector<16xi32>
      %max3A_898 = arith.maxsi %max3A_897, %sub3A_885 : vector<16xi32>
      %min3A_899 = vector.broadcast %jit3A_896 : i32 to vector<16xi32>
      %min3A_900 = arith.minsi %min3A_899, %max3A_898 : vector<16xi32>
      tpu.vector_store_idx %arg7[%min3A_900], %masked_sort3A_874 masked %and3A_894 : memref<3136xi32, #tpu.memory_space<vmem>>[vector<16xi32>], vector<16xi32>, vector<16xi1>
    }
    %scan3A_20 = arith.constant 37 : i32
    %dma_wait3A = arith.constant 0 : i32
    %dma_wait3A_21 = tpu.memref_slice %arg2[%add3A_11, %dma_wait3A] : memref<100000x256xf32, #tpu.memory_space<hbm>> -> memref<112x256xf32, #tpu.memory_space<hbm>>
    %dma_wait3A_22 = arith.constant 0 : i32
    %dma_wait3A_23 = tpu.memref_slice %arg2[%add3A_11, %dma_wait3A_22] : memref<100000x256xf32, #tpu.memory_space<hbm>> -> memref<112x256xf32, #tpu.memory_space<hbm>>
    tpu.wait_dma2 semaphore(%arg17 : memref<!tpu.dma_semaphore, #tpu.memory_space<semaphore_mem>>) src(%dma_wait3A_23 : memref<112x256xf32, #tpu.memory_space<hbm>>) dst(%arg12 : memref<112x256xf32, #tpu.memory_space<vmem>>)
    %add3A_24 = arith.constant 0 : i32
    %add3A_25 = arith.addi %min3A_3, %add3A_24 : i32
    %dma_start3A_26 = arith.constant 0 : i32
    %dma_start3A_27 = tpu.memref_slice %arg5[%add3A_25, %dma_start3A_26] : memref<100000x256xf32, #tpu.memory_space<hbm>> -> memref<112x256xf32, #tpu.memory_space<hbm>>
    %dma_start3A_28 = arith.constant 0 : i32
    %dma_start3A_29 = tpu.memref_slice %arg5[%add3A_25, %dma_start3A_28] : memref<100000x256xf32, #tpu.memory_space<hbm>> -> memref<112x256xf32, #tpu.memory_space<hbm>>
    tpu.enqueue_dma source(%arg12 : memref<112x256xf32, #tpu.memory_space<vmem>>) target(%dma_start3A_29 : memref<112x256xf32, #tpu.memory_space<hbm>>) target_semaphore(%arg19 : memref<!tpu.dma_semaphore, #tpu.memory_space<semaphore_mem>>)
    %add3A_30 = arith.constant 112 : i32
    %add3A_31 = arith.addi %min3A_3, %add3A_30 : i32
    %dma_start3A_32 = arith.constant 0 : i32
    %dma_start3A_33 = tpu.memref_slice %arg2[%add3A_31, %dma_start3A_32] : memref<100000x256xf32, #tpu.memory_space<hbm>> -> memref<112x256xf32, #tpu.memory_space<hbm>>
    %dma_start3A_34 = arith.constant 0 : i32
    %dma_start3A_35 = tpu.memref_slice %arg2[%add3A_31, %dma_start3A_34] : memref<100000x256xf32, #tpu.memory_space<hbm>> -> memref<112x256xf32, #tpu.memory_space<hbm>>
    tpu.enqueue_dma source(%dma_start3A_35 : memref<112x256xf32, #tpu.memory_space<hbm>>) target(%arg13 : memref<112x256xf32, #tpu.memory_space<vmem>>) target_semaphore(%arg18 : memref<!tpu.dma_semaphore, #tpu.memory_space<semaphore_mem>>)
    %scan3A_36 = arith.constant 0 : i32
    %scan3A_37 = arith.constant 37 : i32
    %scan3A_38 = arith.constant 37 : i32
    %scan3A_39 = arith.addi %scan3A_37, %scan3A_38 : i32
    %scan3A_40 = arith.constant 1 : i32
    scf.for %scan3A_857 = %scan3A_37 to %scan3A_39 step %scan3A_40  : i32 {
      %mul3A_858 = arith.constant 16 : i32
      %mul3A_859 = arith.muli %scan3A_857, %mul3A_858 : i32
      %get3A = arith.index_cast %mul3A_859 : i32 to index
      %get3A_860 = tpu.vector_load %arg6[%get3A] {strides = array<i32>} : memref<16384xi32, #tpu.memory_space<vmem>>, vector<16xi32>,
      %mul3A_861 = arith.constant 16 : i32
      %mul3A_862 = arith.muli %scan3A_857, %mul3A_861 : i32
      %add3A_863 = vector.broadcast %mul3A_862 : i32 to vector<16xi32>
      %add3A_864 = arith.addi %add3A_863, %iota3A : vector<16xi32>
      %mul3A_865 = arith.constant 16 : i32
      %mul3A_866 = vector.broadcast %mul3A_865 : i32 to vector<16xi32>
      %mul3A_867 = arith.muli %get3A_860, %mul3A_866 : vector<16xi32>
      %add3A_868 = arith.addi %mul3A_867, %iota3A : vector<16xi32>
      %masked_sort3A = arith.constant dense<true> : vector<16xi1>
      %masked_sort3A_869 = arith.constant -2147483648 : i32
      %masked_sort3A_870 = vector.broadcast %masked_sort3A_869 : i32 to vector<16xi32>
      %masked_sort3A_871 = arith.xori %add3A_868, %masked_sort3A_870 : vector<16xi32>
      %masked_sort3A_872, %masked_sort3A_873, %masked_sort3A_874 = tpu.sort %masked_sort3A_871, %add3A_864 masked %masked_sort3A : (vector<16xi32>, vector<16xi32>, vector<16xi1>) -> (vector<16xi1>, vector<16xi32>, vector<16xi32>)
      %masked_sort3A_875 = arith.xori %masked_sort3A_873, %masked_sort3A_870 : vector<16xi32>
      %shift_right_logical3A = arith.shrui %masked_sort3A_875, %broadcast_in_dim3A_4 : vector<16xi32>
      %swap3A = arith.constant 0 : index
      %swap3A_876 = tpu.vector_load %arg14[%swap3A] {strides = array<i32>} : memref<16xi32, #tpu.memory_space<vmem>>, vector<16xi32>,
      tpu.vector_store %arg14[%swap3A], %shift_right_logical3A {strides = array<i32>} : memref<16xi32, #tpu.memory_space<vmem>>, vector<16xi32>,
      %add3A_877 = arith.constant 1 : i32
      %add3A_878 = vector.broadcast %add3A_877 : i32 to vector<16xi32>
      %add3A_879 = arith.addi %iota3A, %add3A_878 : vector<16xi32>
      %min3A_880 = arith.constant 15 : i32
      %min3A_881 = vector.broadcast %min3A_880 : i32 to vector<16xi32>
      %min3A_882 = arith.minsi %add3A_879, %min3A_881 : vector<16xi32>
      %gather3A_883 = tpu.vector_load_idx %arg14[%min3A_882] : memref<16xi32, #tpu.memory_space<vmem>>[vector<16xi32>], vector<16xi32>,
      %sub3A_884 = vector.broadcast %min3A_3 : i32 to vector<16xi32>
      %sub3A_885 = arith.subi %shift_right_logical3A, %sub3A_884 : vector<16xi32>
      %ge3A = arith.constant 0 : i32
      %ge3A_886 = vector.broadcast %ge3A : i32 to vector<16xi32>
      %ge3A_887 = arith.cmpi sge, %sub3A_885, %ge3A_886 : vector<16xi32>
      %lt3A = arith.constant 3136 : i32
      %lt3A_888 = vector.broadcast %lt3A : i32 to vector<16xi32>
      %lt3A_889 = arith.cmpi slt, %sub3A_885, %lt3A_888 : vector<16xi32>
      %and3A_890 = arith.andi %ge3A_887, %lt3A_889 : vector<16xi1>
      %ne3A_891 = arith.cmpi ne, %shift_right_logical3A, %gather3A_883 : vector<16xi32>
      %eq3A = arith.constant 15 : i32
      %eq3A_892 = vector.broadcast %eq3A : i32 to vector<16xi32>
      %eq3A_893 = arith.cmpi eq, %iota3A, %eq3A_892 : vector<16xi32>
      %or3A = arith.ori %ne3A_891, %eq3A_893 : vector<16xi1>
      %and3A_894 = arith.andi %or3A, %and3A_890 : vector<16xi1>
      %jit3A_895 = arith.constant 0 : i32
      %jit3A_896 = arith.constant 3135 : i32
      %max3A_897 = vector.broadcast %jit3A_895 : i32 to vector<16xi32>
      %max3A_898 = arith.maxsi %max3A_897, %sub3A_885 : vector<16xi32>
      %min3A_899 = vector.broadcast %jit3A_896 : i32 to vector<16xi32>
      %min3A_900 = arith.minsi %min3A_899, %max3A_898 : vector<16xi32>
      tpu.vector_store_idx %arg7[%min3A_900], %masked_sort3A_874 masked %and3A_894 : memref<3136xi32, #tpu.memory_space<vmem>>[vector<16xi32>], vector<16xi32>, vector<16xi1>
    }
    %scan3A_41 = arith.constant 37 : i32
    %dma_wait3A_42 = arith.constant 0 : i32
    %dma_wait3A_43 = tpu.memref_slice %arg2[%add3A_31, %dma_wait3A_42] : memref<100000x256xf32, #tpu.memory_space<hbm>> -> memref<112x256xf32, #tpu.memory_space<hbm>>
    %dma_wait3A_44 = arith.constant 0 : i32
    %dma_wait3A_45 = tpu.memref_slice %arg2[%add3A_31, %dma_wait3A_44] : memref<100000x256xf32, #tpu.memory_space<hbm>> -> memref<112x256xf32, #tpu.memory_space<hbm>>
    tpu.wait_dma2 semaphore(%arg18 : memref<!tpu.dma_semaphore, #tpu.memory_space<semaphore_mem>>) src(%dma_wait3A_45 : memref<112x256xf32, #tpu.memory_space<hbm>>) dst(%arg13 : memref<112x256xf32, #tpu.memory_space<vmem>>)
    %add3A_46 = arith.constant 112 : i32
    %add3A_47 = arith.addi %min3A_3, %add3A_46 : i32
    %dma_start3A_48 = arith.constant 0 : i32
    %dma_start3A_49 = tpu.memref_slice %arg5[%add3A_47, %dma_start3A_48] : memref<100000x256xf32, #tpu.memory_space<hbm>> -> memref<112x256xf32, #tpu.memory_space<hbm>>
    %dma_start3A_50 = arith.constant 0 : i32
    %dma_start3A_51 = tpu.memref_slice %arg5[%add3A_47, %dma_start3A_50] : memref<100000x256xf32, #tpu.memory_space<hbm>> -> memref<112x256xf32, #tpu.memory_space<hbm>>
    tpu.enqueue_dma source(%arg13 : memref<112x256xf32, #tpu.memory_space<vmem>>) target(%dma_start3A_51 : memref<112x256xf32, #tpu.memory_space<hbm>>) target_semaphore(%arg20 : memref<!tpu.dma_semaphore, #tpu.memory_space<semaphore_mem>>)
    %dma_wait3A_52 = arith.constant 0 : i32
    %dma_wait3A_53 = tpu.memref_slice %arg5[%add3A_25, %dma_wait3A_52] : memref<100000x256xf32, #tpu.memory_space<hbm>> -> memref<112x256xf32, #tpu.memory_space<hbm>>
    %dma_wait3A_54 = arith.constant 0 : i32
    %dma_wait3A_55 = tpu.memref_slice %arg5[%add3A_25, %dma_wait3A_54] : memref<100000x256xf32, #tpu.memory_space<hbm>> -> memref<112x256xf32, #tpu.memory_space<hbm>>
    tpu.wait_dma2 semaphore(%arg19 : memref<!tpu.dma_semaphore, #tpu.memory_space<semaphore_mem>>) src(%arg12 : memref<112x256xf32, #tpu.memory_space<vmem>>) dst(%dma_wait3A_55 : memref<112x256xf32, #tpu.memory_space<hbm>>)
    %add3A_56 = arith.constant 224 : i32
    %add3A_57 = arith.addi %min3A_3, %add3A_56 : i32
    %dma_start3A_58 = arith.constant 0 : i32
    %dma_start3A_59 = tpu.memref_slice %arg2[%add3A_57, %dma_start3A_58] : memref<100000x256xf32, #tpu.memory_space<hbm>> -> memref<112x256xf32, #tpu.memory_space<hbm>>
    %dma_start3A_60 = arith.constant 0 : i32
    %dma_start3A_61 = tpu.memref_slice %arg2[%add3A_57, %dma_start3A_60] : memref<100000x256xf32, #tpu.memory_space<hbm>> -> memref<112x256xf32, #tpu.memory_space<hbm>>
    tpu.enqueue_dma source(%dma_start3A_61 : memref<112x256xf32, #tpu.memory_space<hbm>>) target(%arg12 : memref<112x256xf32, #tpu.memory_space<vmem>>) target_semaphore(%arg17 : memref<!tpu.dma_semaphore, #tpu.memory_space<semaphore_mem>>)
    %scan3A_62 = arith.constant 0 : i32
    %scan3A_63 = arith.constant 74 : i32
    %scan3A_64 = arith.constant 37 : i32
    %scan3A_65 = arith.addi %scan3A_63, %scan3A_64 : i32
    %scan3A_66 = arith.constant 1 : i32
    scf.for %scan3A_857 = %scan3A_63 to %scan3A_65 step %scan3A_66  : i32 {
      %mul3A_858 = arith.constant 16 : i32
      %mul3A_859 = arith.muli %scan3A_857, %mul3A_858 : i32
      %get3A = arith.index_cast %mul3A_859 : i32 to index
      %get3A_860 = tpu.vector_load %arg6[%get3A] {strides = array<i32>} : memref<16384xi32, #tpu.memory_space<vmem>>, vector<16xi32>,
      %mul3A_861 = arith.constant 16 : i32
      %mul3A_862 = arith.muli %scan3A_857, %mul3A_861 : i32
      %add3A_863 = vector.broadcast %mul3A_862 : i32 to vector<16xi32>
      %add3A_864 = arith.addi %add3A_863, %iota3A : vector<16xi32>
      %mul3A_865 = arith.constant 16 : i32
      %mul3A_866 = vector.broadcast %mul3A_865 : i32 to vector<16xi32>
      %mul3A_867 = arith.muli %get3A_860, %mul3A_866 : vector<16xi32>
      %add3A_868 = arith.addi %mul3A_867, %iota3A : vector<16xi32>
      %masked_sort3A = arith.constant dense<true> : vector<16xi1>
      %masked_sort3A_869 = arith.constant -2147483648 : i32
      %masked_sort3A_870 = vector.broadcast %masked_sort3A_869 : i32 to vector<16xi32>
      %masked_sort3A_871 = arith.xori %add3A_868, %masked_sort3A_870 : vector<16xi32>
      %masked_sort3A_872, %masked_sort3A_873, %masked_sort3A_874 = tpu.sort %masked_sort3A_871, %add3A_864 masked %masked_sort3A : (vector<16xi32>, vector<16xi32>, vector<16xi1>) -> (vector<16xi1>, vector<16xi32>, vector<16xi32>)
      %masked_sort3A_875 = arith.xori %masked_sort3A_873, %masked_sort3A_870 : vector<16xi32>
      %shift_right_logical3A = arith.shrui %masked_sort3A_875, %broadcast_in_dim3A_4 : vector<16xi32>
      %swap3A = arith.constant 0 : index
      %swap3A_876 = tpu.vector_load %arg14[%swap3A] {strides = array<i32>} : memref<16xi32, #tpu.memory_space<vmem>>, vector<16xi32>,
      tpu.vector_store %arg14[%swap3A], %shift_right_logical3A {strides = array<i32>} : memref<16xi32, #tpu.memory_space<vmem>>, vector<16xi32>,
      %add3A_877 = arith.constant 1 : i32
      %add3A_878 = vector.broadcast %add3A_877 : i32 to vector<16xi32>
      %add3A_879 = arith.addi %iota3A, %add3A_878 : vector<16xi32>
      %min3A_880 = arith.constant 15 : i32
      %min3A_881 = vector.broadcast %min3A_880 : i32 to vector<16xi32>
      %min3A_882 = arith.minsi %add3A_879, %min3A_881 : vector<16xi32>
      %gather3A_883 = tpu.vector_load_idx %arg14[%min3A_882] : memref<16xi32, #tpu.memory_space<vmem>>[vector<16xi32>], vector<16xi32>,
      %sub3A_884 = vector.broadcast %min3A_3 : i32 to vector<16xi32>
      %sub3A_885 = arith.subi %shift_right_logical3A, %sub3A_884 : vector<16xi32>
      %ge3A = arith.constant 0 : i32
      %ge3A_886 = vector.broadcast %ge3A : i32 to vector<16xi32>
      %ge3A_887 = arith.cmpi sge, %sub3A_885, %ge3A_886 : vector<16xi32>
      %lt3A = arith.constant 3136 : i32
      %lt3A_888 = vector.broadcast %lt3A : i32 to vector<16xi32>
      %lt3A_889 = arith.cmpi slt, %sub3A_885, %lt3A_888 : vector<16xi32>
      %and3A_890 = arith.andi %ge3A_887, %lt3A_889 : vector<16xi1>
      %ne3A_891 = arith.cmpi ne, %shift_right_logical3A, %gather3A_883 : vector<16xi32>
      %eq3A = arith.constant 15 : i32
      %eq3A_892 = vector.broadcast %eq3A : i32 to vector<16xi32>
      %eq3A_893 = arith.cmpi eq, %iota3A, %eq3A_892 : vector<16xi32>
      %or3A = arith.ori %ne3A_891, %eq3A_893 : vector<16xi1>
      %and3A_894 = arith.andi %or3A, %and3A_890 : vector<16xi1>
      %jit3A_895 = arith.constant 0 : i32
      %jit3A_896 = arith.constant 3135 : i32
      %max3A_897 = vector.broadcast %jit3A_895 : i32 to vector<16xi32>
      %max3A_898 = arith.maxsi %max3A_897, %sub3A_885 : vector<16xi32>
      %min3A_899 = vector.broadcast %jit3A_896 : i32 to vector<16xi32>
      %min3A_900 = arith.minsi %min3A_899, %max3A_898 : vector<16xi32>
      tpu.vector_store_idx %arg7[%min3A_900], %masked_sort3A_874 masked %and3A_894 : memref<3136xi32, #tpu.memory_space<vmem>>[vector<16xi32>], vector<16xi32>, vector<16xi1>
    }
    %scan3A_67 = arith.constant 37 : i32
    %dma_wait3A_68 = arith.constant 0 : i32
    %dma_wait3A_69 = tpu.memref_slice %arg2[%add3A_57, %dma_wait3A_68] : memref<100000x256xf32, #tpu.memory_space<hbm>> -> memref<112x256xf32, #tpu.memory_space<hbm>>
    %dma_wait3A_70 = arith.constant 0 : i32
    %dma_wait3A_71 = tpu.memref_slice %arg2[%add3A_57, %dma_wait3A_70] : memref<100000x256xf32, #tpu.memory_space<hbm>> -> memref<112x256xf32, #tpu.memory_space<hbm>>
    tpu.wait_dma2 semaphore(%arg17 : memref<!tpu.dma_semaphore, #tpu.memory_space<semaphore_mem>>) src(%dma_wait3A_71 : memref<112x256xf32, #tpu.memory_space<hbm>>) dst(%arg12 : memref<112x256xf32, #tpu.memory_space<vmem>>)
    %add3A_72 = arith.constant 224 : i32
    %add3A_73 = arith.addi %min3A_3, %add3A_72 : i32
    %dma_start3A_74 = arith.constant 0 : i32
    %dma_start3A_75 = tpu.memref_slice %arg5[%add3A_73, %dma_start3A_74] : memref<100000x256xf32, #tpu.memory_space<hbm>> -> memref<112x256xf32, #tpu.memory_space<hbm>>
    %dma_start3A_76 = arith.constant 0 : i32
    %dma_start3A_77 = tpu.memref_slice %arg5[%add3A_73, %dma_start3A_76] : memref<100000x256xf32, #tpu.memory_space<hbm>> -> memref<112x256xf32, #tpu.memory_space<hbm>>
    tpu.enqueue_dma source(%arg12 : memref<112x256xf32, #tpu.memory_space<vmem>>) target(%dma_start3A_77 : memref<112x256xf32, #tpu.memory_space<hbm>>) target_semaphore(%arg19 : memref<!tpu.dma_semaphore, #tpu.memory_space<semaphore_mem>>)
    %dma_wait3A_78 = arith.constant 0 : i32
    %dma_wait3A_79 = tpu.memref_slice %arg5[%add3A_47, %dma_wait3A_78] : memref<100000x256xf32, #tpu.memory_space<hbm>> -> memref<112x256xf32, #tpu.memory_space<hbm>>
    %dma_wait3A_80 = arith.constant 0 : i32
    %dma_wait3A_81 = tpu.memref_slice %arg5[%add3A_47, %dma_wait3A_80] : memref<100000x256xf32, #tpu.memory_space<hbm>> -> memref<112x256xf32, #tpu.memory_space<hbm>>
    tpu.wait_dma2 semaphore(%arg20 : memref<!tpu.dma_semaphore, #tpu.memory_space<semaphore_mem>>) src(%arg13 : memref<112x256xf32, #tpu.memory_space<vmem>>) dst(%dma_wait3A_81 : memref<112x256xf32, #tpu.memory_space<hbm>>)
    %add3A_82 = arith.constant 336 : i32
    %add3A_83 = arith.addi %min3A_3, %add3A_82 : i32
    %dma_start3A_84 = arith.constant 0 : i32
    %dma_start3A_85 = tpu.memref_slice %arg2[%add3A_83, %dma_start3A_84] : memref<100000x256xf32, #tpu.memory_space<hbm>> -> memref<112x256xf32, #tpu.memory_space<hbm>>
    %dma_start3A_86 = arith.constant 0 : i32
    %dma_start3A_87 = tpu.memref_slice %arg2[%add3A_83, %dma_start3A_86] : memref<100000x256xf32, #tpu.memory_space<hbm>> -> memref<112x256xf32, #tpu.memory_space<hbm>>
    tpu.enqueue_dma source(%dma_start3A_87 : memref<112x256xf32, #tpu.memory_space<hbm>>) target(%arg13 : memref<112x256xf32, #tpu.memory_space<vmem>>) target_semaphore(%arg18 : memref<!tpu.dma_semaphore, #tpu.memory_space<semaphore_mem>>)
    %scan3A_88 = arith.constant 0 : i32
    %scan3A_89 = arith.constant 111 : i32
    %scan3A_90 = arith.constant 37 : i32
    %scan3A_91 = arith.addi %scan3A_89, %scan3A_90 : i32
    %scan3A_92 = arith.constant 1 : i32
    scf.for %scan3A_857 = %scan3A_89 to %scan3A_91 step %scan3A_92  : i32 {
      %mul3A_858 = arith.constant 16 : i32
      %mul3A_859 = arith.muli %scan3A_857, %mul3A_858 : i32
      %get3A = arith.index_cast %mul3A_859 : i32 to index
      %get3A_860 = tpu.vector_load %arg6[%get3A] {strides = array<i32>} : memref<16384xi32, #tpu.memory_space<vmem>>, vector<16xi32>,
      %mul3A_861 = arith.constant 16 : i32
      %mul3A_862 = arith.muli %scan3A_857, %mul3A_861 : i32
      %add3A_863 = vector.broadcast %mul3A_862 : i32 to vector<16xi32>
      %add3A_864 = arith.addi %add3A_863, %iota3A : vector<16xi32>
      %mul3A_865 = arith.constant 16 : i32
      %mul3A_866 = vector.broadcast %mul3A_865 : i32 to vector<16xi32>
      %mul3A_867 = arith.muli %get3A_860, %mul3A_866 : vector<16xi32>
      %add3A_868 = arith.addi %mul3A_867, %iota3A : vector<16xi32>
      %masked_sort3A = arith.constant dense<true> : vector<16xi1>
      %masked_sort3A_869 = arith.constant -2147483648 : i32
      %masked_sort3A_870 = vector.broadcast %masked_sort3A_869 : i32 to vector<16xi32>
      %masked_sort3A_871 = arith.xori %add3A_868, %masked_sort3A_870 : vector<16xi32>
      %masked_sort3A_872, %masked_sort3A_873, %masked_sort3A_874 = tpu.sort %masked_sort3A_871, %add3A_864 masked %masked_sort3A : (vector<16xi32>, vector<16xi32>, vector<16xi1>) -> (vector<16xi1>, vector<16xi32>, vector<16xi32>)
      %masked_sort3A_875 = arith.xori %masked_sort3A_873, %masked_sort3A_870 : vector<16xi32>
      %shift_right_logical3A = arith.shrui %masked_sort3A_875, %broadcast_in_dim3A_4 : vector<16xi32>
      %swap3A = arith.constant 0 : index
      %swap3A_876 = tpu.vector_load %arg14[%swap3A] {strides = array<i32>} : memref<16xi32, #tpu.memory_space<vmem>>, vector<16xi32>,
      tpu.vector_store %arg14[%swap3A], %shift_right_logical3A {strides = array<i32>} : memref<16xi32, #tpu.memory_space<vmem>>, vector<16xi32>,
      %add3A_877 = arith.constant 1 : i32
      %add3A_878 = vector.broadcast %add3A_877 : i32 to vector<16xi32>
      %add3A_879 = arith.addi %iota3A, %add3A_878 : vector<16xi32>
      %min3A_880 = arith.constant 15 : i32
      %min3A_881 = vector.broadcast %min3A_880 : i32 to vector<16xi32>
      %min3A_882 = arith.minsi %add3A_879, %min3A_881 : vector<16xi32>
      %gather3A_883 = tpu.vector_load_idx %arg14[%min3A_882] : memref<16xi32, #tpu.memory_space<vmem>>[vector<16xi32>], vector<16xi32>,
      %sub3A_884 = vector.broadcast %min3A_3 : i32 to vector<16xi32>
      %sub3A_885 = arith.subi %shift_right_logical3A, %sub3A_884 : vector<16xi32>
      %ge3A = arith.constant 0 : i32
      %ge3A_886 = vector.broadcast %ge3A : i32 to vector<16xi32>
      %ge3A_887 = arith.cmpi sge, %sub3A_885, %ge3A_886 : vector<16xi32>
      %lt3A = arith.constant 3136 : i32
      %lt3A_888 = vector.broadcast %lt3A : i32 to vector<16xi32>
      %lt3A_889 = arith.cmpi slt, %sub3A_885, %lt3A_888 : vector<16xi32>
      %and3A_890 = arith.andi %ge3A_887, %lt3A_889 : vector<16xi1>
      %ne3A_891 = arith.cmpi ne, %shift_right_logical3A, %gather3A_883 : vector<16xi32>
      %eq3A = arith.constant 15 : i32
      %eq3A_892 = vector.broadcast %eq3A : i32 to vector<16xi32>
      %eq3A_893 = arith.cmpi eq, %iota3A, %eq3A_892 : vector<16xi32>
      %or3A = arith.ori %ne3A_891, %eq3A_893 : vector<16xi1>
      %and3A_894 = arith.andi %or3A, %and3A_890 : vector<16xi1>
      %jit3A_895 = arith.constant 0 : i32
      %jit3A_896 = arith.constant 3135 : i32
      %max3A_897 = vector.broadcast %jit3A_895 : i32 to vector<16xi32>
      %max3A_898 = arith.maxsi %max3A_897, %sub3A_885 : vector<16xi32>
      %min3A_899 = vector.broadcast %jit3A_896 : i32 to vector<16xi32>
      %min3A_900 = arith.minsi %min3A_899, %max3A_898 : vector<16xi32>
      tpu.vector_store_idx %arg7[%min3A_900], %masked_sort3A_874 masked %and3A_894 : memref<3136xi32, #tpu.memory_space<vmem>>[vector<16xi32>], vector<16xi32>, vector<16xi1>
    }
    %scan3A_93 = arith.constant 37 : i32
    %dma_wait3A_94 = arith.constant 0 : i32
    %dma_wait3A_95 = tpu.memref_slice %arg2[%add3A_83, %dma_wait3A_94] : memref<100000x256xf32, #tpu.memory_space<hbm>> -> memref<112x256xf32, #tpu.memory_space<hbm>>
    %dma_wait3A_96 = arith.constant 0 : i32
    %dma_wait3A_97 = tpu.memref_slice %arg2[%add3A_83, %dma_wait3A_96] : memref<100000x256xf32, #tpu.memory_space<hbm>> -> memref<112x256xf32, #tpu.memory_space<hbm>>
    tpu.wait_dma2 semaphore(%arg18 : memref<!tpu.dma_semaphore, #tpu.memory_space<semaphore_mem>>) src(%dma_wait3A_97 : memref<112x256xf32, #tpu.memory_space<hbm>>) dst(%arg13 : memref<112x256xf32, #tpu.memory_space<vmem>>)
    %add3A_98 = arith.constant 336 : i32
    %add3A_99 = arith.addi %min3A_3, %add3A_98 : i32
    %dma_start3A_100 = arith.constant 0 : i32
    %dma_start3A_101 = tpu.memref_slice %arg5[%add3A_99, %dma_start3A_100] : memref<100000x256xf32, #tpu.memory_space<hbm>> -> memref<112x256xf32, #tpu.memory_space<hbm>>
    %dma_start3A_102 = arith.constant 0 : i32
    %dma_start3A_103 = tpu.memref_slice %arg5[%add3A_99, %dma_start3A_102] : memref<100000x256xf32, #tpu.memory_space<hbm>> -> memref<112x256xf32, #tpu.memory_space<hbm>>
    tpu.enqueue_dma source(%arg13 : memref<112x256xf32, #tpu.memory_space<vmem>>) target(%dma_start3A_103 : memref<112x256xf32, #tpu.memory_space<hbm>>) target_semaphore(%arg20 : memref<!tpu.dma_semaphore, #tpu.memory_space<semaphore_mem>>)
    %dma_wait3A_104 = arith.constant 0 : i32
    %dma_wait3A_105 = tpu.memref_slice %arg5[%add3A_73, %dma_wait3A_104] : memref<100000x256xf32, #tpu.memory_space<hbm>> -> memref<112x256xf32, #tpu.memory_space<hbm>>
    %dma_wait3A_106 = arith.constant 0 : i32
    %dma_wait3A_107 = tpu.memref_slice %arg5[%add3A_73, %dma_wait3A_106] : memref<100000x256xf32, #tpu.memory_space<hbm>> -> memref<112x256xf32, #tpu.memory_space<hbm>>
    tpu.wait_dma2 semaphore(%arg19 : memref<!tpu.dma_semaphore, #tpu.memory_space<semaphore_mem>>) src(%arg12 : memref<112x256xf32, #tpu.memory_space<vmem>>) dst(%dma_wait3A_107 : memref<112x256xf32, #tpu.memory_space<hbm>>)
    %add3A_108 = arith.constant 448 : i32
    %add3A_109 = arith.addi %min3A_3, %add3A_108 : i32
    %dma_start3A_110 = arith.constant 0 : i32
    %dma_start3A_111 = tpu.memref_slice %arg2[%add3A_109, %dma_start3A_110] : memref<100000x256xf32, #tpu.memory_space<hbm>> -> memref<112x256xf32, #tpu.memory_space<hbm>>
    %dma_start3A_112 = arith.constant 0 : i32
    %dma_start3A_113 = tpu.memref_slice %arg2[%add3A_109, %dma_start3A_112] : memref<100000x256xf32, #tpu.memory_space<hbm>> -> memref<112x256xf32, #tpu.memory_space<hbm>>
    tpu.enqueue_dma source(%dma_start3A_113 : memref<112x256xf32, #tpu.memory_space<hbm>>) target(%arg12 : memref<112x256xf32, #tpu.memory_space<vmem>>) target_semaphore(%arg17 : memref<!tpu.dma_semaphore, #tpu.memory_space<semaphore_mem>>)
    %scan3A_114 = arith.constant 0 : i32
    %scan3A_115 = arith.constant 148 : i32
    %scan3A_116 = arith.constant 37 : i32
    %scan3A_117 = arith.addi %scan3A_115, %scan3A_116 : i32
    %scan3A_118 = arith.constant 1 : i32
    scf.for %scan3A_857 = %scan3A_115 to %scan3A_117 step %scan3A_118  : i32 {
      %mul3A_858 = arith.constant 16 : i32
      %mul3A_859 = arith.muli %scan3A_857, %mul3A_858 : i32
      %get3A = arith.index_cast %mul3A_859 : i32 to index
      %get3A_860 = tpu.vector_load %arg6[%get3A] {strides = array<i32>} : memref<16384xi32, #tpu.memory_space<vmem>>, vector<16xi32>,
      %mul3A_861 = arith.constant 16 : i32
      %mul3A_862 = arith.muli %scan3A_857, %mul3A_861 : i32
      %add3A_863 = vector.broadcast %mul3A_862 : i32 to vector<16xi32>
      %add3A_864 = arith.addi %add3A_863, %iota3A : vector<16xi32>
      %mul3A_865 = arith.constant 16 : i32
      %mul3A_866 = vector.broadcast %mul3A_865 : i32 to vector<16xi32>
      %mul3A_867 = arith.muli %get3A_860, %mul3A_866 : vector<16xi32>
      %add3A_868 = arith.addi %mul3A_867, %iota3A : vector<16xi32>
      %masked_sort3A = arith.constant dense<true> : vector<16xi1>
      %masked_sort3A_869 = arith.constant -2147483648 : i32
      %masked_sort3A_870 = vector.broadcast %masked_sort3A_869 : i32 to vector<16xi32>
      %masked_sort3A_871 = arith.xori %add3A_868, %masked_sort3A_870 : vector<16xi32>
      %masked_sort3A_872, %masked_sort3A_873, %masked_sort3A_874 = tpu.sort %masked_sort3A_871, %add3A_864 masked %masked_sort3A : (vector<16xi32>, vector<16xi32>, vector<16xi1>) -> (vector<16xi1>, vector<16xi32>, vector<16xi32>)
      %masked_sort3A_875 = arith.xori %masked_sort3A_873, %masked_sort3A_870 : vector<16xi32>
      %shift_right_logical3A = arith.shrui %masked_sort3A_875, %broadcast_in_dim3A_4 : vector<16xi32>
      %swap3A = arith.constant 0 : index
      %swap3A_876 = tpu.vector_load %arg14[%swap3A] {strides = array<i32>} : memref<16xi32, #tpu.memory_space<vmem>>, vector<16xi32>,
      tpu.vector_store %arg14[%swap3A], %shift_right_logical3A {strides = array<i32>} : memref<16xi32, #tpu.memory_space<vmem>>, vector<16xi32>,
      %add3A_877 = arith.constant 1 : i32
      %add3A_878 = vector.broadcast %add3A_877 : i32 to vector<16xi32>
      %add3A_879 = arith.addi %iota3A, %add3A_878 : vector<16xi32>
      %min3A_880 = arith.constant 15 : i32
      %min3A_881 = vector.broadcast %min3A_880 : i32 to vector<16xi32>
      %min3A_882 = arith.minsi %add3A_879, %min3A_881 : vector<16xi32>
      %gather3A_883 = tpu.vector_load_idx %arg14[%min3A_882] : memref<16xi32, #tpu.memory_space<vmem>>[vector<16xi32>], vector<16xi32>,
      %sub3A_884 = vector.broadcast %min3A_3 : i32 to vector<16xi32>
      %sub3A_885 = arith.subi %shift_right_logical3A, %sub3A_884 : vector<16xi32>
      %ge3A = arith.constant 0 : i32
      %ge3A_886 = vector.broadcast %ge3A : i32 to vector<16xi32>
      %ge3A_887 = arith.cmpi sge, %sub3A_885, %ge3A_886 : vector<16xi32>
      %lt3A = arith.constant 3136 : i32
      %lt3A_888 = vector.broadcast %lt3A : i32 to vector<16xi32>
      %lt3A_889 = arith.cmpi slt, %sub3A_885, %lt3A_888 : vector<16xi32>
      %and3A_890 = arith.andi %ge3A_887, %lt3A_889 : vector<16xi1>
      %ne3A_891 = arith.cmpi ne, %shift_right_logical3A, %gather3A_883 : vector<16xi32>
      %eq3A = arith.constant 15 : i32
      %eq3A_892 = vector.broadcast %eq3A : i32 to vector<16xi32>
      %eq3A_893 = arith.cmpi eq, %iota3A, %eq3A_892 : vector<16xi32>
      %or3A = arith.ori %ne3A_891, %eq3A_893 : vector<16xi1>
      %and3A_894 = arith.andi %or3A, %and3A_890 : vector<16xi1>
      %jit3A_895 = arith.constant 0 : i32
      %jit3A_896 = arith.constant 3135 : i32
      %max3A_897 = vector.broadcast %jit3A_895 : i32 to vector<16xi32>
      %max3A_898 = arith.maxsi %max3A_897, %sub3A_885 : vector<16xi32>
      %min3A_899 = vector.broadcast %jit3A_896 : i32 to vector<16xi32>
      %min3A_900 = arith.minsi %min3A_899, %max3A_898 : vector<16xi32>
      tpu.vector_store_idx %arg7[%min3A_900], %masked_sort3A_874 masked %and3A_894 : memref<3136xi32, #tpu.memory_space<vmem>>[vector<16xi32>], vector<16xi32>, vector<16xi1>
    }
    %scan3A_119 = arith.constant 37 : i32
    %dma_wait3A_120 = arith.constant 0 : i32
    %dma_wait3A_121 = tpu.memref_slice %arg2[%add3A_109, %dma_wait3A_120] : memref<100000x256xf32, #tpu.memory_space<hbm>> -> memref<112x256xf32, #tpu.memory_space<hbm>>
    %dma_wait3A_122 = arith.constant 0 : i32
    %dma_wait3A_123 = tpu.memref_slice %arg2[%add3A_109, %dma_wait3A_122] : memref<100000x256xf32, #tpu.memory_space<hbm>> -> memref<112x256xf32, #tpu.memory_space<hbm>>
    tpu.wait_dma2 semaphore(%arg17 : memref<!tpu.dma_semaphore, #tpu.memory_space<semaphore_mem>>) src(%dma_wait3A_123 : memref<112x256xf32, #tpu.memory_space<hbm>>) dst(%arg12 : memref<112x256xf32, #tpu.memory_space<vmem>>)
    %add3A_124 = arith.constant 448 : i32
    %add3A_125 = arith.addi %min3A_3, %add3A_124 : i32
    %dma_start3A_126 = arith.constant 0 : i32
    %dma_start3A_127 = tpu.memref_slice %arg5[%add3A_125, %dma_start3A_126] : memref<100000x256xf32, #tpu.memory_space<hbm>> -> memref<112x256xf32, #tpu.memory_space<hbm>>
    %dma_start3A_128 = arith.constant 0 : i32
    %dma_start3A_129 = tpu.memref_slice %arg5[%add3A_125, %dma_start3A_128] : memref<100000x256xf32, #tpu.memory_space<hbm>> -> memref<112x256xf32, #tpu.memory_space<hbm>>
    tpu.enqueue_dma source(%arg12 : memref<112x256xf32, #tpu.memory_space<vmem>>) target(%dma_start3A_129 : memref<112x256xf32, #tpu.memory_space<hbm>>) target_semaphore(%arg19 : memref<!tpu.dma_semaphore, #tpu.memory_space<semaphore_mem>>)
    %dma_wait3A_130 = arith.constant 0 : i32
    %dma_wait3A_131 = tpu.memref_slice %arg5[%add3A_99, %dma_wait3A_130] : memref<100000x256xf32, #tpu.memory_space<hbm>> -> memref<112x256xf32, #tpu.memory_space<hbm>>
    %dma_wait3A_132 = arith.constant 0 : i32
    %dma_wait3A_133 = tpu.memref_slice %arg5[%add3A_99, %dma_wait3A_132] : memref<100000x256xf32, #tpu.memory_space<hbm>> -> memref<112x256xf32, #tpu.memory_space<hbm>>
    tpu.wait_dma2 semaphore(%arg20 : memref<!tpu.dma_semaphore, #tpu.memory_space<semaphore_mem>>) src(%arg13 : memref<112x256xf32, #tpu.memory_space<vmem>>) dst(%dma_wait3A_133 : memref<112x256xf32, #tpu.memory_space<hbm>>)
    %add3A_134 = arith.constant 560 : i32
    %add3A_135 = arith.addi %min3A_3, %add3A_134 : i32
    %dma_start3A_136 = arith.constant 0 : i32
    %dma_start3A_137 = tpu.memref_slice %arg2[%add3A_135, %dma_start3A_136] : memref<100000x256xf32, #tpu.memory_space<hbm>> -> memref<112x256xf32, #tpu.memory_space<hbm>>
    %dma_start3A_138 = arith.constant 0 : i32
    %dma_start3A_139 = tpu.memref_slice %arg2[%add3A_135, %dma_start3A_138] : memref<100000x256xf32, #tpu.memory_space<hbm>> -> memref<112x256xf32, #tpu.memory_space<hbm>>
    tpu.enqueue_dma source(%dma_start3A_139 : memref<112x256xf32, #tpu.memory_space<hbm>>) target(%arg13 : memref<112x256xf32, #tpu.memory_space<vmem>>) target_semaphore(%arg18 : memref<!tpu.dma_semaphore, #tpu.memory_space<semaphore_mem>>)
    %scan3A_140 = arith.constant 0 : i32
    %scan3A_141 = arith.constant 185 : i32
    %scan3A_142 = arith.constant 37 : i32
    %scan3A_143 = arith.addi %scan3A_141, %scan3A_142 : i32
    %scan3A_144 = arith.constant 1 : i32
    scf.for %scan3A_857 = %scan3A_141 to %scan3A_143 step %scan3A_144  : i32 {
      %mul3A_858 = arith.constant 16 : i32
      %mul3A_859 = arith.muli %scan3A_857, %mul3A_858 : i32
      %get3A = arith.index_cast %mul3A_859 : i32 to index
      %get3A_860 = tpu.vector_load %arg6[%get3A] {strides = array<i32>} : memref<16384xi32, #tpu.memory_space<vmem>>, vector<16xi32>,
      %mul3A_861 = arith.constant 16 : i32
      %mul3A_862 = arith.muli %scan3A_857, %mul3A_861 : i32
      %add3A_863 = vector.broadcast %mul3A_862 : i32 to vector<16xi32>
      %add3A_864 = arith.addi %add3A_863, %iota3A : vector<16xi32>
      %mul3A_865 = arith.constant 16 : i32
      %mul3A_866 = vector.broadcast %mul3A_865 : i32 to vector<16xi32>
      %mul3A_867 = arith.muli %get3A_860, %mul3A_866 : vector<16xi32>
      %add3A_868 = arith.addi %mul3A_867, %iota3A : vector<16xi32>
      %masked_sort3A = arith.constant dense<true> : vector<16xi1>
      %masked_sort3A_869 = arith.constant -2147483648 : i32
      %masked_sort3A_870 = vector.broadcast %masked_sort3A_869 : i32 to vector<16xi32>
      %masked_sort3A_871 = arith.xori %add3A_868, %masked_sort3A_870 : vector<16xi32>
      %masked_sort3A_872, %masked_sort3A_873, %masked_sort3A_874 = tpu.sort %masked_sort3A_871, %add3A_864 masked %masked_sort3A : (vector<16xi32>, vector<16xi32>, vector<16xi1>) -> (vector<16xi1>, vector<16xi32>, vector<16xi32>)
      %masked_sort3A_875 = arith.xori %masked_sort3A_873, %masked_sort3A_870 : vector<16xi32>
      %shift_right_logical3A = arith.shrui %masked_sort3A_875, %broadcast_in_dim3A_4 : vector<16xi32>
      %swap3A = arith.constant 0 : index
      %swap3A_876 = tpu.vector_load %arg14[%swap3A] {strides = array<i32>} : memref<16xi32, #tpu.memory_space<vmem>>, vector<16xi32>,
      tpu.vector_store %arg14[%swap3A], %shift_right_logical3A {strides = array<i32>} : memref<16xi32, #tpu.memory_space<vmem>>, vector<16xi32>,
      %add3A_877 = arith.constant 1 : i32
      %add3A_878 = vector.broadcast %add3A_877 : i32 to vector<16xi32>
      %add3A_879 = arith.addi %iota3A, %add3A_878 : vector<16xi32>
      %min3A_880 = arith.constant 15 : i32
      %min3A_881 = vector.broadcast %min3A_880 : i32 to vector<16xi32>
      %min3A_882 = arith.minsi %add3A_879, %min3A_881 : vector<16xi32>
      %gather3A_883 = tpu.vector_load_idx %arg14[%min3A_882] : memref<16xi32, #tpu.memory_space<vmem>>[vector<16xi32>], vector<16xi32>,
      %sub3A_884 = vector.broadcast %min3A_3 : i32 to vector<16xi32>
      %sub3A_885 = arith.subi %shift_right_logical3A, %sub3A_884 : vector<16xi32>
      %ge3A = arith.constant 0 : i32
      %ge3A_886 = vector.broadcast %ge3A : i32 to vector<16xi32>
      %ge3A_887 = arith.cmpi sge, %sub3A_885, %ge3A_886 : vector<16xi32>
      %lt3A = arith.constant 3136 : i32
      %lt3A_888 = vector.broadcast %lt3A : i32 to vector<16xi32>
      %lt3A_889 = arith.cmpi slt, %sub3A_885, %lt3A_888 : vector<16xi32>
      %and3A_890 = arith.andi %ge3A_887, %lt3A_889 : vector<16xi1>
      %ne3A_891 = arith.cmpi ne, %shift_right_logical3A, %gather3A_883 : vector<16xi32>
      %eq3A = arith.constant 15 : i32
      %eq3A_892 = vector.broadcast %eq3A : i32 to vector<16xi32>
      %eq3A_893 = arith.cmpi eq, %iota3A, %eq3A_892 : vector<16xi32>
      %or3A = arith.ori %ne3A_891, %eq3A_893 : vector<16xi1>
      %and3A_894 = arith.andi %or3A, %and3A_890 : vector<16xi1>
      %jit3A_895 = arith.constant 0 : i32
      %jit3A_896 = arith.constant 3135 : i32
      %max3A_897 = vector.broadcast %jit3A_895 : i32 to vector<16xi32>
      %max3A_898 = arith.maxsi %max3A_897, %sub3A_885 : vector<16xi32>
      %min3A_899 = vector.broadcast %jit3A_896 : i32 to vector<16xi32>
      %min3A_900 = arith.minsi %min3A_899, %max3A_898 : vector<16xi32>
      tpu.vector_store_idx %arg7[%min3A_900], %masked_sort3A_874 masked %and3A_894 : memref<3136xi32, #tpu.memory_space<vmem>>[vector<16xi32>], vector<16xi32>, vector<16xi1>
    }
    %scan3A_145 = arith.constant 37 : i32
    %dma_wait3A_146 = arith.constant 0 : i32
    %dma_wait3A_147 = tpu.memref_slice %arg2[%add3A_135, %dma_wait3A_146] : memref<100000x256xf32, #tpu.memory_space<hbm>> -> memref<112x256xf32, #tpu.memory_space<hbm>>
    %dma_wait3A_148 = arith.constant 0 : i32
    %dma_wait3A_149 = tpu.memref_slice %arg2[%add3A_135, %dma_wait3A_148] : memref<100000x256xf32, #tpu.memory_space<hbm>> -> memref<112x256xf32, #tpu.memory_space<hbm>>
    tpu.wait_dma2 semaphore(%arg18 : memref<!tpu.dma_semaphore, #tpu.memory_space<semaphore_mem>>) src(%dma_wait3A_149 : memref<112x256xf32, #tpu.memory_space<hbm>>) dst(%arg13 : memref<112x256xf32, #tpu.memory_space<vmem>>)
    %add3A_150 = arith.constant 560 : i32
    %add3A_151 = arith.addi %min3A_3, %add3A_150 : i32
    %dma_start3A_152 = arith.constant 0 : i32
    %dma_start3A_153 = tpu.memref_slice %arg5[%add3A_151, %dma_start3A_152] : memref<100000x256xf32, #tpu.memory_space<hbm>> -> memref<112x256xf32, #tpu.memory_space<hbm>>
    %dma_start3A_154 = arith.constant 0 : i32
    %dma_start3A_155 = tpu.memref_slice %arg5[%add3A_151, %dma_start3A_154] : memref<100000x256xf32, #tpu.memory_space<hbm>> -> memref<112x256xf32, #tpu.memory_space<hbm>>
    tpu.enqueue_dma source(%arg13 : memref<112x256xf32, #tpu.memory_space<vmem>>) target(%dma_start3A_155 : memref<112x256xf32, #tpu.memory_space<hbm>>) target_semaphore(%arg20 : memref<!tpu.dma_semaphore, #tpu.memory_space<semaphore_mem>>)
    %dma_wait3A_156 = arith.constant 0 : i32
    %dma_wait3A_157 = tpu.memref_slice %arg5[%add3A_125, %dma_wait3A_156] : memref<100000x256xf32, #tpu.memory_space<hbm>> -> memref<112x256xf32, #tpu.memory_space<hbm>>
    %dma_wait3A_158 = arith.constant 0 : i32
    %dma_wait3A_159 = tpu.memref_slice %arg5[%add3A_125, %dma_wait3A_158] : memref<100000x256xf32, #tpu.memory_space<hbm>> -> memref<112x256xf32, #tpu.memory_space<hbm>>
    tpu.wait_dma2 semaphore(%arg19 : memref<!tpu.dma_semaphore, #tpu.memory_space<semaphore_mem>>) src(%arg12 : memref<112x256xf32, #tpu.memory_space<vmem>>) dst(%dma_wait3A_159 : memref<112x256xf32, #tpu.memory_space<hbm>>)
    %add3A_160 = arith.constant 672 : i32
    %add3A_161 = arith.addi %min3A_3, %add3A_160 : i32
    %dma_start3A_162 = arith.constant 0 : i32
    %dma_start3A_163 = tpu.memref_slice %arg2[%add3A_161, %dma_start3A_162] : memref<100000x256xf32, #tpu.memory_space<hbm>> -> memref<112x256xf32, #tpu.memory_space<hbm>>
    %dma_start3A_164 = arith.constant 0 : i32
    %dma_start3A_165 = tpu.memref_slice %arg2[%add3A_161, %dma_start3A_164] : memref<100000x256xf32, #tpu.memory_space<hbm>> -> memref<112x256xf32, #tpu.memory_space<hbm>>
    tpu.enqueue_dma source(%dma_start3A_165 : memref<112x256xf32, #tpu.memory_space<hbm>>) target(%arg12 : memref<112x256xf32, #tpu.memory_space<vmem>>) target_semaphore(%arg17 : memref<!tpu.dma_semaphore, #tpu.memory_space<semaphore_mem>>)
    %scan3A_166 = arith.constant 0 : i32
    %scan3A_167 = arith.constant 222 : i32
    %scan3A_168 = arith.constant 37 : i32
    %scan3A_169 = arith.addi %scan3A_167, %scan3A_168 : i32
    %scan3A_170 = arith.constant 1 : i32
    scf.for %scan3A_857 = %scan3A_167 to %scan3A_169 step %scan3A_170  : i32 {
      %mul3A_858 = arith.constant 16 : i32
      %mul3A_859 = arith.muli %scan3A_857, %mul3A_858 : i32
      %get3A = arith.index_cast %mul3A_859 : i32 to index
      %get3A_860 = tpu.vector_load %arg6[%get3A] {strides = array<i32>} : memref<16384xi32, #tpu.memory_space<vmem>>, vector<16xi32>,
      %mul3A_861 = arith.constant 16 : i32
      %mul3A_862 = arith.muli %scan3A_857, %mul3A_861 : i32
      %add3A_863 = vector.broadcast %mul3A_862 : i32 to vector<16xi32>
      %add3A_864 = arith.addi %add3A_863, %iota3A : vector<16xi32>
      %mul3A_865 = arith.constant 16 : i32
      %mul3A_866 = vector.broadcast %mul3A_865 : i32 to vector<16xi32>
      %mul3A_867 = arith.muli %get3A_860, %mul3A_866 : vector<16xi32>
      %add3A_868 = arith.addi %mul3A_867, %iota3A : vector<16xi32>
      %masked_sort3A = arith.constant dense<true> : vector<16xi1>
      %masked_sort3A_869 = arith.constant -2147483648 : i32
      %masked_sort3A_870 = vector.broadcast %masked_sort3A_869 : i32 to vector<16xi32>
      %masked_sort3A_871 = arith.xori %add3A_868, %masked_sort3A_870 : vector<16xi32>
      %masked_sort3A_872, %masked_sort3A_873, %masked_sort3A_874 = tpu.sort %masked_sort3A_871, %add3A_864 masked %masked_sort3A : (vector<16xi32>, vector<16xi32>, vector<16xi1>) -> (vector<16xi1>, vector<16xi32>, vector<16xi32>)
      %masked_sort3A_875 = arith.xori %masked_sort3A_873, %masked_sort3A_870 : vector<16xi32>
      %shift_right_logical3A = arith.shrui %masked_sort3A_875, %broadcast_in_dim3A_4 : vector<16xi32>
      %swap3A = arith.constant 0 : index
      %swap3A_876 = tpu.vector_load %arg14[%swap3A] {strides = array<i32>} : memref<16xi32, #tpu.memory_space<vmem>>, vector<16xi32>,
      tpu.vector_store %arg14[%swap3A], %shift_right_logical3A {strides = array<i32>} : memref<16xi32, #tpu.memory_space<vmem>>, vector<16xi32>,
      %add3A_877 = arith.constant 1 : i32
      %add3A_878 = vector.broadcast %add3A_877 : i32 to vector<16xi32>
      %add3A_879 = arith.addi %iota3A, %add3A_878 : vector<16xi32>
      %min3A_880 = arith.constant 15 : i32
      %min3A_881 = vector.broadcast %min3A_880 : i32 to vector<16xi32>
      %min3A_882 = arith.minsi %add3A_879, %min3A_881 : vector<16xi32>
      %gather3A_883 = tpu.vector_load_idx %arg14[%min3A_882] : memref<16xi32, #tpu.memory_space<vmem>>[vector<16xi32>], vector<16xi32>,
      %sub3A_884 = vector.broadcast %min3A_3 : i32 to vector<16xi32>
      %sub3A_885 = arith.subi %shift_right_logical3A, %sub3A_884 : vector<16xi32>
      %ge3A = arith.constant 0 : i32
      %ge3A_886 = vector.broadcast %ge3A : i32 to vector<16xi32>
      %ge3A_887 = arith.cmpi sge, %sub3A_885, %ge3A_886 : vector<16xi32>
      %lt3A = arith.constant 3136 : i32
      %lt3A_888 = vector.broadcast %lt3A : i32 to vector<16xi32>
      %lt3A_889 = arith.cmpi slt, %sub3A_885, %lt3A_888 : vector<16xi32>
      %and3A_890 = arith.andi %ge3A_887, %lt3A_889 : vector<16xi1>
      %ne3A_891 = arith.cmpi ne, %shift_right_logical3A, %gather3A_883 : vector<16xi32>
      %eq3A = arith.constant 15 : i32
      %eq3A_892 = vector.broadcast %eq3A : i32 to vector<16xi32>
      %eq3A_893 = arith.cmpi eq, %iota3A, %eq3A_892 : vector<16xi32>
      %or3A = arith.ori %ne3A_891, %eq3A_893 : vector<16xi1>
      %and3A_894 = arith.andi %or3A, %and3A_890 : vector<16xi1>
      %jit3A_895 = arith.constant 0 : i32
      %jit3A_896 = arith.constant 3135 : i32
      %max3A_897 = vector.broadcast %jit3A_895 : i32 to vector<16xi32>
      %max3A_898 = arith.maxsi %max3A_897, %sub3A_885 : vector<16xi32>
      %min3A_899 = vector.broadcast %jit3A_896 : i32 to vector<16xi32>
      %min3A_900 = arith.minsi %min3A_899, %max3A_898 : vector<16xi32>
      tpu.vector_store_idx %arg7[%min3A_900], %masked_sort3A_874 masked %and3A_894 : memref<3136xi32, #tpu.memory_space<vmem>>[vector<16xi32>], vector<16xi32>, vector<16xi1>
    }
    %scan3A_171 = arith.constant 37 : i32
    %dma_wait3A_172 = arith.constant 0 : i32
    %dma_wait3A_173 = tpu.memref_slice %arg2[%add3A_161, %dma_wait3A_172] : memref<100000x256xf32, #tpu.memory_space<hbm>> -> memref<112x256xf32, #tpu.memory_space<hbm>>
    %dma_wait3A_174 = arith.constant 0 : i32
    %dma_wait3A_175 = tpu.memref_slice %arg2[%add3A_161, %dma_wait3A_174] : memref<100000x256xf32, #tpu.memory_space<hbm>> -> memref<112x256xf32, #tpu.memory_space<hbm>>
    tpu.wait_dma2 semaphore(%arg17 : memref<!tpu.dma_semaphore, #tpu.memory_space<semaphore_mem>>) src(%dma_wait3A_175 : memref<112x256xf32, #tpu.memory_space<hbm>>) dst(%arg12 : memref<112x256xf32, #tpu.memory_space<vmem>>)
    %add3A_176 = arith.constant 672 : i32
    %add3A_177 = arith.addi %min3A_3, %add3A_176 : i32
    %dma_start3A_178 = arith.constant 0 : i32
    %dma_start3A_179 = tpu.memref_slice %arg5[%add3A_177, %dma_start3A_178] : memref<100000x256xf32, #tpu.memory_space<hbm>> -> memref<112x256xf32, #tpu.memory_space<hbm>>
    %dma_start3A_180 = arith.constant 0 : i32
    %dma_start3A_181 = tpu.memref_slice %arg5[%add3A_177, %dma_start3A_180] : memref<100000x256xf32, #tpu.memory_space<hbm>> -> memref<112x256xf32, #tpu.memory_space<hbm>>
    tpu.enqueue_dma source(%arg12 : memref<112x256xf32, #tpu.memory_space<vmem>>) target(%dma_start3A_181 : memref<112x256xf32, #tpu.memory_space<hbm>>) target_semaphore(%arg19 : memref<!tpu.dma_semaphore, #tpu.memory_space<semaphore_mem>>)
    %dma_wait3A_182 = arith.constant 0 : i32
    %dma_wait3A_183 = tpu.memref_slice %arg5[%add3A_151, %dma_wait3A_182] : memref<100000x256xf32, #tpu.memory_space<hbm>> -> memref<112x256xf32, #tpu.memory_space<hbm>>
    %dma_wait3A_184 = arith.constant 0 : i32
    %dma_wait3A_185 = tpu.memref_slice %arg5[%add3A_151, %dma_wait3A_184] : memref<100000x256xf32, #tpu.memory_space<hbm>> -> memref<112x256xf32, #tpu.memory_space<hbm>>
    tpu.wait_dma2 semaphore(%arg20 : memref<!tpu.dma_semaphore, #tpu.memory_space<semaphore_mem>>) src(%arg13 : memref<112x256xf32, #tpu.memory_space<vmem>>) dst(%dma_wait3A_185 : memref<112x256xf32, #tpu.memory_space<hbm>>)
    %add3A_186 = arith.constant 784 : i32
    %add3A_187 = arith.addi %min3A_3, %add3A_186 : i32
    %dma_start3A_188 = arith.constant 0 : i32
    %dma_start3A_189 = tpu.memref_slice %arg2[%add3A_187, %dma_start3A_188] : memref<100000x256xf32, #tpu.memory_space<hbm>> -> memref<112x256xf32, #tpu.memory_space<hbm>>
    %dma_start3A_190 = arith.constant 0 : i32
    %dma_start3A_191 = tpu.memref_slice %arg2[%add3A_187, %dma_start3A_190] : memref<100000x256xf32, #tpu.memory_space<hbm>> -> memref<112x256xf32, #tpu.memory_space<hbm>>
    tpu.enqueue_dma source(%dma_start3A_191 : memref<112x256xf32, #tpu.memory_space<hbm>>) target(%arg13 : memref<112x256xf32, #tpu.memory_space<vmem>>) target_semaphore(%arg18 : memref<!tpu.dma_semaphore, #tpu.memory_space<semaphore_mem>>)
    %scan3A_192 = arith.constant 0 : i32
    %scan3A_193 = arith.constant 259 : i32
    %scan3A_194 = arith.constant 37 : i32
    %scan3A_195 = arith.addi %scan3A_193, %scan3A_194 : i32
    %scan3A_196 = arith.constant 1 : i32
    scf.for %scan3A_857 = %scan3A_193 to %scan3A_195 step %scan3A_196  : i32 {
      %mul3A_858 = arith.constant 16 : i32
      %mul3A_859 = arith.muli %scan3A_857, %mul3A_858 : i32
      %get3A = arith.index_cast %mul3A_859 : i32 to index
      %get3A_860 = tpu.vector_load %arg6[%get3A] {strides = array<i32>} : memref<16384xi32, #tpu.memory_space<vmem>>, vector<16xi32>,
      %mul3A_861 = arith.constant 16 : i32
      %mul3A_862 = arith.muli %scan3A_857, %mul3A_861 : i32
      %add3A_863 = vector.broadcast %mul3A_862 : i32 to vector<16xi32>
      %add3A_864 = arith.addi %add3A_863, %iota3A : vector<16xi32>
      %mul3A_865 = arith.constant 16 : i32
      %mul3A_866 = vector.broadcast %mul3A_865 : i32 to vector<16xi32>
      %mul3A_867 = arith.muli %get3A_860, %mul3A_866 : vector<16xi32>
      %add3A_868 = arith.addi %mul3A_867, %iota3A : vector<16xi32>
      %masked_sort3A = arith.constant dense<true> : vector<16xi1>
      %masked_sort3A_869 = arith.constant -2147483648 : i32
      %masked_sort3A_870 = vector.broadcast %masked_sort3A_869 : i32 to vector<16xi32>
      %masked_sort3A_871 = arith.xori %add3A_868, %masked_sort3A_870 : vector<16xi32>
      %masked_sort3A_872, %masked_sort3A_873, %masked_sort3A_874 = tpu.sort %masked_sort3A_871, %add3A_864 masked %masked_sort3A : (vector<16xi32>, vector<16xi32>, vector<16xi1>) -> (vector<16xi1>, vector<16xi32>, vector<16xi32>)
      %masked_sort3A_875 = arith.xori %masked_sort3A_873, %masked_sort3A_870 : vector<16xi32>
      %shift_right_logical3A = arith.shrui %masked_sort3A_875, %broadcast_in_dim3A_4 : vector<16xi32>
      %swap3A = arith.constant 0 : index
      %swap3A_876 = tpu.vector_load %arg14[%swap3A] {strides = array<i32>} : memref<16xi32, #tpu.memory_space<vmem>>, vector<16xi32>,
      tpu.vector_store %arg14[%swap3A], %shift_right_logical3A {strides = array<i32>} : memref<16xi32, #tpu.memory_space<vmem>>, vector<16xi32>,
      %add3A_877 = arith.constant 1 : i32
      %add3A_878 = vector.broadcast %add3A_877 : i32 to vector<16xi32>
      %add3A_879 = arith.addi %iota3A, %add3A_878 : vector<16xi32>
      %min3A_880 = arith.constant 15 : i32
      %min3A_881 = vector.broadcast %min3A_880 : i32 to vector<16xi32>
      %min3A_882 = arith.minsi %add3A_879, %min3A_881 : vector<16xi32>
      %gather3A_883 = tpu.vector_load_idx %arg14[%min3A_882] : memref<16xi32, #tpu.memory_space<vmem>>[vector<16xi32>], vector<16xi32>,
      %sub3A_884 = vector.broadcast %min3A_3 : i32 to vector<16xi32>
      %sub3A_885 = arith.subi %shift_right_logical3A, %sub3A_884 : vector<16xi32>
      %ge3A = arith.constant 0 : i32
      %ge3A_886 = vector.broadcast %ge3A : i32 to vector<16xi32>
      %ge3A_887 = arith.cmpi sge, %sub3A_885, %ge3A_886 : vector<16xi32>
      %lt3A = arith.constant 3136 : i32
      %lt3A_888 = vector.broadcast %lt3A : i32 to vector<16xi32>
      %lt3A_889 = arith.cmpi slt, %sub3A_885, %lt3A_888 : vector<16xi32>
      %and3A_890 = arith.andi %ge3A_887, %lt3A_889 : vector<16xi1>
      %ne3A_891 = arith.cmpi ne, %shift_right_logical3A, %gather3A_883 : vector<16xi32>
      %eq3A = arith.constant 15 : i32
      %eq3A_892 = vector.broadcast %eq3A : i32 to vector<16xi32>
      %eq3A_893 = arith.cmpi eq, %iota3A, %eq3A_892 : vector<16xi32>
      %or3A = arith.ori %ne3A_891, %eq3A_893 : vector<16xi1>
      %and3A_894 = arith.andi %or3A, %and3A_890 : vector<16xi1>
      %jit3A_895 = arith.constant 0 : i32
      %jit3A_896 = arith.constant 3135 : i32
      %max3A_897 = vector.broadcast %jit3A_895 : i32 to vector<16xi32>
      %max3A_898 = arith.maxsi %max3A_897, %sub3A_885 : vector<16xi32>
      %min3A_899 = vector.broadcast %jit3A_896 : i32 to vector<16xi32>
      %min3A_900 = arith.minsi %min3A_899, %max3A_898 : vector<16xi32>
      tpu.vector_store_idx %arg7[%min3A_900], %masked_sort3A_874 masked %and3A_894 : memref<3136xi32, #tpu.memory_space<vmem>>[vector<16xi32>], vector<16xi32>, vector<16xi1>
    }
    %scan3A_197 = arith.constant 37 : i32
    %dma_wait3A_198 = arith.constant 0 : i32
    %dma_wait3A_199 = tpu.memref_slice %arg2[%add3A_187, %dma_wait3A_198] : memref<100000x256xf32, #tpu.memory_space<hbm>> -> memref<112x256xf32, #tpu.memory_space<hbm>>
    %dma_wait3A_200 = arith.constant 0 : i32
    %dma_wait3A_201 = tpu.memref_slice %arg2[%add3A_187, %dma_wait3A_200] : memref<100000x256xf32, #tpu.memory_space<hbm>> -> memref<112x256xf32, #tpu.memory_space<hbm>>
    tpu.wait_dma2 semaphore(%arg18 : memref<!tpu.dma_semaphore, #tpu.memory_space<semaphore_mem>>) src(%dma_wait3A_201 : memref<112x256xf32, #tpu.memory_space<hbm>>) dst(%arg13 : memref<112x256xf32, #tpu.memory_space<vmem>>)
    %add3A_202 = arith.constant 784 : i32
    %add3A_203 = arith.addi %min3A_3, %add3A_202 : i32
    %dma_start3A_204 = arith.constant 0 : i32
    %dma_start3A_205 = tpu.memref_slice %arg5[%add3A_203, %dma_start3A_204] : memref<100000x256xf32, #tpu.memory_space<hbm>> -> memref<112x256xf32, #tpu.memory_space<hbm>>
    %dma_start3A_206 = arith.constant 0 : i32
    %dma_start3A_207 = tpu.memref_slice %arg5[%add3A_203, %dma_start3A_206] : memref<100000x256xf32, #tpu.memory_space<hbm>> -> memref<112x256xf32, #tpu.memory_space<hbm>>
    tpu.enqueue_dma source(%arg13 : memref<112x256xf32, #tpu.memory_space<vmem>>) target(%dma_start3A_207 : memref<112x256xf32, #tpu.memory_space<hbm>>) target_semaphore(%arg20 : memref<!tpu.dma_semaphore, #tpu.memory_space<semaphore_mem>>)
    %dma_wait3A_208 = arith.constant 0 : i32
    %dma_wait3A_209 = tpu.memref_slice %arg5[%add3A_177, %dma_wait3A_208] : memref<100000x256xf32, #tpu.memory_space<hbm>> -> memref<112x256xf32, #tpu.memory_space<hbm>>
    %dma_wait3A_210 = arith.constant 0 : i32
    %dma_wait3A_211 = tpu.memref_slice %arg5[%add3A_177, %dma_wait3A_210] : memref<100000x256xf32, #tpu.memory_space<hbm>> -> memref<112x256xf32, #tpu.memory_space<hbm>>
    tpu.wait_dma2 semaphore(%arg19 : memref<!tpu.dma_semaphore, #tpu.memory_space<semaphore_mem>>) src(%arg12 : memref<112x256xf32, #tpu.memory_space<vmem>>) dst(%dma_wait3A_211 : memref<112x256xf32, #tpu.memory_space<hbm>>)
    %add3A_212 = arith.constant 896 : i32
    %add3A_213 = arith.addi %min3A_3, %add3A_212 : i32
    %dma_start3A_214 = arith.constant 0 : i32
    %dma_start3A_215 = tpu.memref_slice %arg2[%add3A_213, %dma_start3A_214] : memref<100000x256xf32, #tpu.memory_space<hbm>> -> memref<112x256xf32, #tpu.memory_space<hbm>>
    %dma_start3A_216 = arith.constant 0 : i32
    %dma_start3A_217 = tpu.memref_slice %arg2[%add3A_213, %dma_start3A_216] : memref<100000x256xf32, #tpu.memory_space<hbm>> -> memref<112x256xf32, #tpu.memory_space<hbm>>
    tpu.enqueue_dma source(%dma_start3A_217 : memref<112x256xf32, #tpu.memory_space<hbm>>) target(%arg12 : memref<112x256xf32, #tpu.memory_space<vmem>>) target_semaphore(%arg17 : memref<!tpu.dma_semaphore, #tpu.memory_space<semaphore_mem>>)
    %scan3A_218 = arith.constant 0 : i32
    %scan3A_219 = arith.constant 296 : i32
    %scan3A_220 = arith.constant 37 : i32
    %scan3A_221 = arith.addi %scan3A_219, %scan3A_220 : i32
    %scan3A_222 = arith.constant 1 : i32
    scf.for %scan3A_857 = %scan3A_219 to %scan3A_221 step %scan3A_222  : i32 {
      %mul3A_858 = arith.constant 16 : i32
      %mul3A_859 = arith.muli %scan3A_857, %mul3A_858 : i32
      %get3A = arith.index_cast %mul3A_859 : i32 to index
      %get3A_860 = tpu.vector_load %arg6[%get3A] {strides = array<i32>} : memref<16384xi32, #tpu.memory_space<vmem>>, vector<16xi32>,
      %mul3A_861 = arith.constant 16 : i32
      %mul3A_862 = arith.muli %scan3A_857, %mul3A_861 : i32
      %add3A_863 = vector.broadcast %mul3A_862 : i32 to vector<16xi32>
      %add3A_864 = arith.addi %add3A_863, %iota3A : vector<16xi32>
      %mul3A_865 = arith.constant 16 : i32
      %mul3A_866 = vector.broadcast %mul3A_865 : i32 to vector<16xi32>
      %mul3A_867 = arith.muli %get3A_860, %mul3A_866 : vector<16xi32>
      %add3A_868 = arith.addi %mul3A_867, %iota3A : vector<16xi32>
      %masked_sort3A = arith.constant dense<true> : vector<16xi1>
      %masked_sort3A_869 = arith.constant -2147483648 : i32
      %masked_sort3A_870 = vector.broadcast %masked_sort3A_869 : i32 to vector<16xi32>
      %masked_sort3A_871 = arith.xori %add3A_868, %masked_sort3A_870 : vector<16xi32>
      %masked_sort3A_872, %masked_sort3A_873, %masked_sort3A_874 = tpu.sort %masked_sort3A_871, %add3A_864 masked %masked_sort3A : (vector<16xi32>, vector<16xi32>, vector<16xi1>) -> (vector<16xi1>, vector<16xi32>, vector<16xi32>)
      %masked_sort3A_875 = arith.xori %masked_sort3A_873, %masked_sort3A_870 : vector<16xi32>
      %shift_right_logical3A = arith.shrui %masked_sort3A_875, %broadcast_in_dim3A_4 : vector<16xi32>
      %swap3A = arith.constant 0 : index
      %swap3A_876 = tpu.vector_load %arg14[%swap3A] {strides = array<i32>} : memref<16xi32, #tpu.memory_space<vmem>>, vector<16xi32>,
      tpu.vector_store %arg14[%swap3A], %shift_right_logical3A {strides = array<i32>} : memref<16xi32, #tpu.memory_space<vmem>>, vector<16xi32>,
      %add3A_877 = arith.constant 1 : i32
      %add3A_878 = vector.broadcast %add3A_877 : i32 to vector<16xi32>
      %add3A_879 = arith.addi %iota3A, %add3A_878 : vector<16xi32>
      %min3A_880 = arith.constant 15 : i32
      %min3A_881 = vector.broadcast %min3A_880 : i32 to vector<16xi32>
      %min3A_882 = arith.minsi %add3A_879, %min3A_881 : vector<16xi32>
      %gather3A_883 = tpu.vector_load_idx %arg14[%min3A_882] : memref<16xi32, #tpu.memory_space<vmem>>[vector<16xi32>], vector<16xi32>,
      %sub3A_884 = vector.broadcast %min3A_3 : i32 to vector<16xi32>
      %sub3A_885 = arith.subi %shift_right_logical3A, %sub3A_884 : vector<16xi32>
      %ge3A = arith.constant 0 : i32
      %ge3A_886 = vector.broadcast %ge3A : i32 to vector<16xi32>
      %ge3A_887 = arith.cmpi sge, %sub3A_885, %ge3A_886 : vector<16xi32>
      %lt3A = arith.constant 3136 : i32
      %lt3A_888 = vector.broadcast %lt3A : i32 to vector<16xi32>
      %lt3A_889 = arith.cmpi slt, %sub3A_885, %lt3A_888 : vector<16xi32>
      %and3A_890 = arith.andi %ge3A_887, %lt3A_889 : vector<16xi1>
      %ne3A_891 = arith.cmpi ne, %shift_right_logical3A, %gather3A_883 : vector<16xi32>
      %eq3A = arith.constant 15 : i32
      %eq3A_892 = vector.broadcast %eq3A : i32 to vector<16xi32>
      %eq3A_893 = arith.cmpi eq, %iota3A, %eq3A_892 : vector<16xi32>
      %or3A = arith.ori %ne3A_891, %eq3A_893 : vector<16xi1>
      %and3A_894 = arith.andi %or3A, %and3A_890 : vector<16xi1>
      %jit3A_895 = arith.constant 0 : i32
      %jit3A_896 = arith.constant 3135 : i32
      %max3A_897 = vector.broadcast %jit3A_895 : i32 to vector<16xi32>
      %max3A_898 = arith.maxsi %max3A_897, %sub3A_885 : vector<16xi32>
      %min3A_899 = vector.broadcast %jit3A_896 : i32 to vector<16xi32>
      %min3A_900 = arith.minsi %min3A_899, %max3A_898 : vector<16xi32>
      tpu.vector_store_idx %arg7[%min3A_900], %masked_sort3A_874 masked %and3A_894 : memref<3136xi32, #tpu.memory_space<vmem>>[vector<16xi32>], vector<16xi32>, vector<16xi1>
    }
    %scan3A_223 = arith.constant 37 : i32
    %dma_wait3A_224 = arith.constant 0 : i32
    %dma_wait3A_225 = tpu.memref_slice %arg2[%add3A_213, %dma_wait3A_224] : memref<100000x256xf32, #tpu.memory_space<hbm>> -> memref<112x256xf32, #tpu.memory_space<hbm>>
    %dma_wait3A_226 = arith.constant 0 : i32
    %dma_wait3A_227 = tpu.memref_slice %arg2[%add3A_213, %dma_wait3A_226] : memref<100000x256xf32, #tpu.memory_space<hbm>> -> memref<112x256xf32, #tpu.memory_space<hbm>>
    tpu.wait_dma2 semaphore(%arg17 : memref<!tpu.dma_semaphore, #tpu.memory_space<semaphore_mem>>) src(%dma_wait3A_227 : memref<112x256xf32, #tpu.memory_space<hbm>>) dst(%arg12 : memref<112x256xf32, #tpu.memory_space<vmem>>)
    %add3A_228 = arith.constant 896 : i32
    %add3A_229 = arith.addi %min3A_3, %add3A_228 : i32
    %dma_start3A_230 = arith.constant 0 : i32
    %dma_start3A_231 = tpu.memref_slice %arg5[%add3A_229, %dma_start3A_230] : memref<100000x256xf32, #tpu.memory_space<hbm>> -> memref<112x256xf32, #tpu.memory_space<hbm>>
    %dma_start3A_232 = arith.constant 0 : i32
    %dma_start3A_233 = tpu.memref_slice %arg5[%add3A_229, %dma_start3A_232] : memref<100000x256xf32, #tpu.memory_space<hbm>> -> memref<112x256xf32, #tpu.memory_space<hbm>>
    tpu.enqueue_dma source(%arg12 : memref<112x256xf32, #tpu.memory_space<vmem>>) target(%dma_start3A_233 : memref<112x256xf32, #tpu.memory_space<hbm>>) target_semaphore(%arg19 : memref<!tpu.dma_semaphore, #tpu.memory_space<semaphore_mem>>)
    %dma_wait3A_234 = arith.constant 0 : i32
    %dma_wait3A_235 = tpu.memref_slice %arg5[%add3A_203, %dma_wait3A_234] : memref<100000x256xf32, #tpu.memory_space<hbm>> -> memref<112x256xf32, #tpu.memory_space<hbm>>
    %dma_wait3A_236 = arith.constant 0 : i32
    %dma_wait3A_237 = tpu.memref_slice %arg5[%add3A_203, %dma_wait3A_236] : memref<100000x256xf32, #tpu.memory_space<hbm>> -> memref<112x256xf32, #tpu.memory_space<hbm>>
    tpu.wait_dma2 semaphore(%arg20 : memref<!tpu.dma_semaphore, #tpu.memory_space<semaphore_mem>>) src(%arg13 : memref<112x256xf32, #tpu.memory_space<vmem>>) dst(%dma_wait3A_237 : memref<112x256xf32, #tpu.memory_space<hbm>>)
    %add3A_238 = arith.constant 1008 : i32
    %add3A_239 = arith.addi %min3A_3, %add3A_238 : i32
    %dma_start3A_240 = arith.constant 0 : i32
    %dma_start3A_241 = tpu.memref_slice %arg2[%add3A_239, %dma_start3A_240] : memref<100000x256xf32, #tpu.memory_space<hbm>> -> memref<112x256xf32, #tpu.memory_space<hbm>>
    %dma_start3A_242 = arith.constant 0 : i32
    %dma_start3A_243 = tpu.memref_slice %arg2[%add3A_239, %dma_start3A_242] : memref<100000x256xf32, #tpu.memory_space<hbm>> -> memref<112x256xf32, #tpu.memory_space<hbm>>
    tpu.enqueue_dma source(%dma_start3A_243 : memref<112x256xf32, #tpu.memory_space<hbm>>) target(%arg13 : memref<112x256xf32, #tpu.memory_space<vmem>>) target_semaphore(%arg18 : memref<!tpu.dma_semaphore, #tpu.memory_space<semaphore_mem>>)
    %scan3A_244 = arith.constant 0 : i32
    %scan3A_245 = arith.constant 333 : i32
    %scan3A_246 = arith.constant 37 : i32
    %scan3A_247 = arith.addi %scan3A_245, %scan3A_246 : i32
    %scan3A_248 = arith.constant 1 : i32
    scf.for %scan3A_857 = %scan3A_245 to %scan3A_247 step %scan3A_248  : i32 {
      %mul3A_858 = arith.constant 16 : i32
      %mul3A_859 = arith.muli %scan3A_857, %mul3A_858 : i32
      %get3A = arith.index_cast %mul3A_859 : i32 to index
      %get3A_860 = tpu.vector_load %arg6[%get3A] {strides = array<i32>} : memref<16384xi32, #tpu.memory_space<vmem>>, vector<16xi32>,
      %mul3A_861 = arith.constant 16 : i32
      %mul3A_862 = arith.muli %scan3A_857, %mul3A_861 : i32
      %add3A_863 = vector.broadcast %mul3A_862 : i32 to vector<16xi32>
      %add3A_864 = arith.addi %add3A_863, %iota3A : vector<16xi32>
      %mul3A_865 = arith.constant 16 : i32
      %mul3A_866 = vector.broadcast %mul3A_865 : i32 to vector<16xi32>
      %mul3A_867 = arith.muli %get3A_860, %mul3A_866 : vector<16xi32>
      %add3A_868 = arith.addi %mul3A_867, %iota3A : vector<16xi32>
      %masked_sort3A = arith.constant dense<true> : vector<16xi1>
      %masked_sort3A_869 = arith.constant -2147483648 : i32
      %masked_sort3A_870 = vector.broadcast %masked_sort3A_869 : i32 to vector<16xi32>
      %masked_sort3A_871 = arith.xori %add3A_868, %masked_sort3A_870 : vector<16xi32>
      %masked_sort3A_872, %masked_sort3A_873, %masked_sort3A_874 = tpu.sort %masked_sort3A_871, %add3A_864 masked %masked_sort3A : (vector<16xi32>, vector<16xi32>, vector<16xi1>) -> (vector<16xi1>, vector<16xi32>, vector<16xi32>)
      %masked_sort3A_875 = arith.xori %masked_sort3A_873, %masked_sort3A_870 : vector<16xi32>
      %shift_right_logical3A = arith.shrui %masked_sort3A_875, %broadcast_in_dim3A_4 : vector<16xi32>
      %swap3A = arith.constant 0 : index
      %swap3A_876 = tpu.vector_load %arg14[%swap3A] {strides = array<i32>} : memref<16xi32, #tpu.memory_space<vmem>>, vector<16xi32>,
      tpu.vector_store %arg14[%swap3A], %shift_right_logical3A {strides = array<i32>} : memref<16xi32, #tpu.memory_space<vmem>>, vector<16xi32>,
      %add3A_877 = arith.constant 1 : i32
      %add3A_878 = vector.broadcast %add3A_877 : i32 to vector<16xi32>
      %add3A_879 = arith.addi %iota3A, %add3A_878 : vector<16xi32>
      %min3A_880 = arith.constant 15 : i32
      %min3A_881 = vector.broadcast %min3A_880 : i32 to vector<16xi32>
      %min3A_882 = arith.minsi %add3A_879, %min3A_881 : vector<16xi32>
      %gather3A_883 = tpu.vector_load_idx %arg14[%min3A_882] : memref<16xi32, #tpu.memory_space<vmem>>[vector<16xi32>], vector<16xi32>,
      %sub3A_884 = vector.broadcast %min3A_3 : i32 to vector<16xi32>
      %sub3A_885 = arith.subi %shift_right_logical3A, %sub3A_884 : vector<16xi32>
      %ge3A = arith.constant 0 : i32
      %ge3A_886 = vector.broadcast %ge3A : i32 to vector<16xi32>
      %ge3A_887 = arith.cmpi sge, %sub3A_885, %ge3A_886 : vector<16xi32>
      %lt3A = arith.constant 3136 : i32
      %lt3A_888 = vector.broadcast %lt3A : i32 to vector<16xi32>
      %lt3A_889 = arith.cmpi slt, %sub3A_885, %lt3A_888 : vector<16xi32>
      %and3A_890 = arith.andi %ge3A_887, %lt3A_889 : vector<16xi1>
      %ne3A_891 = arith.cmpi ne, %shift_right_logical3A, %gather3A_883 : vector<16xi32>
      %eq3A = arith.constant 15 : i32
      %eq3A_892 = vector.broadcast %eq3A : i32 to vector<16xi32>
      %eq3A_893 = arith.cmpi eq, %iota3A, %eq3A_892 : vector<16xi32>
      %or3A = arith.ori %ne3A_891, %eq3A_893 : vector<16xi1>
      %and3A_894 = arith.andi %or3A, %and3A_890 : vector<16xi1>
      %jit3A_895 = arith.constant 0 : i32
      %jit3A_896 = arith.constant 3135 : i32
      %max3A_897 = vector.broadcast %jit3A_895 : i32 to vector<16xi32>
      %max3A_898 = arith.maxsi %max3A_897, %sub3A_885 : vector<16xi32>
      %min3A_899 = vector.broadcast %jit3A_896 : i32 to vector<16xi32>
      %min3A_900 = arith.minsi %min3A_899, %max3A_898 : vector<16xi32>
      tpu.vector_store_idx %arg7[%min3A_900], %masked_sort3A_874 masked %and3A_894 : memref<3136xi32, #tpu.memory_space<vmem>>[vector<16xi32>], vector<16xi32>, vector<16xi1>
    }
    %scan3A_249 = arith.constant 37 : i32
    %dma_wait3A_250 = arith.constant 0 : i32
    %dma_wait3A_251 = tpu.memref_slice %arg2[%add3A_239, %dma_wait3A_250] : memref<100000x256xf32, #tpu.memory_space<hbm>> -> memref<112x256xf32, #tpu.memory_space<hbm>>
    %dma_wait3A_252 = arith.constant 0 : i32
    %dma_wait3A_253 = tpu.memref_slice %arg2[%add3A_239, %dma_wait3A_252] : memref<100000x256xf32, #tpu.memory_space<hbm>> -> memref<112x256xf32, #tpu.memory_space<hbm>>
    tpu.wait_dma2 semaphore(%arg18 : memref<!tpu.dma_semaphore, #tpu.memory_space<semaphore_mem>>) src(%dma_wait3A_253 : memref<112x256xf32, #tpu.memory_space<hbm>>) dst(%arg13 : memref<112x256xf32, #tpu.memory_space<vmem>>)
    %add3A_254 = arith.constant 1008 : i32
    %add3A_255 = arith.addi %min3A_3, %add3A_254 : i32
    %dma_start3A_256 = arith.constant 0 : i32
    %dma_start3A_257 = tpu.memref_slice %arg5[%add3A_255, %dma_start3A_256] : memref<100000x256xf32, #tpu.memory_space<hbm>> -> memref<112x256xf32, #tpu.memory_space<hbm>>
    %dma_start3A_258 = arith.constant 0 : i32
    %dma_start3A_259 = tpu.memref_slice %arg5[%add3A_255, %dma_start3A_258] : memref<100000x256xf32, #tpu.memory_space<hbm>> -> memref<112x256xf32, #tpu.memory_space<hbm>>
    tpu.enqueue_dma source(%arg13 : memref<112x256xf32, #tpu.memory_space<vmem>>) target(%dma_start3A_259 : memref<112x256xf32, #tpu.memory_space<hbm>>) target_semaphore(%arg20 : memref<!tpu.dma_semaphore, #tpu.memory_space<semaphore_mem>>)
    %dma_wait3A_260 = arith.constant 0 : i32
    %dma_wait3A_261 = tpu.memref_slice %arg5[%add3A_229, %dma_wait3A_260] : memref<100000x256xf32, #tpu.memory_space<hbm>> -> memref<112x256xf32, #tpu.memory_space<hbm>>
    %dma_wait3A_262 = arith.constant 0 : i32
    %dma_wait3A_263 = tpu.memref_slice %arg5[%add3A_229, %dma_wait3A_262] : memref<100000x256xf32, #tpu.memory_space<hbm>> -> memref<112x256xf32, #tpu.memory_space<hbm>>
    tpu.wait_dma2 semaphore(%arg19 : memref<!tpu.dma_semaphore, #tpu.memory_space<semaphore_mem>>) src(%arg12 : memref<112x256xf32, #tpu.memory_space<vmem>>) dst(%dma_wait3A_263 : memref<112x256xf32, #tpu.memory_space<hbm>>)
    %add3A_264 = arith.constant 1120 : i32
    %add3A_265 = arith.addi %min3A_3, %add3A_264 : i32
    %dma_start3A_266 = arith.constant 0 : i32
    %dma_start3A_267 = tpu.memref_slice %arg2[%add3A_265, %dma_start3A_266] : memref<100000x256xf32, #tpu.memory_space<hbm>> -> memref<112x256xf32, #tpu.memory_space<hbm>>
    %dma_start3A_268 = arith.constant 0 : i32
    %dma_start3A_269 = tpu.memref_slice %arg2[%add3A_265, %dma_start3A_268] : memref<100000x256xf32, #tpu.memory_space<hbm>> -> memref<112x256xf32, #tpu.memory_space<hbm>>
    tpu.enqueue_dma source(%dma_start3A_269 : memref<112x256xf32, #tpu.memory_space<hbm>>) target(%arg12 : memref<112x256xf32, #tpu.memory_space<vmem>>) target_semaphore(%arg17 : memref<!tpu.dma_semaphore, #tpu.memory_space<semaphore_mem>>)
    %scan3A_270 = arith.constant 0 : i32
    %scan3A_271 = arith.constant 370 : i32
    %scan3A_272 = arith.constant 37 : i32
    %scan3A_273 = arith.addi %scan3A_271, %scan3A_272 : i32
    %scan3A_274 = arith.constant 1 : i32
    scf.for %scan3A_857 = %scan3A_271 to %scan3A_273 step %scan3A_274  : i32 {
      %mul3A_858 = arith.constant 16 : i32
      %mul3A_859 = arith.muli %scan3A_857, %mul3A_858 : i32
      %get3A = arith.index_cast %mul3A_859 : i32 to index
      %get3A_860 = tpu.vector_load %arg6[%get3A] {strides = array<i32>} : memref<16384xi32, #tpu.memory_space<vmem>>, vector<16xi32>,
      %mul3A_861 = arith.constant 16 : i32
      %mul3A_862 = arith.muli %scan3A_857, %mul3A_861 : i32
      %add3A_863 = vector.broadcast %mul3A_862 : i32 to vector<16xi32>
      %add3A_864 = arith.addi %add3A_863, %iota3A : vector<16xi32>
      %mul3A_865 = arith.constant 16 : i32
      %mul3A_866 = vector.broadcast %mul3A_865 : i32 to vector<16xi32>
      %mul3A_867 = arith.muli %get3A_860, %mul3A_866 : vector<16xi32>
      %add3A_868 = arith.addi %mul3A_867, %iota3A : vector<16xi32>
      %masked_sort3A = arith.constant dense<true> : vector<16xi1>
      %masked_sort3A_869 = arith.constant -2147483648 : i32
      %masked_sort3A_870 = vector.broadcast %masked_sort3A_869 : i32 to vector<16xi32>
      %masked_sort3A_871 = arith.xori %add3A_868, %masked_sort3A_870 : vector<16xi32>
      %masked_sort3A_872, %masked_sort3A_873, %masked_sort3A_874 = tpu.sort %masked_sort3A_871, %add3A_864 masked %masked_sort3A : (vector<16xi32>, vector<16xi32>, vector<16xi1>) -> (vector<16xi1>, vector<16xi32>, vector<16xi32>)
      %masked_sort3A_875 = arith.xori %masked_sort3A_873, %masked_sort3A_870 : vector<16xi32>
      %shift_right_logical3A = arith.shrui %masked_sort3A_875, %broadcast_in_dim3A_4 : vector<16xi32>
      %swap3A = arith.constant 0 : index
      %swap3A_876 = tpu.vector_load %arg14[%swap3A] {strides = array<i32>} : memref<16xi32, #tpu.memory_space<vmem>>, vector<16xi32>,
      tpu.vector_store %arg14[%swap3A], %shift_right_logical3A {strides = array<i32>} : memref<16xi32, #tpu.memory_space<vmem>>, vector<16xi32>,
      %add3A_877 = arith.constant 1 : i32
      %add3A_878 = vector.broadcast %add3A_877 : i32 to vector<16xi32>
      %add3A_879 = arith.addi %iota3A, %add3A_878 : vector<16xi32>
      %min3A_880 = arith.constant 15 : i32
      %min3A_881 = vector.broadcast %min3A_880 : i32 to vector<16xi32>
      %min3A_882 = arith.minsi %add3A_879, %min3A_881 : vector<16xi32>
      %gather3A_883 = tpu.vector_load_idx %arg14[%min3A_882] : memref<16xi32, #tpu.memory_space<vmem>>[vector<16xi32>], vector<16xi32>,
      %sub3A_884 = vector.broadcast %min3A_3 : i32 to vector<16xi32>
      %sub3A_885 = arith.subi %shift_right_logical3A, %sub3A_884 : vector<16xi32>
      %ge3A = arith.constant 0 : i32
      %ge3A_886 = vector.broadcast %ge3A : i32 to vector<16xi32>
      %ge3A_887 = arith.cmpi sge, %sub3A_885, %ge3A_886 : vector<16xi32>
      %lt3A = arith.constant 3136 : i32
      %lt3A_888 = vector.broadcast %lt3A : i32 to vector<16xi32>
      %lt3A_889 = arith.cmpi slt, %sub3A_885, %lt3A_888 : vector<16xi32>
      %and3A_890 = arith.andi %ge3A_887, %lt3A_889 : vector<16xi1>
      %ne3A_891 = arith.cmpi ne, %shift_right_logical3A, %gather3A_883 : vector<16xi32>
      %eq3A = arith.constant 15 : i32
      %eq3A_892 = vector.broadcast %eq3A : i32 to vector<16xi32>
      %eq3A_893 = arith.cmpi eq, %iota3A, %eq3A_892 : vector<16xi32>
      %or3A = arith.ori %ne3A_891, %eq3A_893 : vector<16xi1>
      %and3A_894 = arith.andi %or3A, %and3A_890 : vector<16xi1>
      %jit3A_895 = arith.constant 0 : i32
      %jit3A_896 = arith.constant 3135 : i32
      %max3A_897 = vector.broadcast %jit3A_895 : i32 to vector<16xi32>
      %max3A_898 = arith.maxsi %max3A_897, %sub3A_885 : vector<16xi32>
      %min3A_899 = vector.broadcast %jit3A_896 : i32 to vector<16xi32>
      %min3A_900 = arith.minsi %min3A_899, %max3A_898 : vector<16xi32>
      tpu.vector_store_idx %arg7[%min3A_900], %masked_sort3A_874 masked %and3A_894 : memref<3136xi32, #tpu.memory_space<vmem>>[vector<16xi32>], vector<16xi32>, vector<16xi1>
    }
    %scan3A_275 = arith.constant 37 : i32
    %dma_wait3A_276 = arith.constant 0 : i32
    %dma_wait3A_277 = tpu.memref_slice %arg2[%add3A_265, %dma_wait3A_276] : memref<100000x256xf32, #tpu.memory_space<hbm>> -> memref<112x256xf32, #tpu.memory_space<hbm>>
    %dma_wait3A_278 = arith.constant 0 : i32
    %dma_wait3A_279 = tpu.memref_slice %arg2[%add3A_265, %dma_wait3A_278] : memref<100000x256xf32, #tpu.memory_space<hbm>> -> memref<112x256xf32, #tpu.memory_space<hbm>>
    tpu.wait_dma2 semaphore(%arg17 : memref<!tpu.dma_semaphore, #tpu.memory_space<semaphore_mem>>) src(%dma_wait3A_279 : memref<112x256xf32, #tpu.memory_space<hbm>>) dst(%arg12 : memref<112x256xf32, #tpu.memory_space<vmem>>)
    %add3A_280 = arith.constant 1120 : i32
    %add3A_281 = arith.addi %min3A_3, %add3A_280 : i32
    %dma_start3A_282 = arith.constant 0 : i32
    %dma_start3A_283 = tpu.memref_slice %arg5[%add3A_281, %dma_start3A_282] : memref<100000x256xf32, #tpu.memory_space<hbm>> -> memref<112x256xf32, #tpu.memory_space<hbm>>
    %dma_start3A_284 = arith.constant 0 : i32
    %dma_start3A_285 = tpu.memref_slice %arg5[%add3A_281, %dma_start3A_284] : memref<100000x256xf32, #tpu.memory_space<hbm>> -> memref<112x256xf32, #tpu.memory_space<hbm>>
    tpu.enqueue_dma source(%arg12 : memref<112x256xf32, #tpu.memory_space<vmem>>) target(%dma_start3A_285 : memref<112x256xf32, #tpu.memory_space<hbm>>) target_semaphore(%arg19 : memref<!tpu.dma_semaphore, #tpu.memory_space<semaphore_mem>>)
    %dma_wait3A_286 = arith.constant 0 : i32
    %dma_wait3A_287 = tpu.memref_slice %arg5[%add3A_255, %dma_wait3A_286] : memref<100000x256xf32, #tpu.memory_space<hbm>> -> memref<112x256xf32, #tpu.memory_space<hbm>>
    %dma_wait3A_288 = arith.constant 0 : i32
    %dma_wait3A_289 = tpu.memref_slice %arg5[%add3A_255, %dma_wait3A_288] : memref<100000x256xf32, #tpu.memory_space<hbm>> -> memref<112x256xf32, #tpu.memory_space<hbm>>
    tpu.wait_dma2 semaphore(%arg20 : memref<!tpu.dma_semaphore, #tpu.memory_space<semaphore_mem>>) src(%arg13 : memref<112x256xf32, #tpu.memory_space<vmem>>) dst(%dma_wait3A_289 : memref<112x256xf32, #tpu.memory_space<hbm>>)
    %add3A_290 = arith.constant 1232 : i32
    %add3A_291 = arith.addi %min3A_3, %add3A_290 : i32
    %dma_start3A_292 = arith.constant 0 : i32
    %dma_start3A_293 = tpu.memref_slice %arg2[%add3A_291, %dma_start3A_292] : memref<100000x256xf32, #tpu.memory_space<hbm>> -> memref<112x256xf32, #tpu.memory_space<hbm>>
    %dma_start3A_294 = arith.constant 0 : i32
    %dma_start3A_295 = tpu.memref_slice %arg2[%add3A_291, %dma_start3A_294] : memref<100000x256xf32, #tpu.memory_space<hbm>> -> memref<112x256xf32, #tpu.memory_space<hbm>>
    tpu.enqueue_dma source(%dma_start3A_295 : memref<112x256xf32, #tpu.memory_space<hbm>>) target(%arg13 : memref<112x256xf32, #tpu.memory_space<vmem>>) target_semaphore(%arg18 : memref<!tpu.dma_semaphore, #tpu.memory_space<semaphore_mem>>)
    %scan3A_296 = arith.constant 0 : i32
    %scan3A_297 = arith.constant 407 : i32
    %scan3A_298 = arith.constant 37 : i32
    %scan3A_299 = arith.addi %scan3A_297, %scan3A_298 : i32
    %scan3A_300 = arith.constant 1 : i32
    scf.for %scan3A_857 = %scan3A_297 to %scan3A_299 step %scan3A_300  : i32 {
      %mul3A_858 = arith.constant 16 : i32
      %mul3A_859 = arith.muli %scan3A_857, %mul3A_858 : i32
      %get3A = arith.index_cast %mul3A_859 : i32 to index
      %get3A_860 = tpu.vector_load %arg6[%get3A] {strides = array<i32>} : memref<16384xi32, #tpu.memory_space<vmem>>, vector<16xi32>,
      %mul3A_861 = arith.constant 16 : i32
      %mul3A_862 = arith.muli %scan3A_857, %mul3A_861 : i32
      %add3A_863 = vector.broadcast %mul3A_862 : i32 to vector<16xi32>
      %add3A_864 = arith.addi %add3A_863, %iota3A : vector<16xi32>
      %mul3A_865 = arith.constant 16 : i32
      %mul3A_866 = vector.broadcast %mul3A_865 : i32 to vector<16xi32>
      %mul3A_867 = arith.muli %get3A_860, %mul3A_866 : vector<16xi32>
      %add3A_868 = arith.addi %mul3A_867, %iota3A : vector<16xi32>
      %masked_sort3A = arith.constant dense<true> : vector<16xi1>
      %masked_sort3A_869 = arith.constant -2147483648 : i32
      %masked_sort3A_870 = vector.broadcast %masked_sort3A_869 : i32 to vector<16xi32>
      %masked_sort3A_871 = arith.xori %add3A_868, %masked_sort3A_870 : vector<16xi32>
      %masked_sort3A_872, %masked_sort3A_873, %masked_sort3A_874 = tpu.sort %masked_sort3A_871, %add3A_864 masked %masked_sort3A : (vector<16xi32>, vector<16xi32>, vector<16xi1>) -> (vector<16xi1>, vector<16xi32>, vector<16xi32>)
      %masked_sort3A_875 = arith.xori %masked_sort3A_873, %masked_sort3A_870 : vector<16xi32>
      %shift_right_logical3A = arith.shrui %masked_sort3A_875, %broadcast_in_dim3A_4 : vector<16xi32>
      %swap3A = arith.constant 0 : index
      %swap3A_876 = tpu.vector_load %arg14[%swap3A] {strides = array<i32>} : memref<16xi32, #tpu.memory_space<vmem>>, vector<16xi32>,
      tpu.vector_store %arg14[%swap3A], %shift_right_logical3A {strides = array<i32>} : memref<16xi32, #tpu.memory_space<vmem>>, vector<16xi32>,
      %add3A_877 = arith.constant 1 : i32
      %add3A_878 = vector.broadcast %add3A_877 : i32 to vector<16xi32>
      %add3A_879 = arith.addi %iota3A, %add3A_878 : vector<16xi32>
      %min3A_880 = arith.constant 15 : i32
      %min3A_881 = vector.broadcast %min3A_880 : i32 to vector<16xi32>
      %min3A_882 = arith.minsi %add3A_879, %min3A_881 : vector<16xi32>
      %gather3A_883 = tpu.vector_load_idx %arg14[%min3A_882] : memref<16xi32, #tpu.memory_space<vmem>>[vector<16xi32>], vector<16xi32>,
      %sub3A_884 = vector.broadcast %min3A_3 : i32 to vector<16xi32>
      %sub3A_885 = arith.subi %shift_right_logical3A, %sub3A_884 : vector<16xi32>
      %ge3A = arith.constant 0 : i32
      %ge3A_886 = vector.broadcast %ge3A : i32 to vector<16xi32>
      %ge3A_887 = arith.cmpi sge, %sub3A_885, %ge3A_886 : vector<16xi32>
      %lt3A = arith.constant 3136 : i32
      %lt3A_888 = vector.broadcast %lt3A : i32 to vector<16xi32>
      %lt3A_889 = arith.cmpi slt, %sub3A_885, %lt3A_888 : vector<16xi32>
      %and3A_890 = arith.andi %ge3A_887, %lt3A_889 : vector<16xi1>
      %ne3A_891 = arith.cmpi ne, %shift_right_logical3A, %gather3A_883 : vector<16xi32>
      %eq3A = arith.constant 15 : i32
      %eq3A_892 = vector.broadcast %eq3A : i32 to vector<16xi32>
      %eq3A_893 = arith.cmpi eq, %iota3A, %eq3A_892 : vector<16xi32>
      %or3A = arith.ori %ne3A_891, %eq3A_893 : vector<16xi1>
      %and3A_894 = arith.andi %or3A, %and3A_890 : vector<16xi1>
      %jit3A_895 = arith.constant 0 : i32
      %jit3A_896 = arith.constant 3135 : i32
      %max3A_897 = vector.broadcast %jit3A_895 : i32 to vector<16xi32>
      %max3A_898 = arith.maxsi %max3A_897, %sub3A_885 : vector<16xi32>
      %min3A_899 = vector.broadcast %jit3A_896 : i32 to vector<16xi32>
      %min3A_900 = arith.minsi %min3A_899, %max3A_898 : vector<16xi32>
      tpu.vector_store_idx %arg7[%min3A_900], %masked_sort3A_874 masked %and3A_894 : memref<3136xi32, #tpu.memory_space<vmem>>[vector<16xi32>], vector<16xi32>, vector<16xi1>
    }
    %scan3A_301 = arith.constant 37 : i32
    %dma_wait3A_302 = arith.constant 0 : i32
    %dma_wait3A_303 = tpu.memref_slice %arg2[%add3A_291, %dma_wait3A_302] : memref<100000x256xf32, #tpu.memory_space<hbm>> -> memref<112x256xf32, #tpu.memory_space<hbm>>
    %dma_wait3A_304 = arith.constant 0 : i32
    %dma_wait3A_305 = tpu.memref_slice %arg2[%add3A_291, %dma_wait3A_304] : memref<100000x256xf32, #tpu.memory_space<hbm>> -> memref<112x256xf32, #tpu.memory_space<hbm>>
    tpu.wait_dma2 semaphore(%arg18 : memref<!tpu.dma_semaphore, #tpu.memory_space<semaphore_mem>>) src(%dma_wait3A_305 : memref<112x256xf32, #tpu.memory_space<hbm>>) dst(%arg13 : memref<112x256xf32, #tpu.memory_space<vmem>>)
    %add3A_306 = arith.constant 1232 : i32
    %add3A_307 = arith.addi %min3A_3, %add3A_306 : i32
    %dma_start3A_308 = arith.constant 0 : i32
    %dma_start3A_309 = tpu.memref_slice %arg5[%add3A_307, %dma_start3A_308] : memref<100000x256xf32, #tpu.memory_space<hbm>> -> memref<112x256xf32, #tpu.memory_space<hbm>>
    %dma_start3A_310 = arith.constant 0 : i32
    %dma_start3A_311 = tpu.memref_slice %arg5[%add3A_307, %dma_start3A_310] : memref<100000x256xf32, #tpu.memory_space<hbm>> -> memref<112x256xf32, #tpu.memory_space<hbm>>
    tpu.enqueue_dma source(%arg13 : memref<112x256xf32, #tpu.memory_space<vmem>>) target(%dma_start3A_311 : memref<112x256xf32, #tpu.memory_space<hbm>>) target_semaphore(%arg20 : memref<!tpu.dma_semaphore, #tpu.memory_space<semaphore_mem>>)
    %dma_wait3A_312 = arith.constant 0 : i32
    %dma_wait3A_313 = tpu.memref_slice %arg5[%add3A_281, %dma_wait3A_312] : memref<100000x256xf32, #tpu.memory_space<hbm>> -> memref<112x256xf32, #tpu.memory_space<hbm>>
    %dma_wait3A_314 = arith.constant 0 : i32
    %dma_wait3A_315 = tpu.memref_slice %arg5[%add3A_281, %dma_wait3A_314] : memref<100000x256xf32, #tpu.memory_space<hbm>> -> memref<112x256xf32, #tpu.memory_space<hbm>>
    tpu.wait_dma2 semaphore(%arg19 : memref<!tpu.dma_semaphore, #tpu.memory_space<semaphore_mem>>) src(%arg12 : memref<112x256xf32, #tpu.memory_space<vmem>>) dst(%dma_wait3A_315 : memref<112x256xf32, #tpu.memory_space<hbm>>)
    %add3A_316 = arith.constant 1344 : i32
    %add3A_317 = arith.addi %min3A_3, %add3A_316 : i32
    %dma_start3A_318 = arith.constant 0 : i32
    %dma_start3A_319 = tpu.memref_slice %arg2[%add3A_317, %dma_start3A_318] : memref<100000x256xf32, #tpu.memory_space<hbm>> -> memref<112x256xf32, #tpu.memory_space<hbm>>
    %dma_start3A_320 = arith.constant 0 : i32
    %dma_start3A_321 = tpu.memref_slice %arg2[%add3A_317, %dma_start3A_320] : memref<100000x256xf32, #tpu.memory_space<hbm>> -> memref<112x256xf32, #tpu.memory_space<hbm>>
    tpu.enqueue_dma source(%dma_start3A_321 : memref<112x256xf32, #tpu.memory_space<hbm>>) target(%arg12 : memref<112x256xf32, #tpu.memory_space<vmem>>) target_semaphore(%arg17 : memref<!tpu.dma_semaphore, #tpu.memory_space<semaphore_mem>>)
    %scan3A_322 = arith.constant 0 : i32
    %scan3A_323 = arith.constant 444 : i32
    %scan3A_324 = arith.constant 37 : i32
    %scan3A_325 = arith.addi %scan3A_323, %scan3A_324 : i32
    %scan3A_326 = arith.constant 1 : i32
    scf.for %scan3A_857 = %scan3A_323 to %scan3A_325 step %scan3A_326  : i32 {
      %mul3A_858 = arith.constant 16 : i32
      %mul3A_859 = arith.muli %scan3A_857, %mul3A_858 : i32
      %get3A = arith.index_cast %mul3A_859 : i32 to index
      %get3A_860 = tpu.vector_load %arg6[%get3A] {strides = array<i32>} : memref<16384xi32, #tpu.memory_space<vmem>>, vector<16xi32>,
      %mul3A_861 = arith.constant 16 : i32
      %mul3A_862 = arith.muli %scan3A_857, %mul3A_861 : i32
      %add3A_863 = vector.broadcast %mul3A_862 : i32 to vector<16xi32>
      %add3A_864 = arith.addi %add3A_863, %iota3A : vector<16xi32>
      %mul3A_865 = arith.constant 16 : i32
      %mul3A_866 = vector.broadcast %mul3A_865 : i32 to vector<16xi32>
      %mul3A_867 = arith.muli %get3A_860, %mul3A_866 : vector<16xi32>
      %add3A_868 = arith.addi %mul3A_867, %iota3A : vector<16xi32>
      %masked_sort3A = arith.constant dense<true> : vector<16xi1>
      %masked_sort3A_869 = arith.constant -2147483648 : i32
      %masked_sort3A_870 = vector.broadcast %masked_sort3A_869 : i32 to vector<16xi32>
      %masked_sort3A_871 = arith.xori %add3A_868, %masked_sort3A_870 : vector<16xi32>
      %masked_sort3A_872, %masked_sort3A_873, %masked_sort3A_874 = tpu.sort %masked_sort3A_871, %add3A_864 masked %masked_sort3A : (vector<16xi32>, vector<16xi32>, vector<16xi1>) -> (vector<16xi1>, vector<16xi32>, vector<16xi32>)
      %masked_sort3A_875 = arith.xori %masked_sort3A_873, %masked_sort3A_870 : vector<16xi32>
      %shift_right_logical3A = arith.shrui %masked_sort3A_875, %broadcast_in_dim3A_4 : vector<16xi32>
      %swap3A = arith.constant 0 : index
      %swap3A_876 = tpu.vector_load %arg14[%swap3A] {strides = array<i32>} : memref<16xi32, #tpu.memory_space<vmem>>, vector<16xi32>,
      tpu.vector_store %arg14[%swap3A], %shift_right_logical3A {strides = array<i32>} : memref<16xi32, #tpu.memory_space<vmem>>, vector<16xi32>,
      %add3A_877 = arith.constant 1 : i32
      %add3A_878 = vector.broadcast %add3A_877 : i32 to vector<16xi32>
      %add3A_879 = arith.addi %iota3A, %add3A_878 : vector<16xi32>
      %min3A_880 = arith.constant 15 : i32
      %min3A_881 = vector.broadcast %min3A_880 : i32 to vector<16xi32>
      %min3A_882 = arith.minsi %add3A_879, %min3A_881 : vector<16xi32>
      %gather3A_883 = tpu.vector_load_idx %arg14[%min3A_882] : memref<16xi32, #tpu.memory_space<vmem>>[vector<16xi32>], vector<16xi32>,
      %sub3A_884 = vector.broadcast %min3A_3 : i32 to vector<16xi32>
      %sub3A_885 = arith.subi %shift_right_logical3A, %sub3A_884 : vector<16xi32>
      %ge3A = arith.constant 0 : i32
      %ge3A_886 = vector.broadcast %ge3A : i32 to vector<16xi32>
      %ge3A_887 = arith.cmpi sge, %sub3A_885, %ge3A_886 : vector<16xi32>
      %lt3A = arith.constant 3136 : i32
      %lt3A_888 = vector.broadcast %lt3A : i32 to vector<16xi32>
      %lt3A_889 = arith.cmpi slt, %sub3A_885, %lt3A_888 : vector<16xi32>
      %and3A_890 = arith.andi %ge3A_887, %lt3A_889 : vector<16xi1>
      %ne3A_891 = arith.cmpi ne, %shift_right_logical3A, %gather3A_883 : vector<16xi32>
      %eq3A = arith.constant 15 : i32
      %eq3A_892 = vector.broadcast %eq3A : i32 to vector<16xi32>
      %eq3A_893 = arith.cmpi eq, %iota3A, %eq3A_892 : vector<16xi32>
      %or3A = arith.ori %ne3A_891, %eq3A_893 : vector<16xi1>
      %and3A_894 = arith.andi %or3A, %and3A_890 : vector<16xi1>
      %jit3A_895 = arith.constant 0 : i32
      %jit3A_896 = arith.constant 3135 : i32
      %max3A_897 = vector.broadcast %jit3A_895 : i32 to vector<16xi32>
      %max3A_898 = arith.maxsi %max3A_897, %sub3A_885 : vector<16xi32>
      %min3A_899 = vector.broadcast %jit3A_896 : i32 to vector<16xi32>
      %min3A_900 = arith.minsi %min3A_899, %max3A_898 : vector<16xi32>
      tpu.vector_store_idx %arg7[%min3A_900], %masked_sort3A_874 masked %and3A_894 : memref<3136xi32, #tpu.memory_space<vmem>>[vector<16xi32>], vector<16xi32>, vector<16xi1>
    }
    %scan3A_327 = arith.constant 37 : i32
    %dma_wait3A_328 = arith.constant 0 : i32
    %dma_wait3A_329 = tpu.memref_slice %arg2[%add3A_317, %dma_wait3A_328] : memref<100000x256xf32, #tpu.memory_space<hbm>> -> memref<112x256xf32, #tpu.memory_space<hbm>>
    %dma_wait3A_330 = arith.constant 0 : i32
    %dma_wait3A_331 = tpu.memref_slice %arg2[%add3A_317, %dma_wait3A_330] : memref<100000x256xf32, #tpu.memory_space<hbm>> -> memref<112x256xf32, #tpu.memory_space<hbm>>
    tpu.wait_dma2 semaphore(%arg17 : memref<!tpu.dma_semaphore, #tpu.memory_space<semaphore_mem>>) src(%dma_wait3A_331 : memref<112x256xf32, #tpu.memory_space<hbm>>) dst(%arg12 : memref<112x256xf32, #tpu.memory_space<vmem>>)
    %add3A_332 = arith.constant 1344 : i32
    %add3A_333 = arith.addi %min3A_3, %add3A_332 : i32
    %dma_start3A_334 = arith.constant 0 : i32
    %dma_start3A_335 = tpu.memref_slice %arg5[%add3A_333, %dma_start3A_334] : memref<100000x256xf32, #tpu.memory_space<hbm>> -> memref<112x256xf32, #tpu.memory_space<hbm>>
    %dma_start3A_336 = arith.constant 0 : i32
    %dma_start3A_337 = tpu.memref_slice %arg5[%add3A_333, %dma_start3A_336] : memref<100000x256xf32, #tpu.memory_space<hbm>> -> memref<112x256xf32, #tpu.memory_space<hbm>>
    tpu.enqueue_dma source(%arg12 : memref<112x256xf32, #tpu.memory_space<vmem>>) target(%dma_start3A_337 : memref<112x256xf32, #tpu.memory_space<hbm>>) target_semaphore(%arg19 : memref<!tpu.dma_semaphore, #tpu.memory_space<semaphore_mem>>)
    %dma_wait3A_338 = arith.constant 0 : i32
    %dma_wait3A_339 = tpu.memref_slice %arg5[%add3A_307, %dma_wait3A_338] : memref<100000x256xf32, #tpu.memory_space<hbm>> -> memref<112x256xf32, #tpu.memory_space<hbm>>
    %dma_wait3A_340 = arith.constant 0 : i32
    %dma_wait3A_341 = tpu.memref_slice %arg5[%add3A_307, %dma_wait3A_340] : memref<100000x256xf32, #tpu.memory_space<hbm>> -> memref<112x256xf32, #tpu.memory_space<hbm>>
    tpu.wait_dma2 semaphore(%arg20 : memref<!tpu.dma_semaphore, #tpu.memory_space<semaphore_mem>>) src(%arg13 : memref<112x256xf32, #tpu.memory_space<vmem>>) dst(%dma_wait3A_341 : memref<112x256xf32, #tpu.memory_space<hbm>>)
    %add3A_342 = arith.constant 1456 : i32
    %add3A_343 = arith.addi %min3A_3, %add3A_342 : i32
    %dma_start3A_344 = arith.constant 0 : i32
    %dma_start3A_345 = tpu.memref_slice %arg2[%add3A_343, %dma_start3A_344] : memref<100000x256xf32, #tpu.memory_space<hbm>> -> memref<112x256xf32, #tpu.memory_space<hbm>>
    %dma_start3A_346 = arith.constant 0 : i32
    %dma_start3A_347 = tpu.memref_slice %arg2[%add3A_343, %dma_start3A_346] : memref<100000x256xf32, #tpu.memory_space<hbm>> -> memref<112x256xf32, #tpu.memory_space<hbm>>
    tpu.enqueue_dma source(%dma_start3A_347 : memref<112x256xf32, #tpu.memory_space<hbm>>) target(%arg13 : memref<112x256xf32, #tpu.memory_space<vmem>>) target_semaphore(%arg18 : memref<!tpu.dma_semaphore, #tpu.memory_space<semaphore_mem>>)
    %scan3A_348 = arith.constant 0 : i32
    %scan3A_349 = arith.constant 481 : i32
    %scan3A_350 = arith.constant 37 : i32
    %scan3A_351 = arith.addi %scan3A_349, %scan3A_350 : i32
    %scan3A_352 = arith.constant 1 : i32
    scf.for %scan3A_857 = %scan3A_349 to %scan3A_351 step %scan3A_352  : i32 {
      %mul3A_858 = arith.constant 16 : i32
      %mul3A_859 = arith.muli %scan3A_857, %mul3A_858 : i32
      %get3A = arith.index_cast %mul3A_859 : i32 to index
      %get3A_860 = tpu.vector_load %arg6[%get3A] {strides = array<i32>} : memref<16384xi32, #tpu.memory_space<vmem>>, vector<16xi32>,
      %mul3A_861 = arith.constant 16 : i32
      %mul3A_862 = arith.muli %scan3A_857, %mul3A_861 : i32
      %add3A_863 = vector.broadcast %mul3A_862 : i32 to vector<16xi32>
      %add3A_864 = arith.addi %add3A_863, %iota3A : vector<16xi32>
      %mul3A_865 = arith.constant 16 : i32
      %mul3A_866 = vector.broadcast %mul3A_865 : i32 to vector<16xi32>
      %mul3A_867 = arith.muli %get3A_860, %mul3A_866 : vector<16xi32>
      %add3A_868 = arith.addi %mul3A_867, %iota3A : vector<16xi32>
      %masked_sort3A = arith.constant dense<true> : vector<16xi1>
      %masked_sort3A_869 = arith.constant -2147483648 : i32
      %masked_sort3A_870 = vector.broadcast %masked_sort3A_869 : i32 to vector<16xi32>
      %masked_sort3A_871 = arith.xori %add3A_868, %masked_sort3A_870 : vector<16xi32>
      %masked_sort3A_872, %masked_sort3A_873, %masked_sort3A_874 = tpu.sort %masked_sort3A_871, %add3A_864 masked %masked_sort3A : (vector<16xi32>, vector<16xi32>, vector<16xi1>) -> (vector<16xi1>, vector<16xi32>, vector<16xi32>)
      %masked_sort3A_875 = arith.xori %masked_sort3A_873, %masked_sort3A_870 : vector<16xi32>
      %shift_right_logical3A = arith.shrui %masked_sort3A_875, %broadcast_in_dim3A_4 : vector<16xi32>
      %swap3A = arith.constant 0 : index
      %swap3A_876 = tpu.vector_load %arg14[%swap3A] {strides = array<i32>} : memref<16xi32, #tpu.memory_space<vmem>>, vector<16xi32>,
      tpu.vector_store %arg14[%swap3A], %shift_right_logical3A {strides = array<i32>} : memref<16xi32, #tpu.memory_space<vmem>>, vector<16xi32>,
      %add3A_877 = arith.constant 1 : i32
      %add3A_878 = vector.broadcast %add3A_877 : i32 to vector<16xi32>
      %add3A_879 = arith.addi %iota3A, %add3A_878 : vector<16xi32>
      %min3A_880 = arith.constant 15 : i32
      %min3A_881 = vector.broadcast %min3A_880 : i32 to vector<16xi32>
      %min3A_882 = arith.minsi %add3A_879, %min3A_881 : vector<16xi32>
      %gather3A_883 = tpu.vector_load_idx %arg14[%min3A_882] : memref<16xi32, #tpu.memory_space<vmem>>[vector<16xi32>], vector<16xi32>,
      %sub3A_884 = vector.broadcast %min3A_3 : i32 to vector<16xi32>
      %sub3A_885 = arith.subi %shift_right_logical3A, %sub3A_884 : vector<16xi32>
      %ge3A = arith.constant 0 : i32
      %ge3A_886 = vector.broadcast %ge3A : i32 to vector<16xi32>
      %ge3A_887 = arith.cmpi sge, %sub3A_885, %ge3A_886 : vector<16xi32>
      %lt3A = arith.constant 3136 : i32
      %lt3A_888 = vector.broadcast %lt3A : i32 to vector<16xi32>
      %lt3A_889 = arith.cmpi slt, %sub3A_885, %lt3A_888 : vector<16xi32>
      %and3A_890 = arith.andi %ge3A_887, %lt3A_889 : vector<16xi1>
      %ne3A_891 = arith.cmpi ne, %shift_right_logical3A, %gather3A_883 : vector<16xi32>
      %eq3A = arith.constant 15 : i32
      %eq3A_892 = vector.broadcast %eq3A : i32 to vector<16xi32>
      %eq3A_893 = arith.cmpi eq, %iota3A, %eq3A_892 : vector<16xi32>
      %or3A = arith.ori %ne3A_891, %eq3A_893 : vector<16xi1>
      %and3A_894 = arith.andi %or3A, %and3A_890 : vector<16xi1>
      %jit3A_895 = arith.constant 0 : i32
      %jit3A_896 = arith.constant 3135 : i32
      %max3A_897 = vector.broadcast %jit3A_895 : i32 to vector<16xi32>
      %max3A_898 = arith.maxsi %max3A_897, %sub3A_885 : vector<16xi32>
      %min3A_899 = vector.broadcast %jit3A_896 : i32 to vector<16xi32>
      %min3A_900 = arith.minsi %min3A_899, %max3A_898 : vector<16xi32>
      tpu.vector_store_idx %arg7[%min3A_900], %masked_sort3A_874 masked %and3A_894 : memref<3136xi32, #tpu.memory_space<vmem>>[vector<16xi32>], vector<16xi32>, vector<16xi1>
    }
    %scan3A_353 = arith.constant 37 : i32
    %dma_wait3A_354 = arith.constant 0 : i32
    %dma_wait3A_355 = tpu.memref_slice %arg2[%add3A_343, %dma_wait3A_354] : memref<100000x256xf32, #tpu.memory_space<hbm>> -> memref<112x256xf32, #tpu.memory_space<hbm>>
    %dma_wait3A_356 = arith.constant 0 : i32
    %dma_wait3A_357 = tpu.memref_slice %arg2[%add3A_343, %dma_wait3A_356] : memref<100000x256xf32, #tpu.memory_space<hbm>> -> memref<112x256xf32, #tpu.memory_space<hbm>>
    tpu.wait_dma2 semaphore(%arg18 : memref<!tpu.dma_semaphore, #tpu.memory_space<semaphore_mem>>) src(%dma_wait3A_357 : memref<112x256xf32, #tpu.memory_space<hbm>>) dst(%arg13 : memref<112x256xf32, #tpu.memory_space<vmem>>)
    %add3A_358 = arith.constant 1456 : i32
    %add3A_359 = arith.addi %min3A_3, %add3A_358 : i32
    %dma_start3A_360 = arith.constant 0 : i32
    %dma_start3A_361 = tpu.memref_slice %arg5[%add3A_359, %dma_start3A_360] : memref<100000x256xf32, #tpu.memory_space<hbm>> -> memref<112x256xf32, #tpu.memory_space<hbm>>
    %dma_start3A_362 = arith.constant 0 : i32
    %dma_start3A_363 = tpu.memref_slice %arg5[%add3A_359, %dma_start3A_362] : memref<100000x256xf32, #tpu.memory_space<hbm>> -> memref<112x256xf32, #tpu.memory_space<hbm>>
    tpu.enqueue_dma source(%arg13 : memref<112x256xf32, #tpu.memory_space<vmem>>) target(%dma_start3A_363 : memref<112x256xf32, #tpu.memory_space<hbm>>) target_semaphore(%arg20 : memref<!tpu.dma_semaphore, #tpu.memory_space<semaphore_mem>>)
    %dma_wait3A_364 = arith.constant 0 : i32
    %dma_wait3A_365 = tpu.memref_slice %arg5[%add3A_333, %dma_wait3A_364] : memref<100000x256xf32, #tpu.memory_space<hbm>> -> memref<112x256xf32, #tpu.memory_space<hbm>>
    %dma_wait3A_366 = arith.constant 0 : i32
    %dma_wait3A_367 = tpu.memref_slice %arg5[%add3A_333, %dma_wait3A_366] : memref<100000x256xf32, #tpu.memory_space<hbm>> -> memref<112x256xf32, #tpu.memory_space<hbm>>
    tpu.wait_dma2 semaphore(%arg19 : memref<!tpu.dma_semaphore, #tpu.memory_space<semaphore_mem>>) src(%arg12 : memref<112x256xf32, #tpu.memory_space<vmem>>) dst(%dma_wait3A_367 : memref<112x256xf32, #tpu.memory_space<hbm>>)
    %add3A_368 = arith.constant 1568 : i32
    %add3A_369 = arith.addi %min3A_3, %add3A_368 : i32
    %dma_start3A_370 = arith.constant 0 : i32
    %dma_start3A_371 = tpu.memref_slice %arg2[%add3A_369, %dma_start3A_370] : memref<100000x256xf32, #tpu.memory_space<hbm>> -> memref<112x256xf32, #tpu.memory_space<hbm>>
    %dma_start3A_372 = arith.constant 0 : i32
    %dma_start3A_373 = tpu.memref_slice %arg2[%add3A_369, %dma_start3A_372] : memref<100000x256xf32, #tpu.memory_space<hbm>> -> memref<112x256xf32, #tpu.memory_space<hbm>>
    tpu.enqueue_dma source(%dma_start3A_373 : memref<112x256xf32, #tpu.memory_space<hbm>>) target(%arg12 : memref<112x256xf32, #tpu.memory_space<vmem>>) target_semaphore(%arg17 : memref<!tpu.dma_semaphore, #tpu.memory_space<semaphore_mem>>)
    %scan3A_374 = arith.constant 0 : i32
    %scan3A_375 = arith.constant 518 : i32
    %scan3A_376 = arith.constant 37 : i32
    %scan3A_377 = arith.addi %scan3A_375, %scan3A_376 : i32
    %scan3A_378 = arith.constant 1 : i32
    scf.for %scan3A_857 = %scan3A_375 to %scan3A_377 step %scan3A_378  : i32 {
      %mul3A_858 = arith.constant 16 : i32
      %mul3A_859 = arith.muli %scan3A_857, %mul3A_858 : i32
      %get3A = arith.index_cast %mul3A_859 : i32 to index
      %get3A_860 = tpu.vector_load %arg6[%get3A] {strides = array<i32>} : memref<16384xi32, #tpu.memory_space<vmem>>, vector<16xi32>,
      %mul3A_861 = arith.constant 16 : i32
      %mul3A_862 = arith.muli %scan3A_857, %mul3A_861 : i32
      %add3A_863 = vector.broadcast %mul3A_862 : i32 to vector<16xi32>
      %add3A_864 = arith.addi %add3A_863, %iota3A : vector<16xi32>
      %mul3A_865 = arith.constant 16 : i32
      %mul3A_866 = vector.broadcast %mul3A_865 : i32 to vector<16xi32>
      %mul3A_867 = arith.muli %get3A_860, %mul3A_866 : vector<16xi32>
      %add3A_868 = arith.addi %mul3A_867, %iota3A : vector<16xi32>
      %masked_sort3A = arith.constant dense<true> : vector<16xi1>
      %masked_sort3A_869 = arith.constant -2147483648 : i32
      %masked_sort3A_870 = vector.broadcast %masked_sort3A_869 : i32 to vector<16xi32>
      %masked_sort3A_871 = arith.xori %add3A_868, %masked_sort3A_870 : vector<16xi32>
      %masked_sort3A_872, %masked_sort3A_873, %masked_sort3A_874 = tpu.sort %masked_sort3A_871, %add3A_864 masked %masked_sort3A : (vector<16xi32>, vector<16xi32>, vector<16xi1>) -> (vector<16xi1>, vector<16xi32>, vector<16xi32>)
      %masked_sort3A_875 = arith.xori %masked_sort3A_873, %masked_sort3A_870 : vector<16xi32>
      %shift_right_logical3A = arith.shrui %masked_sort3A_875, %broadcast_in_dim3A_4 : vector<16xi32>
      %swap3A = arith.constant 0 : index
      %swap3A_876 = tpu.vector_load %arg14[%swap3A] {strides = array<i32>} : memref<16xi32, #tpu.memory_space<vmem>>, vector<16xi32>,
      tpu.vector_store %arg14[%swap3A], %shift_right_logical3A {strides = array<i32>} : memref<16xi32, #tpu.memory_space<vmem>>, vector<16xi32>,
      %add3A_877 = arith.constant 1 : i32
      %add3A_878 = vector.broadcast %add3A_877 : i32 to vector<16xi32>
      %add3A_879 = arith.addi %iota3A, %add3A_878 : vector<16xi32>
      %min3A_880 = arith.constant 15 : i32
      %min3A_881 = vector.broadcast %min3A_880 : i32 to vector<16xi32>
      %min3A_882 = arith.minsi %add3A_879, %min3A_881 : vector<16xi32>
      %gather3A_883 = tpu.vector_load_idx %arg14[%min3A_882] : memref<16xi32, #tpu.memory_space<vmem>>[vector<16xi32>], vector<16xi32>,
      %sub3A_884 = vector.broadcast %min3A_3 : i32 to vector<16xi32>
      %sub3A_885 = arith.subi %shift_right_logical3A, %sub3A_884 : vector<16xi32>
      %ge3A = arith.constant 0 : i32
      %ge3A_886 = vector.broadcast %ge3A : i32 to vector<16xi32>
      %ge3A_887 = arith.cmpi sge, %sub3A_885, %ge3A_886 : vector<16xi32>
      %lt3A = arith.constant 3136 : i32
      %lt3A_888 = vector.broadcast %lt3A : i32 to vector<16xi32>
      %lt3A_889 = arith.cmpi slt, %sub3A_885, %lt3A_888 : vector<16xi32>
      %and3A_890 = arith.andi %ge3A_887, %lt3A_889 : vector<16xi1>
      %ne3A_891 = arith.cmpi ne, %shift_right_logical3A, %gather3A_883 : vector<16xi32>
      %eq3A = arith.constant 15 : i32
      %eq3A_892 = vector.broadcast %eq3A : i32 to vector<16xi32>
      %eq3A_893 = arith.cmpi eq, %iota3A, %eq3A_892 : vector<16xi32>
      %or3A = arith.ori %ne3A_891, %eq3A_893 : vector<16xi1>
      %and3A_894 = arith.andi %or3A, %and3A_890 : vector<16xi1>
      %jit3A_895 = arith.constant 0 : i32
      %jit3A_896 = arith.constant 3135 : i32
      %max3A_897 = vector.broadcast %jit3A_895 : i32 to vector<16xi32>
      %max3A_898 = arith.maxsi %max3A_897, %sub3A_885 : vector<16xi32>
      %min3A_899 = vector.broadcast %jit3A_896 : i32 to vector<16xi32>
      %min3A_900 = arith.minsi %min3A_899, %max3A_898 : vector<16xi32>
      tpu.vector_store_idx %arg7[%min3A_900], %masked_sort3A_874 masked %and3A_894 : memref<3136xi32, #tpu.memory_space<vmem>>[vector<16xi32>], vector<16xi32>, vector<16xi1>
    }
    %scan3A_379 = arith.constant 37 : i32
    %dma_wait3A_380 = arith.constant 0 : i32
    %dma_wait3A_381 = tpu.memref_slice %arg2[%add3A_369, %dma_wait3A_380] : memref<100000x256xf32, #tpu.memory_space<hbm>> -> memref<112x256xf32, #tpu.memory_space<hbm>>
    %dma_wait3A_382 = arith.constant 0 : i32
    %dma_wait3A_383 = tpu.memref_slice %arg2[%add3A_369, %dma_wait3A_382] : memref<100000x256xf32, #tpu.memory_space<hbm>> -> memref<112x256xf32, #tpu.memory_space<hbm>>
    tpu.wait_dma2 semaphore(%arg17 : memref<!tpu.dma_semaphore, #tpu.memory_space<semaphore_mem>>) src(%dma_wait3A_383 : memref<112x256xf32, #tpu.memory_space<hbm>>) dst(%arg12 : memref<112x256xf32, #tpu.memory_space<vmem>>)
    %add3A_384 = arith.constant 1568 : i32
    %add3A_385 = arith.addi %min3A_3, %add3A_384 : i32
    %dma_start3A_386 = arith.constant 0 : i32
    %dma_start3A_387 = tpu.memref_slice %arg5[%add3A_385, %dma_start3A_386] : memref<100000x256xf32, #tpu.memory_space<hbm>> -> memref<112x256xf32, #tpu.memory_space<hbm>>
    %dma_start3A_388 = arith.constant 0 : i32
    %dma_start3A_389 = tpu.memref_slice %arg5[%add3A_385, %dma_start3A_388] : memref<100000x256xf32, #tpu.memory_space<hbm>> -> memref<112x256xf32, #tpu.memory_space<hbm>>
    tpu.enqueue_dma source(%arg12 : memref<112x256xf32, #tpu.memory_space<vmem>>) target(%dma_start3A_389 : memref<112x256xf32, #tpu.memory_space<hbm>>) target_semaphore(%arg19 : memref<!tpu.dma_semaphore, #tpu.memory_space<semaphore_mem>>)
    %dma_wait3A_390 = arith.constant 0 : i32
    %dma_wait3A_391 = tpu.memref_slice %arg5[%add3A_359, %dma_wait3A_390] : memref<100000x256xf32, #tpu.memory_space<hbm>> -> memref<112x256xf32, #tpu.memory_space<hbm>>
    %dma_wait3A_392 = arith.constant 0 : i32
    %dma_wait3A_393 = tpu.memref_slice %arg5[%add3A_359, %dma_wait3A_392] : memref<100000x256xf32, #tpu.memory_space<hbm>> -> memref<112x256xf32, #tpu.memory_space<hbm>>
    tpu.wait_dma2 semaphore(%arg20 : memref<!tpu.dma_semaphore, #tpu.memory_space<semaphore_mem>>) src(%arg13 : memref<112x256xf32, #tpu.memory_space<vmem>>) dst(%dma_wait3A_393 : memref<112x256xf32, #tpu.memory_space<hbm>>)
    %add3A_394 = arith.constant 1680 : i32
    %add3A_395 = arith.addi %min3A_3, %add3A_394 : i32
    %dma_start3A_396 = arith.constant 0 : i32
    %dma_start3A_397 = tpu.memref_slice %arg2[%add3A_395, %dma_start3A_396] : memref<100000x256xf32, #tpu.memory_space<hbm>> -> memref<112x256xf32, #tpu.memory_space<hbm>>
    %dma_start3A_398 = arith.constant 0 : i32
    %dma_start3A_399 = tpu.memref_slice %arg2[%add3A_395, %dma_start3A_398] : memref<100000x256xf32, #tpu.memory_space<hbm>> -> memref<112x256xf32, #tpu.memory_space<hbm>>
    tpu.enqueue_dma source(%dma_start3A_399 : memref<112x256xf32, #tpu.memory_space<hbm>>) target(%arg13 : memref<112x256xf32, #tpu.memory_space<vmem>>) target_semaphore(%arg18 : memref<!tpu.dma_semaphore, #tpu.memory_space<semaphore_mem>>)
    %scan3A_400 = arith.constant 0 : i32
    %scan3A_401 = arith.constant 555 : i32
    %scan3A_402 = arith.constant 37 : i32
    %scan3A_403 = arith.addi %scan3A_401, %scan3A_402 : i32
    %scan3A_404 = arith.constant 1 : i32
    scf.for %scan3A_857 = %scan3A_401 to %scan3A_403 step %scan3A_404  : i32 {
      %mul3A_858 = arith.constant 16 : i32
      %mul3A_859 = arith.muli %scan3A_857, %mul3A_858 : i32
      %get3A = arith.index_cast %mul3A_859 : i32 to index
      %get3A_860 = tpu.vector_load %arg6[%get3A] {strides = array<i32>} : memref<16384xi32, #tpu.memory_space<vmem>>, vector<16xi32>,
      %mul3A_861 = arith.constant 16 : i32
      %mul3A_862 = arith.muli %scan3A_857, %mul3A_861 : i32
      %add3A_863 = vector.broadcast %mul3A_862 : i32 to vector<16xi32>
      %add3A_864 = arith.addi %add3A_863, %iota3A : vector<16xi32>
      %mul3A_865 = arith.constant 16 : i32
      %mul3A_866 = vector.broadcast %mul3A_865 : i32 to vector<16xi32>
      %mul3A_867 = arith.muli %get3A_860, %mul3A_866 : vector<16xi32>
      %add3A_868 = arith.addi %mul3A_867, %iota3A : vector<16xi32>
      %masked_sort3A = arith.constant dense<true> : vector<16xi1>
      %masked_sort3A_869 = arith.constant -2147483648 : i32
      %masked_sort3A_870 = vector.broadcast %masked_sort3A_869 : i32 to vector<16xi32>
      %masked_sort3A_871 = arith.xori %add3A_868, %masked_sort3A_870 : vector<16xi32>
      %masked_sort3A_872, %masked_sort3A_873, %masked_sort3A_874 = tpu.sort %masked_sort3A_871, %add3A_864 masked %masked_sort3A : (vector<16xi32>, vector<16xi32>, vector<16xi1>) -> (vector<16xi1>, vector<16xi32>, vector<16xi32>)
      %masked_sort3A_875 = arith.xori %masked_sort3A_873, %masked_sort3A_870 : vector<16xi32>
      %shift_right_logical3A = arith.shrui %masked_sort3A_875, %broadcast_in_dim3A_4 : vector<16xi32>
      %swap3A = arith.constant 0 : index
      %swap3A_876 = tpu.vector_load %arg14[%swap3A] {strides = array<i32>} : memref<16xi32, #tpu.memory_space<vmem>>, vector<16xi32>,
      tpu.vector_store %arg14[%swap3A], %shift_right_logical3A {strides = array<i32>} : memref<16xi32, #tpu.memory_space<vmem>>, vector<16xi32>,
      %add3A_877 = arith.constant 1 : i32
      %add3A_878 = vector.broadcast %add3A_877 : i32 to vector<16xi32>
      %add3A_879 = arith.addi %iota3A, %add3A_878 : vector<16xi32>
      %min3A_880 = arith.constant 15 : i32
      %min3A_881 = vector.broadcast %min3A_880 : i32 to vector<16xi32>
      %min3A_882 = arith.minsi %add3A_879, %min3A_881 : vector<16xi32>
      %gather3A_883 = tpu.vector_load_idx %arg14[%min3A_882] : memref<16xi32, #tpu.memory_space<vmem>>[vector<16xi32>], vector<16xi32>,
      %sub3A_884 = vector.broadcast %min3A_3 : i32 to vector<16xi32>
      %sub3A_885 = arith.subi %shift_right_logical3A, %sub3A_884 : vector<16xi32>
      %ge3A = arith.constant 0 : i32
      %ge3A_886 = vector.broadcast %ge3A : i32 to vector<16xi32>
      %ge3A_887 = arith.cmpi sge, %sub3A_885, %ge3A_886 : vector<16xi32>
      %lt3A = arith.constant 3136 : i32
      %lt3A_888 = vector.broadcast %lt3A : i32 to vector<16xi32>
      %lt3A_889 = arith.cmpi slt, %sub3A_885, %lt3A_888 : vector<16xi32>
      %and3A_890 = arith.andi %ge3A_887, %lt3A_889 : vector<16xi1>
      %ne3A_891 = arith.cmpi ne, %shift_right_logical3A, %gather3A_883 : vector<16xi32>
      %eq3A = arith.constant 15 : i32
      %eq3A_892 = vector.broadcast %eq3A : i32 to vector<16xi32>
      %eq3A_893 = arith.cmpi eq, %iota3A, %eq3A_892 : vector<16xi32>
      %or3A = arith.ori %ne3A_891, %eq3A_893 : vector<16xi1>
      %and3A_894 = arith.andi %or3A, %and3A_890 : vector<16xi1>
      %jit3A_895 = arith.constant 0 : i32
      %jit3A_896 = arith.constant 3135 : i32
      %max3A_897 = vector.broadcast %jit3A_895 : i32 to vector<16xi32>
      %max3A_898 = arith.maxsi %max3A_897, %sub3A_885 : vector<16xi32>
      %min3A_899 = vector.broadcast %jit3A_896 : i32 to vector<16xi32>
      %min3A_900 = arith.minsi %min3A_899, %max3A_898 : vector<16xi32>
      tpu.vector_store_idx %arg7[%min3A_900], %masked_sort3A_874 masked %and3A_894 : memref<3136xi32, #tpu.memory_space<vmem>>[vector<16xi32>], vector<16xi32>, vector<16xi1>
    }
    %scan3A_405 = arith.constant 37 : i32
    %dma_wait3A_406 = arith.constant 0 : i32
    %dma_wait3A_407 = tpu.memref_slice %arg2[%add3A_395, %dma_wait3A_406] : memref<100000x256xf32, #tpu.memory_space<hbm>> -> memref<112x256xf32, #tpu.memory_space<hbm>>
    %dma_wait3A_408 = arith.constant 0 : i32
    %dma_wait3A_409 = tpu.memref_slice %arg2[%add3A_395, %dma_wait3A_408] : memref<100000x256xf32, #tpu.memory_space<hbm>> -> memref<112x256xf32, #tpu.memory_space<hbm>>
    tpu.wait_dma2 semaphore(%arg18 : memref<!tpu.dma_semaphore, #tpu.memory_space<semaphore_mem>>) src(%dma_wait3A_409 : memref<112x256xf32, #tpu.memory_space<hbm>>) dst(%arg13 : memref<112x256xf32, #tpu.memory_space<vmem>>)
    %add3A_410 = arith.constant 1680 : i32
    %add3A_411 = arith.addi %min3A_3, %add3A_410 : i32
    %dma_start3A_412 = arith.constant 0 : i32
    %dma_start3A_413 = tpu.memref_slice %arg5[%add3A_411, %dma_start3A_412] : memref<100000x256xf32, #tpu.memory_space<hbm>> -> memref<112x256xf32, #tpu.memory_space<hbm>>
    %dma_start3A_414 = arith.constant 0 : i32
    %dma_start3A_415 = tpu.memref_slice %arg5[%add3A_411, %dma_start3A_414] : memref<100000x256xf32, #tpu.memory_space<hbm>> -> memref<112x256xf32, #tpu.memory_space<hbm>>
    tpu.enqueue_dma source(%arg13 : memref<112x256xf32, #tpu.memory_space<vmem>>) target(%dma_start3A_415 : memref<112x256xf32, #tpu.memory_space<hbm>>) target_semaphore(%arg20 : memref<!tpu.dma_semaphore, #tpu.memory_space<semaphore_mem>>)
    %dma_wait3A_416 = arith.constant 0 : i32
    %dma_wait3A_417 = tpu.memref_slice %arg5[%add3A_385, %dma_wait3A_416] : memref<100000x256xf32, #tpu.memory_space<hbm>> -> memref<112x256xf32, #tpu.memory_space<hbm>>
    %dma_wait3A_418 = arith.constant 0 : i32
    %dma_wait3A_419 = tpu.memref_slice %arg5[%add3A_385, %dma_wait3A_418] : memref<100000x256xf32, #tpu.memory_space<hbm>> -> memref<112x256xf32, #tpu.memory_space<hbm>>
    tpu.wait_dma2 semaphore(%arg19 : memref<!tpu.dma_semaphore, #tpu.memory_space<semaphore_mem>>) src(%arg12 : memref<112x256xf32, #tpu.memory_space<vmem>>) dst(%dma_wait3A_419 : memref<112x256xf32, #tpu.memory_space<hbm>>)
    %add3A_420 = arith.constant 1792 : i32
    %add3A_421 = arith.addi %min3A_3, %add3A_420 : i32
    %dma_start3A_422 = arith.constant 0 : i32
    %dma_start3A_423 = tpu.memref_slice %arg2[%add3A_421, %dma_start3A_422] : memref<100000x256xf32, #tpu.memory_space<hbm>> -> memref<112x256xf32, #tpu.memory_space<hbm>>
    %dma_start3A_424 = arith.constant 0 : i32
    %dma_start3A_425 = tpu.memref_slice %arg2[%add3A_421, %dma_start3A_424] : memref<100000x256xf32, #tpu.memory_space<hbm>> -> memref<112x256xf32, #tpu.memory_space<hbm>>
    tpu.enqueue_dma source(%dma_start3A_425 : memref<112x256xf32, #tpu.memory_space<hbm>>) target(%arg12 : memref<112x256xf32, #tpu.memory_space<vmem>>) target_semaphore(%arg17 : memref<!tpu.dma_semaphore, #tpu.memory_space<semaphore_mem>>)
    %scan3A_426 = arith.constant 0 : i32
    %scan3A_427 = arith.constant 592 : i32
    %scan3A_428 = arith.constant 37 : i32
    %scan3A_429 = arith.addi %scan3A_427, %scan3A_428 : i32
    %scan3A_430 = arith.constant 1 : i32
    scf.for %scan3A_857 = %scan3A_427 to %scan3A_429 step %scan3A_430  : i32 {
      %mul3A_858 = arith.constant 16 : i32
      %mul3A_859 = arith.muli %scan3A_857, %mul3A_858 : i32
      %get3A = arith.index_cast %mul3A_859 : i32 to index
      %get3A_860 = tpu.vector_load %arg6[%get3A] {strides = array<i32>} : memref<16384xi32, #tpu.memory_space<vmem>>, vector<16xi32>,
      %mul3A_861 = arith.constant 16 : i32
      %mul3A_862 = arith.muli %scan3A_857, %mul3A_861 : i32
      %add3A_863 = vector.broadcast %mul3A_862 : i32 to vector<16xi32>
      %add3A_864 = arith.addi %add3A_863, %iota3A : vector<16xi32>
      %mul3A_865 = arith.constant 16 : i32
      %mul3A_866 = vector.broadcast %mul3A_865 : i32 to vector<16xi32>
      %mul3A_867 = arith.muli %get3A_860, %mul3A_866 : vector<16xi32>
      %add3A_868 = arith.addi %mul3A_867, %iota3A : vector<16xi32>
      %masked_sort3A = arith.constant dense<true> : vector<16xi1>
      %masked_sort3A_869 = arith.constant -2147483648 : i32
      %masked_sort3A_870 = vector.broadcast %masked_sort3A_869 : i32 to vector<16xi32>
      %masked_sort3A_871 = arith.xori %add3A_868, %masked_sort3A_870 : vector<16xi32>
      %masked_sort3A_872, %masked_sort3A_873, %masked_sort3A_874 = tpu.sort %masked_sort3A_871, %add3A_864 masked %masked_sort3A : (vector<16xi32>, vector<16xi32>, vector<16xi1>) -> (vector<16xi1>, vector<16xi32>, vector<16xi32>)
      %masked_sort3A_875 = arith.xori %masked_sort3A_873, %masked_sort3A_870 : vector<16xi32>
      %shift_right_logical3A = arith.shrui %masked_sort3A_875, %broadcast_in_dim3A_4 : vector<16xi32>
      %swap3A = arith.constant 0 : index
      %swap3A_876 = tpu.vector_load %arg14[%swap3A] {strides = array<i32>} : memref<16xi32, #tpu.memory_space<vmem>>, vector<16xi32>,
      tpu.vector_store %arg14[%swap3A], %shift_right_logical3A {strides = array<i32>} : memref<16xi32, #tpu.memory_space<vmem>>, vector<16xi32>,
      %add3A_877 = arith.constant 1 : i32
      %add3A_878 = vector.broadcast %add3A_877 : i32 to vector<16xi32>
      %add3A_879 = arith.addi %iota3A, %add3A_878 : vector<16xi32>
      %min3A_880 = arith.constant 15 : i32
      %min3A_881 = vector.broadcast %min3A_880 : i32 to vector<16xi32>
      %min3A_882 = arith.minsi %add3A_879, %min3A_881 : vector<16xi32>
      %gather3A_883 = tpu.vector_load_idx %arg14[%min3A_882] : memref<16xi32, #tpu.memory_space<vmem>>[vector<16xi32>], vector<16xi32>,
      %sub3A_884 = vector.broadcast %min3A_3 : i32 to vector<16xi32>
      %sub3A_885 = arith.subi %shift_right_logical3A, %sub3A_884 : vector<16xi32>
      %ge3A = arith.constant 0 : i32
      %ge3A_886 = vector.broadcast %ge3A : i32 to vector<16xi32>
      %ge3A_887 = arith.cmpi sge, %sub3A_885, %ge3A_886 : vector<16xi32>
      %lt3A = arith.constant 3136 : i32
      %lt3A_888 = vector.broadcast %lt3A : i32 to vector<16xi32>
      %lt3A_889 = arith.cmpi slt, %sub3A_885, %lt3A_888 : vector<16xi32>
      %and3A_890 = arith.andi %ge3A_887, %lt3A_889 : vector<16xi1>
      %ne3A_891 = arith.cmpi ne, %shift_right_logical3A, %gather3A_883 : vector<16xi32>
      %eq3A = arith.constant 15 : i32
      %eq3A_892 = vector.broadcast %eq3A : i32 to vector<16xi32>
      %eq3A_893 = arith.cmpi eq, %iota3A, %eq3A_892 : vector<16xi32>
      %or3A = arith.ori %ne3A_891, %eq3A_893 : vector<16xi1>
      %and3A_894 = arith.andi %or3A, %and3A_890 : vector<16xi1>
      %jit3A_895 = arith.constant 0 : i32
      %jit3A_896 = arith.constant 3135 : i32
      %max3A_897 = vector.broadcast %jit3A_895 : i32 to vector<16xi32>
      %max3A_898 = arith.maxsi %max3A_897, %sub3A_885 : vector<16xi32>
      %min3A_899 = vector.broadcast %jit3A_896 : i32 to vector<16xi32>
      %min3A_900 = arith.minsi %min3A_899, %max3A_898 : vector<16xi32>
      tpu.vector_store_idx %arg7[%min3A_900], %masked_sort3A_874 masked %and3A_894 : memref<3136xi32, #tpu.memory_space<vmem>>[vector<16xi32>], vector<16xi32>, vector<16xi1>
    }
    %scan3A_431 = arith.constant 37 : i32
    %dma_wait3A_432 = arith.constant 0 : i32
    %dma_wait3A_433 = tpu.memref_slice %arg2[%add3A_421, %dma_wait3A_432] : memref<100000x256xf32, #tpu.memory_space<hbm>> -> memref<112x256xf32, #tpu.memory_space<hbm>>
    %dma_wait3A_434 = arith.constant 0 : i32
    %dma_wait3A_435 = tpu.memref_slice %arg2[%add3A_421, %dma_wait3A_434] : memref<100000x256xf32, #tpu.memory_space<hbm>> -> memref<112x256xf32, #tpu.memory_space<hbm>>
    tpu.wait_dma2 semaphore(%arg17 : memref<!tpu.dma_semaphore, #tpu.memory_space<semaphore_mem>>) src(%dma_wait3A_435 : memref<112x256xf32, #tpu.memory_space<hbm>>) dst(%arg12 : memref<112x256xf32, #tpu.memory_space<vmem>>)
    %add3A_436 = arith.constant 1792 : i32
    %add3A_437 = arith.addi %min3A_3, %add3A_436 : i32
    %dma_start3A_438 = arith.constant 0 : i32
    %dma_start3A_439 = tpu.memref_slice %arg5[%add3A_437, %dma_start3A_438] : memref<100000x256xf32, #tpu.memory_space<hbm>> -> memref<112x256xf32, #tpu.memory_space<hbm>>
    %dma_start3A_440 = arith.constant 0 : i32
    %dma_start3A_441 = tpu.memref_slice %arg5[%add3A_437, %dma_start3A_440] : memref<100000x256xf32, #tpu.memory_space<hbm>> -> memref<112x256xf32, #tpu.memory_space<hbm>>
    tpu.enqueue_dma source(%arg12 : memref<112x256xf32, #tpu.memory_space<vmem>>) target(%dma_start3A_441 : memref<112x256xf32, #tpu.memory_space<hbm>>) target_semaphore(%arg19 : memref<!tpu.dma_semaphore, #tpu.memory_space<semaphore_mem>>)
    %dma_wait3A_442 = arith.constant 0 : i32
    %dma_wait3A_443 = tpu.memref_slice %arg5[%add3A_411, %dma_wait3A_442] : memref<100000x256xf32, #tpu.memory_space<hbm>> -> memref<112x256xf32, #tpu.memory_space<hbm>>
    %dma_wait3A_444 = arith.constant 0 : i32
    %dma_wait3A_445 = tpu.memref_slice %arg5[%add3A_411, %dma_wait3A_444] : memref<100000x256xf32, #tpu.memory_space<hbm>> -> memref<112x256xf32, #tpu.memory_space<hbm>>
    tpu.wait_dma2 semaphore(%arg20 : memref<!tpu.dma_semaphore, #tpu.memory_space<semaphore_mem>>) src(%arg13 : memref<112x256xf32, #tpu.memory_space<vmem>>) dst(%dma_wait3A_445 : memref<112x256xf32, #tpu.memory_space<hbm>>)
    %add3A_446 = arith.constant 1904 : i32
    %add3A_447 = arith.addi %min3A_3, %add3A_446 : i32
    %dma_start3A_448 = arith.constant 0 : i32
    %dma_start3A_449 = tpu.memref_slice %arg2[%add3A_447, %dma_start3A_448] : memref<100000x256xf32, #tpu.memory_space<hbm>> -> memref<112x256xf32, #tpu.memory_space<hbm>>
    %dma_start3A_450 = arith.constant 0 : i32
    %dma_start3A_451 = tpu.memref_slice %arg2[%add3A_447, %dma_start3A_450] : memref<100000x256xf32, #tpu.memory_space<hbm>> -> memref<112x256xf32, #tpu.memory_space<hbm>>
    tpu.enqueue_dma source(%dma_start3A_451 : memref<112x256xf32, #tpu.memory_space<hbm>>) target(%arg13 : memref<112x256xf32, #tpu.memory_space<vmem>>) target_semaphore(%arg18 : memref<!tpu.dma_semaphore, #tpu.memory_space<semaphore_mem>>)
    %scan3A_452 = arith.constant 0 : i32
    %scan3A_453 = arith.constant 629 : i32
    %scan3A_454 = arith.constant 37 : i32
    %scan3A_455 = arith.addi %scan3A_453, %scan3A_454 : i32
    %scan3A_456 = arith.constant 1 : i32
    scf.for %scan3A_857 = %scan3A_453 to %scan3A_455 step %scan3A_456  : i32 {
      %mul3A_858 = arith.constant 16 : i32
      %mul3A_859 = arith.muli %scan3A_857, %mul3A_858 : i32
      %get3A = arith.index_cast %mul3A_859 : i32 to index
      %get3A_860 = tpu.vector_load %arg6[%get3A] {strides = array<i32>} : memref<16384xi32, #tpu.memory_space<vmem>>, vector<16xi32>,
      %mul3A_861 = arith.constant 16 : i32
      %mul3A_862 = arith.muli %scan3A_857, %mul3A_861 : i32
      %add3A_863 = vector.broadcast %mul3A_862 : i32 to vector<16xi32>
      %add3A_864 = arith.addi %add3A_863, %iota3A : vector<16xi32>
      %mul3A_865 = arith.constant 16 : i32
      %mul3A_866 = vector.broadcast %mul3A_865 : i32 to vector<16xi32>
      %mul3A_867 = arith.muli %get3A_860, %mul3A_866 : vector<16xi32>
      %add3A_868 = arith.addi %mul3A_867, %iota3A : vector<16xi32>
      %masked_sort3A = arith.constant dense<true> : vector<16xi1>
      %masked_sort3A_869 = arith.constant -2147483648 : i32
      %masked_sort3A_870 = vector.broadcast %masked_sort3A_869 : i32 to vector<16xi32>
      %masked_sort3A_871 = arith.xori %add3A_868, %masked_sort3A_870 : vector<16xi32>
      %masked_sort3A_872, %masked_sort3A_873, %masked_sort3A_874 = tpu.sort %masked_sort3A_871, %add3A_864 masked %masked_sort3A : (vector<16xi32>, vector<16xi32>, vector<16xi1>) -> (vector<16xi1>, vector<16xi32>, vector<16xi32>)
      %masked_sort3A_875 = arith.xori %masked_sort3A_873, %masked_sort3A_870 : vector<16xi32>
      %shift_right_logical3A = arith.shrui %masked_sort3A_875, %broadcast_in_dim3A_4 : vector<16xi32>
      %swap3A = arith.constant 0 : index
      %swap3A_876 = tpu.vector_load %arg14[%swap3A] {strides = array<i32>} : memref<16xi32, #tpu.memory_space<vmem>>, vector<16xi32>,
      tpu.vector_store %arg14[%swap3A], %shift_right_logical3A {strides = array<i32>} : memref<16xi32, #tpu.memory_space<vmem>>, vector<16xi32>,
      %add3A_877 = arith.constant 1 : i32
      %add3A_878 = vector.broadcast %add3A_877 : i32 to vector<16xi32>
      %add3A_879 = arith.addi %iota3A, %add3A_878 : vector<16xi32>
      %min3A_880 = arith.constant 15 : i32
      %min3A_881 = vector.broadcast %min3A_880 : i32 to vector<16xi32>
      %min3A_882 = arith.minsi %add3A_879, %min3A_881 : vector<16xi32>
      %gather3A_883 = tpu.vector_load_idx %arg14[%min3A_882] : memref<16xi32, #tpu.memory_space<vmem>>[vector<16xi32>], vector<16xi32>,
      %sub3A_884 = vector.broadcast %min3A_3 : i32 to vector<16xi32>
      %sub3A_885 = arith.subi %shift_right_logical3A, %sub3A_884 : vector<16xi32>
      %ge3A = arith.constant 0 : i32
      %ge3A_886 = vector.broadcast %ge3A : i32 to vector<16xi32>
      %ge3A_887 = arith.cmpi sge, %sub3A_885, %ge3A_886 : vector<16xi32>
      %lt3A = arith.constant 3136 : i32
      %lt3A_888 = vector.broadcast %lt3A : i32 to vector<16xi32>
      %lt3A_889 = arith.cmpi slt, %sub3A_885, %lt3A_888 : vector<16xi32>
      %and3A_890 = arith.andi %ge3A_887, %lt3A_889 : vector<16xi1>
      %ne3A_891 = arith.cmpi ne, %shift_right_logical3A, %gather3A_883 : vector<16xi32>
      %eq3A = arith.constant 15 : i32
      %eq3A_892 = vector.broadcast %eq3A : i32 to vector<16xi32>
      %eq3A_893 = arith.cmpi eq, %iota3A, %eq3A_892 : vector<16xi32>
      %or3A = arith.ori %ne3A_891, %eq3A_893 : vector<16xi1>
      %and3A_894 = arith.andi %or3A, %and3A_890 : vector<16xi1>
      %jit3A_895 = arith.constant 0 : i32
      %jit3A_896 = arith.constant 3135 : i32
      %max3A_897 = vector.broadcast %jit3A_895 : i32 to vector<16xi32>
      %max3A_898 = arith.maxsi %max3A_897, %sub3A_885 : vector<16xi32>
      %min3A_899 = vector.broadcast %jit3A_896 : i32 to vector<16xi32>
      %min3A_900 = arith.minsi %min3A_899, %max3A_898 : vector<16xi32>
      tpu.vector_store_idx %arg7[%min3A_900], %masked_sort3A_874 masked %and3A_894 : memref<3136xi32, #tpu.memory_space<vmem>>[vector<16xi32>], vector<16xi32>, vector<16xi1>
    }
    %scan3A_457 = arith.constant 37 : i32
    %dma_wait3A_458 = arith.constant 0 : i32
    %dma_wait3A_459 = tpu.memref_slice %arg2[%add3A_447, %dma_wait3A_458] : memref<100000x256xf32, #tpu.memory_space<hbm>> -> memref<112x256xf32, #tpu.memory_space<hbm>>
    %dma_wait3A_460 = arith.constant 0 : i32
    %dma_wait3A_461 = tpu.memref_slice %arg2[%add3A_447, %dma_wait3A_460] : memref<100000x256xf32, #tpu.memory_space<hbm>> -> memref<112x256xf32, #tpu.memory_space<hbm>>
    tpu.wait_dma2 semaphore(%arg18 : memref<!tpu.dma_semaphore, #tpu.memory_space<semaphore_mem>>) src(%dma_wait3A_461 : memref<112x256xf32, #tpu.memory_space<hbm>>) dst(%arg13 : memref<112x256xf32, #tpu.memory_space<vmem>>)
    %add3A_462 = arith.constant 1904 : i32
    %add3A_463 = arith.addi %min3A_3, %add3A_462 : i32
    %dma_start3A_464 = arith.constant 0 : i32
    %dma_start3A_465 = tpu.memref_slice %arg5[%add3A_463, %dma_start3A_464] : memref<100000x256xf32, #tpu.memory_space<hbm>> -> memref<112x256xf32, #tpu.memory_space<hbm>>
    %dma_start3A_466 = arith.constant 0 : i32
    %dma_start3A_467 = tpu.memref_slice %arg5[%add3A_463, %dma_start3A_466] : memref<100000x256xf32, #tpu.memory_space<hbm>> -> memref<112x256xf32, #tpu.memory_space<hbm>>
    tpu.enqueue_dma source(%arg13 : memref<112x256xf32, #tpu.memory_space<vmem>>) target(%dma_start3A_467 : memref<112x256xf32, #tpu.memory_space<hbm>>) target_semaphore(%arg20 : memref<!tpu.dma_semaphore, #tpu.memory_space<semaphore_mem>>)
    %dma_wait3A_468 = arith.constant 0 : i32
    %dma_wait3A_469 = tpu.memref_slice %arg5[%add3A_437, %dma_wait3A_468] : memref<100000x256xf32, #tpu.memory_space<hbm>> -> memref<112x256xf32, #tpu.memory_space<hbm>>
    %dma_wait3A_470 = arith.constant 0 : i32
    %dma_wait3A_471 = tpu.memref_slice %arg5[%add3A_437, %dma_wait3A_470] : memref<100000x256xf32, #tpu.memory_space<hbm>> -> memref<112x256xf32, #tpu.memory_space<hbm>>
    tpu.wait_dma2 semaphore(%arg19 : memref<!tpu.dma_semaphore, #tpu.memory_space<semaphore_mem>>) src(%arg12 : memref<112x256xf32, #tpu.memory_space<vmem>>) dst(%dma_wait3A_471 : memref<112x256xf32, #tpu.memory_space<hbm>>)
    %add3A_472 = arith.constant 2016 : i32
    %add3A_473 = arith.addi %min3A_3, %add3A_472 : i32
    %dma_start3A_474 = arith.constant 0 : i32
    %dma_start3A_475 = tpu.memref_slice %arg2[%add3A_473, %dma_start3A_474] : memref<100000x256xf32, #tpu.memory_space<hbm>> -> memref<112x256xf32, #tpu.memory_space<hbm>>
    %dma_start3A_476 = arith.constant 0 : i32
    %dma_start3A_477 = tpu.memref_slice %arg2[%add3A_473, %dma_start3A_476] : memref<100000x256xf32, #tpu.memory_space<hbm>> -> memref<112x256xf32, #tpu.memory_space<hbm>>
    tpu.enqueue_dma source(%dma_start3A_477 : memref<112x256xf32, #tpu.memory_space<hbm>>) target(%arg12 : memref<112x256xf32, #tpu.memory_space<vmem>>) target_semaphore(%arg17 : memref<!tpu.dma_semaphore, #tpu.memory_space<semaphore_mem>>)
    %scan3A_478 = arith.constant 0 : i32
    %scan3A_479 = arith.constant 666 : i32
    %scan3A_480 = arith.constant 37 : i32
    %scan3A_481 = arith.addi %scan3A_479, %scan3A_480 : i32
    %scan3A_482 = arith.constant 1 : i32
    scf.for %scan3A_857 = %scan3A_479 to %scan3A_481 step %scan3A_482  : i32 {
      %mul3A_858 = arith.constant 16 : i32
      %mul3A_859 = arith.muli %scan3A_857, %mul3A_858 : i32
      %get3A = arith.index_cast %mul3A_859 : i32 to index
      %get3A_860 = tpu.vector_load %arg6[%get3A] {strides = array<i32>} : memref<16384xi32, #tpu.memory_space<vmem>>, vector<16xi32>,
      %mul3A_861 = arith.constant 16 : i32
      %mul3A_862 = arith.muli %scan3A_857, %mul3A_861 : i32
      %add3A_863 = vector.broadcast %mul3A_862 : i32 to vector<16xi32>
      %add3A_864 = arith.addi %add3A_863, %iota3A : vector<16xi32>
      %mul3A_865 = arith.constant 16 : i32
      %mul3A_866 = vector.broadcast %mul3A_865 : i32 to vector<16xi32>
      %mul3A_867 = arith.muli %get3A_860, %mul3A_866 : vector<16xi32>
      %add3A_868 = arith.addi %mul3A_867, %iota3A : vector<16xi32>
      %masked_sort3A = arith.constant dense<true> : vector<16xi1>
      %masked_sort3A_869 = arith.constant -2147483648 : i32
      %masked_sort3A_870 = vector.broadcast %masked_sort3A_869 : i32 to vector<16xi32>
      %masked_sort3A_871 = arith.xori %add3A_868, %masked_sort3A_870 : vector<16xi32>
      %masked_sort3A_872, %masked_sort3A_873, %masked_sort3A_874 = tpu.sort %masked_sort3A_871, %add3A_864 masked %masked_sort3A : (vector<16xi32>, vector<16xi32>, vector<16xi1>) -> (vector<16xi1>, vector<16xi32>, vector<16xi32>)
      %masked_sort3A_875 = arith.xori %masked_sort3A_873, %masked_sort3A_870 : vector<16xi32>
      %shift_right_logical3A = arith.shrui %masked_sort3A_875, %broadcast_in_dim3A_4 : vector<16xi32>
      %swap3A = arith.constant 0 : index
      %swap3A_876 = tpu.vector_load %arg14[%swap3A] {strides = array<i32>} : memref<16xi32, #tpu.memory_space<vmem>>, vector<16xi32>,
      tpu.vector_store %arg14[%swap3A], %shift_right_logical3A {strides = array<i32>} : memref<16xi32, #tpu.memory_space<vmem>>, vector<16xi32>,
      %add3A_877 = arith.constant 1 : i32
      %add3A_878 = vector.broadcast %add3A_877 : i32 to vector<16xi32>
      %add3A_879 = arith.addi %iota3A, %add3A_878 : vector<16xi32>
      %min3A_880 = arith.constant 15 : i32
      %min3A_881 = vector.broadcast %min3A_880 : i32 to vector<16xi32>
      %min3A_882 = arith.minsi %add3A_879, %min3A_881 : vector<16xi32>
      %gather3A_883 = tpu.vector_load_idx %arg14[%min3A_882] : memref<16xi32, #tpu.memory_space<vmem>>[vector<16xi32>], vector<16xi32>,
      %sub3A_884 = vector.broadcast %min3A_3 : i32 to vector<16xi32>
      %sub3A_885 = arith.subi %shift_right_logical3A, %sub3A_884 : vector<16xi32>
      %ge3A = arith.constant 0 : i32
      %ge3A_886 = vector.broadcast %ge3A : i32 to vector<16xi32>
      %ge3A_887 = arith.cmpi sge, %sub3A_885, %ge3A_886 : vector<16xi32>
      %lt3A = arith.constant 3136 : i32
      %lt3A_888 = vector.broadcast %lt3A : i32 to vector<16xi32>
      %lt3A_889 = arith.cmpi slt, %sub3A_885, %lt3A_888 : vector<16xi32>
      %and3A_890 = arith.andi %ge3A_887, %lt3A_889 : vector<16xi1>
      %ne3A_891 = arith.cmpi ne, %shift_right_logical3A, %gather3A_883 : vector<16xi32>
      %eq3A = arith.constant 15 : i32
      %eq3A_892 = vector.broadcast %eq3A : i32 to vector<16xi32>
      %eq3A_893 = arith.cmpi eq, %iota3A, %eq3A_892 : vector<16xi32>
      %or3A = arith.ori %ne3A_891, %eq3A_893 : vector<16xi1>
      %and3A_894 = arith.andi %or3A, %and3A_890 : vector<16xi1>
      %jit3A_895 = arith.constant 0 : i32
      %jit3A_896 = arith.constant 3135 : i32
      %max3A_897 = vector.broadcast %jit3A_895 : i32 to vector<16xi32>
      %max3A_898 = arith.maxsi %max3A_897, %sub3A_885 : vector<16xi32>
      %min3A_899 = vector.broadcast %jit3A_896 : i32 to vector<16xi32>
      %min3A_900 = arith.minsi %min3A_899, %max3A_898 : vector<16xi32>
      tpu.vector_store_idx %arg7[%min3A_900], %masked_sort3A_874 masked %and3A_894 : memref<3136xi32, #tpu.memory_space<vmem>>[vector<16xi32>], vector<16xi32>, vector<16xi1>
    }
    %scan3A_483 = arith.constant 37 : i32
    %dma_wait3A_484 = arith.constant 0 : i32
    %dma_wait3A_485 = tpu.memref_slice %arg2[%add3A_473, %dma_wait3A_484] : memref<100000x256xf32, #tpu.memory_space<hbm>> -> memref<112x256xf32, #tpu.memory_space<hbm>>
    %dma_wait3A_486 = arith.constant 0 : i32
    %dma_wait3A_487 = tpu.memref_slice %arg2[%add3A_473, %dma_wait3A_486] : memref<100000x256xf32, #tpu.memory_space<hbm>> -> memref<112x256xf32, #tpu.memory_space<hbm>>
    tpu.wait_dma2 semaphore(%arg17 : memref<!tpu.dma_semaphore, #tpu.memory_space<semaphore_mem>>) src(%dma_wait3A_487 : memref<112x256xf32, #tpu.memory_space<hbm>>) dst(%arg12 : memref<112x256xf32, #tpu.memory_space<vmem>>)
    %add3A_488 = arith.constant 2016 : i32
    %add3A_489 = arith.addi %min3A_3, %add3A_488 : i32
    %dma_start3A_490 = arith.constant 0 : i32
    %dma_start3A_491 = tpu.memref_slice %arg5[%add3A_489, %dma_start3A_490] : memref<100000x256xf32, #tpu.memory_space<hbm>> -> memref<112x256xf32, #tpu.memory_space<hbm>>
    %dma_start3A_492 = arith.constant 0 : i32
    %dma_start3A_493 = tpu.memref_slice %arg5[%add3A_489, %dma_start3A_492] : memref<100000x256xf32, #tpu.memory_space<hbm>> -> memref<112x256xf32, #tpu.memory_space<hbm>>
    tpu.enqueue_dma source(%arg12 : memref<112x256xf32, #tpu.memory_space<vmem>>) target(%dma_start3A_493 : memref<112x256xf32, #tpu.memory_space<hbm>>) target_semaphore(%arg19 : memref<!tpu.dma_semaphore, #tpu.memory_space<semaphore_mem>>)
    %dma_wait3A_494 = arith.constant 0 : i32
    %dma_wait3A_495 = tpu.memref_slice %arg5[%add3A_463, %dma_wait3A_494] : memref<100000x256xf32, #tpu.memory_space<hbm>> -> memref<112x256xf32, #tpu.memory_space<hbm>>
    %dma_wait3A_496 = arith.constant 0 : i32
    %dma_wait3A_497 = tpu.memref_slice %arg5[%add3A_463, %dma_wait3A_496] : memref<100000x256xf32, #tpu.memory_space<hbm>> -> memref<112x256xf32, #tpu.memory_space<hbm>>
    tpu.wait_dma2 semaphore(%arg20 : memref<!tpu.dma_semaphore, #tpu.memory_space<semaphore_mem>>) src(%arg13 : memref<112x256xf32, #tpu.memory_space<vmem>>) dst(%dma_wait3A_497 : memref<112x256xf32, #tpu.memory_space<hbm>>)
    %add3A_498 = arith.constant 2128 : i32
    %add3A_499 = arith.addi %min3A_3, %add3A_498 : i32
    %dma_start3A_500 = arith.constant 0 : i32
    %dma_start3A_501 = tpu.memref_slice %arg2[%add3A_499, %dma_start3A_500] : memref<100000x256xf32, #tpu.memory_space<hbm>> -> memref<112x256xf32, #tpu.memory_space<hbm>>
    %dma_start3A_502 = arith.constant 0 : i32
    %dma_start3A_503 = tpu.memref_slice %arg2[%add3A_499, %dma_start3A_502] : memref<100000x256xf32, #tpu.memory_space<hbm>> -> memref<112x256xf32, #tpu.memory_space<hbm>>
    tpu.enqueue_dma source(%dma_start3A_503 : memref<112x256xf32, #tpu.memory_space<hbm>>) target(%arg13 : memref<112x256xf32, #tpu.memory_space<vmem>>) target_semaphore(%arg18 : memref<!tpu.dma_semaphore, #tpu.memory_space<semaphore_mem>>)
    %scan3A_504 = arith.constant 0 : i32
    %scan3A_505 = arith.constant 703 : i32
    %scan3A_506 = arith.constant 37 : i32
    %scan3A_507 = arith.addi %scan3A_505, %scan3A_506 : i32
    %scan3A_508 = arith.constant 1 : i32
    scf.for %scan3A_857 = %scan3A_505 to %scan3A_507 step %scan3A_508  : i32 {
      %mul3A_858 = arith.constant 16 : i32
      %mul3A_859 = arith.muli %scan3A_857, %mul3A_858 : i32
      %get3A = arith.index_cast %mul3A_859 : i32 to index
      %get3A_860 = tpu.vector_load %arg6[%get3A] {strides = array<i32>} : memref<16384xi32, #tpu.memory_space<vmem>>, vector<16xi32>,
      %mul3A_861 = arith.constant 16 : i32
      %mul3A_862 = arith.muli %scan3A_857, %mul3A_861 : i32
      %add3A_863 = vector.broadcast %mul3A_862 : i32 to vector<16xi32>
      %add3A_864 = arith.addi %add3A_863, %iota3A : vector<16xi32>
      %mul3A_865 = arith.constant 16 : i32
      %mul3A_866 = vector.broadcast %mul3A_865 : i32 to vector<16xi32>
      %mul3A_867 = arith.muli %get3A_860, %mul3A_866 : vector<16xi32>
      %add3A_868 = arith.addi %mul3A_867, %iota3A : vector<16xi32>
      %masked_sort3A = arith.constant dense<true> : vector<16xi1>
      %masked_sort3A_869 = arith.constant -2147483648 : i32
      %masked_sort3A_870 = vector.broadcast %masked_sort3A_869 : i32 to vector<16xi32>
      %masked_sort3A_871 = arith.xori %add3A_868, %masked_sort3A_870 : vector<16xi32>
      %masked_sort3A_872, %masked_sort3A_873, %masked_sort3A_874 = tpu.sort %masked_sort3A_871, %add3A_864 masked %masked_sort3A : (vector<16xi32>, vector<16xi32>, vector<16xi1>) -> (vector<16xi1>, vector<16xi32>, vector<16xi32>)
      %masked_sort3A_875 = arith.xori %masked_sort3A_873, %masked_sort3A_870 : vector<16xi32>
      %shift_right_logical3A = arith.shrui %masked_sort3A_875, %broadcast_in_dim3A_4 : vector<16xi32>
      %swap3A = arith.constant 0 : index
      %swap3A_876 = tpu.vector_load %arg14[%swap3A] {strides = array<i32>} : memref<16xi32, #tpu.memory_space<vmem>>, vector<16xi32>,
      tpu.vector_store %arg14[%swap3A], %shift_right_logical3A {strides = array<i32>} : memref<16xi32, #tpu.memory_space<vmem>>, vector<16xi32>,
      %add3A_877 = arith.constant 1 : i32
      %add3A_878 = vector.broadcast %add3A_877 : i32 to vector<16xi32>
      %add3A_879 = arith.addi %iota3A, %add3A_878 : vector<16xi32>
      %min3A_880 = arith.constant 15 : i32
      %min3A_881 = vector.broadcast %min3A_880 : i32 to vector<16xi32>
      %min3A_882 = arith.minsi %add3A_879, %min3A_881 : vector<16xi32>
      %gather3A_883 = tpu.vector_load_idx %arg14[%min3A_882] : memref<16xi32, #tpu.memory_space<vmem>>[vector<16xi32>], vector<16xi32>,
      %sub3A_884 = vector.broadcast %min3A_3 : i32 to vector<16xi32>
      %sub3A_885 = arith.subi %shift_right_logical3A, %sub3A_884 : vector<16xi32>
      %ge3A = arith.constant 0 : i32
      %ge3A_886 = vector.broadcast %ge3A : i32 to vector<16xi32>
      %ge3A_887 = arith.cmpi sge, %sub3A_885, %ge3A_886 : vector<16xi32>
      %lt3A = arith.constant 3136 : i32
      %lt3A_888 = vector.broadcast %lt3A : i32 to vector<16xi32>
      %lt3A_889 = arith.cmpi slt, %sub3A_885, %lt3A_888 : vector<16xi32>
      %and3A_890 = arith.andi %ge3A_887, %lt3A_889 : vector<16xi1>
      %ne3A_891 = arith.cmpi ne, %shift_right_logical3A, %gather3A_883 : vector<16xi32>
      %eq3A = arith.constant 15 : i32
      %eq3A_892 = vector.broadcast %eq3A : i32 to vector<16xi32>
      %eq3A_893 = arith.cmpi eq, %iota3A, %eq3A_892 : vector<16xi32>
      %or3A = arith.ori %ne3A_891, %eq3A_893 : vector<16xi1>
      %and3A_894 = arith.andi %or3A, %and3A_890 : vector<16xi1>
      %jit3A_895 = arith.constant 0 : i32
      %jit3A_896 = arith.constant 3135 : i32
      %max3A_897 = vector.broadcast %jit3A_895 : i32 to vector<16xi32>
      %max3A_898 = arith.maxsi %max3A_897, %sub3A_885 : vector<16xi32>
      %min3A_899 = vector.broadcast %jit3A_896 : i32 to vector<16xi32>
      %min3A_900 = arith.minsi %min3A_899, %max3A_898 : vector<16xi32>
      tpu.vector_store_idx %arg7[%min3A_900], %masked_sort3A_874 masked %and3A_894 : memref<3136xi32, #tpu.memory_space<vmem>>[vector<16xi32>], vector<16xi32>, vector<16xi1>
    }
    %scan3A_509 = arith.constant 37 : i32
    %dma_wait3A_510 = arith.constant 0 : i32
    %dma_wait3A_511 = tpu.memref_slice %arg2[%add3A_499, %dma_wait3A_510] : memref<100000x256xf32, #tpu.memory_space<hbm>> -> memref<112x256xf32, #tpu.memory_space<hbm>>
    %dma_wait3A_512 = arith.constant 0 : i32
    %dma_wait3A_513 = tpu.memref_slice %arg2[%add3A_499, %dma_wait3A_512] : memref<100000x256xf32, #tpu.memory_space<hbm>> -> memref<112x256xf32, #tpu.memory_space<hbm>>
    tpu.wait_dma2 semaphore(%arg18 : memref<!tpu.dma_semaphore, #tpu.memory_space<semaphore_mem>>) src(%dma_wait3A_513 : memref<112x256xf32, #tpu.memory_space<hbm>>) dst(%arg13 : memref<112x256xf32, #tpu.memory_space<vmem>>)
    %add3A_514 = arith.constant 2128 : i32
    %add3A_515 = arith.addi %min3A_3, %add3A_514 : i32
    %dma_start3A_516 = arith.constant 0 : i32
    %dma_start3A_517 = tpu.memref_slice %arg5[%add3A_515, %dma_start3A_516] : memref<100000x256xf32, #tpu.memory_space<hbm>> -> memref<112x256xf32, #tpu.memory_space<hbm>>
    %dma_start3A_518 = arith.constant 0 : i32
    %dma_start3A_519 = tpu.memref_slice %arg5[%add3A_515, %dma_start3A_518] : memref<100000x256xf32, #tpu.memory_space<hbm>> -> memref<112x256xf32, #tpu.memory_space<hbm>>
    tpu.enqueue_dma source(%arg13 : memref<112x256xf32, #tpu.memory_space<vmem>>) target(%dma_start3A_519 : memref<112x256xf32, #tpu.memory_space<hbm>>) target_semaphore(%arg20 : memref<!tpu.dma_semaphore, #tpu.memory_space<semaphore_mem>>)
    %dma_wait3A_520 = arith.constant 0 : i32
    %dma_wait3A_521 = tpu.memref_slice %arg5[%add3A_489, %dma_wait3A_520] : memref<100000x256xf32, #tpu.memory_space<hbm>> -> memref<112x256xf32, #tpu.memory_space<hbm>>
    %dma_wait3A_522 = arith.constant 0 : i32
    %dma_wait3A_523 = tpu.memref_slice %arg5[%add3A_489, %dma_wait3A_522] : memref<100000x256xf32, #tpu.memory_space<hbm>> -> memref<112x256xf32, #tpu.memory_space<hbm>>
    tpu.wait_dma2 semaphore(%arg19 : memref<!tpu.dma_semaphore, #tpu.memory_space<semaphore_mem>>) src(%arg12 : memref<112x256xf32, #tpu.memory_space<vmem>>) dst(%dma_wait3A_523 : memref<112x256xf32, #tpu.memory_space<hbm>>)
    %add3A_524 = arith.constant 2240 : i32
    %add3A_525 = arith.addi %min3A_3, %add3A_524 : i32
    %dma_start3A_526 = arith.constant 0 : i32
    %dma_start3A_527 = tpu.memref_slice %arg2[%add3A_525, %dma_start3A_526] : memref<100000x256xf32, #tpu.memory_space<hbm>> -> memref<112x256xf32, #tpu.memory_space<hbm>>
    %dma_start3A_528 = arith.constant 0 : i32
    %dma_start3A_529 = tpu.memref_slice %arg2[%add3A_525, %dma_start3A_528] : memref<100000x256xf32, #tpu.memory_space<hbm>> -> memref<112x256xf32, #tpu.memory_space<hbm>>
    tpu.enqueue_dma source(%dma_start3A_529 : memref<112x256xf32, #tpu.memory_space<hbm>>) target(%arg12 : memref<112x256xf32, #tpu.memory_space<vmem>>) target_semaphore(%arg17 : memref<!tpu.dma_semaphore, #tpu.memory_space<semaphore_mem>>)
    %scan3A_530 = arith.constant 0 : i32
    %scan3A_531 = arith.constant 740 : i32
    %scan3A_532 = arith.constant 37 : i32
    %scan3A_533 = arith.addi %scan3A_531, %scan3A_532 : i32
    %scan3A_534 = arith.constant 1 : i32
    scf.for %scan3A_857 = %scan3A_531 to %scan3A_533 step %scan3A_534  : i32 {
      %mul3A_858 = arith.constant 16 : i32
      %mul3A_859 = arith.muli %scan3A_857, %mul3A_858 : i32
      %get3A = arith.index_cast %mul3A_859 : i32 to index
      %get3A_860 = tpu.vector_load %arg6[%get3A] {strides = array<i32>} : memref<16384xi32, #tpu.memory_space<vmem>>, vector<16xi32>,
      %mul3A_861 = arith.constant 16 : i32
      %mul3A_862 = arith.muli %scan3A_857, %mul3A_861 : i32
      %add3A_863 = vector.broadcast %mul3A_862 : i32 to vector<16xi32>
      %add3A_864 = arith.addi %add3A_863, %iota3A : vector<16xi32>
      %mul3A_865 = arith.constant 16 : i32
      %mul3A_866 = vector.broadcast %mul3A_865 : i32 to vector<16xi32>
      %mul3A_867 = arith.muli %get3A_860, %mul3A_866 : vector<16xi32>
      %add3A_868 = arith.addi %mul3A_867, %iota3A : vector<16xi32>
      %masked_sort3A = arith.constant dense<true> : vector<16xi1>
      %masked_sort3A_869 = arith.constant -2147483648 : i32
      %masked_sort3A_870 = vector.broadcast %masked_sort3A_869 : i32 to vector<16xi32>
      %masked_sort3A_871 = arith.xori %add3A_868, %masked_sort3A_870 : vector<16xi32>
      %masked_sort3A_872, %masked_sort3A_873, %masked_sort3A_874 = tpu.sort %masked_sort3A_871, %add3A_864 masked %masked_sort3A : (vector<16xi32>, vector<16xi32>, vector<16xi1>) -> (vector<16xi1>, vector<16xi32>, vector<16xi32>)
      %masked_sort3A_875 = arith.xori %masked_sort3A_873, %masked_sort3A_870 : vector<16xi32>
      %shift_right_logical3A = arith.shrui %masked_sort3A_875, %broadcast_in_dim3A_4 : vector<16xi32>
      %swap3A = arith.constant 0 : index
      %swap3A_876 = tpu.vector_load %arg14[%swap3A] {strides = array<i32>} : memref<16xi32, #tpu.memory_space<vmem>>, vector<16xi32>,
      tpu.vector_store %arg14[%swap3A], %shift_right_logical3A {strides = array<i32>} : memref<16xi32, #tpu.memory_space<vmem>>, vector<16xi32>,
      %add3A_877 = arith.constant 1 : i32
      %add3A_878 = vector.broadcast %add3A_877 : i32 to vector<16xi32>
      %add3A_879 = arith.addi %iota3A, %add3A_878 : vector<16xi32>
      %min3A_880 = arith.constant 15 : i32
      %min3A_881 = vector.broadcast %min3A_880 : i32 to vector<16xi32>
      %min3A_882 = arith.minsi %add3A_879, %min3A_881 : vector<16xi32>
      %gather3A_883 = tpu.vector_load_idx %arg14[%min3A_882] : memref<16xi32, #tpu.memory_space<vmem>>[vector<16xi32>], vector<16xi32>,
      %sub3A_884 = vector.broadcast %min3A_3 : i32 to vector<16xi32>
      %sub3A_885 = arith.subi %shift_right_logical3A, %sub3A_884 : vector<16xi32>
      %ge3A = arith.constant 0 : i32
      %ge3A_886 = vector.broadcast %ge3A : i32 to vector<16xi32>
      %ge3A_887 = arith.cmpi sge, %sub3A_885, %ge3A_886 : vector<16xi32>
      %lt3A = arith.constant 3136 : i32
      %lt3A_888 = vector.broadcast %lt3A : i32 to vector<16xi32>
      %lt3A_889 = arith.cmpi slt, %sub3A_885, %lt3A_888 : vector<16xi32>
      %and3A_890 = arith.andi %ge3A_887, %lt3A_889 : vector<16xi1>
      %ne3A_891 = arith.cmpi ne, %shift_right_logical3A, %gather3A_883 : vector<16xi32>
      %eq3A = arith.constant 15 : i32
      %eq3A_892 = vector.broadcast %eq3A : i32 to vector<16xi32>
      %eq3A_893 = arith.cmpi eq, %iota3A, %eq3A_892 : vector<16xi32>
      %or3A = arith.ori %ne3A_891, %eq3A_893 : vector<16xi1>
      %and3A_894 = arith.andi %or3A, %and3A_890 : vector<16xi1>
      %jit3A_895 = arith.constant 0 : i32
      %jit3A_896 = arith.constant 3135 : i32
      %max3A_897 = vector.broadcast %jit3A_895 : i32 to vector<16xi32>
      %max3A_898 = arith.maxsi %max3A_897, %sub3A_885 : vector<16xi32>
      %min3A_899 = vector.broadcast %jit3A_896 : i32 to vector<16xi32>
      %min3A_900 = arith.minsi %min3A_899, %max3A_898 : vector<16xi32>
      tpu.vector_store_idx %arg7[%min3A_900], %masked_sort3A_874 masked %and3A_894 : memref<3136xi32, #tpu.memory_space<vmem>>[vector<16xi32>], vector<16xi32>, vector<16xi1>
    }
    %scan3A_535 = arith.constant 37 : i32
    %dma_wait3A_536 = arith.constant 0 : i32
    %dma_wait3A_537 = tpu.memref_slice %arg2[%add3A_525, %dma_wait3A_536] : memref<100000x256xf32, #tpu.memory_space<hbm>> -> memref<112x256xf32, #tpu.memory_space<hbm>>
    %dma_wait3A_538 = arith.constant 0 : i32
    %dma_wait3A_539 = tpu.memref_slice %arg2[%add3A_525, %dma_wait3A_538] : memref<100000x256xf32, #tpu.memory_space<hbm>> -> memref<112x256xf32, #tpu.memory_space<hbm>>
    tpu.wait_dma2 semaphore(%arg17 : memref<!tpu.dma_semaphore, #tpu.memory_space<semaphore_mem>>) src(%dma_wait3A_539 : memref<112x256xf32, #tpu.memory_space<hbm>>) dst(%arg12 : memref<112x256xf32, #tpu.memory_space<vmem>>)
    %add3A_540 = arith.constant 2240 : i32
    %add3A_541 = arith.addi %min3A_3, %add3A_540 : i32
    %dma_start3A_542 = arith.constant 0 : i32
    %dma_start3A_543 = tpu.memref_slice %arg5[%add3A_541, %dma_start3A_542] : memref<100000x256xf32, #tpu.memory_space<hbm>> -> memref<112x256xf32, #tpu.memory_space<hbm>>
    %dma_start3A_544 = arith.constant 0 : i32
    %dma_start3A_545 = tpu.memref_slice %arg5[%add3A_541, %dma_start3A_544] : memref<100000x256xf32, #tpu.memory_space<hbm>> -> memref<112x256xf32, #tpu.memory_space<hbm>>
    tpu.enqueue_dma source(%arg12 : memref<112x256xf32, #tpu.memory_space<vmem>>) target(%dma_start3A_545 : memref<112x256xf32, #tpu.memory_space<hbm>>) target_semaphore(%arg19 : memref<!tpu.dma_semaphore, #tpu.memory_space<semaphore_mem>>)
    %dma_wait3A_546 = arith.constant 0 : i32
    %dma_wait3A_547 = tpu.memref_slice %arg5[%add3A_515, %dma_wait3A_546] : memref<100000x256xf32, #tpu.memory_space<hbm>> -> memref<112x256xf32, #tpu.memory_space<hbm>>
    %dma_wait3A_548 = arith.constant 0 : i32
    %dma_wait3A_549 = tpu.memref_slice %arg5[%add3A_515, %dma_wait3A_548] : memref<100000x256xf32, #tpu.memory_space<hbm>> -> memref<112x256xf32, #tpu.memory_space<hbm>>
    tpu.wait_dma2 semaphore(%arg20 : memref<!tpu.dma_semaphore, #tpu.memory_space<semaphore_mem>>) src(%arg13 : memref<112x256xf32, #tpu.memory_space<vmem>>) dst(%dma_wait3A_549 : memref<112x256xf32, #tpu.memory_space<hbm>>)
    %add3A_550 = arith.constant 2352 : i32
    %add3A_551 = arith.addi %min3A_3, %add3A_550 : i32
    %dma_start3A_552 = arith.constant 0 : i32
    %dma_start3A_553 = tpu.memref_slice %arg2[%add3A_551, %dma_start3A_552] : memref<100000x256xf32, #tpu.memory_space<hbm>> -> memref<112x256xf32, #tpu.memory_space<hbm>>
    %dma_start3A_554 = arith.constant 0 : i32
    %dma_start3A_555 = tpu.memref_slice %arg2[%add3A_551, %dma_start3A_554] : memref<100000x256xf32, #tpu.memory_space<hbm>> -> memref<112x256xf32, #tpu.memory_space<hbm>>
    tpu.enqueue_dma source(%dma_start3A_555 : memref<112x256xf32, #tpu.memory_space<hbm>>) target(%arg13 : memref<112x256xf32, #tpu.memory_space<vmem>>) target_semaphore(%arg18 : memref<!tpu.dma_semaphore, #tpu.memory_space<semaphore_mem>>)
    %scan3A_556 = arith.constant 0 : i32
    %scan3A_557 = arith.constant 777 : i32
    %scan3A_558 = arith.constant 37 : i32
    %scan3A_559 = arith.addi %scan3A_557, %scan3A_558 : i32
    %scan3A_560 = arith.constant 1 : i32
    scf.for %scan3A_857 = %scan3A_557 to %scan3A_559 step %scan3A_560  : i32 {
      %mul3A_858 = arith.constant 16 : i32
      %mul3A_859 = arith.muli %scan3A_857, %mul3A_858 : i32
      %get3A = arith.index_cast %mul3A_859 : i32 to index
      %get3A_860 = tpu.vector_load %arg6[%get3A] {strides = array<i32>} : memref<16384xi32, #tpu.memory_space<vmem>>, vector<16xi32>,
      %mul3A_861 = arith.constant 16 : i32
      %mul3A_862 = arith.muli %scan3A_857, %mul3A_861 : i32
      %add3A_863 = vector.broadcast %mul3A_862 : i32 to vector<16xi32>
      %add3A_864 = arith.addi %add3A_863, %iota3A : vector<16xi32>
      %mul3A_865 = arith.constant 16 : i32
      %mul3A_866 = vector.broadcast %mul3A_865 : i32 to vector<16xi32>
      %mul3A_867 = arith.muli %get3A_860, %mul3A_866 : vector<16xi32>
      %add3A_868 = arith.addi %mul3A_867, %iota3A : vector<16xi32>
      %masked_sort3A = arith.constant dense<true> : vector<16xi1>
      %masked_sort3A_869 = arith.constant -2147483648 : i32
      %masked_sort3A_870 = vector.broadcast %masked_sort3A_869 : i32 to vector<16xi32>
      %masked_sort3A_871 = arith.xori %add3A_868, %masked_sort3A_870 : vector<16xi32>
      %masked_sort3A_872, %masked_sort3A_873, %masked_sort3A_874 = tpu.sort %masked_sort3A_871, %add3A_864 masked %masked_sort3A : (vector<16xi32>, vector<16xi32>, vector<16xi1>) -> (vector<16xi1>, vector<16xi32>, vector<16xi32>)
      %masked_sort3A_875 = arith.xori %masked_sort3A_873, %masked_sort3A_870 : vector<16xi32>
      %shift_right_logical3A = arith.shrui %masked_sort3A_875, %broadcast_in_dim3A_4 : vector<16xi32>
      %swap3A = arith.constant 0 : index
      %swap3A_876 = tpu.vector_load %arg14[%swap3A] {strides = array<i32>} : memref<16xi32, #tpu.memory_space<vmem>>, vector<16xi32>,
      tpu.vector_store %arg14[%swap3A], %shift_right_logical3A {strides = array<i32>} : memref<16xi32, #tpu.memory_space<vmem>>, vector<16xi32>,
      %add3A_877 = arith.constant 1 : i32
      %add3A_878 = vector.broadcast %add3A_877 : i32 to vector<16xi32>
      %add3A_879 = arith.addi %iota3A, %add3A_878 : vector<16xi32>
      %min3A_880 = arith.constant 15 : i32
      %min3A_881 = vector.broadcast %min3A_880 : i32 to vector<16xi32>
      %min3A_882 = arith.minsi %add3A_879, %min3A_881 : vector<16xi32>
      %gather3A_883 = tpu.vector_load_idx %arg14[%min3A_882] : memref<16xi32, #tpu.memory_space<vmem>>[vector<16xi32>], vector<16xi32>,
      %sub3A_884 = vector.broadcast %min3A_3 : i32 to vector<16xi32>
      %sub3A_885 = arith.subi %shift_right_logical3A, %sub3A_884 : vector<16xi32>
      %ge3A = arith.constant 0 : i32
      %ge3A_886 = vector.broadcast %ge3A : i32 to vector<16xi32>
      %ge3A_887 = arith.cmpi sge, %sub3A_885, %ge3A_886 : vector<16xi32>
      %lt3A = arith.constant 3136 : i32
      %lt3A_888 = vector.broadcast %lt3A : i32 to vector<16xi32>
      %lt3A_889 = arith.cmpi slt, %sub3A_885, %lt3A_888 : vector<16xi32>
      %and3A_890 = arith.andi %ge3A_887, %lt3A_889 : vector<16xi1>
      %ne3A_891 = arith.cmpi ne, %shift_right_logical3A, %gather3A_883 : vector<16xi32>
      %eq3A = arith.constant 15 : i32
      %eq3A_892 = vector.broadcast %eq3A : i32 to vector<16xi32>
      %eq3A_893 = arith.cmpi eq, %iota3A, %eq3A_892 : vector<16xi32>
      %or3A = arith.ori %ne3A_891, %eq3A_893 : vector<16xi1>
      %and3A_894 = arith.andi %or3A, %and3A_890 : vector<16xi1>
      %jit3A_895 = arith.constant 0 : i32
      %jit3A_896 = arith.constant 3135 : i32
      %max3A_897 = vector.broadcast %jit3A_895 : i32 to vector<16xi32>
      %max3A_898 = arith.maxsi %max3A_897, %sub3A_885 : vector<16xi32>
      %min3A_899 = vector.broadcast %jit3A_896 : i32 to vector<16xi32>
      %min3A_900 = arith.minsi %min3A_899, %max3A_898 : vector<16xi32>
      tpu.vector_store_idx %arg7[%min3A_900], %masked_sort3A_874 masked %and3A_894 : memref<3136xi32, #tpu.memory_space<vmem>>[vector<16xi32>], vector<16xi32>, vector<16xi1>
    }
    %scan3A_561 = arith.constant 37 : i32
    %dma_wait3A_562 = arith.constant 0 : i32
    %dma_wait3A_563 = tpu.memref_slice %arg2[%add3A_551, %dma_wait3A_562] : memref<100000x256xf32, #tpu.memory_space<hbm>> -> memref<112x256xf32, #tpu.memory_space<hbm>>
    %dma_wait3A_564 = arith.constant 0 : i32
    %dma_wait3A_565 = tpu.memref_slice %arg2[%add3A_551, %dma_wait3A_564] : memref<100000x256xf32, #tpu.memory_space<hbm>> -> memref<112x256xf32, #tpu.memory_space<hbm>>
    tpu.wait_dma2 semaphore(%arg18 : memref<!tpu.dma_semaphore, #tpu.memory_space<semaphore_mem>>) src(%dma_wait3A_565 : memref<112x256xf32, #tpu.memory_space<hbm>>) dst(%arg13 : memref<112x256xf32, #tpu.memory_space<vmem>>)
    %add3A_566 = arith.constant 2352 : i32
    %add3A_567 = arith.addi %min3A_3, %add3A_566 : i32
    %dma_start3A_568 = arith.constant 0 : i32
    %dma_start3A_569 = tpu.memref_slice %arg5[%add3A_567, %dma_start3A_568] : memref<100000x256xf32, #tpu.memory_space<hbm>> -> memref<112x256xf32, #tpu.memory_space<hbm>>
    %dma_start3A_570 = arith.constant 0 : i32
    %dma_start3A_571 = tpu.memref_slice %arg5[%add3A_567, %dma_start3A_570] : memref<100000x256xf32, #tpu.memory_space<hbm>> -> memref<112x256xf32, #tpu.memory_space<hbm>>
    tpu.enqueue_dma source(%arg13 : memref<112x256xf32, #tpu.memory_space<vmem>>) target(%dma_start3A_571 : memref<112x256xf32, #tpu.memory_space<hbm>>) target_semaphore(%arg20 : memref<!tpu.dma_semaphore, #tpu.memory_space<semaphore_mem>>)
    %dma_wait3A_572 = arith.constant 0 : i32
    %dma_wait3A_573 = tpu.memref_slice %arg5[%add3A_541, %dma_wait3A_572] : memref<100000x256xf32, #tpu.memory_space<hbm>> -> memref<112x256xf32, #tpu.memory_space<hbm>>
    %dma_wait3A_574 = arith.constant 0 : i32
    %dma_wait3A_575 = tpu.memref_slice %arg5[%add3A_541, %dma_wait3A_574] : memref<100000x256xf32, #tpu.memory_space<hbm>> -> memref<112x256xf32, #tpu.memory_space<hbm>>
    tpu.wait_dma2 semaphore(%arg19 : memref<!tpu.dma_semaphore, #tpu.memory_space<semaphore_mem>>) src(%arg12 : memref<112x256xf32, #tpu.memory_space<vmem>>) dst(%dma_wait3A_575 : memref<112x256xf32, #tpu.memory_space<hbm>>)
    %add3A_576 = arith.constant 2464 : i32
    %add3A_577 = arith.addi %min3A_3, %add3A_576 : i32
    %dma_start3A_578 = arith.constant 0 : i32
    %dma_start3A_579 = tpu.memref_slice %arg2[%add3A_577, %dma_start3A_578] : memref<100000x256xf32, #tpu.memory_space<hbm>> -> memref<112x256xf32, #tpu.memory_space<hbm>>
    %dma_start3A_580 = arith.constant 0 : i32
    %dma_start3A_581 = tpu.memref_slice %arg2[%add3A_577, %dma_start3A_580] : memref<100000x256xf32, #tpu.memory_space<hbm>> -> memref<112x256xf32, #tpu.memory_space<hbm>>
    tpu.enqueue_dma source(%dma_start3A_581 : memref<112x256xf32, #tpu.memory_space<hbm>>) target(%arg12 : memref<112x256xf32, #tpu.memory_space<vmem>>) target_semaphore(%arg17 : memref<!tpu.dma_semaphore, #tpu.memory_space<semaphore_mem>>)
    %scan3A_582 = arith.constant 0 : i32
    %scan3A_583 = arith.constant 814 : i32
    %scan3A_584 = arith.constant 37 : i32
    %scan3A_585 = arith.addi %scan3A_583, %scan3A_584 : i32
    %scan3A_586 = arith.constant 1 : i32
    scf.for %scan3A_857 = %scan3A_583 to %scan3A_585 step %scan3A_586  : i32 {
      %mul3A_858 = arith.constant 16 : i32
      %mul3A_859 = arith.muli %scan3A_857, %mul3A_858 : i32
      %get3A = arith.index_cast %mul3A_859 : i32 to index
      %get3A_860 = tpu.vector_load %arg6[%get3A] {strides = array<i32>} : memref<16384xi32, #tpu.memory_space<vmem>>, vector<16xi32>,
      %mul3A_861 = arith.constant 16 : i32
      %mul3A_862 = arith.muli %scan3A_857, %mul3A_861 : i32
      %add3A_863 = vector.broadcast %mul3A_862 : i32 to vector<16xi32>
      %add3A_864 = arith.addi %add3A_863, %iota3A : vector<16xi32>
      %mul3A_865 = arith.constant 16 : i32
      %mul3A_866 = vector.broadcast %mul3A_865 : i32 to vector<16xi32>
      %mul3A_867 = arith.muli %get3A_860, %mul3A_866 : vector<16xi32>
      %add3A_868 = arith.addi %mul3A_867, %iota3A : vector<16xi32>
      %masked_sort3A = arith.constant dense<true> : vector<16xi1>
      %masked_sort3A_869 = arith.constant -2147483648 : i32
      %masked_sort3A_870 = vector.broadcast %masked_sort3A_869 : i32 to vector<16xi32>
      %masked_sort3A_871 = arith.xori %add3A_868, %masked_sort3A_870 : vector<16xi32>
      %masked_sort3A_872, %masked_sort3A_873, %masked_sort3A_874 = tpu.sort %masked_sort3A_871, %add3A_864 masked %masked_sort3A : (vector<16xi32>, vector<16xi32>, vector<16xi1>) -> (vector<16xi1>, vector<16xi32>, vector<16xi32>)
      %masked_sort3A_875 = arith.xori %masked_sort3A_873, %masked_sort3A_870 : vector<16xi32>
      %shift_right_logical3A = arith.shrui %masked_sort3A_875, %broadcast_in_dim3A_4 : vector<16xi32>
      %swap3A = arith.constant 0 : index
      %swap3A_876 = tpu.vector_load %arg14[%swap3A] {strides = array<i32>} : memref<16xi32, #tpu.memory_space<vmem>>, vector<16xi32>,
      tpu.vector_store %arg14[%swap3A], %shift_right_logical3A {strides = array<i32>} : memref<16xi32, #tpu.memory_space<vmem>>, vector<16xi32>,
      %add3A_877 = arith.constant 1 : i32
      %add3A_878 = vector.broadcast %add3A_877 : i32 to vector<16xi32>
      %add3A_879 = arith.addi %iota3A, %add3A_878 : vector<16xi32>
      %min3A_880 = arith.constant 15 : i32
      %min3A_881 = vector.broadcast %min3A_880 : i32 to vector<16xi32>
      %min3A_882 = arith.minsi %add3A_879, %min3A_881 : vector<16xi32>
      %gather3A_883 = tpu.vector_load_idx %arg14[%min3A_882] : memref<16xi32, #tpu.memory_space<vmem>>[vector<16xi32>], vector<16xi32>,
      %sub3A_884 = vector.broadcast %min3A_3 : i32 to vector<16xi32>
      %sub3A_885 = arith.subi %shift_right_logical3A, %sub3A_884 : vector<16xi32>
      %ge3A = arith.constant 0 : i32
      %ge3A_886 = vector.broadcast %ge3A : i32 to vector<16xi32>
      %ge3A_887 = arith.cmpi sge, %sub3A_885, %ge3A_886 : vector<16xi32>
      %lt3A = arith.constant 3136 : i32
      %lt3A_888 = vector.broadcast %lt3A : i32 to vector<16xi32>
      %lt3A_889 = arith.cmpi slt, %sub3A_885, %lt3A_888 : vector<16xi32>
      %and3A_890 = arith.andi %ge3A_887, %lt3A_889 : vector<16xi1>
      %ne3A_891 = arith.cmpi ne, %shift_right_logical3A, %gather3A_883 : vector<16xi32>
      %eq3A = arith.constant 15 : i32
      %eq3A_892 = vector.broadcast %eq3A : i32 to vector<16xi32>
      %eq3A_893 = arith.cmpi eq, %iota3A, %eq3A_892 : vector<16xi32>
      %or3A = arith.ori %ne3A_891, %eq3A_893 : vector<16xi1>
      %and3A_894 = arith.andi %or3A, %and3A_890 : vector<16xi1>
      %jit3A_895 = arith.constant 0 : i32
      %jit3A_896 = arith.constant 3135 : i32
      %max3A_897 = vector.broadcast %jit3A_895 : i32 to vector<16xi32>
      %max3A_898 = arith.maxsi %max3A_897, %sub3A_885 : vector<16xi32>
      %min3A_899 = vector.broadcast %jit3A_896 : i32 to vector<16xi32>
      %min3A_900 = arith.minsi %min3A_899, %max3A_898 : vector<16xi32>
      tpu.vector_store_idx %arg7[%min3A_900], %masked_sort3A_874 masked %and3A_894 : memref<3136xi32, #tpu.memory_space<vmem>>[vector<16xi32>], vector<16xi32>, vector<16xi1>
    }
    %scan3A_587 = arith.constant 37 : i32
    %dma_wait3A_588 = arith.constant 0 : i32
    %dma_wait3A_589 = tpu.memref_slice %arg2[%add3A_577, %dma_wait3A_588] : memref<100000x256xf32, #tpu.memory_space<hbm>> -> memref<112x256xf32, #tpu.memory_space<hbm>>
    %dma_wait3A_590 = arith.constant 0 : i32
    %dma_wait3A_591 = tpu.memref_slice %arg2[%add3A_577, %dma_wait3A_590] : memref<100000x256xf32, #tpu.memory_space<hbm>> -> memref<112x256xf32, #tpu.memory_space<hbm>>
    tpu.wait_dma2 semaphore(%arg17 : memref<!tpu.dma_semaphore, #tpu.memory_space<semaphore_mem>>) src(%dma_wait3A_591 : memref<112x256xf32, #tpu.memory_space<hbm>>) dst(%arg12 : memref<112x256xf32, #tpu.memory_space<vmem>>)
    %add3A_592 = arith.constant 2464 : i32
    %add3A_593 = arith.addi %min3A_3, %add3A_592 : i32
    %dma_start3A_594 = arith.constant 0 : i32
    %dma_start3A_595 = tpu.memref_slice %arg5[%add3A_593, %dma_start3A_594] : memref<100000x256xf32, #tpu.memory_space<hbm>> -> memref<112x256xf32, #tpu.memory_space<hbm>>
    %dma_start3A_596 = arith.constant 0 : i32
    %dma_start3A_597 = tpu.memref_slice %arg5[%add3A_593, %dma_start3A_596] : memref<100000x256xf32, #tpu.memory_space<hbm>> -> memref<112x256xf32, #tpu.memory_space<hbm>>
    tpu.enqueue_dma source(%arg12 : memref<112x256xf32, #tpu.memory_space<vmem>>) target(%dma_start3A_597 : memref<112x256xf32, #tpu.memory_space<hbm>>) target_semaphore(%arg19 : memref<!tpu.dma_semaphore, #tpu.memory_space<semaphore_mem>>)
    %dma_wait3A_598 = arith.constant 0 : i32
    %dma_wait3A_599 = tpu.memref_slice %arg5[%add3A_567, %dma_wait3A_598] : memref<100000x256xf32, #tpu.memory_space<hbm>> -> memref<112x256xf32, #tpu.memory_space<hbm>>
    %dma_wait3A_600 = arith.constant 0 : i32
    %dma_wait3A_601 = tpu.memref_slice %arg5[%add3A_567, %dma_wait3A_600] : memref<100000x256xf32, #tpu.memory_space<hbm>> -> memref<112x256xf32, #tpu.memory_space<hbm>>
    tpu.wait_dma2 semaphore(%arg20 : memref<!tpu.dma_semaphore, #tpu.memory_space<semaphore_mem>>) src(%arg13 : memref<112x256xf32, #tpu.memory_space<vmem>>) dst(%dma_wait3A_601 : memref<112x256xf32, #tpu.memory_space<hbm>>)
    %add3A_602 = arith.constant 2576 : i32
    %add3A_603 = arith.addi %min3A_3, %add3A_602 : i32
    %dma_start3A_604 = arith.constant 0 : i32
    %dma_start3A_605 = tpu.memref_slice %arg2[%add3A_603, %dma_start3A_604] : memref<100000x256xf32, #tpu.memory_space<hbm>> -> memref<112x256xf32, #tpu.memory_space<hbm>>
    %dma_start3A_606 = arith.constant 0 : i32
    %dma_start3A_607 = tpu.memref_slice %arg2[%add3A_603, %dma_start3A_606] : memref<100000x256xf32, #tpu.memory_space<hbm>> -> memref<112x256xf32, #tpu.memory_space<hbm>>
    tpu.enqueue_dma source(%dma_start3A_607 : memref<112x256xf32, #tpu.memory_space<hbm>>) target(%arg13 : memref<112x256xf32, #tpu.memory_space<vmem>>) target_semaphore(%arg18 : memref<!tpu.dma_semaphore, #tpu.memory_space<semaphore_mem>>)
    %scan3A_608 = arith.constant 0 : i32
    %scan3A_609 = arith.constant 851 : i32
    %scan3A_610 = arith.constant 37 : i32
    %scan3A_611 = arith.addi %scan3A_609, %scan3A_610 : i32
    %scan3A_612 = arith.constant 1 : i32
    scf.for %scan3A_857 = %scan3A_609 to %scan3A_611 step %scan3A_612  : i32 {
      %mul3A_858 = arith.constant 16 : i32
      %mul3A_859 = arith.muli %scan3A_857, %mul3A_858 : i32
      %get3A = arith.index_cast %mul3A_859 : i32 to index
      %get3A_860 = tpu.vector_load %arg6[%get3A] {strides = array<i32>} : memref<16384xi32, #tpu.memory_space<vmem>>, vector<16xi32>,
      %mul3A_861 = arith.constant 16 : i32
      %mul3A_862 = arith.muli %scan3A_857, %mul3A_861 : i32
      %add3A_863 = vector.broadcast %mul3A_862 : i32 to vector<16xi32>
      %add3A_864 = arith.addi %add3A_863, %iota3A : vector<16xi32>
      %mul3A_865 = arith.constant 16 : i32
      %mul3A_866 = vector.broadcast %mul3A_865 : i32 to vector<16xi32>
      %mul3A_867 = arith.muli %get3A_860, %mul3A_866 : vector<16xi32>
      %add3A_868 = arith.addi %mul3A_867, %iota3A : vector<16xi32>
      %masked_sort3A = arith.constant dense<true> : vector<16xi1>
      %masked_sort3A_869 = arith.constant -2147483648 : i32
      %masked_sort3A_870 = vector.broadcast %masked_sort3A_869 : i32 to vector<16xi32>
      %masked_sort3A_871 = arith.xori %add3A_868, %masked_sort3A_870 : vector<16xi32>
      %masked_sort3A_872, %masked_sort3A_873, %masked_sort3A_874 = tpu.sort %masked_sort3A_871, %add3A_864 masked %masked_sort3A : (vector<16xi32>, vector<16xi32>, vector<16xi1>) -> (vector<16xi1>, vector<16xi32>, vector<16xi32>)
      %masked_sort3A_875 = arith.xori %masked_sort3A_873, %masked_sort3A_870 : vector<16xi32>
      %shift_right_logical3A = arith.shrui %masked_sort3A_875, %broadcast_in_dim3A_4 : vector<16xi32>
      %swap3A = arith.constant 0 : index
      %swap3A_876 = tpu.vector_load %arg14[%swap3A] {strides = array<i32>} : memref<16xi32, #tpu.memory_space<vmem>>, vector<16xi32>,
      tpu.vector_store %arg14[%swap3A], %shift_right_logical3A {strides = array<i32>} : memref<16xi32, #tpu.memory_space<vmem>>, vector<16xi32>,
      %add3A_877 = arith.constant 1 : i32
      %add3A_878 = vector.broadcast %add3A_877 : i32 to vector<16xi32>
      %add3A_879 = arith.addi %iota3A, %add3A_878 : vector<16xi32>
      %min3A_880 = arith.constant 15 : i32
      %min3A_881 = vector.broadcast %min3A_880 : i32 to vector<16xi32>
      %min3A_882 = arith.minsi %add3A_879, %min3A_881 : vector<16xi32>
      %gather3A_883 = tpu.vector_load_idx %arg14[%min3A_882] : memref<16xi32, #tpu.memory_space<vmem>>[vector<16xi32>], vector<16xi32>,
      %sub3A_884 = vector.broadcast %min3A_3 : i32 to vector<16xi32>
      %sub3A_885 = arith.subi %shift_right_logical3A, %sub3A_884 : vector<16xi32>
      %ge3A = arith.constant 0 : i32
      %ge3A_886 = vector.broadcast %ge3A : i32 to vector<16xi32>
      %ge3A_887 = arith.cmpi sge, %sub3A_885, %ge3A_886 : vector<16xi32>
      %lt3A = arith.constant 3136 : i32
      %lt3A_888 = vector.broadcast %lt3A : i32 to vector<16xi32>
      %lt3A_889 = arith.cmpi slt, %sub3A_885, %lt3A_888 : vector<16xi32>
      %and3A_890 = arith.andi %ge3A_887, %lt3A_889 : vector<16xi1>
      %ne3A_891 = arith.cmpi ne, %shift_right_logical3A, %gather3A_883 : vector<16xi32>
      %eq3A = arith.constant 15 : i32
      %eq3A_892 = vector.broadcast %eq3A : i32 to vector<16xi32>
      %eq3A_893 = arith.cmpi eq, %iota3A, %eq3A_892 : vector<16xi32>
      %or3A = arith.ori %ne3A_891, %eq3A_893 : vector<16xi1>
      %and3A_894 = arith.andi %or3A, %and3A_890 : vector<16xi1>
      %jit3A_895 = arith.constant 0 : i32
      %jit3A_896 = arith.constant 3135 : i32
      %max3A_897 = vector.broadcast %jit3A_895 : i32 to vector<16xi32>
      %max3A_898 = arith.maxsi %max3A_897, %sub3A_885 : vector<16xi32>
      %min3A_899 = vector.broadcast %jit3A_896 : i32 to vector<16xi32>
      %min3A_900 = arith.minsi %min3A_899, %max3A_898 : vector<16xi32>
      tpu.vector_store_idx %arg7[%min3A_900], %masked_sort3A_874 masked %and3A_894 : memref<3136xi32, #tpu.memory_space<vmem>>[vector<16xi32>], vector<16xi32>, vector<16xi1>
    }
    %scan3A_613 = arith.constant 37 : i32
    %dma_wait3A_614 = arith.constant 0 : i32
    %dma_wait3A_615 = tpu.memref_slice %arg2[%add3A_603, %dma_wait3A_614] : memref<100000x256xf32, #tpu.memory_space<hbm>> -> memref<112x256xf32, #tpu.memory_space<hbm>>
    %dma_wait3A_616 = arith.constant 0 : i32
    %dma_wait3A_617 = tpu.memref_slice %arg2[%add3A_603, %dma_wait3A_616] : memref<100000x256xf32, #tpu.memory_space<hbm>> -> memref<112x256xf32, #tpu.memory_space<hbm>>
    tpu.wait_dma2 semaphore(%arg18 : memref<!tpu.dma_semaphore, #tpu.memory_space<semaphore_mem>>) src(%dma_wait3A_617 : memref<112x256xf32, #tpu.memory_space<hbm>>) dst(%arg13 : memref<112x256xf32, #tpu.memory_space<vmem>>)
    %add3A_618 = arith.constant 2576 : i32
    %add3A_619 = arith.addi %min3A_3, %add3A_618 : i32
    %dma_start3A_620 = arith.constant 0 : i32
    %dma_start3A_621 = tpu.memref_slice %arg5[%add3A_619, %dma_start3A_620] : memref<100000x256xf32, #tpu.memory_space<hbm>> -> memref<112x256xf32, #tpu.memory_space<hbm>>
    %dma_start3A_622 = arith.constant 0 : i32
    %dma_start3A_623 = tpu.memref_slice %arg5[%add3A_619, %dma_start3A_622] : memref<100000x256xf32, #tpu.memory_space<hbm>> -> memref<112x256xf32, #tpu.memory_space<hbm>>
    tpu.enqueue_dma source(%arg13 : memref<112x256xf32, #tpu.memory_space<vmem>>) target(%dma_start3A_623 : memref<112x256xf32, #tpu.memory_space<hbm>>) target_semaphore(%arg20 : memref<!tpu.dma_semaphore, #tpu.memory_space<semaphore_mem>>)
    %dma_wait3A_624 = arith.constant 0 : i32
    %dma_wait3A_625 = tpu.memref_slice %arg5[%add3A_593, %dma_wait3A_624] : memref<100000x256xf32, #tpu.memory_space<hbm>> -> memref<112x256xf32, #tpu.memory_space<hbm>>
    %dma_wait3A_626 = arith.constant 0 : i32
    %dma_wait3A_627 = tpu.memref_slice %arg5[%add3A_593, %dma_wait3A_626] : memref<100000x256xf32, #tpu.memory_space<hbm>> -> memref<112x256xf32, #tpu.memory_space<hbm>>
    tpu.wait_dma2 semaphore(%arg19 : memref<!tpu.dma_semaphore, #tpu.memory_space<semaphore_mem>>) src(%arg12 : memref<112x256xf32, #tpu.memory_space<vmem>>) dst(%dma_wait3A_627 : memref<112x256xf32, #tpu.memory_space<hbm>>)
    %add3A_628 = arith.constant 2688 : i32
    %add3A_629 = arith.addi %min3A_3, %add3A_628 : i32
    %dma_start3A_630 = arith.constant 0 : i32
    %dma_start3A_631 = tpu.memref_slice %arg2[%add3A_629, %dma_start3A_630] : memref<100000x256xf32, #tpu.memory_space<hbm>> -> memref<112x256xf32, #tpu.memory_space<hbm>>
    %dma_start3A_632 = arith.constant 0 : i32
    %dma_start3A_633 = tpu.memref_slice %arg2[%add3A_629, %dma_start3A_632] : memref<100000x256xf32, #tpu.memory_space<hbm>> -> memref<112x256xf32, #tpu.memory_space<hbm>>
    tpu.enqueue_dma source(%dma_start3A_633 : memref<112x256xf32, #tpu.memory_space<hbm>>) target(%arg12 : memref<112x256xf32, #tpu.memory_space<vmem>>) target_semaphore(%arg17 : memref<!tpu.dma_semaphore, #tpu.memory_space<semaphore_mem>>)
    %scan3A_634 = arith.constant 0 : i32
    %scan3A_635 = arith.constant 888 : i32
    %scan3A_636 = arith.constant 37 : i32
    %scan3A_637 = arith.addi %scan3A_635, %scan3A_636 : i32
    %scan3A_638 = arith.constant 1 : i32
    scf.for %scan3A_857 = %scan3A_635 to %scan3A_637 step %scan3A_638  : i32 {
      %mul3A_858 = arith.constant 16 : i32
      %mul3A_859 = arith.muli %scan3A_857, %mul3A_858 : i32
      %get3A = arith.index_cast %mul3A_859 : i32 to index
      %get3A_860 = tpu.vector_load %arg6[%get3A] {strides = array<i32>} : memref<16384xi32, #tpu.memory_space<vmem>>, vector<16xi32>,
      %mul3A_861 = arith.constant 16 : i32
      %mul3A_862 = arith.muli %scan3A_857, %mul3A_861 : i32
      %add3A_863 = vector.broadcast %mul3A_862 : i32 to vector<16xi32>
      %add3A_864 = arith.addi %add3A_863, %iota3A : vector<16xi32>
      %mul3A_865 = arith.constant 16 : i32
      %mul3A_866 = vector.broadcast %mul3A_865 : i32 to vector<16xi32>
      %mul3A_867 = arith.muli %get3A_860, %mul3A_866 : vector<16xi32>
      %add3A_868 = arith.addi %mul3A_867, %iota3A : vector<16xi32>
      %masked_sort3A = arith.constant dense<true> : vector<16xi1>
      %masked_sort3A_869 = arith.constant -2147483648 : i32
      %masked_sort3A_870 = vector.broadcast %masked_sort3A_869 : i32 to vector<16xi32>
      %masked_sort3A_871 = arith.xori %add3A_868, %masked_sort3A_870 : vector<16xi32>
      %masked_sort3A_872, %masked_sort3A_873, %masked_sort3A_874 = tpu.sort %masked_sort3A_871, %add3A_864 masked %masked_sort3A : (vector<16xi32>, vector<16xi32>, vector<16xi1>) -> (vector<16xi1>, vector<16xi32>, vector<16xi32>)
      %masked_sort3A_875 = arith.xori %masked_sort3A_873, %masked_sort3A_870 : vector<16xi32>
      %shift_right_logical3A = arith.shrui %masked_sort3A_875, %broadcast_in_dim3A_4 : vector<16xi32>
      %swap3A = arith.constant 0 : index
      %swap3A_876 = tpu.vector_load %arg14[%swap3A] {strides = array<i32>} : memref<16xi32, #tpu.memory_space<vmem>>, vector<16xi32>,
      tpu.vector_store %arg14[%swap3A], %shift_right_logical3A {strides = array<i32>} : memref<16xi32, #tpu.memory_space<vmem>>, vector<16xi32>,
      %add3A_877 = arith.constant 1 : i32
      %add3A_878 = vector.broadcast %add3A_877 : i32 to vector<16xi32>
      %add3A_879 = arith.addi %iota3A, %add3A_878 : vector<16xi32>
      %min3A_880 = arith.constant 15 : i32
      %min3A_881 = vector.broadcast %min3A_880 : i32 to vector<16xi32>
      %min3A_882 = arith.minsi %add3A_879, %min3A_881 : vector<16xi32>
      %gather3A_883 = tpu.vector_load_idx %arg14[%min3A_882] : memref<16xi32, #tpu.memory_space<vmem>>[vector<16xi32>], vector<16xi32>,
      %sub3A_884 = vector.broadcast %min3A_3 : i32 to vector<16xi32>
      %sub3A_885 = arith.subi %shift_right_logical3A, %sub3A_884 : vector<16xi32>
      %ge3A = arith.constant 0 : i32
      %ge3A_886 = vector.broadcast %ge3A : i32 to vector<16xi32>
      %ge3A_887 = arith.cmpi sge, %sub3A_885, %ge3A_886 : vector<16xi32>
      %lt3A = arith.constant 3136 : i32
      %lt3A_888 = vector.broadcast %lt3A : i32 to vector<16xi32>
      %lt3A_889 = arith.cmpi slt, %sub3A_885, %lt3A_888 : vector<16xi32>
      %and3A_890 = arith.andi %ge3A_887, %lt3A_889 : vector<16xi1>
      %ne3A_891 = arith.cmpi ne, %shift_right_logical3A, %gather3A_883 : vector<16xi32>
      %eq3A = arith.constant 15 : i32
      %eq3A_892 = vector.broadcast %eq3A : i32 to vector<16xi32>
      %eq3A_893 = arith.cmpi eq, %iota3A, %eq3A_892 : vector<16xi32>
      %or3A = arith.ori %ne3A_891, %eq3A_893 : vector<16xi1>
      %and3A_894 = arith.andi %or3A, %and3A_890 : vector<16xi1>
      %jit3A_895 = arith.constant 0 : i32
      %jit3A_896 = arith.constant 3135 : i32
      %max3A_897 = vector.broadcast %jit3A_895 : i32 to vector<16xi32>
      %max3A_898 = arith.maxsi %max3A_897, %sub3A_885 : vector<16xi32>
      %min3A_899 = vector.broadcast %jit3A_896 : i32 to vector<16xi32>
      %min3A_900 = arith.minsi %min3A_899, %max3A_898 : vector<16xi32>
      tpu.vector_store_idx %arg7[%min3A_900], %masked_sort3A_874 masked %and3A_894 : memref<3136xi32, #tpu.memory_space<vmem>>[vector<16xi32>], vector<16xi32>, vector<16xi1>
    }
    %scan3A_639 = arith.constant 37 : i32
    %dma_wait3A_640 = arith.constant 0 : i32
    %dma_wait3A_641 = tpu.memref_slice %arg2[%add3A_629, %dma_wait3A_640] : memref<100000x256xf32, #tpu.memory_space<hbm>> -> memref<112x256xf32, #tpu.memory_space<hbm>>
    %dma_wait3A_642 = arith.constant 0 : i32
    %dma_wait3A_643 = tpu.memref_slice %arg2[%add3A_629, %dma_wait3A_642] : memref<100000x256xf32, #tpu.memory_space<hbm>> -> memref<112x256xf32, #tpu.memory_space<hbm>>
    tpu.wait_dma2 semaphore(%arg17 : memref<!tpu.dma_semaphore, #tpu.memory_space<semaphore_mem>>) src(%dma_wait3A_643 : memref<112x256xf32, #tpu.memory_space<hbm>>) dst(%arg12 : memref<112x256xf32, #tpu.memory_space<vmem>>)
    %add3A_644 = arith.constant 2688 : i32
    %add3A_645 = arith.addi %min3A_3, %add3A_644 : i32
    %dma_start3A_646 = arith.constant 0 : i32
    %dma_start3A_647 = tpu.memref_slice %arg5[%add3A_645, %dma_start3A_646] : memref<100000x256xf32, #tpu.memory_space<hbm>> -> memref<112x256xf32, #tpu.memory_space<hbm>>
    %dma_start3A_648 = arith.constant 0 : i32
    %dma_start3A_649 = tpu.memref_slice %arg5[%add3A_645, %dma_start3A_648] : memref<100000x256xf32, #tpu.memory_space<hbm>> -> memref<112x256xf32, #tpu.memory_space<hbm>>
    tpu.enqueue_dma source(%arg12 : memref<112x256xf32, #tpu.memory_space<vmem>>) target(%dma_start3A_649 : memref<112x256xf32, #tpu.memory_space<hbm>>) target_semaphore(%arg19 : memref<!tpu.dma_semaphore, #tpu.memory_space<semaphore_mem>>)
    %dma_wait3A_650 = arith.constant 0 : i32
    %dma_wait3A_651 = tpu.memref_slice %arg5[%add3A_619, %dma_wait3A_650] : memref<100000x256xf32, #tpu.memory_space<hbm>> -> memref<112x256xf32, #tpu.memory_space<hbm>>
    %dma_wait3A_652 = arith.constant 0 : i32
    %dma_wait3A_653 = tpu.memref_slice %arg5[%add3A_619, %dma_wait3A_652] : memref<100000x256xf32, #tpu.memory_space<hbm>> -> memref<112x256xf32, #tpu.memory_space<hbm>>
    tpu.wait_dma2 semaphore(%arg20 : memref<!tpu.dma_semaphore, #tpu.memory_space<semaphore_mem>>) src(%arg13 : memref<112x256xf32, #tpu.memory_space<vmem>>) dst(%dma_wait3A_653 : memref<112x256xf32, #tpu.memory_space<hbm>>)
    %add3A_654 = arith.constant 2800 : i32
    %add3A_655 = arith.addi %min3A_3, %add3A_654 : i32
    %dma_start3A_656 = arith.constant 0 : i32
    %dma_start3A_657 = tpu.memref_slice %arg2[%add3A_655, %dma_start3A_656] : memref<100000x256xf32, #tpu.memory_space<hbm>> -> memref<112x256xf32, #tpu.memory_space<hbm>>
    %dma_start3A_658 = arith.constant 0 : i32
    %dma_start3A_659 = tpu.memref_slice %arg2[%add3A_655, %dma_start3A_658] : memref<100000x256xf32, #tpu.memory_space<hbm>> -> memref<112x256xf32, #tpu.memory_space<hbm>>
    tpu.enqueue_dma source(%dma_start3A_659 : memref<112x256xf32, #tpu.memory_space<hbm>>) target(%arg13 : memref<112x256xf32, #tpu.memory_space<vmem>>) target_semaphore(%arg18 : memref<!tpu.dma_semaphore, #tpu.memory_space<semaphore_mem>>)
    %scan3A_660 = arith.constant 0 : i32
    %scan3A_661 = arith.constant 925 : i32
    %scan3A_662 = arith.constant 37 : i32
    %scan3A_663 = arith.addi %scan3A_661, %scan3A_662 : i32
    %scan3A_664 = arith.constant 1 : i32
    scf.for %scan3A_857 = %scan3A_661 to %scan3A_663 step %scan3A_664  : i32 {
      %mul3A_858 = arith.constant 16 : i32
      %mul3A_859 = arith.muli %scan3A_857, %mul3A_858 : i32
      %get3A = arith.index_cast %mul3A_859 : i32 to index
      %get3A_860 = tpu.vector_load %arg6[%get3A] {strides = array<i32>} : memref<16384xi32, #tpu.memory_space<vmem>>, vector<16xi32>,
      %mul3A_861 = arith.constant 16 : i32
      %mul3A_862 = arith.muli %scan3A_857, %mul3A_861 : i32
      %add3A_863 = vector.broadcast %mul3A_862 : i32 to vector<16xi32>
      %add3A_864 = arith.addi %add3A_863, %iota3A : vector<16xi32>
      %mul3A_865 = arith.constant 16 : i32
      %mul3A_866 = vector.broadcast %mul3A_865 : i32 to vector<16xi32>
      %mul3A_867 = arith.muli %get3A_860, %mul3A_866 : vector<16xi32>
      %add3A_868 = arith.addi %mul3A_867, %iota3A : vector<16xi32>
      %masked_sort3A = arith.constant dense<true> : vector<16xi1>
      %masked_sort3A_869 = arith.constant -2147483648 : i32
      %masked_sort3A_870 = vector.broadcast %masked_sort3A_869 : i32 to vector<16xi32>
      %masked_sort3A_871 = arith.xori %add3A_868, %masked_sort3A_870 : vector<16xi32>
      %masked_sort3A_872, %masked_sort3A_873, %masked_sort3A_874 = tpu.sort %masked_sort3A_871, %add3A_864 masked %masked_sort3A : (vector<16xi32>, vector<16xi32>, vector<16xi1>) -> (vector<16xi1>, vector<16xi32>, vector<16xi32>)
      %masked_sort3A_875 = arith.xori %masked_sort3A_873, %masked_sort3A_870 : vector<16xi32>
      %shift_right_logical3A = arith.shrui %masked_sort3A_875, %broadcast_in_dim3A_4 : vector<16xi32>
      %swap3A = arith.constant 0 : index
      %swap3A_876 = tpu.vector_load %arg14[%swap3A] {strides = array<i32>} : memref<16xi32, #tpu.memory_space<vmem>>, vector<16xi32>,
      tpu.vector_store %arg14[%swap3A], %shift_right_logical3A {strides = array<i32>} : memref<16xi32, #tpu.memory_space<vmem>>, vector<16xi32>,
      %add3A_877 = arith.constant 1 : i32
      %add3A_878 = vector.broadcast %add3A_877 : i32 to vector<16xi32>
      %add3A_879 = arith.addi %iota3A, %add3A_878 : vector<16xi32>
      %min3A_880 = arith.constant 15 : i32
      %min3A_881 = vector.broadcast %min3A_880 : i32 to vector<16xi32>
      %min3A_882 = arith.minsi %add3A_879, %min3A_881 : vector<16xi32>
      %gather3A_883 = tpu.vector_load_idx %arg14[%min3A_882] : memref<16xi32, #tpu.memory_space<vmem>>[vector<16xi32>], vector<16xi32>,
      %sub3A_884 = vector.broadcast %min3A_3 : i32 to vector<16xi32>
      %sub3A_885 = arith.subi %shift_right_logical3A, %sub3A_884 : vector<16xi32>
      %ge3A = arith.constant 0 : i32
      %ge3A_886 = vector.broadcast %ge3A : i32 to vector<16xi32>
      %ge3A_887 = arith.cmpi sge, %sub3A_885, %ge3A_886 : vector<16xi32>
      %lt3A = arith.constant 3136 : i32
      %lt3A_888 = vector.broadcast %lt3A : i32 to vector<16xi32>
      %lt3A_889 = arith.cmpi slt, %sub3A_885, %lt3A_888 : vector<16xi32>
      %and3A_890 = arith.andi %ge3A_887, %lt3A_889 : vector<16xi1>
      %ne3A_891 = arith.cmpi ne, %shift_right_logical3A, %gather3A_883 : vector<16xi32>
      %eq3A = arith.constant 15 : i32
      %eq3A_892 = vector.broadcast %eq3A : i32 to vector<16xi32>
      %eq3A_893 = arith.cmpi eq, %iota3A, %eq3A_892 : vector<16xi32>
      %or3A = arith.ori %ne3A_891, %eq3A_893 : vector<16xi1>
      %and3A_894 = arith.andi %or3A, %and3A_890 : vector<16xi1>
      %jit3A_895 = arith.constant 0 : i32
      %jit3A_896 = arith.constant 3135 : i32
      %max3A_897 = vector.broadcast %jit3A_895 : i32 to vector<16xi32>
      %max3A_898 = arith.maxsi %max3A_897, %sub3A_885 : vector<16xi32>
      %min3A_899 = vector.broadcast %jit3A_896 : i32 to vector<16xi32>
      %min3A_900 = arith.minsi %min3A_899, %max3A_898 : vector<16xi32>
      tpu.vector_store_idx %arg7[%min3A_900], %masked_sort3A_874 masked %and3A_894 : memref<3136xi32, #tpu.memory_space<vmem>>[vector<16xi32>], vector<16xi32>, vector<16xi1>
    }
    %scan3A_665 = arith.constant 37 : i32
    %dma_wait3A_666 = arith.constant 0 : i32
    %dma_wait3A_667 = tpu.memref_slice %arg2[%add3A_655, %dma_wait3A_666] : memref<100000x256xf32, #tpu.memory_space<hbm>> -> memref<112x256xf32, #tpu.memory_space<hbm>>
    %dma_wait3A_668 = arith.constant 0 : i32
    %dma_wait3A_669 = tpu.memref_slice %arg2[%add3A_655, %dma_wait3A_668] : memref<100000x256xf32, #tpu.memory_space<hbm>> -> memref<112x256xf32, #tpu.memory_space<hbm>>
    tpu.wait_dma2 semaphore(%arg18 : memref<!tpu.dma_semaphore, #tpu.memory_space<semaphore_mem>>) src(%dma_wait3A_669 : memref<112x256xf32, #tpu.memory_space<hbm>>) dst(%arg13 : memref<112x256xf32, #tpu.memory_space<vmem>>)
    %add3A_670 = arith.constant 2800 : i32
    %add3A_671 = arith.addi %min3A_3, %add3A_670 : i32
    %dma_start3A_672 = arith.constant 0 : i32
    %dma_start3A_673 = tpu.memref_slice %arg5[%add3A_671, %dma_start3A_672] : memref<100000x256xf32, #tpu.memory_space<hbm>> -> memref<112x256xf32, #tpu.memory_space<hbm>>
    %dma_start3A_674 = arith.constant 0 : i32
    %dma_start3A_675 = tpu.memref_slice %arg5[%add3A_671, %dma_start3A_674] : memref<100000x256xf32, #tpu.memory_space<hbm>> -> memref<112x256xf32, #tpu.memory_space<hbm>>
    tpu.enqueue_dma source(%arg13 : memref<112x256xf32, #tpu.memory_space<vmem>>) target(%dma_start3A_675 : memref<112x256xf32, #tpu.memory_space<hbm>>) target_semaphore(%arg20 : memref<!tpu.dma_semaphore, #tpu.memory_space<semaphore_mem>>)
    %dma_wait3A_676 = arith.constant 0 : i32
    %dma_wait3A_677 = tpu.memref_slice %arg5[%add3A_645, %dma_wait3A_676] : memref<100000x256xf32, #tpu.memory_space<hbm>> -> memref<112x256xf32, #tpu.memory_space<hbm>>
    %dma_wait3A_678 = arith.constant 0 : i32
    %dma_wait3A_679 = tpu.memref_slice %arg5[%add3A_645, %dma_wait3A_678] : memref<100000x256xf32, #tpu.memory_space<hbm>> -> memref<112x256xf32, #tpu.memory_space<hbm>>
    tpu.wait_dma2 semaphore(%arg19 : memref<!tpu.dma_semaphore, #tpu.memory_space<semaphore_mem>>) src(%arg12 : memref<112x256xf32, #tpu.memory_space<vmem>>) dst(%dma_wait3A_679 : memref<112x256xf32, #tpu.memory_space<hbm>>)
    %add3A_680 = arith.constant 2912 : i32
    %add3A_681 = arith.addi %min3A_3, %add3A_680 : i32
    %dma_start3A_682 = arith.constant 0 : i32
    %dma_start3A_683 = tpu.memref_slice %arg2[%add3A_681, %dma_start3A_682] : memref<100000x256xf32, #tpu.memory_space<hbm>> -> memref<112x256xf32, #tpu.memory_space<hbm>>
    %dma_start3A_684 = arith.constant 0 : i32
    %dma_start3A_685 = tpu.memref_slice %arg2[%add3A_681, %dma_start3A_684] : memref<100000x256xf32, #tpu.memory_space<hbm>> -> memref<112x256xf32, #tpu.memory_space<hbm>>
    tpu.enqueue_dma source(%dma_start3A_685 : memref<112x256xf32, #tpu.memory_space<hbm>>) target(%arg12 : memref<112x256xf32, #tpu.memory_space<vmem>>) target_semaphore(%arg17 : memref<!tpu.dma_semaphore, #tpu.memory_space<semaphore_mem>>)
    %scan3A_686 = arith.constant 0 : i32
    %scan3A_687 = arith.constant 962 : i32
    %scan3A_688 = arith.constant 37 : i32
    %scan3A_689 = arith.addi %scan3A_687, %scan3A_688 : i32
    %scan3A_690 = arith.constant 1 : i32
    scf.for %scan3A_857 = %scan3A_687 to %scan3A_689 step %scan3A_690  : i32 {
      %mul3A_858 = arith.constant 16 : i32
      %mul3A_859 = arith.muli %scan3A_857, %mul3A_858 : i32
      %get3A = arith.index_cast %mul3A_859 : i32 to index
      %get3A_860 = tpu.vector_load %arg6[%get3A] {strides = array<i32>} : memref<16384xi32, #tpu.memory_space<vmem>>, vector<16xi32>,
      %mul3A_861 = arith.constant 16 : i32
      %mul3A_862 = arith.muli %scan3A_857, %mul3A_861 : i32
      %add3A_863 = vector.broadcast %mul3A_862 : i32 to vector<16xi32>
      %add3A_864 = arith.addi %add3A_863, %iota3A : vector<16xi32>
      %mul3A_865 = arith.constant 16 : i32
      %mul3A_866 = vector.broadcast %mul3A_865 : i32 to vector<16xi32>
      %mul3A_867 = arith.muli %get3A_860, %mul3A_866 : vector<16xi32>
      %add3A_868 = arith.addi %mul3A_867, %iota3A : vector<16xi32>
      %masked_sort3A = arith.constant dense<true> : vector<16xi1>
      %masked_sort3A_869 = arith.constant -2147483648 : i32
      %masked_sort3A_870 = vector.broadcast %masked_sort3A_869 : i32 to vector<16xi32>
      %masked_sort3A_871 = arith.xori %add3A_868, %masked_sort3A_870 : vector<16xi32>
      %masked_sort3A_872, %masked_sort3A_873, %masked_sort3A_874 = tpu.sort %masked_sort3A_871, %add3A_864 masked %masked_sort3A : (vector<16xi32>, vector<16xi32>, vector<16xi1>) -> (vector<16xi1>, vector<16xi32>, vector<16xi32>)
      %masked_sort3A_875 = arith.xori %masked_sort3A_873, %masked_sort3A_870 : vector<16xi32>
      %shift_right_logical3A = arith.shrui %masked_sort3A_875, %broadcast_in_dim3A_4 : vector<16xi32>
      %swap3A = arith.constant 0 : index
      %swap3A_876 = tpu.vector_load %arg14[%swap3A] {strides = array<i32>} : memref<16xi32, #tpu.memory_space<vmem>>, vector<16xi32>,
      tpu.vector_store %arg14[%swap3A], %shift_right_logical3A {strides = array<i32>} : memref<16xi32, #tpu.memory_space<vmem>>, vector<16xi32>,
      %add3A_877 = arith.constant 1 : i32
      %add3A_878 = vector.broadcast %add3A_877 : i32 to vector<16xi32>
      %add3A_879 = arith.addi %iota3A, %add3A_878 : vector<16xi32>
      %min3A_880 = arith.constant 15 : i32
      %min3A_881 = vector.broadcast %min3A_880 : i32 to vector<16xi32>
      %min3A_882 = arith.minsi %add3A_879, %min3A_881 : vector<16xi32>
      %gather3A_883 = tpu.vector_load_idx %arg14[%min3A_882] : memref<16xi32, #tpu.memory_space<vmem>>[vector<16xi32>], vector<16xi32>,
      %sub3A_884 = vector.broadcast %min3A_3 : i32 to vector<16xi32>
      %sub3A_885 = arith.subi %shift_right_logical3A, %sub3A_884 : vector<16xi32>
      %ge3A = arith.constant 0 : i32
      %ge3A_886 = vector.broadcast %ge3A : i32 to vector<16xi32>
      %ge3A_887 = arith.cmpi sge, %sub3A_885, %ge3A_886 : vector<16xi32>
      %lt3A = arith.constant 3136 : i32
      %lt3A_888 = vector.broadcast %lt3A : i32 to vector<16xi32>
      %lt3A_889 = arith.cmpi slt, %sub3A_885, %lt3A_888 : vector<16xi32>
      %and3A_890 = arith.andi %ge3A_887, %lt3A_889 : vector<16xi1>
      %ne3A_891 = arith.cmpi ne, %shift_right_logical3A, %gather3A_883 : vector<16xi32>
      %eq3A = arith.constant 15 : i32
      %eq3A_892 = vector.broadcast %eq3A : i32 to vector<16xi32>
      %eq3A_893 = arith.cmpi eq, %iota3A, %eq3A_892 : vector<16xi32>
      %or3A = arith.ori %ne3A_891, %eq3A_893 : vector<16xi1>
      %and3A_894 = arith.andi %or3A, %and3A_890 : vector<16xi1>
      %jit3A_895 = arith.constant 0 : i32
      %jit3A_896 = arith.constant 3135 : i32
      %max3A_897 = vector.broadcast %jit3A_895 : i32 to vector<16xi32>
      %max3A_898 = arith.maxsi %max3A_897, %sub3A_885 : vector<16xi32>
      %min3A_899 = vector.broadcast %jit3A_896 : i32 to vector<16xi32>
      %min3A_900 = arith.minsi %min3A_899, %max3A_898 : vector<16xi32>
      tpu.vector_store_idx %arg7[%min3A_900], %masked_sort3A_874 masked %and3A_894 : memref<3136xi32, #tpu.memory_space<vmem>>[vector<16xi32>], vector<16xi32>, vector<16xi1>
    }
    %scan3A_691 = arith.constant 37 : i32
    %dma_wait3A_692 = arith.constant 0 : i32
    %dma_wait3A_693 = tpu.memref_slice %arg2[%add3A_681, %dma_wait3A_692] : memref<100000x256xf32, #tpu.memory_space<hbm>> -> memref<112x256xf32, #tpu.memory_space<hbm>>
    %dma_wait3A_694 = arith.constant 0 : i32
    %dma_wait3A_695 = tpu.memref_slice %arg2[%add3A_681, %dma_wait3A_694] : memref<100000x256xf32, #tpu.memory_space<hbm>> -> memref<112x256xf32, #tpu.memory_space<hbm>>
    tpu.wait_dma2 semaphore(%arg17 : memref<!tpu.dma_semaphore, #tpu.memory_space<semaphore_mem>>) src(%dma_wait3A_695 : memref<112x256xf32, #tpu.memory_space<hbm>>) dst(%arg12 : memref<112x256xf32, #tpu.memory_space<vmem>>)
    %add3A_696 = arith.constant 2912 : i32
    %add3A_697 = arith.addi %min3A_3, %add3A_696 : i32
    %dma_start3A_698 = arith.constant 0 : i32
    %dma_start3A_699 = tpu.memref_slice %arg5[%add3A_697, %dma_start3A_698] : memref<100000x256xf32, #tpu.memory_space<hbm>> -> memref<112x256xf32, #tpu.memory_space<hbm>>
    %dma_start3A_700 = arith.constant 0 : i32
    %dma_start3A_701 = tpu.memref_slice %arg5[%add3A_697, %dma_start3A_700] : memref<100000x256xf32, #tpu.memory_space<hbm>> -> memref<112x256xf32, #tpu.memory_space<hbm>>
    tpu.enqueue_dma source(%arg12 : memref<112x256xf32, #tpu.memory_space<vmem>>) target(%dma_start3A_701 : memref<112x256xf32, #tpu.memory_space<hbm>>) target_semaphore(%arg19 : memref<!tpu.dma_semaphore, #tpu.memory_space<semaphore_mem>>)
    %dma_wait3A_702 = arith.constant 0 : i32
    %dma_wait3A_703 = tpu.memref_slice %arg5[%add3A_671, %dma_wait3A_702] : memref<100000x256xf32, #tpu.memory_space<hbm>> -> memref<112x256xf32, #tpu.memory_space<hbm>>
    %dma_wait3A_704 = arith.constant 0 : i32
    %dma_wait3A_705 = tpu.memref_slice %arg5[%add3A_671, %dma_wait3A_704] : memref<100000x256xf32, #tpu.memory_space<hbm>> -> memref<112x256xf32, #tpu.memory_space<hbm>>
    tpu.wait_dma2 semaphore(%arg20 : memref<!tpu.dma_semaphore, #tpu.memory_space<semaphore_mem>>) src(%arg13 : memref<112x256xf32, #tpu.memory_space<vmem>>) dst(%dma_wait3A_705 : memref<112x256xf32, #tpu.memory_space<hbm>>)
    %add3A_706 = arith.constant 3024 : i32
    %add3A_707 = arith.addi %min3A_3, %add3A_706 : i32
    %dma_start3A_708 = arith.constant 0 : i32
    %dma_start3A_709 = tpu.memref_slice %arg2[%add3A_707, %dma_start3A_708] : memref<100000x256xf32, #tpu.memory_space<hbm>> -> memref<112x256xf32, #tpu.memory_space<hbm>>
    %dma_start3A_710 = arith.constant 0 : i32
    %dma_start3A_711 = tpu.memref_slice %arg2[%add3A_707, %dma_start3A_710] : memref<100000x256xf32, #tpu.memory_space<hbm>> -> memref<112x256xf32, #tpu.memory_space<hbm>>
    tpu.enqueue_dma source(%dma_start3A_711 : memref<112x256xf32, #tpu.memory_space<hbm>>) target(%arg13 : memref<112x256xf32, #tpu.memory_space<vmem>>) target_semaphore(%arg18 : memref<!tpu.dma_semaphore, #tpu.memory_space<semaphore_mem>>)
    %scan3A_712 = arith.constant 0 : i32
    %scan3A_713 = arith.constant 999 : i32
    %scan3A_714 = arith.constant 25 : i32
    %scan3A_715 = arith.addi %scan3A_713, %scan3A_714 : i32
    %scan3A_716 = arith.constant 1 : i32
    scf.for %scan3A_857 = %scan3A_713 to %scan3A_715 step %scan3A_716  : i32 {
      %mul3A_858 = arith.constant 16 : i32
      %mul3A_859 = arith.muli %scan3A_857, %mul3A_858 : i32
      %get3A = arith.index_cast %mul3A_859 : i32 to index
      %get3A_860 = tpu.vector_load %arg6[%get3A] {strides = array<i32>} : memref<16384xi32, #tpu.memory_space<vmem>>, vector<16xi32>,
      %mul3A_861 = arith.constant 16 : i32
      %mul3A_862 = arith.muli %scan3A_857, %mul3A_861 : i32
      %add3A_863 = vector.broadcast %mul3A_862 : i32 to vector<16xi32>
      %add3A_864 = arith.addi %add3A_863, %iota3A : vector<16xi32>
      %mul3A_865 = arith.constant 16 : i32
      %mul3A_866 = vector.broadcast %mul3A_865 : i32 to vector<16xi32>
      %mul3A_867 = arith.muli %get3A_860, %mul3A_866 : vector<16xi32>
      %add3A_868 = arith.addi %mul3A_867, %iota3A : vector<16xi32>
      %masked_sort3A = arith.constant dense<true> : vector<16xi1>
      %masked_sort3A_869 = arith.constant -2147483648 : i32
      %masked_sort3A_870 = vector.broadcast %masked_sort3A_869 : i32 to vector<16xi32>
      %masked_sort3A_871 = arith.xori %add3A_868, %masked_sort3A_870 : vector<16xi32>
      %masked_sort3A_872, %masked_sort3A_873, %masked_sort3A_874 = tpu.sort %masked_sort3A_871, %add3A_864 masked %masked_sort3A : (vector<16xi32>, vector<16xi32>, vector<16xi1>) -> (vector<16xi1>, vector<16xi32>, vector<16xi32>)
      %masked_sort3A_875 = arith.xori %masked_sort3A_873, %masked_sort3A_870 : vector<16xi32>
      %shift_right_logical3A = arith.shrui %masked_sort3A_875, %broadcast_in_dim3A_4 : vector<16xi32>
      %swap3A = arith.constant 0 : index
      %swap3A_876 = tpu.vector_load %arg14[%swap3A] {strides = array<i32>} : memref<16xi32, #tpu.memory_space<vmem>>, vector<16xi32>,
      tpu.vector_store %arg14[%swap3A], %shift_right_logical3A {strides = array<i32>} : memref<16xi32, #tpu.memory_space<vmem>>, vector<16xi32>,
      %add3A_877 = arith.constant 1 : i32
      %add3A_878 = vector.broadcast %add3A_877 : i32 to vector<16xi32>
      %add3A_879 = arith.addi %iota3A, %add3A_878 : vector<16xi32>
      %min3A_880 = arith.constant 15 : i32
      %min3A_881 = vector.broadcast %min3A_880 : i32 to vector<16xi32>
      %min3A_882 = arith.minsi %add3A_879, %min3A_881 : vector<16xi32>
      %gather3A_883 = tpu.vector_load_idx %arg14[%min3A_882] : memref<16xi32, #tpu.memory_space<vmem>>[vector<16xi32>], vector<16xi32>,
      %sub3A_884 = vector.broadcast %min3A_3 : i32 to vector<16xi32>
      %sub3A_885 = arith.subi %shift_right_logical3A, %sub3A_884 : vector<16xi32>
      %ge3A = arith.constant 0 : i32
      %ge3A_886 = vector.broadcast %ge3A : i32 to vector<16xi32>
      %ge3A_887 = arith.cmpi sge, %sub3A_885, %ge3A_886 : vector<16xi32>
      %lt3A = arith.constant 3136 : i32
      %lt3A_888 = vector.broadcast %lt3A : i32 to vector<16xi32>
      %lt3A_889 = arith.cmpi slt, %sub3A_885, %lt3A_888 : vector<16xi32>
      %and3A_890 = arith.andi %ge3A_887, %lt3A_889 : vector<16xi1>
      %ne3A_891 = arith.cmpi ne, %shift_right_logical3A, %gather3A_883 : vector<16xi32>
      %eq3A = arith.constant 15 : i32
      %eq3A_892 = vector.broadcast %eq3A : i32 to vector<16xi32>
      %eq3A_893 = arith.cmpi eq, %iota3A, %eq3A_892 : vector<16xi32>
      %or3A = arith.ori %ne3A_891, %eq3A_893 : vector<16xi1>
      %and3A_894 = arith.andi %or3A, %and3A_890 : vector<16xi1>
      %jit3A_895 = arith.constant 0 : i32
      %jit3A_896 = arith.constant 3135 : i32
      %max3A_897 = vector.broadcast %jit3A_895 : i32 to vector<16xi32>
      %max3A_898 = arith.maxsi %max3A_897, %sub3A_885 : vector<16xi32>
      %min3A_899 = vector.broadcast %jit3A_896 : i32 to vector<16xi32>
      %min3A_900 = arith.minsi %min3A_899, %max3A_898 : vector<16xi32>
      tpu.vector_store_idx %arg7[%min3A_900], %masked_sort3A_874 masked %and3A_894 : memref<3136xi32, #tpu.memory_space<vmem>>[vector<16xi32>], vector<16xi32>, vector<16xi1>
    }
    %scan3A_717 = arith.constant 25 : i32
    %dma_wait3A_718 = arith.constant 0 : i32
    %dma_wait3A_719 = tpu.memref_slice %arg2[%add3A_707, %dma_wait3A_718] : memref<100000x256xf32, #tpu.memory_space<hbm>> -> memref<112x256xf32, #tpu.memory_space<hbm>>
    %dma_wait3A_720 = arith.constant 0 : i32
    %dma_wait3A_721 = tpu.memref_slice %arg2[%add3A_707, %dma_wait3A_720] : memref<100000x256xf32, #tpu.memory_space<hbm>> -> memref<112x256xf32, #tpu.memory_space<hbm>>
    tpu.wait_dma2 semaphore(%arg18 : memref<!tpu.dma_semaphore, #tpu.memory_space<semaphore_mem>>) src(%dma_wait3A_721 : memref<112x256xf32, #tpu.memory_space<hbm>>) dst(%arg13 : memref<112x256xf32, #tpu.memory_space<vmem>>)
    %add3A_722 = arith.constant 3024 : i32
    %add3A_723 = arith.addi %min3A_3, %add3A_722 : i32
    %dma_start3A_724 = arith.constant 0 : i32
    %dma_start3A_725 = tpu.memref_slice %arg5[%add3A_723, %dma_start3A_724] : memref<100000x256xf32, #tpu.memory_space<hbm>> -> memref<112x256xf32, #tpu.memory_space<hbm>>
    %dma_start3A_726 = arith.constant 0 : i32
    %dma_start3A_727 = tpu.memref_slice %arg5[%add3A_723, %dma_start3A_726] : memref<100000x256xf32, #tpu.memory_space<hbm>> -> memref<112x256xf32, #tpu.memory_space<hbm>>
    tpu.enqueue_dma source(%arg13 : memref<112x256xf32, #tpu.memory_space<vmem>>) target(%dma_start3A_727 : memref<112x256xf32, #tpu.memory_space<hbm>>) target_semaphore(%arg20 : memref<!tpu.dma_semaphore, #tpu.memory_space<semaphore_mem>>)
    %dma_wait3A_728 = arith.constant 0 : i32
    %dma_wait3A_729 = tpu.memref_slice %arg5[%add3A_697, %dma_wait3A_728] : memref<100000x256xf32, #tpu.memory_space<hbm>> -> memref<112x256xf32, #tpu.memory_space<hbm>>
    %dma_wait3A_730 = arith.constant 0 : i32
    %dma_wait3A_731 = tpu.memref_slice %arg5[%add3A_697, %dma_wait3A_730] : memref<100000x256xf32, #tpu.memory_space<hbm>> -> memref<112x256xf32, #tpu.memory_space<hbm>>
    tpu.wait_dma2 semaphore(%arg19 : memref<!tpu.dma_semaphore, #tpu.memory_space<semaphore_mem>>) src(%arg12 : memref<112x256xf32, #tpu.memory_space<vmem>>) dst(%dma_wait3A_731 : memref<112x256xf32, #tpu.memory_space<hbm>>)
    %dma_wait3A_732 = arith.constant 0 : i32
    %dma_wait3A_733 = tpu.memref_slice %arg5[%add3A_723, %dma_wait3A_732] : memref<100000x256xf32, #tpu.memory_space<hbm>> -> memref<112x256xf32, #tpu.memory_space<hbm>>
    %dma_wait3A_734 = arith.constant 0 : i32
    %dma_wait3A_735 = tpu.memref_slice %arg5[%add3A_723, %dma_wait3A_734] : memref<100000x256xf32, #tpu.memory_space<hbm>> -> memref<112x256xf32, #tpu.memory_space<hbm>>
    tpu.wait_dma2 semaphore(%arg20 : memref<!tpu.dma_semaphore, #tpu.memory_space<semaphore_mem>>) src(%arg13 : memref<112x256xf32, #tpu.memory_space<vmem>>) dst(%dma_wait3A_735 : memref<112x256xf32, #tpu.memory_space<hbm>>)
    %scan3A_736 = arith.constant 0 : i32
    %scan3A_737 = arith.constant 0 : i32
    %scan3A_738 = arith.constant 196 : i32
    %scan3A_739 = arith.addi %scan3A_737, %scan3A_738 : i32
    %scan3A_740 = arith.constant 1 : i32
    %scan3A_741 = scf.for %scan3A_857 = %scan3A_737 to %scan3A_739 step %scan3A_740 iter_args(%scan3A_858 = %scan3A_736) -> (i32)  : i32 {
      %mul3A_859 = arith.constant 16 : i32
      %mul3A_860 = arith.muli %scan3A_857, %mul3A_859 : i32
      %get3A = arith.index_cast %mul3A_860 : i32 to index
      %get3A_861 = tpu.vector_load %arg7[%get3A] {strides = array<i32>} : memref<3136xi32, #tpu.memory_space<vmem>>, vector<16xi32>,
      %ge3A = arith.constant 0 : i32
      %ge3A_862 = vector.broadcast %ge3A : i32 to vector<16xi32>
      %ge3A_863 = arith.cmpi sge, %get3A_861, %ge3A_862 : vector<16xi32>
      %mul3A_864 = arith.constant 16 : i32
      %mul3A_865 = arith.muli %scan3A_857, %mul3A_864 : i32
      %add3A_866 = vector.broadcast %mul3A_865 : i32 to vector<16xi32>
      %add3A_867 = arith.addi %add3A_866, %iota3A : vector<16xi32>
      %swap3A = arith.index_cast %scan3A_858 : i32 to index
      %swap3A_868 = tpu.vector_load %arg9[%swap3A] masked %ge3A_863 {strides = array<i32>} : memref<3200xi32, #tpu.memory_space<vmem>>, vector<16xi32>, vector<16xi1>
      tpu.vector_store %arg9[%swap3A], %add3A_867 masked %ge3A_863 {strides = array<i32>} : memref<3200xi32, #tpu.memory_space<vmem>>, vector<16xi32>, vector<16xi1>
      %swap3A_869 = arith.index_cast %scan3A_858 : i32 to index
      %swap3A_870 = tpu.vector_load %arg8[%swap3A_869] masked %ge3A_863 {strides = array<i32>} : memref<3200xi32, #tpu.memory_space<vmem>>, vector<16xi32>, vector<16xi1>
      tpu.vector_store %arg8[%swap3A_869], %get3A_861 masked %ge3A_863 {strides = array<i32>} : memref<3200xi32, #tpu.memory_space<vmem>>, vector<16xi32>, vector<16xi1>
      %jit3A_871 = arith.constant 1 : i32
      %jit3A_872 = arith.constant 0 : i32
      %broadcast_in_dim3A_873 = vector.broadcast %jit3A_871 : i32 to vector<16xi32>
      %broadcast_in_dim3A_874 = vector.broadcast %jit3A_872 : i32 to vector<16xi32>
      %select_n3A_875 = arith.select %ge3A_863, %broadcast_in_dim3A_873, %broadcast_in_dim3A_874 : vector<16xi1>, vector<16xi32>
      %reduce_sum3A = arith.constant true
      %reduce_sum3A_876 = vector.broadcast %reduce_sum3A : i1 to vector<16xi1>
      %reduce_sum3A_877 = tpu.scan <sum>, %select_n3A_875 masked %reduce_sum3A_876 : vector<16xi32>, vector<16xi1> -> vector<16xi32>
      %reduce_sum3A_878 = vector.extract %reduce_sum3A_877[15] : i32 from vector<16xi32>
      %add3A_879 = arith.addi %scan3A_858, %reduce_sum3A_878 : i32
      scf.yield %add3A_879 : i32
    }
    %scan3A_742 = arith.constant 196 : i32
    %add3A_743 = arith.constant 127 : i32
    %add3A_744 = arith.addi %scan3A_741, %add3A_743 : i32
    %jit3A = arith.constant 128 : i32
    %div3A = arith.divsi %add3A_744, %jit3A : i32
    %sign3A = arith.constant 0 : i32
    %sign3A_745 = arith.cmpi sgt, %add3A_744, %sign3A : i32
    %sign3A_746 = arith.extui %sign3A_745 : i1 to i32
    %sign3A_747 = arith.constant 0 : i32
    %sign3A_748 = arith.cmpi slt, %add3A_744, %sign3A_747 : i32
    %sign3A_749 = arith.extui %sign3A_748 : i1 to i32
    %sign3A_750 = arith.subi %sign3A_746, %sign3A_749 : i32
    %sign3A_751 = arith.constant 0 : i32
    %sign3A_752 = arith.cmpi sgt, %jit3A, %sign3A_751 : i32
    %sign3A_753 = arith.extui %sign3A_752 : i1 to i32
    %sign3A_754 = arith.constant 0 : i32
    %sign3A_755 = arith.cmpi slt, %jit3A, %sign3A_754 : i32
    %sign3A_756 = arith.extui %sign3A_755 : i1 to i32
    %sign3A_757 = arith.subi %sign3A_753, %sign3A_756 : i32
    %ne3A = arith.cmpi ne, %sign3A_750, %sign3A_757 : i32
    %rem3A = arith.remsi %add3A_744, %jit3A : i32
    %ne3A_758 = arith.constant 0 : i32
    %ne3A_759 = arith.cmpi ne, %rem3A, %ne3A_758 : i32
    %and3A = arith.andi %ne3A, %ne3A_759 : i1
    %sub3A = arith.constant 1 : i32
    %sub3A_760 = arith.subi %div3A, %sub3A : i32
    %select_n3A = arith.select %and3A, %sub3A_760, %div3A : i32
    %sub3A_761 = arith.constant 1 : i32
    %sub3A_762 = arith.subi %scan3A_741, %sub3A_761 : i32
    %max3A = arith.constant 0 : i32
    %max3A_763 = arith.maxsi %sub3A_762, %max3A : i32
    %broadcast_in_dim3A_764 = arith.constant 0 : i32
    %broadcast_in_dim3A_765 = vector.broadcast %broadcast_in_dim3A_764 : i32 to vector<16xi32>
    %add3A_766 = vector.broadcast %max3A_763 : i32 to vector<16xi32>
    %add3A_767 = arith.addi %broadcast_in_dim3A_765, %add3A_766 : vector<16xi32>
    %gather3A = tpu.vector_load_idx %arg9[%add3A_767] : memref<3200xi32, #tpu.memory_space<vmem>>[vector<16xi32>], vector<16xi32>,
    %broadcast_in_dim3A_768 = arith.constant 0 : i32
    %broadcast_in_dim3A_769 = vector.broadcast %broadcast_in_dim3A_768 : i32 to vector<16xi32>
    %add3A_770 = vector.broadcast %max3A_763 : i32 to vector<16xi32>
    %add3A_771 = arith.addi %broadcast_in_dim3A_769, %add3A_770 : vector<16xi32>
    %gather3A_772 = tpu.vector_load_idx %arg8[%add3A_771] : memref<3200xi32, #tpu.memory_space<vmem>>[vector<16xi32>], vector<16xi32>,
    %jit3A_773 = arith.constant 16 : i32
    %div3A_774 = arith.divsi %max3A_763, %jit3A_773 : i32
    %sign3A_775 = arith.constant 0 : i32
    %sign3A_776 = arith.cmpi sgt, %max3A_763, %sign3A_775 : i32
    %sign3A_777 = arith.extui %sign3A_776 : i1 to i32
    %sign3A_778 = arith.constant 0 : i32
    %sign3A_779 = arith.cmpi slt, %max3A_763, %sign3A_778 : i32
    %sign3A_780 = arith.extui %sign3A_779 : i1 to i32
    %sign3A_781 = arith.subi %sign3A_777, %sign3A_780 : i32
    %sign3A_782 = arith.constant 0 : i32
    %sign3A_783 = arith.cmpi sgt, %jit3A_773, %sign3A_782 : i32
    %sign3A_784 = arith.extui %sign3A_783 : i1 to i32
    %sign3A_785 = arith.constant 0 : i32
    %sign3A_786 = arith.cmpi slt, %jit3A_773, %sign3A_785 : i32
    %sign3A_787 = arith.extui %sign3A_786 : i1 to i32
    %sign3A_788 = arith.subi %sign3A_784, %sign3A_787 : i32
    %ne3A_789 = arith.cmpi ne, %sign3A_781, %sign3A_788 : i32
    %rem3A_790 = arith.remsi %max3A_763, %jit3A_773 : i32
    %ne3A_791 = arith.constant 0 : i32
    %ne3A_792 = arith.cmpi ne, %rem3A_790, %ne3A_791 : i32
    %and3A_793 = arith.andi %ne3A_789, %ne3A_792 : i1
    %sub3A_794 = arith.constant 1 : i32
    %sub3A_795 = arith.subi %div3A_774, %sub3A_794 : i32
    %select_n3A_796 = arith.select %and3A_793, %sub3A_795, %div3A_774 : i32
    %jit3A_797 = arith.constant 16 : i32
    %div3A_798 = arith.divsi %max3A_763, %jit3A_797 : i32
    %sign3A_799 = arith.constant 0 : i32
    %sign3A_800 = arith.cmpi sgt, %max3A_763, %sign3A_799 : i32
    %sign3A_801 = arith.extui %sign3A_800 : i1 to i32
    %sign3A_802 = arith.constant 0 : i32
    %sign3A_803 = arith.cmpi slt, %max3A_763, %sign3A_802 : i32
    %sign3A_804 = arith.extui %sign3A_803 : i1 to i32
    %sign3A_805 = arith.subi %sign3A_801, %sign3A_804 : i32
    %sign3A_806 = arith.constant 0 : i32
    %sign3A_807 = arith.cmpi sgt, %jit3A_797, %sign3A_806 : i32
    %sign3A_808 = arith.extui %sign3A_807 : i1 to i32
    %sign3A_809 = arith.constant 0 : i32
    %sign3A_810 = arith.cmpi slt, %jit3A_797, %sign3A_809 : i32
    %sign3A_811 = arith.extui %sign3A_810 : i1 to i32
    %sign3A_812 = arith.subi %sign3A_808, %sign3A_811 : i32
    %ne3A_813 = arith.cmpi ne, %sign3A_805, %sign3A_812 : i32
    %rem3A_814 = arith.remsi %max3A_763, %jit3A_797 : i32
    %ne3A_815 = arith.constant 0 : i32
    %ne3A_816 = arith.cmpi ne, %rem3A_814, %ne3A_815 : i32
    %and3A_817 = arith.andi %ne3A_813, %ne3A_816 : i1
    %sub3A_818 = arith.constant 1 : i32
    %sub3A_819 = arith.subi %div3A_798, %sub3A_818 : i32
    %select_n3A_820 = arith.select %and3A_817, %sub3A_819, %div3A_798 : i32
    %add3A_821 = arith.constant 8 : i32
    %add3A_822 = arith.addi %select_n3A_820, %add3A_821 : i32
    %add3A_823 = arith.constant 1 : i32
    %add3A_824 = arith.addi %add3A_822, %add3A_823 : i32
    %min3A_825 = arith.constant 200 : i32
    %min3A_826 = arith.minsi %add3A_824, %min3A_825 : i32
    %while3A = arith.constant 0 : i32
    %while3A_827 = arith.subi %min3A_826, %select_n3A_796 : i32
    %while3A_828 = arith.addi %select_n3A_796, %while3A_827 : i32
    %while3A_829 = arith.constant 1 : i32
    %while3A_830 = arith.divsi %while3A_827, %while3A_829 : i32
    %while3A_831 = arith.muli %while3A_830, %while3A_829 : i32
    %while3A_832 = arith.addi %select_n3A_796, %while3A_831 : i32
    %while3A_833 = arith.constant 1 : i32
    scf.for %while3A_857 = %select_n3A_796 to %while3A_832 step %while3A_833  : i32 {
      %mul3A_858 = arith.constant 16 : i32
      %mul3A_859 = arith.muli %while3A_857, %mul3A_858 : i32
      %add3A_860 = vector.broadcast %mul3A_859 : i32 to vector<16xi32>
      %add3A_861 = arith.addi %add3A_860, %iota3A : vector<16xi32>
      %ge3A = vector.broadcast %scan3A_741 : i32 to vector<16xi32>
      %ge3A_862 = arith.cmpi sge, %add3A_861, %ge3A : vector<16xi32>
      %mul3A_863 = arith.constant 128 : i32
      %mul3A_864 = arith.muli %select_n3A, %mul3A_863 : i32
      %lt3A = vector.broadcast %mul3A_864 : i32 to vector<16xi32>
      %lt3A_865 = arith.cmpi slt, %add3A_861, %lt3A : vector<16xi32>
      %and3A_866 = arith.andi %ge3A_862, %lt3A_865 : vector<16xi1>
      %jit3A_867 = arith.constant 0 : i32
      %jit3A_868 = arith.constant 3199 : i32
      %max3A_869 = vector.broadcast %jit3A_867 : i32 to vector<16xi32>
      %max3A_870 = arith.maxsi %max3A_869, %add3A_861 : vector<16xi32>
      %min3A_871 = vector.broadcast %jit3A_868 : i32 to vector<16xi32>
      %min3A_872 = arith.minsi %min3A_871, %max3A_870 : vector<16xi32>
      tpu.vector_store_idx %arg9[%min3A_872], %gather3A masked %and3A_866 : memref<3200xi32, #tpu.memory_space<vmem>>[vector<16xi32>], vector<16xi32>, vector<16xi1>
      %jit3A_873 = arith.constant 0 : i32
      %jit3A_874 = arith.constant 3199 : i32
      %max3A_875 = vector.broadcast %jit3A_873 : i32 to vector<16xi32>
      %max3A_876 = arith.maxsi %max3A_875, %add3A_861 : vector<16xi32>
      %min3A_877 = vector.broadcast %jit3A_874 : i32 to vector<16xi32>
      %min3A_878 = arith.minsi %min3A_877, %max3A_876 : vector<16xi32>
      tpu.vector_store_idx %arg8[%min3A_878], %gather3A_772 masked %and3A_866 : memref<3200xi32, #tpu.memory_space<vmem>>[vector<16xi32>], vector<16xi32>, vector<16xi1>
    }
    %while3A_834 = arith.constant 1 : i32
    scf.for %while3A_857 = %while3A_832 to %while3A_828 step %while3A_834  : i32 {
      %mul3A_858 = arith.constant 16 : i32
      %mul3A_859 = arith.muli %while3A_857, %mul3A_858 : i32
      %add3A_860 = vector.broadcast %mul3A_859 : i32 to vector<16xi32>
      %add3A_861 = arith.addi %add3A_860, %iota3A : vector<16xi32>
      %ge3A = vector.broadcast %scan3A_741 : i32 to vector<16xi32>
      %ge3A_862 = arith.cmpi sge, %add3A_861, %ge3A : vector<16xi32>
      %mul3A_863 = arith.constant 128 : i32
      %mul3A_864 = arith.muli %select_n3A, %mul3A_863 : i32
      %lt3A = vector.broadcast %mul3A_864 : i32 to vector<16xi32>
      %lt3A_865 = arith.cmpi slt, %add3A_861, %lt3A : vector<16xi32>
      %and3A_866 = arith.andi %ge3A_862, %lt3A_865 : vector<16xi1>
      %jit3A_867 = arith.constant 0 : i32
      %jit3A_868 = arith.constant 3199 : i32
      %max3A_869 = vector.broadcast %jit3A_867 : i32 to vector<16xi32>
      %max3A_870 = arith.maxsi %max3A_869, %add3A_861 : vector<16xi32>
      %min3A_871 = vector.broadcast %jit3A_868 : i32 to vector<16xi32>
      %min3A_872 = arith.minsi %min3A_871, %max3A_870 : vector<16xi32>
      tpu.vector_store_idx %arg9[%min3A_872], %gather3A masked %and3A_866 : memref<3200xi32, #tpu.memory_space<vmem>>[vector<16xi32>], vector<16xi32>, vector<16xi1>
      %jit3A_873 = arith.constant 0 : i32
      %jit3A_874 = arith.constant 3199 : i32
      %max3A_875 = vector.broadcast %jit3A_873 : i32 to vector<16xi32>
      %max3A_876 = arith.maxsi %max3A_875, %add3A_861 : vector<16xi32>
      %min3A_877 = vector.broadcast %jit3A_874 : i32 to vector<16xi32>
      %min3A_878 = arith.minsi %min3A_877, %max3A_876 : vector<16xi32>
      tpu.vector_store_idx %arg8[%min3A_878], %gather3A_772 masked %and3A_866 : memref<3200xi32, #tpu.memory_space<vmem>>[vector<16xi32>], vector<16xi32>, vector<16xi1>
    }
    %mul3A_835 = arith.constant 8 : i32
    %mul3A_836 = arith.muli %select_n3A, %mul3A_835 : i32
    %while3A_837 = arith.constant 0 : i32
    %while3A_838 = arith.constant 0 : i32
    %while3A_839 = arith.subi %mul3A_836, %while3A_838 : i32
    %while3A_840 = arith.addi %while3A_838, %while3A_839 : i32
    %while3A_841 = arith.constant 1 : i32
    %while3A_842 = arith.divsi %while3A_839, %while3A_841 : i32
    %while3A_843 = arith.muli %while3A_842, %while3A_841 : i32
    %while3A_844 = arith.addi %while3A_838, %while3A_843 : i32
    %while3A_845 = arith.constant 1 : i32
    scf.for %while3A_857 = %while3A_838 to %while3A_844 step %while3A_845  : i32 {
      %jit3A_858 = arith.constant 8 : i32
      %div3A_859 = arith.divsi %while3A_857, %jit3A_858 : i32
      %sign3A_860 = arith.constant 0 : i32
      %sign3A_861 = arith.cmpi sgt, %while3A_857, %sign3A_860 : i32
      %sign3A_862 = arith.extui %sign3A_861 : i1 to i32
      %sign3A_863 = arith.constant 0 : i32
      %sign3A_864 = arith.cmpi slt, %while3A_857, %sign3A_863 : i32
      %sign3A_865 = arith.extui %sign3A_864 : i1 to i32
      %sign3A_866 = arith.subi %sign3A_862, %sign3A_865 : i32
      %sign3A_867 = arith.constant 0 : i32
      %sign3A_868 = arith.cmpi sgt, %jit3A_858, %sign3A_867 : i32
      %sign3A_869 = arith.extui %sign3A_868 : i1 to i32
      %sign3A_870 = arith.constant 0 : i32
      %sign3A_871 = arith.cmpi slt, %jit3A_858, %sign3A_870 : i32
      %sign3A_872 = arith.extui %sign3A_871 : i1 to i32
      %sign3A_873 = arith.subi %sign3A_869, %sign3A_872 : i32
      %ne3A_874 = arith.cmpi ne, %sign3A_866, %sign3A_873 : i32
      %rem3A_875 = arith.remsi %while3A_857, %jit3A_858 : i32
      %ne3A_876 = arith.constant 0 : i32
      %ne3A_877 = arith.cmpi ne, %rem3A_875, %ne3A_876 : i32
      %and3A_878 = arith.andi %ne3A_874, %ne3A_877 : i1
      %sub3A_879 = arith.constant 1 : i32
      %sub3A_880 = arith.subi %div3A_859, %sub3A_879 : i32
      %select_n3A_881 = arith.select %and3A_878, %sub3A_880, %div3A_859 : i32
      %jit3A_882 = arith.constant 8 : i32
      %eq3A = arith.constant 0 : i32
      %eq3A_883 = arith.cmpi eq, %jit3A_882, %eq3A : i32
      %jit3A_884 = arith.constant 1 : i32
      %select_n3A_885 = arith.select %eq3A_883, %jit3A_884, %jit3A_882 : i32
      %rem3A_886 = arith.remsi %while3A_857, %select_n3A_885 : i32
      %ne3A_887 = arith.constant 0 : i32
      %ne3A_888 = arith.cmpi ne, %rem3A_886, %ne3A_887 : i32
      %lt3A = arith.constant 0 : i32
      %lt3A_889 = arith.cmpi slt, %rem3A_886, %lt3A : i32
      %lt3A_890 = arith.constant 0 : i32
      %lt3A_891 = arith.cmpi slt, %select_n3A_885, %lt3A_890 : i32
      %ne3A_892 = arith.xori %lt3A_889, %lt3A_891 : i1
      %and3A_893 = arith.andi %ne3A_892, %ne3A_888 : i1
      %add3A_894 = arith.addi %rem3A_886, %select_n3A_885 : i32
      %select_n3A_895 = arith.select %and3A_893, %add3A_894, %rem3A_886 : i32
      %mul3A_896 = arith.constant 16 : i32
      %mul3A_897 = arith.muli %while3A_857, %mul3A_896 : i32
      %get3A = arith.index_cast %mul3A_897 : i32 to index
      %get3A_898 = tpu.vector_load %arg9[%get3A] {strides = array<i32>} : memref<3200xi32, #tpu.memory_space<vmem>>, vector<16xi32>,
      %add3A_899 = vector.broadcast %min3A_3 : i32 to vector<16xi32>
      %add3A_900 = arith.addi %get3A_898, %add3A_899 : vector<16xi32>
      %broadcast_in_dim3A_901 = arith.constant 0 : i32
      %broadcast_in_dim3A_902 = vector.broadcast %broadcast_in_dim3A_901 : i32 to vector<16xi32>
      %add3A_903 = vector.broadcast %select_n3A_881 : i32 to vector<16xi32>
      %add3A_904 = arith.addi %broadcast_in_dim3A_902, %add3A_903 : vector<16xi32>
      %mul3A_905 = arith.constant 16 : i32
      %mul3A_906 = arith.muli %select_n3A_895, %mul3A_905 : i32
      %add3A_907 = vector.broadcast %mul3A_906 : i32 to vector<16xi32>
      %add3A_908 = arith.addi %add3A_907, %iota3A : vector<16xi32>
      tpu.vector_store_idx %arg10[%add3A_904, %add3A_908], %add3A_900 : memref<25x128xi32, #tpu.memory_space<vmem>>[vector<16xi32>, vector<16xi32>], vector<16xi32>,
    }
    %while3A_846 = arith.constant 1 : i32
    scf.for %while3A_857 = %while3A_844 to %while3A_840 step %while3A_846  : i32 {
      %jit3A_858 = arith.constant 8 : i32
      %div3A_859 = arith.divsi %while3A_857, %jit3A_858 : i32
      %sign3A_860 = arith.constant 0 : i32
      %sign3A_861 = arith.cmpi sgt, %while3A_857, %sign3A_860 : i32
      %sign3A_862 = arith.extui %sign3A_861 : i1 to i32
      %sign3A_863 = arith.constant 0 : i32
      %sign3A_864 = arith.cmpi slt, %while3A_857, %sign3A_863 : i32
      %sign3A_865 = arith.extui %sign3A_864 : i1 to i32
      %sign3A_866 = arith.subi %sign3A_862, %sign3A_865 : i32
      %sign3A_867 = arith.constant 0 : i32
      %sign3A_868 = arith.cmpi sgt, %jit3A_858, %sign3A_867 : i32
      %sign3A_869 = arith.extui %sign3A_868 : i1 to i32
      %sign3A_870 = arith.constant 0 : i32
      %sign3A_871 = arith.cmpi slt, %jit3A_858, %sign3A_870 : i32
      %sign3A_872 = arith.extui %sign3A_871 : i1 to i32
      %sign3A_873 = arith.subi %sign3A_869, %sign3A_872 : i32
      %ne3A_874 = arith.cmpi ne, %sign3A_866, %sign3A_873 : i32
      %rem3A_875 = arith.remsi %while3A_857, %jit3A_858 : i32
      %ne3A_876 = arith.constant 0 : i32
      %ne3A_877 = arith.cmpi ne, %rem3A_875, %ne3A_876 : i32
      %and3A_878 = arith.andi %ne3A_874, %ne3A_877 : i1
      %sub3A_879 = arith.constant 1 : i32
      %sub3A_880 = arith.subi %div3A_859, %sub3A_879 : i32
      %select_n3A_881 = arith.select %and3A_878, %sub3A_880, %div3A_859 : i32
      %jit3A_882 = arith.constant 8 : i32
      %eq3A = arith.constant 0 : i32
      %eq3A_883 = arith.cmpi eq, %jit3A_882, %eq3A : i32
      %jit3A_884 = arith.constant 1 : i32
      %select_n3A_885 = arith.select %eq3A_883, %jit3A_884, %jit3A_882 : i32
      %rem3A_886 = arith.remsi %while3A_857, %select_n3A_885 : i32
      %ne3A_887 = arith.constant 0 : i32
      %ne3A_888 = arith.cmpi ne, %rem3A_886, %ne3A_887 : i32
      %lt3A = arith.constant 0 : i32
      %lt3A_889 = arith.cmpi slt, %rem3A_886, %lt3A : i32
      %lt3A_890 = arith.constant 0 : i32
      %lt3A_891 = arith.cmpi slt, %select_n3A_885, %lt3A_890 : i32
      %ne3A_892 = arith.xori %lt3A_889, %lt3A_891 : i1
      %and3A_893 = arith.andi %ne3A_892, %ne3A_888 : i1
      %add3A_894 = arith.addi %rem3A_886, %select_n3A_885 : i32
      %select_n3A_895 = arith.select %and3A_893, %add3A_894, %rem3A_886 : i32
      %mul3A_896 = arith.constant 16 : i32
      %mul3A_897 = arith.muli %while3A_857, %mul3A_896 : i32
      %get3A = arith.index_cast %mul3A_897 : i32 to index
      %get3A_898 = tpu.vector_load %arg9[%get3A] {strides = array<i32>} : memref<3200xi32, #tpu.memory_space<vmem>>, vector<16xi32>,
      %add3A_899 = vector.broadcast %min3A_3 : i32 to vector<16xi32>
      %add3A_900 = arith.addi %get3A_898, %add3A_899 : vector<16xi32>
      %broadcast_in_dim3A_901 = arith.constant 0 : i32
      %broadcast_in_dim3A_902 = vector.broadcast %broadcast_in_dim3A_901 : i32 to vector<16xi32>
      %add3A_903 = vector.broadcast %select_n3A_881 : i32 to vector<16xi32>
      %add3A_904 = arith.addi %broadcast_in_dim3A_902, %add3A_903 : vector<16xi32>
      %mul3A_905 = arith.constant 16 : i32
      %mul3A_906 = arith.muli %select_n3A_895, %mul3A_905 : i32
      %add3A_907 = vector.broadcast %mul3A_906 : i32 to vector<16xi32>
      %add3A_908 = arith.addi %add3A_907, %iota3A : vector<16xi32>
      tpu.vector_store_idx %arg10[%add3A_904, %add3A_908], %add3A_900 : memref<25x128xi32, #tpu.memory_space<vmem>>[vector<16xi32>, vector<16xi32>], vector<16xi32>,
    }
    %barrier3A = arith.constant 0 : index
    tpu.barrier barrier_id(%barrier3A)
    %while3A_847 = arith.constant 0 : i32
    %while3A_848 = arith.constant 0 : i32
    %while3A_849 = arith.subi %select_n3A, %while3A_848 : i32
    %while3A_850 = arith.addi %while3A_848, %while3A_849 : i32
    %while3A_851 = arith.constant 1 : i32
    %while3A_852 = arith.divsi %while3A_849, %while3A_851 : i32
    %while3A_853 = arith.muli %while3A_852, %while3A_851 : i32
    %while3A_854 = arith.addi %while3A_848, %while3A_853 : i32
    %while3A_855 = arith.constant 1 : i32
    scf.for %while3A_857 = %while3A_848 to %while3A_854 step %while3A_855  : i32 {
      %mul3A_858 = arith.constant 128 : i32
      %mul3A_859 = arith.muli %while3A_857, %mul3A_858 : i32
      %dma_start3A_860 = tpu.memref_slice %arg8[%mul3A_859] : memref<3200xi32, #tpu.memory_space<vmem>> -> memref<128xi32, #tpu.memory_space<vmem>>
      %dma_start3A_861 = arith.constant 0 : i32
      %dma_start3A_862 = arith.constant 0 : i32
      %dma_start3A_863 = tpu.memref_slice %arg4[%dma_start3A_861, %dma_start3A_862] : memref<16384x256xf32, #tpu.memory_space<hbm>> -> memref<16384x256xf32, #tpu.memory_space<hbm>>
      tpu.enqueue_indirect_dma source(%dma_start3A_863 : memref<16384x256xf32, #tpu.memory_space<hbm>>) target(%arg11 : memref<128x256xf32, #tpu.memory_space<vmem>>) offsets(%dma_start3A_860 : memref<128xi32, #tpu.memory_space<vmem>>) semaphore(%arg15 : memref<!tpu.dma_semaphore, #tpu.memory_space<semaphore_mem>>)
      %dma_wait3A_864 = tpu.memref_slice %arg8[%mul3A_859] : memref<3200xi32, #tpu.memory_space<vmem>> -> memref<128xi32, #tpu.memory_space<vmem>>
      %dma_wait3A_865 = arith.constant 0 : i32
      %dma_wait3A_866 = arith.constant 0 : i32
      %dma_wait3A_867 = tpu.memref_slice %arg4[%dma_wait3A_865, %dma_wait3A_866] : memref<16384x256xf32, #tpu.memory_space<hbm>> -> memref<16384x256xf32, #tpu.memory_space<hbm>>
      tpu.wait_indirect_dma semaphore(%arg15 : memref<!tpu.dma_semaphore, #tpu.memory_space<semaphore_mem>>) src(%dma_wait3A_867 : memref<16384x256xf32, #tpu.memory_space<hbm>>) dst(%arg11 : memref<128x256xf32, #tpu.memory_space<vmem>>)
      %dma_start3A_868 = arith.constant 0 : i32
      %dma_start3A_869 = tpu.memref_slice %arg10[%while3A_857, %dma_start3A_868] : memref<25x128xi32, #tpu.memory_space<vmem>> -> memref<1x128xi32, #tpu.memory_space<vmem>>
      %dma_start3A_870 = tpu.memref_squeeze %dma_start3A_869 : memref<1x128xi32, #tpu.memory_space<vmem>> -> memref<128xi32, #tpu.memory_space<vmem>>
      %dma_start3A_871 = arith.constant 0 : i32
      %dma_start3A_872 = arith.constant 0 : i32
      %dma_start3A_873 = tpu.memref_slice %arg5[%dma_start3A_871, %dma_start3A_872] : memref<100000x256xf32, #tpu.memory_space<hbm>> -> memref<100000x256xf32, #tpu.memory_space<hbm>>
      tpu.enqueue_indirect_dma source(%arg11 : memref<128x256xf32, #tpu.memory_space<vmem>>) target(%dma_start3A_873 : memref<100000x256xf32, #tpu.memory_space<hbm>>) offsets(%dma_start3A_870 : memref<128xi32, #tpu.memory_space<vmem>>) semaphore(%arg16 : memref<!tpu.dma_semaphore, #tpu.memory_space<semaphore_mem>>)
      %dma_wait3A_874 = arith.constant 0 : i32
      %dma_wait3A_875 = tpu.memref_slice %arg10[%while3A_857, %dma_wait3A_874] : memref<25x128xi32, #tpu.memory_space<vmem>> -> memref<1x128xi32, #tpu.memory_space<vmem>>
      %dma_wait3A_876 = tpu.memref_squeeze %dma_wait3A_875 : memref<1x128xi32, #tpu.memory_space<vmem>> -> memref<128xi32, #tpu.memory_space<vmem>>
      %dma_wait3A_877 = arith.constant 0 : i32
      %dma_wait3A_878 = arith.constant 0 : i32
      %dma_wait3A_879 = tpu.memref_slice %arg5[%dma_wait3A_877, %dma_wait3A_878] : memref<100000x256xf32, #tpu.memory_space<hbm>> -> memref<100000x256xf32, #tpu.memory_space<hbm>>
      tpu.wait_indirect_dma semaphore(%arg16 : memref<!tpu.dma_semaphore, #tpu.memory_space<semaphore_mem>>) src(%arg11 : memref<128x256xf32, #tpu.memory_space<vmem>>) dst(%dma_wait3A_879 : memref<100000x256xf32, #tpu.memory_space<hbm>>)
    }
    %while3A_856 = arith.constant 1 : i32
    scf.for %while3A_857 = %while3A_854 to %while3A_850 step %while3A_856  : i32 {
      %mul3A_858 = arith.constant 128 : i32
      %mul3A_859 = arith.muli %while3A_857, %mul3A_858 : i32
      %dma_start3A_860 = tpu.memref_slice %arg8[%mul3A_859] : memref<3200xi32, #tpu.memory_space<vmem>> -> memref<128xi32, #tpu.memory_space<vmem>>
      %dma_start3A_861 = arith.constant 0 : i32
      %dma_start3A_862 = arith.constant 0 : i32
      %dma_start3A_863 = tpu.memref_slice %arg4[%dma_start3A_861, %dma_start3A_862] : memref<16384x256xf32, #tpu.memory_space<hbm>> -> memref<16384x256xf32, #tpu.memory_space<hbm>>
      tpu.enqueue_indirect_dma source(%dma_start3A_863 : memref<16384x256xf32, #tpu.memory_space<hbm>>) target(%arg11 : memref<128x256xf32, #tpu.memory_space<vmem>>) offsets(%dma_start3A_860 : memref<128xi32, #tpu.memory_space<vmem>>) semaphore(%arg15 : memref<!tpu.dma_semaphore, #tpu.memory_space<semaphore_mem>>)
      %dma_wait3A_864 = tpu.memref_slice %arg8[%mul3A_859] : memref<3200xi32, #tpu.memory_space<vmem>> -> memref<128xi32, #tpu.memory_space<vmem>>
      %dma_wait3A_865 = arith.constant 0 : i32
      %dma_wait3A_866 = arith.constant 0 : i32
      %dma_wait3A_867 = tpu.memref_slice %arg4[%dma_wait3A_865, %dma_wait3A_866] : memref<16384x256xf32, #tpu.memory_space<hbm>> -> memref<16384x256xf32, #tpu.memory_space<hbm>>
      tpu.wait_indirect_dma semaphore(%arg15 : memref<!tpu.dma_semaphore, #tpu.memory_space<semaphore_mem>>) src(%dma_wait3A_867 : memref<16384x256xf32, #tpu.memory_space<hbm>>) dst(%arg11 : memref<128x256xf32, #tpu.memory_space<vmem>>)
      %dma_start3A_868 = arith.constant 0 : i32
      %dma_start3A_869 = tpu.memref_slice %arg10[%while3A_857, %dma_start3A_868] : memref<25x128xi32, #tpu.memory_space<vmem>> -> memref<1x128xi32, #tpu.memory_space<vmem>>
      %dma_start3A_870 = tpu.memref_squeeze %dma_start3A_869 : memref<1x128xi32, #tpu.memory_space<vmem>> -> memref<128xi32, #tpu.memory_space<vmem>>
      %dma_start3A_871 = arith.constant 0 : i32
      %dma_start3A_872 = arith.constant 0 : i32
      %dma_start3A_873 = tpu.memref_slice %arg5[%dma_start3A_871, %dma_start3A_872] : memref<100000x256xf32, #tpu.memory_space<hbm>> -> memref<100000x256xf32, #tpu.memory_space<hbm>>
      tpu.enqueue_indirect_dma source(%arg11 : memref<128x256xf32, #tpu.memory_space<vmem>>) target(%dma_start3A_873 : memref<100000x256xf32, #tpu.memory_space<hbm>>) offsets(%dma_start3A_870 : memref<128xi32, #tpu.memory_space<vmem>>) semaphore(%arg16 : memref<!tpu.dma_semaphore, #tpu.memory_space<semaphore_mem>>)
      %dma_wait3A_874 = arith.constant 0 : i32
      %dma_wait3A_875 = tpu.memref_slice %arg10[%while3A_857, %dma_wait3A_874] : memref<25x128xi32, #tpu.memory_space<vmem>> -> memref<1x128xi32, #tpu.memory_space<vmem>>
      %dma_wait3A_876 = tpu.memref_squeeze %dma_wait3A_875 : memref<1x128xi32, #tpu.memory_space<vmem>> -> memref<128xi32, #tpu.memory_space<vmem>>
      %dma_wait3A_877 = arith.constant 0 : i32
      %dma_wait3A_878 = arith.constant 0 : i32
      %dma_wait3A_879 = tpu.memref_slice %arg5[%dma_wait3A_877, %dma_wait3A_878] : memref<100000x256xf32, #tpu.memory_space<hbm>> -> memref<100000x256xf32, #tpu.memory_space<hbm>>
      tpu.wait_indirect_dma semaphore(%arg16 : memref<!tpu.dma_semaphore, #tpu.memory_space<semaphore_mem>>) src(%arg11 : memref<128x256xf32, #tpu.memory_space<vmem>>) dst(%dma_wait3A_879 : memref<100000x256xf32, #tpu.memory_space<hbm>>)
    }
    return
  }
}

</mosaic_0001>

<sc_bundles>
// kernel: kernel.3.cloned.1.call-start
scs
__scs_entry_jumppad:
0x0: {  	(pc) =	sbr.rel $0x88, $3  }
0x1: {  	(tag) =	ssettag $0x0;
	lr =	simm.s32 $0x1  }
0x2: {  	[smem:$0x3F9E] =	sst lr;
	_ =	strace $0xD0000000  }
0x3: {  	_ = 	snop  }
0x4: {  	_ = 	snop  }
0x5: {  	_ = 	snop  }
0x6: {  	_ = 	snop  }
0x7: {  	_ = 	snop  }
__scs_overlays_trampoline_lowered:
0x8: {  	[smem:$0x3FAD] =	sst s0  }
0x9: {  	[smem:$0x3FAE] =	sst s1  }
0xa: {  	[smem:$0x3FAF] =	sst s2  }
0xb: {  	[smem:$0x3FB0] =	sst s3  }
0xc: {  	[smem:$0x3FB1] =	sst s4  }
0xd: {  	[smem:$0x3FB2] =	sst s5  }
0xe: {  	[smem:$0x3FB3] =	sst s6  }
0xf: {  	[smem:$0x3FB4] =	sst s7  }
0x10: {  	[smem:$0x3FB5] =	sst s8  }
0x11: {  	[smem:$0x3FB6] =	sst s9;
	s0 =	simm.s32 @!p0 $0x0  }
0x12: {  	s1 =	sld [smem:$0x3F9C];
	s0 =	simm.s32 @p0 $0x1  }
0x13: {  	[smem:$0x3FB7] =	sst s0;
	s0 =	simm.s32 @!p1 $0x0  }
0x14: {  	s2 =	sld [smem:$0x3F9B];
	s0 =	simm.s32 @p1 $0x1  }
0x15: {  	[smem:$0x3FB8] =	sst s0;
	s0 =	simm.s32 @!p2 $0x0  }
0x16: {  	s3 =	sld [smem:$0x3FDB];
	s0 =	simm.s32 @p2 $0x1  }
0x17: {  	s4 =	simm.s32 $0x1BF5;
	[smem:$0x3FBA] =	sst s0  }
0x18: {  	s0 =	sld [smem:$0x3F9D];
	_ =	swait.ge [sflag:s4], $0x0  }
0x19: {  	s7 =	sld [smem:$0x3F9E]  }
0x1a: {  	s8 =	sadd.s32 $0xFFFFE003, lr  }
0x1b: {  	s9 =	sadd.s32 $0xFFFFFEF7, lr;
	s5 =	simm.s32 $0xFFFFFFFF;
	p2 =	slt.u32 s8, $0xFFFFF086  }
0x1c: {  	p1 =	slt.u32 s9, $0xF7A;
	s5 =	simm.s32 @!p2 $0x0  }
0x1d: {  	s5 =	simm.s32 @p1 $0x1;
	p0 =	seq.s32 s7, s2  }
0x1e: {  	s7 =	smul.u32 @!p0 $0xF7A, s2;
	p2 =	seq.s32 @!p0 s5, $0x0  }
0x1f: {  	s9 =	smul.u32 $0xF7A, s1;
	s8 =	simm.s32 @!p0 $0x1BF5;
	p2 =	por !p2, p0  }
0x20: {  	[sflag:s8] =	ssyncset.s32 @!p0 $0xFFFFF086;
	s6 =	sadd.s32 @!p0 s3, s7;
	s7 =	simm.s32 @!p0 $0x108  }
0x21: {  	s3 =	sadd.s32 s3, s9;
	s6 =	sadd.s32 @!p0 $0x88, s6;
	s7 =	simm.s32 @p2 $0x1082  }
0x22: {  	[simem:s7], [sflag:s8] =	dma.local @!p0 [hbm:s6], $0xF7A  }
0x23: {  	s9 =	sor.u32 $0xD0000000, s2;
	s6 =	simm.s32 $0x108;
	_ =	swait.ge @!p0 [sflag:s8], $0x0  }
0x24: {  	s3 =	sadd.s32 $0x88, s3;
	s6 =	simm.s32 @!p1 $0x1082;
	[sflag:s4] =	ssyncset.s32 $0xFFFFF086  }
0x25: {  	[simem:s6], [sflag:s4] =	dma.local [hbm:s3], $0xF7A  }
0x26: {  	[smem:$0x3F9E] =	sst s1;
	(tag) =	ssettag s2;
	_ =	strace s9  }
0x27: {  	s1 =	sld [smem:$0x3FAE]  }
0x28: {  	s2 =	sld [smem:$0x3FAF]  }
0x29: {  	s4 =	sld [smem:$0x3FB1]  }
0x2a: {  	p0 =	seq.s32 s5, $0x0;
	s5 =	sld [smem:$0x3FB2]  }
0x2b: {  	s6 =	sld [smem:$0x3FB3]  }
0x2c: {  	s7 =	sld [smem:$0x3FB4]  }
0x2d: {  	s3 =	simm.s32 $0x108;
	s8 =	sld [smem:$0x3FB5]  }
0x2e: {  	s3 =	simm.s32 @!p0 $0x1082;
	s9 =	sld [smem:$0x3FB6]  }
0x2f: {  	lr =	sadd.s32 s0, s3;
	s0 =	sld [smem:$0x3FAD]  }
0x30: {  	s3 =	sld [smem:$0x3FB0]  }
0x31: {  	[smem:$0x3FB9] =	sst s10  }
0x32: {  	s10 =	sld [smem:$0x3FB7];
	_ =	sdelay $0x3  }
0x33: {  	p0 =	seq.s32 s10, $0x1;
	s10 =	sld [smem:$0x3FB9];
	_ =	sdelay $0x3  }
0x34: {  	[smem:$0x3FB9] =	sst s10  }
0x35: {  	s10 =	sld [smem:$0x3FB8];
	_ =	sdelay $0x3  }
0x36: {  	p1 =	seq.s32 s10, $0x1;
	s10 =	sld [smem:$0x3FB9];
	_ =	sdelay $0x3  }
0x37: {  	[smem:$0x3FB9] =	sst s10  }
0x38: {  	s10 =	sld [smem:$0x3FBA]  }
0x39: {  	_ = 	snop;
	(pc) =	sbr.ind lr, $3  }
0x3a: {  	_ = 	snop  }
0x3b: {  	_ = 	snop  }
0x3c: {  	p2 =	seq.s32 s10, $0x1;
	s10 =	sld [smem:$0x3FB9]  }
0x3d: {  	_ =	shalt  }
0x3e: {  	_ =	shalt  }
0x3f: {  	_ =	shalt  }
0x40: {  	_ =	shalt  }
0x41: {  	_ =	shalt  }
0x42: {  	_ =	shalt  }
0x43: {  	_ =	shalt  }
0x44: {  	_ =	shalt  }
0x45: {  	_ =	shalt  }
0x46: {  	_ =	shalt  }
0x47: {  	_ =	shalt  }
0x48: {  	_ =	shalt  }
0x49: {  	_ =	shalt  }
0x4a: {  	_ =	shalt  }
0x4b: {  	_ =	shalt  }
0x4c: {  	_ =	shalt  }
0x4d: {  	_ =	shalt  }
0x4e: {  	_ =	shalt  }
0x4f: {  	_ =	shalt  }
0x50: {  	_ =	shalt  }
0x51: {  	_ =	shalt  }
0x52: {  	_ =	shalt  }
0x53: {  	_ =	shalt  }
0x54: {  	_ =	shalt  }
0x55: {  	_ =	shalt  }
0x56: {  	_ =	shalt  }
0x57: {  	_ =	shalt  }
0x58: {  	_ =	shalt  }
0x59: {  	_ =	shalt  }
0x5a: {  	_ =	shalt  }
0x5b: {  	_ =	shalt  }
0x5c: {  	_ =	shalt  }
0x5d: {  	_ =	shalt  }
0x5e: {  	_ =	shalt  }
0x5f: {  	_ =	shalt  }
0x60: {  	_ =	shalt  }
0x61: {  	_ =	shalt  }
0x62: {  	_ =	shalt  }
0x63: {  	_ =	shalt  }
0x64: {  	_ =	shalt  }
0x65: {  	_ =	shalt  }
0x66: {  	_ =	shalt  }
0x67: {  	_ =	shalt  }
0x68: {  	_ =	shalt  }
0x69: {  	_ =	shalt  }
0x6a: {  	_ =	shalt  }
0x6b: {  	_ =	shalt  }
0x6c: {  	_ =	shalt  }
0x6d: {  	_ =	shalt  }
0x6e: {  	_ =	shalt  }
0x6f: {  	_ =	shalt  }
0x70: {  	_ =	shalt  }
0x71: {  	_ =	shalt  }
0x72: {  	_ =	shalt  }
0x73: {  	_ =	shalt  }
0x74: {  	_ =	shalt  }
0x75: {  	_ =	shalt  }
0x76: {  	_ =	shalt  }
0x77: {  	_ =	shalt  }
0x78: {  	_ =	shalt  }
0x79: {  	_ =	shalt  }
0x7a: {  	_ =	shalt  }
0x7b: {  	_ =	shalt  }
0x7c: {  	_ =	shalt  }
0x7d: {  	_ =	shalt  }
0x7e: {  	_ =	shalt  }
0x7f: {  	_ =	shalt  }
0x80: {  	_ =	shalt  }
0x81: {  	_ =	shalt  }
0x82: {  	_ =	shalt  }
0x83: {  	_ =	shalt  }
0x84: {  	_ =	shalt  }
0x85: {  	_ =	shalt  }
0x86: {  	_ =	shalt  }
0x87: {  	_ =	shalt  }
.Lfunc_end0:
.L_simem_size_0:
called_computation_lowered:
.L_overlay_start_0:
0x88: {  	s2 =	sld [smem:$0x3FD9]  }
0x89: {  	s3 =	sld [smem:$0x3FFE];
	_ =	sdelay $0x1  }
0x8a: {  	s1 =	srdreg.scid  }
0x8b: {  	s0 =	sand.u32 $0x1, s1  }
0x8c: {  	s17 =	sshll.u32 s0, $0xA;
	s2 =	sadd.s32 s3, s2  }
0x8d: {  	s2 =	sadd.s32 s2, s17  }
0x8e: {  	[smem:$0x3FC5] =	sst s2  }
0x8f: {  	_ = 	snop  }
0x90: {  	s2 =	sld [smem:$0x3FC9]  }
0x91: {  	s18 =	sld [smem:$0x3FC8]  }
0x92: {  	s4 =	sld [smem:$0x3FD0];
	(tm) =	ssettm $0x1  }
0x93: {  	s5 =	sld [smem:$0x3FFB];
	_ =	sdelay $0x3  }
0x94: {  	_ =	strace s5  }
0x95: {  	s5 =	sld [smem:$0x3FFC];
	_ =	sdelay $0x3  }
0x96: {  	_ =	strace s5  }
0x97: {  	s5 =	sld [smem:$0x3FFD];
	_ =	sdelay $0x3  }
0x98: {  	_ =	strace s5  }
0x99: {  	_ =	strace $0x8FFFFFFF  }
0x9a: {  	s19 =	sld [smem:$0x3FDB];
	_ =	sdelay $0x1  }
0x9b: {  	s6 =	simm.s32 $_scs_section_size  }
0x9c: {  	s7 =	simm.s32 $_size__tile_overlayer_lowered;
	s8 =	simm.s32 $_tile_overlayer_lowered  }
0x9d: {  	s22 =	simm.s32 $0x1BFF;
	s21 =	sshll.u32 s8, $0x1;
	s5 =	sadd.s32 s6, s19  }
0x9e: {  	s9 =	simm.s32 $0x0;
	s20 =	sshll.u32 s7, $0x1;
	s7 =	sadd.s32 s21, s5  }
0x9f: {  	[timem:s9], [sflag:s22] =	dma.local [hbm:s7], s20  }
0xa0: {  	_ =	swait.ge [sflag:s22], s20  }
0xa1: {  	s6 =	ssub.s32 $0x0, s20;
	[sflag:s22] =	ssyncset.done $0x0  }
0xa2: {  	[sflag:s22] =	ssyncadd.s32 s6;
	_ =	sdelay $0x1  }
0xa3: {  	s23 =	simm.s32 $0x1B8B  }
0xa4: {  	_ =	swait.ge [sflag:s23], $0x1  }
0xa5: {  	[sflag:s23] =	ssyncset.done $0x0  }
0xa6: {  	s25 =	simm.s32 $0x1B8E;
	s24 =	sld [smem:$0x3FFE];
	[sflag:s23] =	ssyncadd.s32 $0xFFFFFFFF  }
0xa7: {  	s26 =	simm.s32 $execute0_lowered;
	[smem:$0x3FD2] =	sst s25  }
0xa8: {  	s7 =	sshll.u32 s26, $0x1;
	_ =	strace $0x80000046;
	[dreg:$0x1] =	wrdreg $0xFFFFFFFF  }
0xa9: {  	s28 =	simm.s32 $_size_execute0_lowered;
	s5 =	sadd.s32 s5, s7;
	[dreg:$0x0] =	wrdreg $0x0  }
0xaa: {  	s7 =	sshll.u32 s28, $0x1;
	[dreg:$0x2] =	wrdreg s5  }
0xab: {  	[dreg:$0x3] =	wrdreg s7  }
0xac: {  	[dreg:$0x4] =	wrdreg $0xC0  }
0xad: {  	_ =	task [dreg:s9], $0x5FFFF  }
0xae: {  	[dreg:$0x1] =	wrdreg $0xFFFFFFFF  }
0xaf: {  	[dreg:$0x0] =	wrdreg $0x60  }
0xb0: {  	[dreg:$0x2] =	wrdreg s2  }
0xb1: {  	[dreg:$0x3] =	wrdreg s18  }
0xb2: {  	[dreg:$0x4] =	wrdreg s24  }
0xb3: {  	[dreg:$0x5] =	wrdreg s4  }
0xb4: {  	[dreg:$0x6] =	wrdreg $0x9  }
0xb5: {  	_ =	task.clear_ibuf [dreg:s9], $0x7FFFF;
	_ =	strace $0x90000046  }
0xb6: {  	s29 =	simm.s32 $0x9;
	_ =	strace $0x80000048  }
0xb7: {  	_ =	swait.ge [sflag:s29], $0x1  }
0xb8: {  	[sflag:s29] =	ssyncadd.s32 $0xFFFFFFFF  }
0xb9: {  	_ =	strace $0x90000048  }
0xba: {  	_ =	sfence  }
0xbb: {  	s30 =	sld [smem:$0x0];
	_ =	sdelay $0x2  }
0xbc: {  	s31 =	sshll.u32 s1, $0xD;
	s1 =	sshrl.u32 s1, $0x2  }
0xbd: {  	s3 =	sand.u32 $0x4000, s31;
	s1 =	sadd.s32 s1, s30  }
0xbe: {  	s0 =	sor.u32 s3, s0;
	s1 =	sshll.u32 s1, $0x11  }
0xbf: {  	s0 =	sor.u32 s1, s0  }
0xc0: {  	s0 =	sadd.s32 $0x8F2B, s0  }
0xc1: {  	[sflag:s0] =	ssyncadd.remote.s32 $0x1  }
0xc2: {  	_ =	sfence.sel $0xFFFF  }
0xc3: {  	[dreg:$0x0] =	wrdreg $0xFFFFFFFF;
	(pc) =	sbr.abs _section_cstart, $3  }
0xc4: {  	[dreg:$0x1] =	wrdreg $0xFFFFFFFF  }
0xc5: {  	_ =	task.clear_ibuf [dreg:s9], $0x2FFFF;
	_ =	strace $0x9FFFFFFF  }
0xc6: {  	(tm) =	ssettm $0x7FFFFFFF  }
0xc7: {  	_ =	shalt  }
tec
execute0_lowered:
.L_overlay_start_1:
0x0: {  	(tag) =	ssettag $0x1  }
0x1: {  	s0 =	srdreg.scid  }
0x2: {  	s0 =	sand.u32 $0x1, s0  }
0x3: {  	s3 =	stileid.u32;
	s2 =	sshll.u32 s0, $0x4  }
0x4: {  	s2 =	sor.u32 s3, s2  }
0x5: {  	s1 =	rddreg [dreg:$0x0];
	s2 =	smul.u32 $0xC40, s2  }
0x6: {  	s5 =	rddreg [dreg:$0x2]  }
0x7: {  	s4 =	simm.s32 $0x0;
	s7 =	ssub.s32 $0x2, s0;
	s0 =	smin.u32 s2, $0x17A60  }
0x8: {  	[smem:$0x7FF] =	sst s4;
	s6 =	sshll.u32 s0, $0x5  }
0x9: {  	s3 =	rddreg [dreg:$0x3];
	s10 =	sshrl.u32 s7, $0x1;
	s11 =	sadd.s32 $0xE00, s6  }
0xa: {  	_ =	strace $0x80000047;
	s2 =	ssub.s32 s7, s10;
	s8 =	sadd.s32 s1, s11  }
0xb: {  	s12 =	sadd.s32 $0x1C00, s6;
	s7 =	sadd.s32 s3, s11;
	[dreg:$0x5] =	wrdreg s8  }
0xc: {  	s14 =	sadd.s32 $0x2A00, s6;
	s13 =	sadd.s32 s1, s12;
	[dreg:$0x6] =	wrdreg s7  }
0xd: {  	s16 =	sadd.s32 $0x3800, s6;
	s15 =	sadd.s32 s1, s14;
	[dreg:$0x7] =	wrdreg s13  }
0xe: {  	s18 =	sadd.s32 $0x4600, s6;
	s17 =	sadd.s32 s1, s16;
	[dreg:$0x9] =	wrdreg s15  }
0xf: {  	s20 =	sadd.s32 $0x5400, s6;
	s19 =	sadd.s32 s1, s18;
	[dreg:$0xb] =	wrdreg s17  }
0x10: {  	s22 =	sadd.s32 $0x6200, s6;
	s21 =	sadd.s32 s1, s20;
	[dreg:$0xd] =	wrdreg s19  }
0x11: {  	s24 =	sadd.s32 $0x7000, s6;
	s23 =	sadd.s32 s1, s22;
	[dreg:$0xf] =	wrdreg s21  }
0x12: {  	s26 =	sadd.s32 $0x7E00, s6;
	s25 =	sadd.s32 s1, s24;
	[dreg:$0x11] =	wrdreg s23  }
0x13: {  	s9 =	sadd.s32 $0x8C00, s6;
	s28 =	sadd.s32 s1, s26;
	[dreg:$0x13] =	wrdreg s25  }
0x14: {  	s10 =	sadd.s32 s1, s9;
	[dreg:$0x15] =	wrdreg s28  }
0x15: {  	s11 =	sadd.s32 $0x9A00, s6;
	s7 =	sadd.s32 s3, s12;
	[dreg:$0x17] =	wrdreg s10  }
0x16: {  	s12 =	sadd.s32 s1, s11;
	[dreg:$0x8] =	wrdreg s7  }
0x17: {  	s13 =	sadd.s32 $0xA800, s6;
	s7 =	sadd.s32 s3, s14;
	[dreg:$0x19] =	wrdreg s12  }
0x18: {  	s14 =	sadd.s32 s1, s13;
	[dreg:$0xa] =	wrdreg s7  }
0x19: {  	s15 =	sadd.s32 $0xB600, s6;
	s7 =	sadd.s32 s3, s16;
	[dreg:$0x1b] =	wrdreg s14  }
0x1a: {  	s16 =	sadd.s32 s1, s15;
	[dreg:$0xc] =	wrdreg s7  }
0x1b: {  	s17 =	sadd.s32 $0xC400, s6;
	s7 =	sadd.s32 s3, s18;
	[dreg:$0x1d] =	wrdreg s16  }
0x1c: {  	s18 =	sadd.s32 s1, s17;
	[dreg:$0xe] =	wrdreg s7  }
0x1d: {  	s19 =	sadd.s32 $0xD200, s6;
	s7 =	sadd.s32 s3, s20;
	[dreg:$0x1f] =	wrdreg s18  }
0x1e: {  	s20 =	sadd.s32 s1, s19;
	[dreg:$0x10] =	wrdreg s7  }
0x1f: {  	s21 =	sadd.s32 $0xE000, s6;
	s7 =	sadd.s32 s3, s22;
	[smem:$0x7E1] =	sst s20  }
0x20: {  	s22 =	sadd.s32 s1, s21;
	[dreg:$0x12] =	wrdreg s7  }
0x21: {  	s23 =	sadd.s32 $0xEE00, s6;
	s7 =	sadd.s32 s3, s24;
	[smem:$0x7E3] =	sst s22  }
0x22: {  	s24 =	sadd.s32 s1, s23;
	[dreg:$0x14] =	wrdreg s7  }
0x23: {  	s22 =	sadd.s32 s1, s6;
	[smem:$0x7E5] =	sst s24  }
0x24: {  	s25 =	sadd.s32 $0xFC00, s6;
	s7 =	sadd.s32 s3, s26;
	[smem:$0x7F7] =	sst s22  }
0x25: {  	s29 =	simm.s32 $0x9580;
	s26 =	sadd.s32 s1, s25;
	[dreg:$0x16] =	wrdreg s7  }
0x26: {  	s28 =	sadd.s32 $0x10A00, s6;
	s7 =	sadd.s32 s3, s9;
	[smem:$0x7E7] =	sst s26  }
0x27: {  	s30 =	simm.s32 $0x9D80;
	s9 =	sadd.s32 s1, s28;
	[dreg:$0x18] =	wrdreg s7  }
0x28: {  	v0 =	vimm.s32 $0xFFEDCBA9;
	v1 =	vimm.s32 $0x87654321;
	s10 =	sadd.s32 $0x11800, s6;
	s7 =	sadd.s32 s3, s11;
	[smem:$0x7E9] =	sst s9  }
0x29: {  	s31 =	simm.s32 $0xA580;
	v0 =	vunpack.c.l.s4.s8 v0;
	v1 =	vunpack.c.l.s4.s8 v1;
	s11 =	sadd.s32 s1, s10;
	[dreg:$0x1a] =	wrdreg s7  }
0x2a: {  	s12 =	sadd.s32 $0x12600, s6;
	s7 =	sadd.s32 s3, s13;
	[smem:$0x7EB] =	sst s11  }
0x2b: {  	s5 =	sadd.s32 $0x400, s5;
	v0 =	vunpack.c.0.s8.s32 v0;
	v1 =	vunpack.c.0.s8.s32 v1;
	s13 =	sadd.s32 s1, s12;
	[dreg:$0x1c] =	wrdreg s7  }
0x2c: {  	s14 =	sadd.s32 $0x13400, s6;
	s7 =	sadd.s32 s3, s15;
	[smem:$0x7ED] =	sst s13  }
0x2d: {  	v4 =	vcombine.low v1, v0;
	v0 =	vmov s0;
	s0 =	simm.s32 $0x0;
	s15 =	sadd.s32 s1, s14;
	[dreg:$0x1e] =	wrdreg s7  }
0x2e: {  	s16 =	sadd.s32 $0x14200, s6;
	s7 =	sadd.s32 s3, s17;
	[smem:$0x7EF] =	sst s15  }
0x2f: {  	s8 =	simm.s32 $0x2;
	s17 =	sadd.s32 s1, s16;
	[smem:$0x7E0] =	sst s7  }
0x30: {  	s18 =	sadd.s32 $0x15000, s6;
	s7 =	sadd.s32 s3, s19;
	[smem:$0x7F1] =	sst s17  }
0x31: {  	s20 =	sadd.s32 $0x15E00, s6;
	s19 =	sadd.s32 s1, s18;
	[smem:$0x7E2] =	sst s7  }
0x32: {  	s24 =	sadd.s32 $0x16C00, s6;
	s7 =	sadd.s32 s3, s21;
	[smem:$0x7F3] =	sst s19  }
0x33: {  	s22 =	simm.s32 $0xF580;
	s21 =	sadd.s32 s1, s20;
	[smem:$0x7E4] =	sst s7  }
0x34: {  	s9 =	simm.s32 $0x1D580;
	s7 =	sadd.s32 s3, s23;
	[smem:$0x7F5] =	sst s21  }
0x35: {  	s11 =	simm.s32 $0xD580;
	s23 =	sadd.s32 s3, s6;
	[smem:$0x7E6] =	sst s7  }
0x36: {  	s13 =	simm.s32 $0xDD80;
	s7 =	sadd.s32 s3, s25;
	[smem:$0x7F8] =	sst s23  }
0x37: {  	s6 =	sadd.s32 $0x17A00, s6;
	s25 =	sadd.s32 s1, s24;
	[smem:$0x7E8] =	sst s7  }
0x38: {  	s15 =	simm.s32 $0xED80;
	s1 =	sadd.s32 s1, s6;
	[smem:$0x7F9] =	sst s25  }
0x39: {  	s17 =	simm.s32 $0x5900;
	s26 =	sadd.s32 s3, s6;
	[smem:$0x7FB] =	sst s1  }
0x3a: {  	s19 =	simm.s32 $0x6580;
	s7 =	sadd.s32 s3, s28;
	[smem:$0x7FC] =	sst s26  }
0x3b: {  	s23 =	simm.s32 $0x16580;
	s28 =	smax.u32 s2, $0x1;
	[smem:$0x7EA] =	sst s7  }
0x3c: {  	s6 =	simm.s32 $0x5;
	s7 =	sadd.s32 s3, s10;
	[smem:$0x7FD] =	sst s28  }
0x3d: {  	s1 =	simm.s32 $0x3;
	[smem:$0x7EC] =	sst s7;
	s7 =	sadd.s32 s3, s12  }
0x3e: {  	s2 =	simm.s32 $0x4;
	[smem:$0x7EE] =	sst s7;
	s7 =	sadd.s32 s3, s14  }
.Ltmp0:
0x3f: {  	[smem:$0x7F0] =	sst s7;
	s7 =	sadd.s32 s3, s16;
	(pc) =	sbr.rel .LBB2_1-.Ltmp0, $4  }
0x40: {  	s10 =	simm.s32 $0x4000;
	[smem:$0x7F2] =	sst s7;
	s7 =	sadd.s32 s3, s18  }
0x41: {  	v2 =	vlaneseq.u32;
	vm0 =	vcmask $0x3F3C;
	s14 =	simm.s32 $0xE580;
	[smem:$0x7F4] =	sst s7;
	s7 =	sadd.s32 s3, s20  }
0x42: {  	v5 =	vimm.s32 $0x0;
	vm1 =	vmmov $0xffff;
	v3 =	vor.u32 $0x80000000, v2;
	s16 =	simm.s32 $0x1;
	[smem:$0x7F6] =	sst s7;
	s7 =	sadd.s32 s3, s24  }
0x43: {  	v6 =	vand.u32 $0x7, v2;
	v1 =	vimm.s32 $0xFFFFFFFF;
	v4 =	vand.u32 $0xF, v4;
	s18 =	simm.s32 $0x4C80;
	[smem:$0x7FA] =	sst s7;
	s7 =	simm.s32 $0x6  }
.LBB2_76:
0x44: {  	[bflag:$0x0] =	sbarrier.arrive $0xFFFF;
	s22 =	simm.s32 $0xF580;
	s23 =	simm.s32 $0x16580  }
.LBB2_74:
0x45: {  	s0 =	sld [smem:$0x7DF]  }
0x46: {  	s12 =	sld [smem:$0x7FD];
	_ =	sdelay $0x1  }
0x47: {  	s0 =	sadd.s32 $0x1, s0  }
0x48: {  	p0 =	sne.s32 s0, s12  }
.Ltmp1:
0x49: {  	_ = 	snop;
	(pc) =	sbr.rel @!p0 .LBB2_75-.Ltmp1, $3  }
0x4a: {  	_ =	sdelay $0x1  }
0x4b: {  	s1 =	simm.s32 $0x3  }
0x4c: {  	s2 =	simm.s32 $0x4;
	s6 =	simm.s32 $0x5;
	s7 =	simm.s32 $0x6  }
.LBB2_1:
0x4d: {  	s12 =	rddreg [dreg:$0x1];
	s28 =	simm.s32 $0x7  }
0x4e: {  	[tilespmem:s4], [sflag:$0x7] =	stream.linear.gather [hbm4b:s12+s4], $0x4000, $0x38;
	[tilespmem:$0x1D600] =	vst v63  }
0x4f: {  	_ =	swait.ge [sflag:s28], $0x4000  }
0x50: {  	[sflag:s28] =	ssyncset.done $0x0  }
0x51: {  	s20 =	simm.s32 $0x0;
	s12 =	simm.s32 $0x40;
	[sflag:s28] =	ssyncadd.s32 $0xFFFFC000  }
.LBB2_2:
0x52: {  	p0 =	sne.s32 s12, $0x30C0;
	[tilespmem:s20+$0x4000] =	vst v1;
	s20 =	smov.u32 s12;
	s12 =	sadd.s32 $0x40, s12  }
.Ltmp2:
0x53: {  	(pc) =	sbr.rel @p0 .LBB2_2-.Ltmp2, $2  }
0x54: {  	_ =	sdelay $0x2  }
0x55: {  	s20 =	sshra.s32 s20, $0x2  }
0x56: {  	s28 =	sld [smem:$0x7F7];
	_ =	sdelay $0x1  }
0x57: {  	[tilespmem:s20+$0x4000] =	vst v1;
	s12 =	simm.s32 $0x0  }
0x58: {  	[tilespmem:s22], [sflag:$0x3] =	stream.linear.gather [hbm4b:s28+s12], $0x7000, $0x38;
	[tilespmem:$0x1D600] =	vst v63  }
0x59: {  	v7 =	vld [tilespmem:s12+$0x0];
	_ =	sdelay $0x4  }
0x5a: {  	v7 =	vshll.u32 v7, $0x4  }
0x5b: {  	v8 =	vor.u32 s12, v2;
	v7 =	vxor.u32 v3, v7  }
0x5c: {  	(xrf1) =	vsort.ascd.msk.u32 $0xffff, v7, v8;
	_ =	sdelay $0xd  }
0x5d: {  	v8, v7, _ =	vpop (xrf1)  }
0x5e: {  	v8 =	vshrl.u32 v8, $0x4  }
0x5f: {  	v8 =	vxor.u32 $0x8000000, v8  }
0x60: {  	[tilespmem:$0x1D580] =	vst v8  }
0x61: {  	v9 =	vld.idx.msk [tilespmem:v4+s9+$0x0], $0xffff;
	_ =	sdelay $0x3  }
0x62: {  	v10 =	vsub.s32 v8, v0  }
0x63: {  	vm2 =	vgt.s32 v10, $0x0;
	vm3 =	vne.s32 v8, v9  }
0x64: {  	v8 =	vnsel vm2, $0x0, v10;
	vm2 =	vlt.u32 v10, $0xC40;
	vm3 =	vmor vm3, vm0  }
0x65: {  	vm2 =	vmand vm3, vm2  }
0x66: {  	s20 =	simm.s32 $0x10;
	v8 =	vmin.u32 v8, $0xC3F  }
.LBB2_4:
0x67: {  	_ =	sdelay $0x2  }
0x68: {  	p0 =	sne.s32 s20, $0x240  }
0x69: {  	[tilespmem:v8+s10+$0x0] =	vst.idx.msk vm2, v7;
	s12 =	sadd.s32 $0x10, s12;
	s21 =	smov.u32 s20;
	s20 =	sadd.s32 $0x10, s20  }
0x6a: {  	v7 =	vld [tilespmem:s12+$0x0];
	_ =	sdelay $0x4  }
0x6b: {  	v7 =	vshll.u32 v7, $0x4  }
0x6c: {  	v8 =	vor.u32 s21, v2;
	v7 =	vxor.u32 v3, v7  }
0x6d: {  	(xrf1) =	vsort.ascd.msk.u32 $0xffff, v7, v8;
	_ =	sdelay $0xd  }
0x6e: {  	v8, v7, _ =	vpop (xrf1)  }
0x6f: {  	v8 =	vshrl.u32 v8, $0x4  }
0x70: {  	v8 =	vxor.u32 $0x8000000, v8  }
0x71: {  	[tilespmem:$0x1D580] =	vst v8;
	v9 =	vsub.s32 v8, v0  }
0x72: {  	v10 =	vld.idx.msk [tilespmem:v4+s9+$0x0], $0xffff;
	vm2 =	vgt.s32 v9, $0x0  }
0x73: {  	v11 =	vnsel vm2, $0x0, v9;
	_ =	sdelay $0x3  }
.Ltmp3:
0x74: {  	(pc) =	sbr.rel @p0 .LBB2_4-.Ltmp3, $4  }
0x75: {  	vm2 =	vne.s32 v8, v10  }
0x76: {  	vm3 =	vlt.u32 v9, $0xC40;
	vm2 =	vmor vm2, vm0  }
0x77: {  	vm2 =	vmand vm2, vm3  }
0x78: {  	v8 =	vmin.u32 v11, $0xC3F  }
0x79: {  	_ =	sdelay $0x4  }
0x7a: {  	[tilespmem:v8+s10+$0x0] =	vst.idx.msk vm2, v7  }
0x7b: {  	_ =	swait.ge [sflag:s1], $0x7000  }
0x7c: {  	s12 =	sld [smem:$0x7F8]  }
0x7d: {  	[sflag:s1] =	ssyncset.done $0x0  }
0x7e: {  	[sflag:s1] =	ssyncadd.s32 $0xFFFF9000  }
0x7f: {  	[hbm4b:s12+s4] =	stream.linear.scatter [tilespmem:s22], [sflag:$0x5], $0x7000, $0x38;
	[tilespmem:$0x1D600] =	vst v63  }
0x80: {  	s28 =	rddreg [dreg:$0x5];
	s12 =	simm.s32 $0x250  }
0x81: {  	[tilespmem:s23], [sflag:$0x4] =	stream.linear.gather [hbm4b:s28+s4], $0x7000, $0x38;
	[tilespmem:$0x1D600] =	vst v63  }
0x82: {  	v7 =	vld [tilespmem:s12+$0x0];
	_ =	sdelay $0x4  }
0x83: {  	v7 =	vshll.u32 v7, $0x4  }
0x84: {  	v8 =	vor.u32 s12, v2;
	v7 =	vxor.u32 v3, v7  }
0x85: {  	(xrf1) =	vsort.ascd.msk.u32 $0xffff, v7, v8;
	_ =	sdelay $0xd  }
0x86: {  	v8, v7, _ =	vpop (xrf1)  }
0x87: {  	v8 =	vshrl.u32 v8, $0x4  }
0x88: {  	v8 =	vxor.u32 $0x8000000, v8  }
0x89: {  	[tilespmem:$0x1D580] =	vst v8  }
0x8a: {  	v9 =	vld.idx.msk [tilespmem:v4+s9+$0x0], $0xffff;
	_ =	sdelay $0x3  }
0x8b: {  	v10 =	vsub.s32 v8, v0  }
0x8c: {  	vm2 =	vgt.s32 v10, $0x0;
	vm3 =	vne.s32 v8, v9  }
0x8d: {  	v8 =	vnsel vm2, $0x0, v10;
	vm2 =	vlt.u32 v10, $0xC40;
	vm3 =	vmor vm3, vm0  }
0x8e: {  	vm2 =	vmand vm3, vm2  }
0x8f: {  	s20 =	simm.s32 $0x260;
	v8 =	vmin.u32 v8, $0xC3F  }
.LBB2_6:
0x90: {  	_ =	sdelay $0x2  }
0x91: {  	p0 =	sne.s32 s20, $0x490  }
0x92: {  	[tilespmem:v8+s10+$0x0] =	vst.idx.msk vm2, v7;
	s12 =	sadd.s32 $0x10, s12;
	s21 =	smov.u32 s20;
	s20 =	sadd.s32 $0x10, s20  }
0x93: {  	v7 =	vld [tilespmem:s12+$0x0];
	_ =	sdelay $0x4  }
0x94: {  	v7 =	vshll.u32 v7, $0x4  }
0x95: {  	v8 =	vor.u32 s21, v2;
	v7 =	vxor.u32 v3, v7  }
0x96: {  	(xrf1) =	vsort.ascd.msk.u32 $0xffff, v7, v8;
	_ =	sdelay $0xd  }
0x97: {  	v8, v7, _ =	vpop (xrf1)  }
0x98: {  	v8 =	vshrl.u32 v8, $0x4  }
0x99: {  	v8 =	vxor.u32 $0x8000000, v8  }
0x9a: {  	[tilespmem:$0x1D580] =	vst v8;
	v9 =	vsub.s32 v8, v0  }
0x9b: {  	v10 =	vld.idx.msk [tilespmem:v4+s9+$0x0], $0xffff;
	vm2 =	vgt.s32 v9, $0x0  }
0x9c: {  	v11 =	vnsel vm2, $0x0, v9;
	_ =	sdelay $0x3  }
.Ltmp4:
0x9d: {  	(pc) =	sbr.rel @p0 .LBB2_6-.Ltmp4, $4  }
0x9e: {  	vm2 =	vne.s32 v8, v10  }
0x9f: {  	vm3 =	vlt.u32 v9, $0xC40;
	vm2 =	vmor vm2, vm0  }
0xa0: {  	vm2 =	vmand vm2, vm3  }
0xa1: {  	v8 =	vmin.u32 v11, $0xC3F  }
0xa2: {  	_ =	sdelay $0x4  }
0xa3: {  	[tilespmem:v8+s10+$0x0] =	vst.idx.msk vm2, v7  }
0xa4: {  	_ =	swait.ge [sflag:s2], $0x7000  }
0xa5: {  	[sflag:s2] =	ssyncset.done $0x0  }
0xa6: {  	s12 =	rddreg [dreg:$0x6];
	[sflag:s2] =	ssyncadd.s32 $0xFFFF9000  }
0xa7: {  	[hbm4b:s12+s4] =	stream.linear.scatter [tilespmem:s23], [sflag:$0x6], $0x7000, $0x38;
	[tilespmem:$0x1D600] =	vst v63  }
0xa8: {  	_ =	swait.ge [sflag:s6], $0x7000  }
0xa9: {  	[sflag:s6] =	ssyncset.done $0x0  }
0xaa: {  	s12 =	simm.s32 $0x4A0;
	s28 =	rddreg [dreg:$0x7];
	[sflag:s6] =	ssyncadd.s32 $0xFFFF9000  }
0xab: {  	[tilespmem:s22], [sflag:$0x3] =	stream.linear.gather [hbm4b:s28+s4], $0x7000, $0x38;
	[tilespmem:$0x1D600] =	vst v63  }
0xac: {  	v7 =	vld [tilespmem:s12+$0x0];
	_ =	sdelay $0x4  }
0xad: {  	v7 =	vshll.u32 v7, $0x4  }
0xae: {  	v8 =	vor.u32 s12, v2;
	v7 =	vxor.u32 v3, v7  }
0xaf: {  	(xrf1) =	vsort.ascd.msk.u32 $0xffff, v7, v8;
	_ =	sdelay $0xd  }
0xb0: {  	v8, v7, _ =	vpop (xrf1)  }
0xb1: {  	v8 =	vshrl.u32 v8, $0x4  }
0xb2: {  	v8 =	vxor.u32 $0x8000000, v8  }
0xb3: {  	[tilespmem:$0x1D580] =	vst v8  }
0xb4: {  	v9 =	vld.idx.msk [tilespmem:v4+s9+$0x0], $0xffff;
	_ =	sdelay $0x3  }
0xb5: {  	v10 =	vsub.s32 v8, v0  }
0xb6: {  	vm2 =	vgt.s32 v10, $0x0;
	vm3 =	vne.s32 v8, v9  }
0xb7: {  	v8 =	vnsel vm2, $0x0, v10;
	vm2 =	vlt.u32 v10, $0xC40;
	vm3 =	vmor vm3, vm0  }
0xb8: {  	vm2 =	vmand vm3, vm2  }
0xb9: {  	s20 =	simm.s32 $0x4B0;
	v8 =	vmin.u32 v8, $0xC3F  }
.LBB2_8:
0xba: {  	_ =	sdelay $0x2  }
0xbb: {  	p0 =	sne.s32 s20, $0x6E0  }
0xbc: {  	[tilespmem:v8+s10+$0x0] =	vst.idx.msk vm2, v7;
	s12 =	sadd.s32 $0x10, s12;
	s21 =	smov.u32 s20;
	s20 =	sadd.s32 $0x10, s20  }
0xbd: {  	v7 =	vld [tilespmem:s12+$0x0];
	_ =	sdelay $0x4  }
0xbe: {  	v7 =	vshll.u32 v7, $0x4  }
0xbf: {  	v8 =	vor.u32 s21, v2;
	v7 =	vxor.u32 v3, v7  }
0xc0: {  	(xrf1) =	vsort.ascd.msk.u32 $0xffff, v7, v8;
	_ =	sdelay $0xd  }
0xc1: {  	v8, v7, _ =	vpop (xrf1)  }
0xc2: {  	v8 =	vshrl.u32 v8, $0x4  }
0xc3: {  	v8 =	vxor.u32 $0x8000000, v8  }
0xc4: {  	[tilespmem:$0x1D580] =	vst v8;
	v9 =	vsub.s32 v8, v0  }
0xc5: {  	v10 =	vld.idx.msk [tilespmem:v4+s9+$0x0], $0xffff;
	vm2 =	vgt.s32 v9, $0x0  }
0xc6: {  	v11 =	vnsel vm2, $0x0, v9;
	_ =	sdelay $0x3  }
.Ltmp5:
0xc7: {  	(pc) =	sbr.rel @p0 .LBB2_8-.Ltmp5, $4  }
0xc8: {  	vm2 =	vne.s32 v8, v10  }
0xc9: {  	vm3 =	vlt.u32 v9, $0xC40;
	vm2 =	vmor vm2, vm0  }
0xca: {  	vm2 =	vmand vm2, vm3  }
0xcb: {  	v8 =	vmin.u32 v11, $0xC3F  }
0xcc: {  	_ =	sdelay $0x4  }
0xcd: {  	[tilespmem:v8+s10+$0x0] =	vst.idx.msk vm2, v7  }
0xce: {  	_ =	swait.ge [sflag:s1], $0x7000  }
0xcf: {  	[sflag:s1] =	ssyncset.done $0x0  }
0xd0: {  	s12 =	rddreg [dreg:$0x8];
	[sflag:s1] =	ssyncadd.s32 $0xFFFF9000  }
0xd1: {  	[hbm4b:s12+s4] =	stream.linear.scatter [tilespmem:s22], [sflag:$0x5], $0x7000, $0x38;
	[tilespmem:$0x1D600] =	vst v63  }
0xd2: {  	_ =	swait.ge [sflag:s7], $0x7000  }
0xd3: {  	[sflag:s7] =	ssyncset.done $0x0  }
0xd4: {  	s12 =	simm.s32 $0x6F0;
	s28 =	rddreg [dreg:$0x9];
	[sflag:s7] =	ssyncadd.s32 $0xFFFF9000  }
0xd5: {  	[tilespmem:s23], [sflag:$0x4] =	stream.linear.gather [hbm4b:s28+s4], $0x7000, $0x38;
	[tilespmem:$0x1D600] =	vst v63  }
0xd6: {  	v7 =	vld [tilespmem:s12+$0x0];
	_ =	sdelay $0x4  }
0xd7: {  	v7 =	vshll.u32 v7, $0x4  }
0xd8: {  	v8 =	vor.u32 s12, v2;
	v7 =	vxor.u32 v3, v7  }
0xd9: {  	(xrf1) =	vsort.ascd.msk.u32 $0xffff, v7, v8;
	_ =	sdelay $0xd  }
0xda: {  	v8, v7, _ =	vpop (xrf1)  }
0xdb: {  	v8 =	vshrl.u32 v8, $0x4  }
0xdc: {  	v8 =	vxor.u32 $0x8000000, v8  }
0xdd: {  	[tilespmem:$0x1D580] =	vst v8  }
0xde: {  	v9 =	vld.idx.msk [tilespmem:v4+s9+$0x0], $0xffff;
	_ =	sdelay $0x3  }
0xdf: {  	v10 =	vsub.s32 v8, v0  }
0xe0: {  	vm2 =	vgt.s32 v10, $0x0;
	vm3 =	vne.s32 v8, v9  }
0xe1: {  	v8 =	vnsel vm2, $0x0, v10;
	vm2 =	vlt.u32 v10, $0xC40;
	vm3 =	vmor vm3, vm0  }
0xe2: {  	vm2 =	vmand vm3, vm2  }
0xe3: {  	s20 =	simm.s32 $0x700;
	v8 =	vmin.u32 v8, $0xC3F  }
.LBB2_10:
0xe4: {  	_ =	sdelay $0x2  }
0xe5: {  	p0 =	sne.s32 s20, $0x930  }
0xe6: {  	[tilespmem:v8+s10+$0x0] =	vst.idx.msk vm2, v7;
	s12 =	sadd.s32 $0x10, s12;
	s21 =	smov.u32 s20;
	s20 =	sadd.s32 $0x10, s20  }
0xe7: {  	v7 =	vld [tilespmem:s12+$0x0];
	_ =	sdelay $0x4  }
0xe8: {  	v7 =	vshll.u32 v7, $0x4  }
0xe9: {  	v8 =	vor.u32 s21, v2;
	v7 =	vxor.u32 v3, v7  }
0xea: {  	(xrf1) =	vsort.ascd.msk.u32 $0xffff, v7, v8;
	_ =	sdelay $0xd  }
0xeb: {  	v8, v7, _ =	vpop (xrf1)  }
0xec: {  	v8 =	vshrl.u32 v8, $0x4  }
0xed: {  	v8 =	vxor.u32 $0x8000000, v8  }
0xee: {  	[tilespmem:$0x1D580] =	vst v8;
	v9 =	vsub.s32 v8, v0  }
0xef: {  	v10 =	vld.idx.msk [tilespmem:v4+s9+$0x0], $0xffff;
	vm2 =	vgt.s32 v9, $0x0  }
0xf0: {  	v11 =	vnsel vm2, $0x0, v9;
	_ =	sdelay $0x3  }
.Ltmp6:
0xf1: {  	(pc) =	sbr.rel @p0 .LBB2_10-.Ltmp6, $4  }
0xf2: {  	vm2 =	vne.s32 v8, v10  }
0xf3: {  	vm3 =	vlt.u32 v9, $0xC40;
	vm2 =	vmor vm2, vm0  }
0xf4: {  	vm2 =	vmand vm2, vm3  }
0xf5: {  	v8 =	vmin.u32 v11, $0xC3F  }
0xf6: {  	_ =	sdelay $0x4  }
0xf7: {  	[tilespmem:v8+s10+$0x0] =	vst.idx.msk vm2, v7  }
0xf8: {  	_ =	swait.ge [sflag:s2], $0x7000  }
0xf9: {  	[sflag:s2] =	ssyncset.done $0x0  }
0xfa: {  	s12 =	rddreg [dreg:$0xa];
	[sflag:s2] =	ssyncadd.s32 $0xFFFF9000  }
0xfb: {  	[hbm4b:s12+s4] =	stream.linear.scatter [tilespmem:s23], [sflag:$0x6], $0x7000, $0x38;
	[tilespmem:$0x1D600] =	vst v63  }
0xfc: {  	_ =	swait.ge [sflag:s6], $0x7000  }
0xfd: {  	[sflag:s6] =	ssyncset.done $0x0  }
0xfe: {  	s12 =	simm.s32 $0x940;
	s28 =	rddreg [dreg:$0xb];
	[sflag:s6] =	ssyncadd.s32 $0xFFFF9000  }
0xff: {  	[tilespmem:s22], [sflag:$0x3] =	stream.linear.gather [hbm4b:s28+s4], $0x7000, $0x38;
	[tilespmem:$0x1D600] =	vst v63  }
0x100: {  	v7 =	vld [tilespmem:s12+$0x0];
	_ =	sdelay $0x4  }
0x101: {  	v7 =	vshll.u32 v7, $0x4  }
0x102: {  	v8 =	vor.u32 s12, v2;
	v7 =	vxor.u32 v3, v7  }
0x103: {  	(xrf1) =	vsort.ascd.msk.u32 $0xffff, v7, v8;
	_ =	sdelay $0xd  }
0x104: {  	v8, v7, _ =	vpop (xrf1)  }
0x105: {  	v8 =	vshrl.u32 v8, $0x4  }
0x106: {  	v8 =	vxor.u32 $0x8000000, v8  }
0x107: {  	[tilespmem:$0x1D580] =	vst v8  }
0x108: {  	v9 =	vld.idx.msk [tilespmem:v4+s9+$0x0], $0xffff;
	_ =	sdelay $0x3  }
0x109: {  	v10 =	vsub.s32 v8, v0  }
0x10a: {  	vm2 =	vgt.s32 v10, $0x0;
	vm3 =	vne.s32 v8, v9  }
0x10b: {  	v8 =	vnsel vm2, $0x0, v10;
	vm2 =	vlt.u32 v10, $0xC40;
	vm3 =	vmor vm3, vm0  }
0x10c: {  	vm2 =	vmand vm3, vm2  }
0x10d: {  	s20 =	simm.s32 $0x950;
	v8 =	vmin.u32 v8, $0xC3F  }
.LBB2_12:
0x10e: {  	_ =	sdelay $0x2  }
0x10f: {  	p0 =	sne.s32 s20, $0xB80  }
0x110: {  	[tilespmem:v8+s10+$0x0] =	vst.idx.msk vm2, v7;
	s12 =	sadd.s32 $0x10, s12;
	s21 =	smov.u32 s20;
	s20 =	sadd.s32 $0x10, s20  }
0x111: {  	v7 =	vld [tilespmem:s12+$0x0];
	_ =	sdelay $0x4  }
0x112: {  	v7 =	vshll.u32 v7, $0x4  }
0x113: {  	v8 =	vor.u32 s21, v2;
	v7 =	vxor.u32 v3, v7  }
0x114: {  	(xrf1) =	vsort.ascd.msk.u32 $0xffff, v7, v8;
	_ =	sdelay $0xd  }
0x115: {  	v8, v7, _ =	vpop (xrf1)  }
0x116: {  	v8 =	vshrl.u32 v8, $0x4  }
0x117: {  	v8 =	vxor.u32 $0x8000000, v8  }
0x118: {  	[tilespmem:$0x1D580] =	vst v8;
	v9 =	vsub.s32 v8, v0  }
0x119: {  	v10 =	vld.idx.msk [tilespmem:v4+s9+$0x0], $0xffff;
	vm2 =	vgt.s32 v9, $0x0  }
0x11a: {  	v11 =	vnsel vm2, $0x0, v9;
	_ =	sdelay $0x3  }
.Ltmp7:
0x11b: {  	(pc) =	sbr.rel @p0 .LBB2_12-.Ltmp7, $4  }
0x11c: {  	vm2 =	vne.s32 v8, v10  }
0x11d: {  	vm3 =	vlt.u32 v9, $0xC40;
	vm2 =	vmor vm2, vm0  }
0x11e: {  	vm2 =	vmand vm2, vm3  }
0x11f: {  	v8 =	vmin.u32 v11, $0xC3F  }
0x120: {  	_ =	sdelay $0x4  }
0x121: {  	[tilespmem:v8+s10+$0x0] =	vst.idx.msk vm2, v7  }
0x122: {  	_ =	swait.ge [sflag:s1], $0x7000  }
0x123: {  	[sflag:s1] =	ssyncset.done $0x0  }
0x124: {  	s12 =	rddreg [dreg:$0xc];
	[sflag:s1] =	ssyncadd.s32 $0xFFFF9000  }
0x125: {  	[hbm4b:s12+s4] =	stream.linear.scatter [tilespmem:s22], [sflag:$0x5], $0x7000, $0x38;
	[tilespmem:$0x1D600] =	vst v63  }
0x126: {  	_ =	swait.ge [sflag:s7], $0x7000  }
0x127: {  	[sflag:s7] =	ssyncset.done $0x0  }
0x128: {  	s12 =	simm.s32 $0xB90;
	s28 =	rddreg [dreg:$0xd];
	[sflag:s7] =	ssyncadd.s32 $0xFFFF9000  }
0x129: {  	[tilespmem:s23], [sflag:$0x4] =	stream.linear.gather [hbm4b:s28+s4], $0x7000, $0x38;
	[tilespmem:$0x1D600] =	vst v63  }
0x12a: {  	v7 =	vld [tilespmem:s12+$0x0];
	_ =	sdelay $0x4  }
0x12b: {  	v7 =	vshll.u32 v7, $0x4  }
0x12c: {  	v8 =	vor.u32 s12, v2;
	v7 =	vxor.u32 v3, v7  }
0x12d: {  	(xrf1) =	vsort.ascd.msk.u32 $0xffff, v7, v8;
	_ =	sdelay $0xd  }
0x12e: {  	v8, v7, _ =	vpop (xrf1)  }
0x12f: {  	v8 =	vshrl.u32 v8, $0x4  }
0x130: {  	v8 =	vxor.u32 $0x8000000, v8  }
0x131: {  	[tilespmem:$0x1D580] =	vst v8  }
0x132: {  	v9 =	vld.idx.msk [tilespmem:v4+s9+$0x0], $0xffff;
	_ =	sdelay $0x3  }
0x133: {  	v10 =	vsub.s32 v8, v0  }
0x134: {  	vm2 =	vgt.s32 v10, $0x0;
	vm3 =	vne.s32 v8, v9  }
0x135: {  	v8 =	vnsel vm2, $0x0, v10;
	vm2 =	vlt.u32 v10, $0xC40;
	vm3 =	vmor vm3, vm0  }
0x136: {  	vm2 =	vmand vm3, vm2  }
0x137: {  	s20 =	simm.s32 $0xBA0;
	v8 =	vmin.u32 v8, $0xC3F  }
.LBB2_14:
0x138: {  	_ =	sdelay $0x2  }
0x139: {  	p0 =	sne.s32 s20, $0xDD0  }
0x13a: {  	[tilespmem:v8+s10+$0x0] =	vst.idx.msk vm2, v7;
	s12 =	sadd.s32 $0x10, s12;
	s21 =	smov.u32 s20;
	s20 =	sadd.s32 $0x10, s20  }
0x13b: {  	v7 =	vld [tilespmem:s12+$0x0];
	_ =	sdelay $0x4  }
0x13c: {  	v7 =	vshll.u32 v7, $0x4  }
0x13d: {  	v8 =	vor.u32 s21, v2;
	v7 =	vxor.u32 v3, v7  }
0x13e: {  	(xrf1) =	vsort.ascd.msk.u32 $0xffff, v7, v8;
	_ =	sdelay $0xd  }
0x13f: {  	v8, v7, _ =	vpop (xrf1)  }
0x140: {  	v8 =	vshrl.u32 v8, $0x4  }
0x141: {  	v8 =	vxor.u32 $0x8000000, v8  }
0x142: {  	[tilespmem:$0x1D580] =	vst v8;
	v9 =	vsub.s32 v8, v0  }
0x143: {  	v10 =	vld.idx.msk [tilespmem:v4+s9+$0x0], $0xffff;
	vm2 =	vgt.s32 v9, $0x0  }
0x144: {  	v11 =	vnsel vm2, $0x0, v9;
	_ =	sdelay $0x3  }
.Ltmp8:
0x145: {  	(pc) =	sbr.rel @p0 .LBB2_14-.Ltmp8, $4  }
0x146: {  	vm2 =	vne.s32 v8, v10  }
0x147: {  	vm3 =	vlt.u32 v9, $0xC40;
	vm2 =	vmor vm2, vm0  }
0x148: {  	vm2 =	vmand vm2, vm3  }
0x149: {  	v8 =	vmin.u32 v11, $0xC3F  }
0x14a: {  	_ =	sdelay $0x4  }
0x14b: {  	[tilespmem:v8+s10+$0x0] =	vst.idx.msk vm2, v7  }
0x14c: {  	_ =	swait.ge [sflag:s2], $0x7000  }
0x14d: {  	[sflag:s2] =	ssyncset.done $0x0  }
0x14e: {  	s12 =	rddreg [dreg:$0xe];
	[sflag:s2] =	ssyncadd.s32 $0xFFFF9000  }
0x14f: {  	[hbm4b:s12+s4] =	stream.linear.scatter [tilespmem:s23], [sflag:$0x6], $0x7000, $0x38;
	[tilespmem:$0x1D600] =	vst v63  }
0x150: {  	_ =	swait.ge [sflag:s6], $0x7000  }
0x151: {  	[sflag:s6] =	ssyncset.done $0x0  }
0x152: {  	s12 =	simm.s32 $0xDE0;
	s28 =	rddreg [dreg:$0xf];
	[sflag:s6] =	ssyncadd.s32 $0xFFFF9000  }
0x153: {  	[tilespmem:s22], [sflag:$0x3] =	stream.linear.gather [hbm4b:s28+s4], $0x7000, $0x38;
	[tilespmem:$0x1D600] =	vst v63  }
0x154: {  	v7 =	vld [tilespmem:s12+$0x0];
	_ =	sdelay $0x4  }
0x155: {  	v7 =	vshll.u32 v7, $0x4  }
0x156: {  	v8 =	vor.u32 s12, v2;
	v7 =	vxor.u32 v3, v7  }
0x157: {  	(xrf1) =	vsort.ascd.msk.u32 $0xffff, v7, v8;
	_ =	sdelay $0xd  }
0x158: {  	v8, v7, _ =	vpop (xrf1)  }
0x159: {  	v8 =	vshrl.u32 v8, $0x4  }
0x15a: {  	v8 =	vxor.u32 $0x8000000, v8  }
0x15b: {  	[tilespmem:$0x1D580] =	vst v8  }
0x15c: {  	v9 =	vld.idx.msk [tilespmem:v4+s9+$0x0], $0xffff;
	_ =	sdelay $0x3  }
0x15d: {  	v10 =	vsub.s32 v8, v0  }
0x15e: {  	vm2 =	vgt.s32 v10, $0x0;
	vm3 =	vne.s32 v8, v9  }
0x15f: {  	v8 =	vnsel vm2, $0x0, v10;
	vm2 =	vlt.u32 v10, $0xC40;
	vm3 =	vmor vm3, vm0  }
0x160: {  	vm2 =	vmand vm3, vm2  }
0x161: {  	s20 =	simm.s32 $0xDF0;
	v8 =	vmin.u32 v8, $0xC3F  }
.LBB2_16:
0x162: {  	_ =	sdelay $0x2  }
0x163: {  	p0 =	sne.s32 s20, $0x1020  }
0x164: {  	[tilespmem:v8+s10+$0x0] =	vst.idx.msk vm2, v7;
	s12 =	sadd.s32 $0x10, s12;
	s21 =	smov.u32 s20;
	s20 =	sadd.s32 $0x10, s20  }
0x165: {  	v7 =	vld [tilespmem:s12+$0x0];
	_ =	sdelay $0x4  }
0x166: {  	v7 =	vshll.u32 v7, $0x4  }
0x167: {  	v8 =	vor.u32 s21, v2;
	v7 =	vxor.u32 v3, v7  }
0x168: {  	(xrf1) =	vsort.ascd.msk.u32 $0xffff, v7, v8;
	_ =	sdelay $0xd  }
0x169: {  	v8, v7, _ =	vpop (xrf1)  }
0x16a: {  	v8 =	vshrl.u32 v8, $0x4  }
0x16b: {  	v8 =	vxor.u32 $0x8000000, v8  }
0x16c: {  	[tilespmem:$0x1D580] =	vst v8;
	v9 =	vsub.s32 v8, v0  }
0x16d: {  	v10 =	vld.idx.msk [tilespmem:v4+s9+$0x0], $0xffff;
	vm2 =	vgt.s32 v9, $0x0  }
0x16e: {  	v11 =	vnsel vm2, $0x0, v9;
	_ =	sdelay $0x3  }
.Ltmp9:
0x16f: {  	(pc) =	sbr.rel @p0 .LBB2_16-.Ltmp9, $4  }
0x170: {  	vm2 =	vne.s32 v8, v10  }
0x171: {  	vm3 =	vlt.u32 v9, $0xC40;
	vm2 =	vmor vm2, vm0  }
0x172: {  	vm2 =	vmand vm2, vm3  }
0x173: {  	v8 =	vmin.u32 v11, $0xC3F  }
0x174: {  	_ =	sdelay $0x4  }
0x175: {  	[tilespmem:v8+s10+$0x0] =	vst.idx.msk vm2, v7  }
0x176: {  	_ =	swait.ge [sflag:s1], $0x7000  }
0x177: {  	[sflag:s1] =	ssyncset.done $0x0  }
0x178: {  	s12 =	rddreg [dreg:$0x10];
	[sflag:s1] =	ssyncadd.s32 $0xFFFF9000  }
0x179: {  	[hbm4b:s12+s4] =	stream.linear.scatter [tilespmem:s22], [sflag:$0x5], $0x7000, $0x38;
	[tilespmem:$0x1D600] =	vst v63  }
0x17a: {  	_ =	swait.ge [sflag:s7], $0x7000  }
0x17b: {  	[sflag:s7] =	ssyncset.done $0x0  }
0x17c: {  	s12 =	simm.s32 $0x1030;
	s28 =	rddreg [dreg:$0x11];
	[sflag:s7] =	ssyncadd.s32 $0xFFFF9000  }
0x17d: {  	[tilespmem:s23], [sflag:$0x4] =	stream.linear.gather [hbm4b:s28+s4], $0x7000, $0x38;
	[tilespmem:$0x1D600] =	vst v63  }
0x17e: {  	v7 =	vld [tilespmem:s12+$0x0];
	_ =	sdelay $0x4  }
0x17f: {  	v7 =	vshll.u32 v7, $0x4  }
0x180: {  	v8 =	vor.u32 s12, v2;
	v7 =	vxor.u32 v3, v7  }
0x181: {  	(xrf1) =	vsort.ascd.msk.u32 $0xffff, v7, v8;
	_ =	sdelay $0xd  }
0x182: {  	v8, v7, _ =	vpop (xrf1)  }
0x183: {  	v8 =	vshrl.u32 v8, $0x4  }
0x184: {  	v8 =	vxor.u32 $0x8000000, v8  }
0x185: {  	[tilespmem:$0x1D580] =	vst v8  }
0x186: {  	v9 =	vld.idx.msk [tilespmem:v4+s9+$0x0], $0xffff;
	_ =	sdelay $0x3  }
0x187: {  	v10 =	vsub.s32 v8, v0  }
0x188: {  	vm2 =	vgt.s32 v10, $0x0;
	vm3 =	vne.s32 v8, v9  }
0x189: {  	v8 =	vnsel vm2, $0x0, v10;
	vm2 =	vlt.u32 v10, $0xC40;
	vm3 =	vmor vm3, vm0  }
0x18a: {  	vm2 =	vmand vm3, vm2  }
0x18b: {  	s20 =	simm.s32 $0x1040;
	v8 =	vmin.u32 v8, $0xC3F  }
.LBB2_18:
0x18c: {  	_ =	sdelay $0x2  }
0x18d: {  	p0 =	sne.s32 s20, $0x1270  }
0x18e: {  	[tilespmem:v8+s10+$0x0] =	vst.idx.msk vm2, v7;
	s12 =	sadd.s32 $0x10, s12;
	s21 =	smov.u32 s20;
	s20 =	sadd.s32 $0x10, s20  }
0x18f: {  	v7 =	vld [tilespmem:s12+$0x0];
	_ =	sdelay $0x4  }
0x190: {  	v7 =	vshll.u32 v7, $0x4  }
0x191: {  	v8 =	vor.u32 s21, v2;
	v7 =	vxor.u32 v3, v7  }
0x192: {  	(xrf1) =	vsort.ascd.msk.u32 $0xffff, v7, v8;
	_ =	sdelay $0xd  }
0x193: {  	v8, v7, _ =	vpop (xrf1)  }
0x194: {  	v8 =	vshrl.u32 v8, $0x4  }
0x195: {  	v8 =	vxor.u32 $0x8000000, v8  }
0x196: {  	[tilespmem:$0x1D580] =	vst v8;
	v9 =	vsub.s32 v8, v0  }
0x197: {  	v10 =	vld.idx.msk [tilespmem:v4+s9+$0x0], $0xffff;
	vm2 =	vgt.s32 v9, $0x0  }
0x198: {  	v11 =	vnsel vm2, $0x0, v9;
	_ =	sdelay $0x3  }
.Ltmp10:
0x199: {  	(pc) =	sbr.rel @p0 .LBB2_18-.Ltmp10, $4  }
0x19a: {  	vm2 =	vne.s32 v8, v10  }
0x19b: {  	vm3 =	vlt.u32 v9, $0xC40;
	vm2 =	vmor vm2, vm0  }
0x19c: {  	vm2 =	vmand vm2, vm3  }
0x19d: {  	v8 =	vmin.u32 v11, $0xC3F  }
0x19e: {  	_ =	sdelay $0x4  }
0x19f: {  	[tilespmem:v8+s10+$0x0] =	vst.idx.msk vm2, v7  }
0x1a0: {  	_ =	swait.ge [sflag:s2], $0x7000  }
0x1a1: {  	[sflag:s2] =	ssyncset.done $0x0  }
0x1a2: {  	s12 =	rddreg [dreg:$0x12];
	[sflag:s2] =	ssyncadd.s32 $0xFFFF9000  }
0x1a3: {  	[hbm4b:s12+s4] =	stream.linear.scatter [tilespmem:s23], [sflag:$0x6], $0x7000, $0x38;
	[tilespmem:$0x1D600] =	vst v63  }
0x1a4: {  	_ =	swait.ge [sflag:s6], $0x7000  }
0x1a5: {  	[sflag:s6] =	ssyncset.done $0x0  }
0x1a6: {  	s12 =	simm.s32 $0x1280;
	s28 =	rddreg [dreg:$0x13];
	[sflag:s6] =	ssyncadd.s32 $0xFFFF9000  }
0x1a7: {  	[tilespmem:s22], [sflag:$0x3] =	stream.linear.gather [hbm4b:s28+s4], $0x7000, $0x38;
	[tilespmem:$0x1D600] =	vst v63  }
0x1a8: {  	v7 =	vld [tilespmem:s12+$0x0];
	_ =	sdelay $0x4  }
0x1a9: {  	v7 =	vshll.u32 v7, $0x4  }
0x1aa: {  	v8 =	vor.u32 s12, v2;
	v7 =	vxor.u32 v3, v7  }
0x1ab: {  	(xrf1) =	vsort.ascd.msk.u32 $0xffff, v7, v8;
	_ =	sdelay $0xd  }
0x1ac: {  	v8, v7, _ =	vpop (xrf1)  }
0x1ad: {  	v8 =	vshrl.u32 v8, $0x4  }
0x1ae: {  	v8 =	vxor.u32 $0x8000000, v8  }
0x1af: {  	[tilespmem:$0x1D580] =	vst v8  }
0x1b0: {  	v9 =	vld.idx.msk [tilespmem:v4+s9+$0x0], $0xffff;
	_ =	sdelay $0x3  }
0x1b1: {  	v10 =	vsub.s32 v8, v0  }
0x1b2: {  	vm2 =	vgt.s32 v10, $0x0;
	vm3 =	vne.s32 v8, v9  }
0x1b3: {  	v8 =	vnsel vm2, $0x0, v10;
	vm2 =	vlt.u32 v10, $0xC40;
	vm3 =	vmor vm3, vm0  }
0x1b4: {  	vm2 =	vmand vm3, vm2  }
0x1b5: {  	s20 =	simm.s32 $0x1290;
	v8 =	vmin.u32 v8, $0xC3F  }
.LBB2_20:
0x1b6: {  	_ =	sdelay $0x2  }
0x1b7: {  	p0 =	sne.s32 s20, $0x14C0  }
0x1b8: {  	[tilespmem:v8+s10+$0x0] =	vst.idx.msk vm2, v7;
	s12 =	sadd.s32 $0x10, s12;
	s21 =	smov.u32 s20;
	s20 =	sadd.s32 $0x10, s20  }
0x1b9: {  	v7 =	vld [tilespmem:s12+$0x0];
	_ =	sdelay $0x4  }
0x1ba: {  	v7 =	vshll.u32 v7, $0x4  }
0x1bb: {  	v8 =	vor.u32 s21, v2;
	v7 =	vxor.u32 v3, v7  }
0x1bc: {  	(xrf1) =	vsort.ascd.msk.u32 $0xffff, v7, v8;
	_ =	sdelay $0xd  }
0x1bd: {  	v8, v7, _ =	vpop (xrf1)  }
0x1be: {  	v8 =	vshrl.u32 v8, $0x4  }
0x1bf: {  	v8 =	vxor.u32 $0x8000000, v8  }
0x1c0: {  	[tilespmem:$0x1D580] =	vst v8;
	v9 =	vsub.s32 v8, v0  }
0x1c1: {  	v10 =	vld.idx.msk [tilespmem:v4+s9+$0x0], $0xffff;
	vm2 =	vgt.s32 v9, $0x0  }
0x1c2: {  	v11 =	vnsel vm2, $0x0, v9;
	_ =	sdelay $0x3  }
.Ltmp11:
0x1c3: {  	(pc) =	sbr.rel @p0 .LBB2_20-.Ltmp11, $4  }
0x1c4: {  	vm2 =	vne.s32 v8, v10  }
0x1c5: {  	vm3 =	vlt.u32 v9, $0xC40;
	vm2 =	vmor vm2, vm0  }
0x1c6: {  	vm2 =	vmand vm2, vm3  }
0x1c7: {  	v8 =	vmin.u32 v11, $0xC3F  }
0x1c8: {  	_ =	sdelay $0x4  }
0x1c9: {  	[tilespmem:v8+s10+$0x0] =	vst.idx.msk vm2, v7  }
0x1ca: {  	_ =	swait.ge [sflag:s1], $0x7000  }
0x1cb: {  	[sflag:s1] =	ssyncset.done $0x0  }
0x1cc: {  	s12 =	rddreg [dreg:$0x14];
	[sflag:s1] =	ssyncadd.s32 $0xFFFF9000  }
0x1cd: {  	[hbm4b:s12+s4] =	stream.linear.scatter [tilespmem:s22], [sflag:$0x5], $0x7000, $0x38;
	[tilespmem:$0x1D600] =	vst v63  }
0x1ce: {  	_ =	swait.ge [sflag:s7], $0x7000  }
0x1cf: {  	[sflag:s7] =	ssyncset.done $0x0  }
0x1d0: {  	s12 =	simm.s32 $0x14D0;
	s28 =	rddreg [dreg:$0x15];
	[sflag:s7] =	ssyncadd.s32 $0xFFFF9000  }
0x1d1: {  	[tilespmem:s23], [sflag:$0x4] =	stream.linear.gather [hbm4b:s28+s4], $0x7000, $0x38;
	[tilespmem:$0x1D600] =	vst v63  }
0x1d2: {  	v7 =	vld [tilespmem:s12+$0x0];
	_ =	sdelay $0x4  }
0x1d3: {  	v7 =	vshll.u32 v7, $0x4  }
0x1d4: {  	v8 =	vor.u32 s12, v2;
	v7 =	vxor.u32 v3, v7  }
0x1d5: {  	(xrf1) =	vsort.ascd.msk.u32 $0xffff, v7, v8;
	_ =	sdelay $0xd  }
0x1d6: {  	v8, v7, _ =	vpop (xrf1)  }
0x1d7: {  	v8 =	vshrl.u32 v8, $0x4  }
0x1d8: {  	v8 =	vxor.u32 $0x8000000, v8  }
0x1d9: {  	[tilespmem:$0x1D580] =	vst v8  }
0x1da: {  	v9 =	vld.idx.msk [tilespmem:v4+s9+$0x0], $0xffff;
	_ =	sdelay $0x3  }
0x1db: {  	v10 =	vsub.s32 v8, v0  }
0x1dc: {  	vm2 =	vgt.s32 v10, $0x0;
	vm3 =	vne.s32 v8, v9  }
0x1dd: {  	v8 =	vnsel vm2, $0x0, v10;
	vm2 =	vlt.u32 v10, $0xC40;
	vm3 =	vmor vm3, vm0  }
0x1de: {  	vm2 =	vmand vm3, vm2  }
0x1df: {  	s20 =	simm.s32 $0x14E0;
	v8 =	vmin.u32 v8, $0xC3F  }
.LBB2_22:
0x1e0: {  	_ =	sdelay $0x2  }
0x1e1: {  	p0 =	sne.s32 s20, $0x1710  }
0x1e2: {  	[tilespmem:v8+s10+$0x0] =	vst.idx.msk vm2, v7;
	s12 =	sadd.s32 $0x10, s12;
	s21 =	smov.u32 s20;
	s20 =	sadd.s32 $0x10, s20  }
0x1e3: {  	v7 =	vld [tilespmem:s12+$0x0];
	_ =	sdelay $0x4  }
0x1e4: {  	v7 =	vshll.u32 v7, $0x4  }
0x1e5: {  	v8 =	vor.u32 s21, v2;
	v7 =	vxor.u32 v3, v7  }
0x1e6: {  	(xrf1) =	vsort.ascd.msk.u32 $0xffff, v7, v8;
	_ =	sdelay $0xd  }
0x1e7: {  	v8, v7, _ =	vpop (xrf1)  }
0x1e8: {  	v8 =	vshrl.u32 v8, $0x4  }
0x1e9: {  	v8 =	vxor.u32 $0x8000000, v8  }
0x1ea: {  	[tilespmem:$0x1D580] =	vst v8;
	v9 =	vsub.s32 v8, v0  }
0x1eb: {  	v10 =	vld.idx.msk [tilespmem:v4+s9+$0x0], $0xffff;
	vm2 =	vgt.s32 v9, $0x0  }
0x1ec: {  	v11 =	vnsel vm2, $0x0, v9;
	_ =	sdelay $0x3  }
.Ltmp12:
0x1ed: {  	(pc) =	sbr.rel @p0 .LBB2_22-.Ltmp12, $4  }
0x1ee: {  	vm2 =	vne.s32 v8, v10  }
0x1ef: {  	vm3 =	vlt.u32 v9, $0xC40;
	vm2 =	vmor vm2, vm0  }
0x1f0: {  	vm2 =	vmand vm2, vm3  }
0x1f1: {  	v8 =	vmin.u32 v11, $0xC3F  }
0x1f2: {  	_ =	sdelay $0x4  }
0x1f3: {  	[tilespmem:v8+s10+$0x0] =	vst.idx.msk vm2, v7  }
0x1f4: {  	_ =	swait.ge [sflag:s2], $0x7000  }
0x1f5: {  	[sflag:s2] =	ssyncset.done $0x0  }
0x1f6: {  	s12 =	rddreg [dreg:$0x16];
	[sflag:s2] =	ssyncadd.s32 $0xFFFF9000  }
0x1f7: {  	[hbm4b:s12+s4] =	stream.linear.scatter [tilespmem:s23], [sflag:$0x6], $0x7000, $0x38;
	[tilespmem:$0x1D600] =	vst v63  }
0x1f8: {  	_ =	swait.ge [sflag:s6], $0x7000  }
0x1f9: {  	[sflag:s6] =	ssyncset.done $0x0  }
0x1fa: {  	s12 =	simm.s32 $0x1720;
	s28 =	rddreg [dreg:$0x17];
	[sflag:s6] =	ssyncadd.s32 $0xFFFF9000  }
0x1fb: {  	[tilespmem:s22], [sflag:$0x3] =	stream.linear.gather [hbm4b:s28+s4], $0x7000, $0x38;
	[tilespmem:$0x1D600] =	vst v63  }
0x1fc: {  	v7 =	vld [tilespmem:s12+$0x0];
	_ =	sdelay $0x4  }
0x1fd: {  	v7 =	vshll.u32 v7, $0x4  }
0x1fe: {  	v8 =	vor.u32 s12, v2;
	v7 =	vxor.u32 v3, v7  }
0x1ff: {  	(xrf1) =	vsort.ascd.msk.u32 $0xffff, v7, v8;
	_ =	sdelay $0xd  }
0x200: {  	v8, v7, _ =	vpop (xrf1)  }
0x201: {  	v8 =	vshrl.u32 v8, $0x4  }
0x202: {  	v8 =	vxor.u32 $0x8000000, v8  }
0x203: {  	[tilespmem:$0x1D580] =	vst v8  }
0x204: {  	v9 =	vld.idx.msk [tilespmem:v4+s9+$0x0], $0xffff;
	_ =	sdelay $0x3  }
0x205: {  	v10 =	vsub.s32 v8, v0  }
0x206: {  	vm2 =	vgt.s32 v10, $0x0;
	vm3 =	vne.s32 v8, v9  }
0x207: {  	v8 =	vnsel vm2, $0x0, v10;
	vm2 =	vlt.u32 v10, $0xC40;
	vm3 =	vmor vm3, vm0  }
0x208: {  	vm2 =	vmand vm3, vm2  }
0x209: {  	s20 =	simm.s32 $0x1730;
	v8 =	vmin.u32 v8, $0xC3F  }
.LBB2_24:
0x20a: {  	_ =	sdelay $0x2  }
0x20b: {  	p0 =	sne.s32 s20, $0x1960  }
0x20c: {  	[tilespmem:v8+s10+$0x0] =	vst.idx.msk vm2, v7;
	s12 =	sadd.s32 $0x10, s12;
	s21 =	smov.u32 s20;
	s20 =	sadd.s32 $0x10, s20  }
0x20d: {  	v7 =	vld [tilespmem:s12+$0x0];
	_ =	sdelay $0x4  }
0x20e: {  	v7 =	vshll.u32 v7, $0x4  }
0x20f: {  	v8 =	vor.u32 s21, v2;
	v7 =	vxor.u32 v3, v7  }
0x210: {  	(xrf1) =	vsort.ascd.msk.u32 $0xffff, v7, v8;
	_ =	sdelay $0xd  }
0x211: {  	v8, v7, _ =	vpop (xrf1)  }
0x212: {  	v8 =	vshrl.u32 v8, $0x4  }
0x213: {  	v8 =	vxor.u32 $0x8000000, v8  }
0x214: {  	[tilespmem:$0x1D580] =	vst v8;
	v9 =	vsub.s32 v8, v0  }
0x215: {  	v10 =	vld.idx.msk [tilespmem:v4+s9+$0x0], $0xffff;
	vm2 =	vgt.s32 v9, $0x0  }
0x216: {  	v11 =	vnsel vm2, $0x0, v9;
	_ =	sdelay $0x3  }
.Ltmp13:
0x217: {  	(pc) =	sbr.rel @p0 .LBB2_24-.Ltmp13, $4  }
0x218: {  	vm2 =	vne.s32 v8, v10  }
0x219: {  	vm3 =	vlt.u32 v9, $0xC40;
	vm2 =	vmor vm2, vm0  }
0x21a: {  	vm2 =	vmand vm2, vm3  }
0x21b: {  	v8 =	vmin.u32 v11, $0xC3F  }
0x21c: {  	_ =	sdelay $0x4  }
0x21d: {  	[tilespmem:v8+s10+$0x0] =	vst.idx.msk vm2, v7  }
0x21e: {  	_ =	swait.ge [sflag:s1], $0x7000  }
0x21f: {  	[sflag:s1] =	ssyncset.done $0x0  }
0x220: {  	s12 =	rddreg [dreg:$0x18];
	[sflag:s1] =	ssyncadd.s32 $0xFFFF9000  }
0x221: {  	[hbm4b:s12+s4] =	stream.linear.scatter [tilespmem:s22], [sflag:$0x5], $0x7000, $0x38;
	[tilespmem:$0x1D600] =	vst v63  }
0x222: {  	_ =	swait.ge [sflag:s7], $0x7000  }
0x223: {  	[sflag:s7] =	ssyncset.done $0x0  }
0x224: {  	s12 =	simm.s32 $0x1970;
	s28 =	rddreg [dreg:$0x19];
	[sflag:s7] =	ssyncadd.s32 $0xFFFF9000  }
0x225: {  	[tilespmem:s23], [sflag:$0x4] =	stream.linear.gather [hbm4b:s28+s4], $0x7000, $0x38;
	[tilespmem:$0x1D600] =	vst v63  }
0x226: {  	v7 =	vld [tilespmem:s12+$0x0];
	_ =	sdelay $0x4  }
0x227: {  	v7 =	vshll.u32 v7, $0x4  }
0x228: {  	v8 =	vor.u32 s12, v2;
	v7 =	vxor.u32 v3, v7  }
0x229: {  	(xrf1) =	vsort.ascd.msk.u32 $0xffff, v7, v8;
	_ =	sdelay $0xd  }
0x22a: {  	v8, v7, _ =	vpop (xrf1)  }
0x22b: {  	v8 =	vshrl.u32 v8, $0x4  }
0x22c: {  	v8 =	vxor.u32 $0x8000000, v8  }
0x22d: {  	[tilespmem:$0x1D580] =	vst v8  }
0x22e: {  	v9 =	vld.idx.msk [tilespmem:v4+s9+$0x0], $0xffff;
	_ =	sdelay $0x3  }
0x22f: {  	v10 =	vsub.s32 v8, v0  }
0x230: {  	vm2 =	vgt.s32 v10, $0x0;
	vm3 =	vne.s32 v8, v9  }
0x231: {  	v8 =	vnsel vm2, $0x0, v10;
	vm2 =	vlt.u32 v10, $0xC40;
	vm3 =	vmor vm3, vm0  }
0x232: {  	vm2 =	vmand vm3, vm2  }
0x233: {  	s20 =	simm.s32 $0x1980;
	v8 =	vmin.u32 v8, $0xC3F  }
.LBB2_26:
0x234: {  	_ =	sdelay $0x2  }
0x235: {  	p0 =	sne.s32 s20, $0x1BB0  }
0x236: {  	[tilespmem:v8+s10+$0x0] =	vst.idx.msk vm2, v7;
	s12 =	sadd.s32 $0x10, s12;
	s21 =	smov.u32 s20;
	s20 =	sadd.s32 $0x10, s20  }
0x237: {  	v7 =	vld [tilespmem:s12+$0x0];
	_ =	sdelay $0x4  }
0x238: {  	v7 =	vshll.u32 v7, $0x4  }
0x239: {  	v8 =	vor.u32 s21, v2;
	v7 =	vxor.u32 v3, v7  }
0x23a: {  	(xrf1) =	vsort.ascd.msk.u32 $0xffff, v7, v8;
	_ =	sdelay $0xd  }
0x23b: {  	v8, v7, _ =	vpop (xrf1)  }
0x23c: {  	v8 =	vshrl.u32 v8, $0x4  }
0x23d: {  	v8 =	vxor.u32 $0x8000000, v8  }
0x23e: {  	[tilespmem:$0x1D580] =	vst v8;
	v9 =	vsub.s32 v8, v0  }
0x23f: {  	v10 =	vld.idx.msk [tilespmem:v4+s9+$0x0], $0xffff;
	vm2 =	vgt.s32 v9, $0x0  }
0x240: {  	v11 =	vnsel vm2, $0x0, v9;
	_ =	sdelay $0x3  }
.Ltmp14:
0x241: {  	(pc) =	sbr.rel @p0 .LBB2_26-.Ltmp14, $4  }
0x242: {  	vm2 =	vne.s32 v8, v10  }
0x243: {  	vm3 =	vlt.u32 v9, $0xC40;
	vm2 =	vmor vm2, vm0  }
0x244: {  	vm2 =	vmand vm2, vm3  }
0x245: {  	v8 =	vmin.u32 v11, $0xC3F  }
0x246: {  	_ =	sdelay $0x4  }
0x247: {  	[tilespmem:v8+s10+$0x0] =	vst.idx.msk vm2, v7  }
0x248: {  	_ =	swait.ge [sflag:s2], $0x7000  }
0x249: {  	[sflag:s2] =	ssyncset.done $0x0  }
0x24a: {  	s12 =	rddreg [dreg:$0x1a];
	[sflag:s2] =	ssyncadd.s32 $0xFFFF9000  }
0x24b: {  	[hbm4b:s12+s4] =	stream.linear.scatter [tilespmem:s23], [sflag:$0x6], $0x7000, $0x38;
	[tilespmem:$0x1D600] =	vst v63  }
0x24c: {  	_ =	swait.ge [sflag:s6], $0x7000  }
0x24d: {  	[sflag:s6] =	ssyncset.done $0x0  }
0x24e: {  	s12 =	simm.s32 $0x1BC0;
	s28 =	rddreg [dreg:$0x1b];
	[sflag:s6] =	ssyncadd.s32 $0xFFFF9000  }
0x24f: {  	[tilespmem:s22], [sflag:$0x3] =	stream.linear.gather [hbm4b:s28+s4], $0x7000, $0x38;
	[tilespmem:$0x1D600] =	vst v63  }
0x250: {  	v7 =	vld [tilespmem:s12+$0x0];
	_ =	sdelay $0x4  }
0x251: {  	v7 =	vshll.u32 v7, $0x4  }
0x252: {  	v8 =	vor.u32 s12, v2;
	v7 =	vxor.u32 v3, v7  }
0x253: {  	(xrf1) =	vsort.ascd.msk.u32 $0xffff, v7, v8;
	_ =	sdelay $0xd  }
0x254: {  	v8, v7, _ =	vpop (xrf1)  }
0x255: {  	v8 =	vshrl.u32 v8, $0x4  }
0x256: {  	v8 =	vxor.u32 $0x8000000, v8  }
0x257: {  	[tilespmem:$0x1D580] =	vst v8  }
0x258: {  	v9 =	vld.idx.msk [tilespmem:v4+s9+$0x0], $0xffff;
	_ =	sdelay $0x3  }
0x259: {  	v10 =	vsub.s32 v8, v0  }
0x25a: {  	vm2 =	vgt.s32 v10, $0x0;
	vm3 =	vne.s32 v8, v9  }
0x25b: {  	v8 =	vnsel vm2, $0x0, v10;
	vm2 =	vlt.u32 v10, $0xC40;
	vm3 =	vmor vm3, vm0  }
0x25c: {  	vm2 =	vmand vm3, vm2  }
0x25d: {  	s20 =	simm.s32 $0x1BD0;
	v8 =	vmin.u32 v8, $0xC3F  }
.LBB2_28:
0x25e: {  	_ =	sdelay $0x2  }
0x25f: {  	p0 =	sne.s32 s20, $0x1E00  }
0x260: {  	[tilespmem:v8+s10+$0x0] =	vst.idx.msk vm2, v7;
	s12 =	sadd.s32 $0x10, s12;
	s21 =	smov.u32 s20;
	s20 =	sadd.s32 $0x10, s20  }
0x261: {  	v7 =	vld [tilespmem:s12+$0x0];
	_ =	sdelay $0x4  }
0x262: {  	v7 =	vshll.u32 v7, $0x4  }
0x263: {  	v8 =	vor.u32 s21, v2;
	v7 =	vxor.u32 v3, v7  }
0x264: {  	(xrf1) =	vsort.ascd.msk.u32 $0xffff, v7, v8;
	_ =	sdelay $0xd  }
0x265: {  	v8, v7, _ =	vpop (xrf1)  }
0x266: {  	v8 =	vshrl.u32 v8, $0x4  }
0x267: {  	v8 =	vxor.u32 $0x8000000, v8  }
0x268: {  	[tilespmem:$0x1D580] =	vst v8;
	v9 =	vsub.s32 v8, v0  }
0x269: {  	v10 =	vld.idx.msk [tilespmem:v4+s9+$0x0], $0xffff;
	vm2 =	vgt.s32 v9, $0x0  }
0x26a: {  	v11 =	vnsel vm2, $0x0, v9;
	_ =	sdelay $0x3  }
.Ltmp15:
0x26b: {  	(pc) =	sbr.rel @p0 .LBB2_28-.Ltmp15, $4  }
0x26c: {  	vm2 =	vne.s32 v8, v10  }
0x26d: {  	vm3 =	vlt.u32 v9, $0xC40;
	vm2 =	vmor vm2, vm0  }
0x26e: {  	vm2 =	vmand vm2, vm3  }
0x26f: {  	v8 =	vmin.u32 v11, $0xC3F  }
0x270: {  	_ =	sdelay $0x4  }
0x271: {  	[tilespmem:v8+s10+$0x0] =	vst.idx.msk vm2, v7  }
0x272: {  	_ =	swait.ge [sflag:s1], $0x7000  }
0x273: {  	[sflag:s1] =	ssyncset.done $0x0  }
0x274: {  	s12 =	rddreg [dreg:$0x1c];
	[sflag:s1] =	ssyncadd.s32 $0xFFFF9000  }
0x275: {  	[hbm4b:s12+s4] =	stream.linear.scatter [tilespmem:s22], [sflag:$0x5], $0x7000, $0x38;
	[tilespmem:$0x1D600] =	vst v63  }
0x276: {  	_ =	swait.ge [sflag:s7], $0x7000  }
0x277: {  	[sflag:s7] =	ssyncset.done $0x0  }
0x278: {  	s12 =	simm.s32 $0x1E10;
	s28 =	rddreg [dreg:$0x1d];
	[sflag:s7] =	ssyncadd.s32 $0xFFFF9000  }
0x279: {  	[tilespmem:s23], [sflag:$0x4] =	stream.linear.gather [hbm4b:s28+s4], $0x7000, $0x38;
	[tilespmem:$0x1D600] =	vst v63  }
0x27a: {  	v7 =	vld [tilespmem:s12+$0x0];
	_ =	sdelay $0x4  }
0x27b: {  	v7 =	vshll.u32 v7, $0x4  }
0x27c: {  	v8 =	vor.u32 s12, v2;
	v7 =	vxor.u32 v3, v7  }
0x27d: {  	(xrf1) =	vsort.ascd.msk.u32 $0xffff, v7, v8;
	_ =	sdelay $0xd  }
0x27e: {  	v8, v7, _ =	vpop (xrf1)  }
0x27f: {  	v8 =	vshrl.u32 v8, $0x4  }
0x280: {  	v8 =	vxor.u32 $0x8000000, v8  }
0x281: {  	[tilespmem:$0x1D580] =	vst v8  }
0x282: {  	v9 =	vld.idx.msk [tilespmem:v4+s9+$0x0], $0xffff;
	_ =	sdelay $0x3  }
0x283: {  	v10 =	vsub.s32 v8, v0  }
0x284: {  	vm2 =	vgt.s32 v10, $0x0;
	vm3 =	vne.s32 v8, v9  }
0x285: {  	v8 =	vnsel vm2, $0x0, v10;
	vm2 =	vlt.u32 v10, $0xC40;
	vm3 =	vmor vm3, vm0  }
0x286: {  	vm2 =	vmand vm3, vm2  }
0x287: {  	s20 =	simm.s32 $0x1E20;
	v8 =	vmin.u32 v8, $0xC3F  }
.LBB2_30:
0x288: {  	_ =	sdelay $0x2  }
0x289: {  	p0 =	sne.s32 s20, $0x2050  }
0x28a: {  	[tilespmem:v8+s10+$0x0] =	vst.idx.msk vm2, v7;
	s12 =	sadd.s32 $0x10, s12;
	s21 =	smov.u32 s20;
	s20 =	sadd.s32 $0x10, s20  }
0x28b: {  	v7 =	vld [tilespmem:s12+$0x0];
	_ =	sdelay $0x4  }
0x28c: {  	v7 =	vshll.u32 v7, $0x4  }
0x28d: {  	v8 =	vor.u32 s21, v2;
	v7 =	vxor.u32 v3, v7  }
0x28e: {  	(xrf1) =	vsort.ascd.msk.u32 $0xffff, v7, v8;
	_ =	sdelay $0xd  }
0x28f: {  	v8, v7, _ =	vpop (xrf1)  }
0x290: {  	v8 =	vshrl.u32 v8, $0x4  }
0x291: {  	v8 =	vxor.u32 $0x8000000, v8  }
0x292: {  	[tilespmem:$0x1D580] =	vst v8;
	v9 =	vsub.s32 v8, v0  }
0x293: {  	v10 =	vld.idx.msk [tilespmem:v4+s9+$0x0], $0xffff;
	vm2 =	vgt.s32 v9, $0x0  }
0x294: {  	v11 =	vnsel vm2, $0x0, v9;
	_ =	sdelay $0x3  }
.Ltmp16:
0x295: {  	(pc) =	sbr.rel @p0 .LBB2_30-.Ltmp16, $4  }
0x296: {  	vm2 =	vne.s32 v8, v10  }
0x297: {  	vm3 =	vlt.u32 v9, $0xC40;
	vm2 =	vmor vm2, vm0  }
0x298: {  	vm2 =	vmand vm2, vm3  }
0x299: {  	v8 =	vmin.u32 v11, $0xC3F  }
0x29a: {  	_ =	sdelay $0x4  }
0x29b: {  	[tilespmem:v8+s10+$0x0] =	vst.idx.msk vm2, v7  }
0x29c: {  	_ =	swait.ge [sflag:s2], $0x7000  }
0x29d: {  	[sflag:s2] =	ssyncset.done $0x0  }
0x29e: {  	s12 =	rddreg [dreg:$0x1e];
	[sflag:s2] =	ssyncadd.s32 $0xFFFF9000  }
0x29f: {  	[hbm4b:s12+s4] =	stream.linear.scatter [tilespmem:s23], [sflag:$0x6], $0x7000, $0x38;
	[tilespmem:$0x1D600] =	vst v63  }
0x2a0: {  	_ =	swait.ge [sflag:s6], $0x7000  }
0x2a1: {  	[sflag:s6] =	ssyncset.done $0x0  }
0x2a2: {  	s12 =	simm.s32 $0x2060;
	s28 =	rddreg [dreg:$0x1f];
	[sflag:s6] =	ssyncadd.s32 $0xFFFF9000  }
0x2a3: {  	[tilespmem:s22], [sflag:$0x3] =	stream.linear.gather [hbm4b:s28+s4], $0x7000, $0x38;
	[tilespmem:$0x1D600] =	vst v63  }
0x2a4: {  	v7 =	vld [tilespmem:s12+$0x0];
	_ =	sdelay $0x4  }
0x2a5: {  	v7 =	vshll.u32 v7, $0x4  }
0x2a6: {  	v8 =	vor.u32 s12, v2;
	v7 =	vxor.u32 v3, v7  }
0x2a7: {  	(xrf1) =	vsort.ascd.msk.u32 $0xffff, v7, v8;
	_ =	sdelay $0xd  }
0x2a8: {  	v8, v7, _ =	vpop (xrf1)  }
0x2a9: {  	v8 =	vshrl.u32 v8, $0x4  }
0x2aa: {  	v8 =	vxor.u32 $0x8000000, v8  }
0x2ab: {  	[tilespmem:$0x1D580] =	vst v8  }
0x2ac: {  	v9 =	vld.idx.msk [tilespmem:v4+s9+$0x0], $0xffff;
	_ =	sdelay $0x3  }
0x2ad: {  	v10 =	vsub.s32 v8, v0  }
0x2ae: {  	vm2 =	vgt.s32 v10, $0x0;
	vm3 =	vne.s32 v8, v9  }
0x2af: {  	v8 =	vnsel vm2, $0x0, v10;
	vm2 =	vlt.u32 v10, $0xC40;
	vm3 =	vmor vm3, vm0  }
0x2b0: {  	vm2 =	vmand vm3, vm2  }
0x2b1: {  	s20 =	simm.s32 $0x2070;
	v8 =	vmin.u32 v8, $0xC3F  }
.LBB2_32:
0x2b2: {  	_ =	sdelay $0x2  }
0x2b3: {  	p0 =	sne.s32 s20, $0x22A0  }
0x2b4: {  	[tilespmem:v8+s10+$0x0] =	vst.idx.msk vm2, v7;
	s12 =	sadd.s32 $0x10, s12;
	s21 =	smov.u32 s20;
	s20 =	sadd.s32 $0x10, s20  }
0x2b5: {  	v7 =	vld [tilespmem:s12+$0x0];
	_ =	sdelay $0x4  }
0x2b6: {  	v7 =	vshll.u32 v7, $0x4  }
0x2b7: {  	v8 =	vor.u32 s21, v2;
	v7 =	vxor.u32 v3, v7  }
0x2b8: {  	(xrf1) =	vsort.ascd.msk.u32 $0xffff, v7, v8;
	_ =	sdelay $0xd  }
0x2b9: {  	v8, v7, _ =	vpop (xrf1)  }
0x2ba: {  	v8 =	vshrl.u32 v8, $0x4  }
0x2bb: {  	v8 =	vxor.u32 $0x8000000, v8  }
0x2bc: {  	[tilespmem:$0x1D580] =	vst v8;
	v9 =	vsub.s32 v8, v0  }
0x2bd: {  	v10 =	vld.idx.msk [tilespmem:v4+s9+$0x0], $0xffff;
	vm2 =	vgt.s32 v9, $0x0  }
0x2be: {  	v11 =	vnsel vm2, $0x0, v9;
	_ =	sdelay $0x3  }
.Ltmp17:
0x2bf: {  	(pc) =	sbr.rel @p0 .LBB2_32-.Ltmp17, $4  }
0x2c0: {  	vm2 =	vne.s32 v8, v10  }
0x2c1: {  	vm3 =	vlt.u32 v9, $0xC40;
	vm2 =	vmor vm2, vm0  }
0x2c2: {  	vm2 =	vmand vm2, vm3  }
0x2c3: {  	v8 =	vmin.u32 v11, $0xC3F  }
0x2c4: {  	_ =	sdelay $0x4  }
0x2c5: {  	[tilespmem:v8+s10+$0x0] =	vst.idx.msk vm2, v7  }
0x2c6: {  	_ =	swait.ge [sflag:s1], $0x7000  }
0x2c7: {  	s12 =	sld [smem:$0x7E0]  }
0x2c8: {  	[sflag:s1] =	ssyncset.done $0x0  }
0x2c9: {  	[sflag:s1] =	ssyncadd.s32 $0xFFFF9000  }
0x2ca: {  	[hbm4b:s12+s4] =	stream.linear.scatter [tilespmem:s22], [sflag:$0x5], $0x7000, $0x38;
	[tilespmem:$0x1D600] =	vst v63  }
0x2cb: {  	_ =	swait.ge [sflag:s7], $0x7000  }
0x2cc: {  	s28 =	sld [smem:$0x7E1]  }
0x2cd: {  	[sflag:s7] =	ssyncset.done $0x0  }
0x2ce: {  	s12 =	simm.s32 $0x22B0;
	[sflag:s7] =	ssyncadd.s32 $0xFFFF9000  }
0x2cf: {  	[tilespmem:s23], [sflag:$0x4] =	stream.linear.gather [hbm4b:s28+s4], $0x7000, $0x38;
	[tilespmem:$0x1D600] =	vst v63  }
0x2d0: {  	v7 =	vld [tilespmem:s12+$0x0];
	_ =	sdelay $0x4  }
0x2d1: {  	v7 =	vshll.u32 v7, $0x4  }
0x2d2: {  	v8 =	vor.u32 s12, v2;
	v7 =	vxor.u32 v3, v7  }
0x2d3: {  	(xrf1) =	vsort.ascd.msk.u32 $0xffff, v7, v8;
	_ =	sdelay $0xd  }
0x2d4: {  	v8, v7, _ =	vpop (xrf1)  }
0x2d5: {  	v8 =	vshrl.u32 v8, $0x4  }
0x2d6: {  	v8 =	vxor.u32 $0x8000000, v8  }
0x2d7: {  	[tilespmem:$0x1D580] =	vst v8  }
0x2d8: {  	v9 =	vld.idx.msk [tilespmem:v4+s9+$0x0], $0xffff;
	_ =	sdelay $0x3  }
0x2d9: {  	v10 =	vsub.s32 v8, v0  }
0x2da: {  	vm2 =	vgt.s32 v10, $0x0;
	vm3 =	vne.s32 v8, v9  }
0x2db: {  	v8 =	vnsel vm2, $0x0, v10;
	vm2 =	vlt.u32 v10, $0xC40;
	vm3 =	vmor vm3, vm0  }
0x2dc: {  	vm2 =	vmand vm3, vm2  }
0x2dd: {  	s20 =	simm.s32 $0x22C0;
	v8 =	vmin.u32 v8, $0xC3F  }
.LBB2_34:
0x2de: {  	_ =	sdelay $0x2  }
0x2df: {  	p0 =	sne.s32 s20, $0x24F0  }
0x2e0: {  	[tilespmem:v8+s10+$0x0] =	vst.idx.msk vm2, v7;
	s12 =	sadd.s32 $0x10, s12;
	s21 =	smov.u32 s20;
	s20 =	sadd.s32 $0x10, s20  }
0x2e1: {  	v7 =	vld [tilespmem:s12+$0x0];
	_ =	sdelay $0x4  }
0x2e2: {  	v7 =	vshll.u32 v7, $0x4  }
0x2e3: {  	v8 =	vor.u32 s21, v2;
	v7 =	vxor.u32 v3, v7  }
0x2e4: {  	(xrf1) =	vsort.ascd.msk.u32 $0xffff, v7, v8;
	_ =	sdelay $0xd  }
0x2e5: {  	v8, v7, _ =	vpop (xrf1)  }
0x2e6: {  	v8 =	vshrl.u32 v8, $0x4  }
0x2e7: {  	v8 =	vxor.u32 $0x8000000, v8  }
0x2e8: {  	[tilespmem:$0x1D580] =	vst v8;
	v9 =	vsub.s32 v8, v0  }
0x2e9: {  	v10 =	vld.idx.msk [tilespmem:v4+s9+$0x0], $0xffff;
	vm2 =	vgt.s32 v9, $0x0  }
0x2ea: {  	v11 =	vnsel vm2, $0x0, v9;
	_ =	sdelay $0x3  }
.Ltmp18:
0x2eb: {  	(pc) =	sbr.rel @p0 .LBB2_34-.Ltmp18, $4  }
0x2ec: {  	vm2 =	vne.s32 v8, v10  }
0x2ed: {  	vm3 =	vlt.u32 v9, $0xC40;
	vm2 =	vmor vm2, vm0  }
0x2ee: {  	vm2 =	vmand vm2, vm3  }
0x2ef: {  	v8 =	vmin.u32 v11, $0xC3F  }
0x2f0: {  	_ =	sdelay $0x4  }
0x2f1: {  	[tilespmem:v8+s10+$0x0] =	vst.idx.msk vm2, v7  }
0x2f2: {  	_ =	swait.ge [sflag:s2], $0x7000  }
0x2f3: {  	s12 =	sld [smem:$0x7E2]  }
0x2f4: {  	[sflag:s2] =	ssyncset.done $0x0  }
0x2f5: {  	[sflag:s2] =	ssyncadd.s32 $0xFFFF9000  }
0x2f6: {  	[hbm4b:s12+s4] =	stream.linear.scatter [tilespmem:s23], [sflag:$0x6], $0x7000, $0x38;
	[tilespmem:$0x1D600] =	vst v63  }
0x2f7: {  	_ =	swait.ge [sflag:s6], $0x7000  }
0x2f8: {  	s28 =	sld [smem:$0x7E3]  }
0x2f9: {  	[sflag:s6] =	ssyncset.done $0x0  }
0x2fa: {  	s12 =	simm.s32 $0x2500;
	[sflag:s6] =	ssyncadd.s32 $0xFFFF9000  }
0x2fb: {  	[tilespmem:s22], [sflag:$0x3] =	stream.linear.gather [hbm4b:s28+s4], $0x7000, $0x38;
	[tilespmem:$0x1D600] =	vst v63  }
0x2fc: {  	v7 =	vld [tilespmem:s12+$0x0];
	_ =	sdelay $0x4  }
0x2fd: {  	v7 =	vshll.u32 v7, $0x4  }
0x2fe: {  	v8 =	vor.u32 s12, v2;
	v7 =	vxor.u32 v3, v7  }
0x2ff: {  	(xrf1) =	vsort.ascd.msk.u32 $0xffff, v7, v8;
	_ =	sdelay $0xd  }
0x300: {  	v8, v7, _ =	vpop (xrf1)  }
0x301: {  	v8 =	vshrl.u32 v8, $0x4  }
0x302: {  	v8 =	vxor.u32 $0x8000000, v8  }
0x303: {  	[tilespmem:$0x1D580] =	vst v8  }
0x304: {  	v9 =	vld.idx.msk [tilespmem:v4+s9+$0x0], $0xffff;
	_ =	sdelay $0x3  }
0x305: {  	v10 =	vsub.s32 v8, v0  }
0x306: {  	vm2 =	vgt.s32 v10, $0x0;
	vm3 =	vne.s32 v8, v9  }
0x307: {  	v8 =	vnsel vm2, $0x0, v10;
	vm2 =	vlt.u32 v10, $0xC40;
	vm3 =	vmor vm3, vm0  }
0x308: {  	vm2 =	vmand vm3, vm2  }
0x309: {  	s20 =	simm.s32 $0x2510;
	v8 =	vmin.u32 v8, $0xC3F  }
.LBB2_36:
0x30a: {  	_ =	sdelay $0x2  }
0x30b: {  	p0 =	sne.s32 s20, $0x2740  }
0x30c: {  	[tilespmem:v8+s10+$0x0] =	vst.idx.msk vm2, v7;
	s12 =	sadd.s32 $0x10, s12;
	s21 =	smov.u32 s20;
	s20 =	sadd.s32 $0x10, s20  }
0x30d: {  	v7 =	vld [tilespmem:s12+$0x0];
	_ =	sdelay $0x4  }
0x30e: {  	v7 =	vshll.u32 v7, $0x4  }
0x30f: {  	v8 =	vor.u32 s21, v2;
	v7 =	vxor.u32 v3, v7  }
0x310: {  	(xrf1) =	vsort.ascd.msk.u32 $0xffff, v7, v8;
	_ =	sdelay $0xd  }
0x311: {  	v8, v7, _ =	vpop (xrf1)  }
0x312: {  	v8 =	vshrl.u32 v8, $0x4  }
0x313: {  	v8 =	vxor.u32 $0x8000000, v8  }
0x314: {  	[tilespmem:$0x1D580] =	vst v8;
	v9 =	vsub.s32 v8, v0  }
0x315: {  	v10 =	vld.idx.msk [tilespmem:v4+s9+$0x0], $0xffff;
	vm2 =	vgt.s32 v9, $0x0  }
0x316: {  	v11 =	vnsel vm2, $0x0, v9;
	_ =	sdelay $0x3  }
.Ltmp19:
0x317: {  	(pc) =	sbr.rel @p0 .LBB2_36-.Ltmp19, $4  }
0x318: {  	vm2 =	vne.s32 v8, v10  }
0x319: {  	vm3 =	vlt.u32 v9, $0xC40;
	vm2 =	vmor vm2, vm0  }
0x31a: {  	vm2 =	vmand vm2, vm3  }
0x31b: {  	v8 =	vmin.u32 v11, $0xC3F  }
0x31c: {  	_ =	sdelay $0x4  }
0x31d: {  	[tilespmem:v8+s10+$0x0] =	vst.idx.msk vm2, v7  }
0x31e: {  	_ =	swait.ge [sflag:s1], $0x7000  }
0x31f: {  	s12 =	sld [smem:$0x7E4]  }
0x320: {  	[sflag:s1] =	ssyncset.done $0x0  }
0x321: {  	[sflag:s1] =	ssyncadd.s32 $0xFFFF9000  }
0x322: {  	[hbm4b:s12+s4] =	stream.linear.scatter [tilespmem:s22], [sflag:$0x5], $0x7000, $0x38;
	[tilespmem:$0x1D600] =	vst v63  }
0x323: {  	_ =	swait.ge [sflag:s7], $0x7000  }
0x324: {  	s28 =	sld [smem:$0x7E5]  }
0x325: {  	[sflag:s7] =	ssyncset.done $0x0  }
0x326: {  	s12 =	simm.s32 $0x2750;
	[sflag:s7] =	ssyncadd.s32 $0xFFFF9000  }
0x327: {  	[tilespmem:s23], [sflag:$0x4] =	stream.linear.gather [hbm4b:s28+s4], $0x7000, $0x38;
	[tilespmem:$0x1D600] =	vst v63  }
0x328: {  	v7 =	vld [tilespmem:s12+$0x0];
	_ =	sdelay $0x4  }
0x329: {  	v7 =	vshll.u32 v7, $0x4  }
0x32a: {  	v8 =	vor.u32 s12, v2;
	v7 =	vxor.u32 v3, v7  }
0x32b: {  	(xrf1) =	vsort.ascd.msk.u32 $0xffff, v7, v8;
	_ =	sdelay $0xd  }
0x32c: {  	v8, v7, _ =	vpop (xrf1)  }
0x32d: {  	v8 =	vshrl.u32 v8, $0x4  }
0x32e: {  	v8 =	vxor.u32 $0x8000000, v8  }
0x32f: {  	[tilespmem:$0x1D580] =	vst v8  }
0x330: {  	v9 =	vld.idx.msk [tilespmem:v4+s9+$0x0], $0xffff;
	_ =	sdelay $0x3  }
0x331: {  	v10 =	vsub.s32 v8, v0  }
0x332: {  	vm2 =	vgt.s32 v10, $0x0;
	vm3 =	vne.s32 v8, v9  }
0x333: {  	v8 =	vnsel vm2, $0x0, v10;
	vm2 =	vlt.u32 v10, $0xC40;
	vm3 =	vmor vm3, vm0  }
0x334: {  	vm2 =	vmand vm3, vm2  }
0x335: {  	s20 =	simm.s32 $0x2760;
	v8 =	vmin.u32 v8, $0xC3F  }
.LBB2_38:
0x336: {  	_ =	sdelay $0x2  }
0x337: {  	p0 =	sne.s32 s20, $0x2990  }
0x338: {  	[tilespmem:v8+s10+$0x0] =	vst.idx.msk vm2, v7;
	s12 =	sadd.s32 $0x10, s12;
	s21 =	smov.u32 s20;
	s20 =	sadd.s32 $0x10, s20  }
0x339: {  	v7 =	vld [tilespmem:s12+$0x0];
	_ =	sdelay $0x4  }
0x33a: {  	v7 =	vshll.u32 v7, $0x4  }
0x33b: {  	v8 =	vor.u32 s21, v2;
	v7 =	vxor.u32 v3, v7  }
0x33c: {  	(xrf1) =	vsort.ascd.msk.u32 $0xffff, v7, v8;
	_ =	sdelay $0xd  }
0x33d: {  	v8, v7, _ =	vpop (xrf1)  }
0x33e: {  	v8 =	vshrl.u32 v8, $0x4  }
0x33f: {  	v8 =	vxor.u32 $0x8000000, v8  }
0x340: {  	[tilespmem:$0x1D580] =	vst v8;
	v9 =	vsub.s32 v8, v0  }
0x341: {  	v10 =	vld.idx.msk [tilespmem:v4+s9+$0x0], $0xffff;
	vm2 =	vgt.s32 v9, $0x0  }
0x342: {  	v11 =	vnsel vm2, $0x0, v9;
	_ =	sdelay $0x3  }
.Ltmp20:
0x343: {  	(pc) =	sbr.rel @p0 .LBB2_38-.Ltmp20, $4  }
0x344: {  	vm2 =	vne.s32 v8, v10  }
0x345: {  	vm3 =	vlt.u32 v9, $0xC40;
	vm2 =	vmor vm2, vm0  }
0x346: {  	vm2 =	vmand vm2, vm3  }
0x347: {  	v8 =	vmin.u32 v11, $0xC3F  }
0x348: {  	_ =	sdelay $0x4  }
0x349: {  	[tilespmem:v8+s10+$0x0] =	vst.idx.msk vm2, v7  }
0x34a: {  	_ =	swait.ge [sflag:s2], $0x7000  }
0x34b: {  	s12 =	sld [smem:$0x7E6]  }
0x34c: {  	[sflag:s2] =	ssyncset.done $0x0  }
0x34d: {  	[sflag:s2] =	ssyncadd.s32 $0xFFFF9000  }
0x34e: {  	[hbm4b:s12+s4] =	stream.linear.scatter [tilespmem:s23], [sflag:$0x6], $0x7000, $0x38;
	[tilespmem:$0x1D600] =	vst v63  }
0x34f: {  	_ =	swait.ge [sflag:s6], $0x7000  }
0x350: {  	s28 =	sld [smem:$0x7E7]  }
0x351: {  	[sflag:s6] =	ssyncset.done $0x0  }
0x352: {  	s12 =	simm.s32 $0x29A0;
	[sflag:s6] =	ssyncadd.s32 $0xFFFF9000  }
0x353: {  	[tilespmem:s22], [sflag:$0x3] =	stream.linear.gather [hbm4b:s28+s4], $0x7000, $0x38;
	[tilespmem:$0x1D600] =	vst v63  }
0x354: {  	v7 =	vld [tilespmem:s12+$0x0];
	_ =	sdelay $0x4  }
0x355: {  	v7 =	vshll.u32 v7, $0x4  }
0x356: {  	v8 =	vor.u32 s12, v2;
	v7 =	vxor.u32 v3, v7  }
0x357: {  	(xrf1) =	vsort.ascd.msk.u32 $0xffff, v7, v8;
	_ =	sdelay $0xd  }
0x358: {  	v8, v7, _ =	vpop (xrf1)  }
0x359: {  	v8 =	vshrl.u32 v8, $0x4  }
0x35a: {  	v8 =	vxor.u32 $0x8000000, v8  }
0x35b: {  	[tilespmem:$0x1D580] =	vst v8  }
0x35c: {  	v9 =	vld.idx.msk [tilespmem:v4+s9+$0x0], $0xffff;
	_ =	sdelay $0x3  }
0x35d: {  	v10 =	vsub.s32 v8, v0  }
0x35e: {  	vm2 =	vgt.s32 v10, $0x0;
	vm3 =	vne.s32 v8, v9  }
0x35f: {  	v8 =	vnsel vm2, $0x0, v10;
	vm2 =	vlt.u32 v10, $0xC40;
	vm3 =	vmor vm3, vm0  }
0x360: {  	vm2 =	vmand vm3, vm2  }
0x361: {  	s20 =	simm.s32 $0x29B0;
	v8 =	vmin.u32 v8, $0xC3F  }
.LBB2_40:
0x362: {  	_ =	sdelay $0x2  }
0x363: {  	p0 =	sne.s32 s20, $0x2BE0  }
0x364: {  	[tilespmem:v8+s10+$0x0] =	vst.idx.msk vm2, v7;
	s12 =	sadd.s32 $0x10, s12;
	s21 =	smov.u32 s20;
	s20 =	sadd.s32 $0x10, s20  }
0x365: {  	v7 =	vld [tilespmem:s12+$0x0];
	_ =	sdelay $0x4  }
0x366: {  	v7 =	vshll.u32 v7, $0x4  }
0x367: {  	v8 =	vor.u32 s21, v2;
	v7 =	vxor.u32 v3, v7  }
0x368: {  	(xrf1) =	vsort.ascd.msk.u32 $0xffff, v7, v8;
	_ =	sdelay $0xd  }
0x369: {  	v8, v7, _ =	vpop (xrf1)  }
0x36a: {  	v8 =	vshrl.u32 v8, $0x4  }
0x36b: {  	v8 =	vxor.u32 $0x8000000, v8  }
0x36c: {  	[tilespmem:$0x1D580] =	vst v8;
	v9 =	vsub.s32 v8, v0  }
0x36d: {  	v10 =	vld.idx.msk [tilespmem:v4+s9+$0x0], $0xffff;
	vm2 =	vgt.s32 v9, $0x0  }
0x36e: {  	v11 =	vnsel vm2, $0x0, v9;
	_ =	sdelay $0x3  }
.Ltmp21:
0x36f: {  	(pc) =	sbr.rel @p0 .LBB2_40-.Ltmp21, $4  }
0x370: {  	vm2 =	vne.s32 v8, v10  }
0x371: {  	vm3 =	vlt.u32 v9, $0xC40;
	vm2 =	vmor vm2, vm0  }
0x372: {  	vm2 =	vmand vm2, vm3  }
0x373: {  	v8 =	vmin.u32 v11, $0xC3F  }
0x374: {  	_ =	sdelay $0x4  }
0x375: {  	[tilespmem:v8+s10+$0x0] =	vst.idx.msk vm2, v7  }
0x376: {  	_ =	swait.ge [sflag:s1], $0x7000  }
0x377: {  	s12 =	sld [smem:$0x7E8]  }
0x378: {  	[sflag:s1] =	ssyncset.done $0x0  }
0x379: {  	[sflag:s1] =	ssyncadd.s32 $0xFFFF9000  }
0x37a: {  	[hbm4b:s12+s4] =	stream.linear.scatter [tilespmem:s22], [sflag:$0x5], $0x7000, $0x38;
	[tilespmem:$0x1D600] =	vst v63  }
0x37b: {  	_ =	swait.ge [sflag:s7], $0x7000  }
0x37c: {  	s28 =	sld [smem:$0x7E9]  }
0x37d: {  	[sflag:s7] =	ssyncset.done $0x0  }
0x37e: {  	s12 =	simm.s32 $0x2BF0;
	[sflag:s7] =	ssyncadd.s32 $0xFFFF9000  }
0x37f: {  	[tilespmem:s23], [sflag:$0x4] =	stream.linear.gather [hbm4b:s28+s4], $0x7000, $0x38;
	[tilespmem:$0x1D600] =	vst v63  }
0x380: {  	v7 =	vld [tilespmem:s12+$0x0];
	_ =	sdelay $0x4  }
0x381: {  	v7 =	vshll.u32 v7, $0x4  }
0x382: {  	v8 =	vor.u32 s12, v2;
	v7 =	vxor.u32 v3, v7  }
0x383: {  	(xrf1) =	vsort.ascd.msk.u32 $0xffff, v7, v8;
	_ =	sdelay $0xd  }
0x384: {  	v8, v7, _ =	vpop (xrf1)  }
0x385: {  	v8 =	vshrl.u32 v8, $0x4  }
0x386: {  	v8 =	vxor.u32 $0x8000000, v8  }
0x387: {  	[tilespmem:$0x1D580] =	vst v8  }
0x388: {  	v9 =	vld.idx.msk [tilespmem:v4+s9+$0x0], $0xffff;
	_ =	sdelay $0x3  }
0x389: {  	v10 =	vsub.s32 v8, v0  }
0x38a: {  	vm2 =	vgt.s32 v10, $0x0;
	vm3 =	vne.s32 v8, v9  }
0x38b: {  	v8 =	vnsel vm2, $0x0, v10;
	vm2 =	vlt.u32 v10, $0xC40;
	vm3 =	vmor vm3, vm0  }
0x38c: {  	vm2 =	vmand vm3, vm2  }
0x38d: {  	s20 =	simm.s32 $0x2C00;
	v8 =	vmin.u32 v8, $0xC3F  }
.LBB2_42:
0x38e: {  	_ =	sdelay $0x2  }
0x38f: {  	p0 =	sne.s32 s20, $0x2E30  }
0x390: {  	[tilespmem:v8+s10+$0x0] =	vst.idx.msk vm2, v7;
	s12 =	sadd.s32 $0x10, s12;
	s21 =	smov.u32 s20;
	s20 =	sadd.s32 $0x10, s20  }
0x391: {  	v7 =	vld [tilespmem:s12+$0x0];
	_ =	sdelay $0x4  }
0x392: {  	v7 =	vshll.u32 v7, $0x4  }
0x393: {  	v8 =	vor.u32 s21, v2;
	v7 =	vxor.u32 v3, v7  }
0x394: {  	(xrf1) =	vsort.ascd.msk.u32 $0xffff, v7, v8;
	_ =	sdelay $0xd  }
0x395: {  	v8, v7, _ =	vpop (xrf1)  }
0x396: {  	v8 =	vshrl.u32 v8, $0x4  }
0x397: {  	v8 =	vxor.u32 $0x8000000, v8  }
0x398: {  	[tilespmem:$0x1D580] =	vst v8;
	v9 =	vsub.s32 v8, v0  }
0x399: {  	v10 =	vld.idx.msk [tilespmem:v4+s9+$0x0], $0xffff;
	vm2 =	vgt.s32 v9, $0x0  }
0x39a: {  	v11 =	vnsel vm2, $0x0, v9;
	_ =	sdelay $0x3  }
.Ltmp22:
0x39b: {  	(pc) =	sbr.rel @p0 .LBB2_42-.Ltmp22, $4  }
0x39c: {  	vm2 =	vne.s32 v8, v10  }
0x39d: {  	vm3 =	vlt.u32 v9, $0xC40;
	vm2 =	vmor vm2, vm0  }
0x39e: {  	vm2 =	vmand vm2, vm3  }
0x39f: {  	v8 =	vmin.u32 v11, $0xC3F  }
0x3a0: {  	_ =	sdelay $0x4  }
0x3a1: {  	[tilespmem:v8+s10+$0x0] =	vst.idx.msk vm2, v7  }
0x3a2: {  	_ =	swait.ge [sflag:s2], $0x7000  }
0x3a3: {  	s12 =	sld [smem:$0x7EA]  }
0x3a4: {  	[sflag:s2] =	ssyncset.done $0x0  }
0x3a5: {  	[sflag:s2] =	ssyncadd.s32 $0xFFFF9000  }
0x3a6: {  	[hbm4b:s12+s4] =	stream.linear.scatter [tilespmem:s23], [sflag:$0x6], $0x7000, $0x38;
	[tilespmem:$0x1D600] =	vst v63  }
0x3a7: {  	_ =	swait.ge [sflag:s6], $0x7000  }
0x3a8: {  	s28 =	sld [smem:$0x7EB]  }
0x3a9: {  	[sflag:s6] =	ssyncset.done $0x0  }
0x3aa: {  	s12 =	simm.s32 $0x2E40;
	[sflag:s6] =	ssyncadd.s32 $0xFFFF9000  }
0x3ab: {  	[tilespmem:s22], [sflag:$0x3] =	stream.linear.gather [hbm4b:s28+s4], $0x7000, $0x38;
	[tilespmem:$0x1D600] =	vst v63  }
0x3ac: {  	v7 =	vld [tilespmem:s12+$0x0];
	_ =	sdelay $0x4  }
0x3ad: {  	v7 =	vshll.u32 v7, $0x4  }
0x3ae: {  	v8 =	vor.u32 s12, v2;
	v7 =	vxor.u32 v3, v7  }
0x3af: {  	(xrf1) =	vsort.ascd.msk.u32 $0xffff, v7, v8;
	_ =	sdelay $0xd  }
0x3b0: {  	v8, v7, _ =	vpop (xrf1)  }
0x3b1: {  	v8 =	vshrl.u32 v8, $0x4  }
0x3b2: {  	v8 =	vxor.u32 $0x8000000, v8  }
0x3b3: {  	[tilespmem:$0x1D580] =	vst v8  }
0x3b4: {  	v9 =	vld.idx.msk [tilespmem:v4+s9+$0x0], $0xffff;
	_ =	sdelay $0x3  }
0x3b5: {  	v10 =	vsub.s32 v8, v0  }
0x3b6: {  	vm2 =	vgt.s32 v10, $0x0;
	vm3 =	vne.s32 v8, v9  }
0x3b7: {  	v8 =	vnsel vm2, $0x0, v10;
	vm2 =	vlt.u32 v10, $0xC40;
	vm3 =	vmor vm3, vm0  }
0x3b8: {  	vm2 =	vmand vm3, vm2  }
0x3b9: {  	s20 =	simm.s32 $0x2E50;
	v8 =	vmin.u32 v8, $0xC3F  }
.LBB2_44:
0x3ba: {  	_ =	sdelay $0x2  }
0x3bb: {  	p0 =	sne.s32 s20, $0x3080  }
0x3bc: {  	[tilespmem:v8+s10+$0x0] =	vst.idx.msk vm2, v7;
	s12 =	sadd.s32 $0x10, s12;
	s21 =	smov.u32 s20;
	s20 =	sadd.s32 $0x10, s20  }
0x3bd: {  	v7 =	vld [tilespmem:s12+$0x0];
	_ =	sdelay $0x4  }
0x3be: {  	v7 =	vshll.u32 v7, $0x4  }
0x3bf: {  	v8 =	vor.u32 s21, v2;
	v7 =	vxor.u32 v3, v7  }
0x3c0: {  	(xrf1) =	vsort.ascd.msk.u32 $0xffff, v7, v8;
	_ =	sdelay $0xd  }
0x3c1: {  	v8, v7, _ =	vpop (xrf1)  }
0x3c2: {  	v8 =	vshrl.u32 v8, $0x4  }
0x3c3: {  	v8 =	vxor.u32 $0x8000000, v8  }
0x3c4: {  	[tilespmem:$0x1D580] =	vst v8;
	v9 =	vsub.s32 v8, v0  }
0x3c5: {  	v10 =	vld.idx.msk [tilespmem:v4+s9+$0x0], $0xffff;
	vm2 =	vgt.s32 v9, $0x0  }
0x3c6: {  	v11 =	vnsel vm2, $0x0, v9;
	_ =	sdelay $0x3  }
.Ltmp23:
0x3c7: {  	(pc) =	sbr.rel @p0 .LBB2_44-.Ltmp23, $4  }
0x3c8: {  	vm2 =	vne.s32 v8, v10  }
0x3c9: {  	vm3 =	vlt.u32 v9, $0xC40;
	vm2 =	vmor vm2, vm0  }
0x3ca: {  	vm2 =	vmand vm2, vm3  }
0x3cb: {  	v8 =	vmin.u32 v11, $0xC3F  }
0x3cc: {  	_ =	sdelay $0x4  }
0x3cd: {  	[tilespmem:v8+s10+$0x0] =	vst.idx.msk vm2, v7  }
0x3ce: {  	_ =	swait.ge [sflag:s1], $0x7000  }
0x3cf: {  	s12 =	sld [smem:$0x7EC]  }
0x3d0: {  	[sflag:s1] =	ssyncset.done $0x0  }
0x3d1: {  	[sflag:s1] =	ssyncadd.s32 $0xFFFF9000  }
0x3d2: {  	[hbm4b:s12+s4] =	stream.linear.scatter [tilespmem:s22], [sflag:$0x5], $0x7000, $0x38;
	[tilespmem:$0x1D600] =	vst v63  }
0x3d3: {  	_ =	swait.ge [sflag:s7], $0x7000  }
0x3d4: {  	s28 =	sld [smem:$0x7ED]  }
0x3d5: {  	[sflag:s7] =	ssyncset.done $0x0  }
0x3d6: {  	s12 =	simm.s32 $0x3090;
	[sflag:s7] =	ssyncadd.s32 $0xFFFF9000  }
0x3d7: {  	[tilespmem:s23], [sflag:$0x4] =	stream.linear.gather [hbm4b:s28+s4], $0x7000, $0x38;
	[tilespmem:$0x1D600] =	vst v63  }
0x3d8: {  	v7 =	vld [tilespmem:s12+$0x0];
	_ =	sdelay $0x4  }
0x3d9: {  	v7 =	vshll.u32 v7, $0x4  }
0x3da: {  	v8 =	vor.u32 s12, v2;
	v7 =	vxor.u32 v3, v7  }
0x3db: {  	(xrf1) =	vsort.ascd.msk.u32 $0xffff, v7, v8;
	_ =	sdelay $0xd  }
0x3dc: {  	v8, v7, _ =	vpop (xrf1)  }
0x3dd: {  	v8 =	vshrl.u32 v8, $0x4  }
0x3de: {  	v8 =	vxor.u32 $0x8000000, v8  }
0x3df: {  	[tilespmem:$0x1D580] =	vst v8  }
0x3e0: {  	v9 =	vld.idx.msk [tilespmem:v4+s9+$0x0], $0xffff;
	_ =	sdelay $0x3  }
0x3e1: {  	v10 =	vsub.s32 v8, v0  }
0x3e2: {  	vm2 =	vgt.s32 v10, $0x0;
	vm3 =	vne.s32 v8, v9  }
0x3e3: {  	v8 =	vnsel vm2, $0x0, v10;
	vm2 =	vlt.u32 v10, $0xC40;
	vm3 =	vmor vm3, vm0  }
0x3e4: {  	vm2 =	vmand vm3, vm2  }
0x3e5: {  	s20 =	simm.s32 $0x30A0;
	v8 =	vmin.u32 v8, $0xC3F  }
.LBB2_46:
0x3e6: {  	_ =	sdelay $0x2  }
0x3e7: {  	p0 =	sne.s32 s20, $0x32D0  }
0x3e8: {  	[tilespmem:v8+s10+$0x0] =	vst.idx.msk vm2, v7;
	s12 =	sadd.s32 $0x10, s12;
	s21 =	smov.u32 s20;
	s20 =	sadd.s32 $0x10, s20  }
0x3e9: {  	v7 =	vld [tilespmem:s12+$0x0];
	_ =	sdelay $0x4  }
0x3ea: {  	v7 =	vshll.u32 v7, $0x4  }
0x3eb: {  	v8 =	vor.u32 s21, v2;
	v7 =	vxor.u32 v3, v7  }
0x3ec: {  	(xrf1) =	vsort.ascd.msk.u32 $0xffff, v7, v8;
	_ =	sdelay $0xd  }
0x3ed: {  	v8, v7, _ =	vpop (xrf1)  }
0x3ee: {  	v8 =	vshrl.u32 v8, $0x4  }
0x3ef: {  	v8 =	vxor.u32 $0x8000000, v8  }
0x3f0: {  	[tilespmem:$0x1D580] =	vst v8;
	v9 =	vsub.s32 v8, v0  }
0x3f1: {  	v10 =	vld.idx.msk [tilespmem:v4+s9+$0x0], $0xffff;
	vm2 =	vgt.s32 v9, $0x0  }
0x3f2: {  	v11 =	vnsel vm2, $0x0, v9;
	_ =	sdelay $0x3  }
.Ltmp24:
0x3f3: {  	(pc) =	sbr.rel @p0 .LBB2_46-.Ltmp24, $4  }
0x3f4: {  	vm2 =	vne.s32 v8, v10  }
0x3f5: {  	vm3 =	vlt.u32 v9, $0xC40;
	vm2 =	vmor vm2, vm0  }
0x3f6: {  	vm2 =	vmand vm2, vm3  }
0x3f7: {  	v8 =	vmin.u32 v11, $0xC3F  }
0x3f8: {  	_ =	sdelay $0x4  }
0x3f9: {  	[tilespmem:v8+s10+$0x0] =	vst.idx.msk vm2, v7  }
0x3fa: {  	_ =	swait.ge [sflag:s2], $0x7000  }
0x3fb: {  	s12 =	sld [smem:$0x7EE]  }
0x3fc: {  	[sflag:s2] =	ssyncset.done $0x0  }
0x3fd: {  	[sflag:s2] =	ssyncadd.s32 $0xFFFF9000  }
0x3fe: {  	[hbm4b:s12+s4] =	stream.linear.scatter [tilespmem:s23], [sflag:$0x6], $0x7000, $0x38;
	[tilespmem:$0x1D600] =	vst v63  }
0x3ff: {  	_ =	swait.ge [sflag:s6], $0x7000  }
0x400: {  	s28 =	sld [smem:$0x7EF]  }
0x401: {  	[sflag:s6] =	ssyncset.done $0x0  }
0x402: {  	s12 =	simm.s32 $0x32E0;
	[sflag:s6] =	ssyncadd.s32 $0xFFFF9000  }
0x403: {  	[tilespmem:s22], [sflag:$0x3] =	stream.linear.gather [hbm4b:s28+s4], $0x7000, $0x38;
	[tilespmem:$0x1D600] =	vst v63  }
0x404: {  	v7 =	vld [tilespmem:s12+$0x0];
	_ =	sdelay $0x4  }
0x405: {  	v7 =	vshll.u32 v7, $0x4  }
0x406: {  	v8 =	vor.u32 s12, v2;
	v7 =	vxor.u32 v3, v7  }
0x407: {  	(xrf1) =	vsort.ascd.msk.u32 $0xffff, v7, v8;
	_ =	sdelay $0xd  }
0x408: {  	v8, v7, _ =	vpop (xrf1)  }
0x409: {  	v8 =	vshrl.u32 v8, $0x4  }
0x40a: {  	v8 =	vxor.u32 $0x8000000, v8  }
0x40b: {  	[tilespmem:$0x1D580] =	vst v8  }
0x40c: {  	v9 =	vld.idx.msk [tilespmem:v4+s9+$0x0], $0xffff;
	_ =	sdelay $0x3  }
0x40d: {  	v10 =	vsub.s32 v8, v0  }
0x40e: {  	vm2 =	vgt.s32 v10, $0x0;
	vm3 =	vne.s32 v8, v9  }
0x40f: {  	v8 =	vnsel vm2, $0x0, v10;
	vm2 =	vlt.u32 v10, $0xC40;
	vm3 =	vmor vm3, vm0  }
0x410: {  	vm2 =	vmand vm3, vm2  }
0x411: {  	s20 =	simm.s32 $0x32F0;
	v8 =	vmin.u32 v8, $0xC3F  }
.LBB2_48:
0x412: {  	_ =	sdelay $0x2  }
0x413: {  	p0 =	sne.s32 s20, $0x3520  }
0x414: {  	[tilespmem:v8+s10+$0x0] =	vst.idx.msk vm2, v7;
	s12 =	sadd.s32 $0x10, s12;
	s21 =	smov.u32 s20;
	s20 =	sadd.s32 $0x10, s20  }
0x415: {  	v7 =	vld [tilespmem:s12+$0x0];
	_ =	sdelay $0x4  }
0x416: {  	v7 =	vshll.u32 v7, $0x4  }
0x417: {  	v8 =	vor.u32 s21, v2;
	v7 =	vxor.u32 v3, v7  }
0x418: {  	(xrf1) =	vsort.ascd.msk.u32 $0xffff, v7, v8;
	_ =	sdelay $0xd  }
0x419: {  	v8, v7, _ =	vpop (xrf1)  }
0x41a: {  	v8 =	vshrl.u32 v8, $0x4  }
0x41b: {  	v8 =	vxor.u32 $0x8000000, v8  }
0x41c: {  	[tilespmem:$0x1D580] =	vst v8;
	v9 =	vsub.s32 v8, v0  }
0x41d: {  	v10 =	vld.idx.msk [tilespmem:v4+s9+$0x0], $0xffff;
	vm2 =	vgt.s32 v9, $0x0  }
0x41e: {  	v11 =	vnsel vm2, $0x0, v9;
	_ =	sdelay $0x3  }
.Ltmp25:
0x41f: {  	(pc) =	sbr.rel @p0 .LBB2_48-.Ltmp25, $4  }
0x420: {  	vm2 =	vne.s32 v8, v10  }
0x421: {  	vm3 =	vlt.u32 v9, $0xC40;
	vm2 =	vmor vm2, vm0  }
0x422: {  	vm2 =	vmand vm2, vm3  }
0x423: {  	v8 =	vmin.u32 v11, $0xC3F  }
0x424: {  	_ =	sdelay $0x4  }
0x425: {  	[tilespmem:v8+s10+$0x0] =	vst.idx.msk vm2, v7  }
0x426: {  	_ =	swait.ge [sflag:s1], $0x7000  }
0x427: {  	s12 =	sld [smem:$0x7F0]  }
0x428: {  	[sflag:s1] =	ssyncset.done $0x0  }
0x429: {  	[sflag:s1] =	ssyncadd.s32 $0xFFFF9000  }
0x42a: {  	[hbm4b:s12+s4] =	stream.linear.scatter [tilespmem:s22], [sflag:$0x5], $0x7000, $0x38;
	[tilespmem:$0x1D600] =	vst v63  }
0x42b: {  	_ =	swait.ge [sflag:s7], $0x7000  }
0x42c: {  	s28 =	sld [smem:$0x7F1]  }
0x42d: {  	[sflag:s7] =	ssyncset.done $0x0  }
0x42e: {  	s12 =	simm.s32 $0x3530;
	[sflag:s7] =	ssyncadd.s32 $0xFFFF9000  }
0x42f: {  	[tilespmem:s23], [sflag:$0x4] =	stream.linear.gather [hbm4b:s28+s4], $0x7000, $0x38;
	[tilespmem:$0x1D600] =	vst v63  }
0x430: {  	v7 =	vld [tilespmem:s12+$0x0];
	_ =	sdelay $0x4  }
0x431: {  	v7 =	vshll.u32 v7, $0x4  }
0x432: {  	v8 =	vor.u32 s12, v2;
	v7 =	vxor.u32 v3, v7  }
0x433: {  	(xrf1) =	vsort.ascd.msk.u32 $0xffff, v7, v8;
	_ =	sdelay $0xd  }
0x434: {  	v8, v7, _ =	vpop (xrf1)  }
0x435: {  	v8 =	vshrl.u32 v8, $0x4  }
0x436: {  	v8 =	vxor.u32 $0x8000000, v8  }
0x437: {  	[tilespmem:$0x1D580] =	vst v8  }
0x438: {  	v9 =	vld.idx.msk [tilespmem:v4+s9+$0x0], $0xffff;
	_ =	sdelay $0x3  }
0x439: {  	v10 =	vsub.s32 v8, v0  }
0x43a: {  	vm2 =	vgt.s32 v10, $0x0;
	vm3 =	vne.s32 v8, v9  }
0x43b: {  	v8 =	vnsel vm2, $0x0, v10;
	vm2 =	vlt.u32 v10, $0xC40;
	vm3 =	vmor vm3, vm0  }
0x43c: {  	vm2 =	vmand vm3, vm2  }
0x43d: {  	s20 =	simm.s32 $0x3540;
	v8 =	vmin.u32 v8, $0xC3F  }
.LBB2_50:
0x43e: {  	_ =	sdelay $0x2  }
0x43f: {  	p0 =	sne.s32 s20, $0x3770  }
0x440: {  	[tilespmem:v8+s10+$0x0] =	vst.idx.msk vm2, v7;
	s12 =	sadd.s32 $0x10, s12;
	s21 =	smov.u32 s20;
	s20 =	sadd.s32 $0x10, s20  }
0x441: {  	v7 =	vld [tilespmem:s12+$0x0];
	_ =	sdelay $0x4  }
0x442: {  	v7 =	vshll.u32 v7, $0x4  }
0x443: {  	v8 =	vor.u32 s21, v2;
	v7 =	vxor.u32 v3, v7  }
0x444: {  	(xrf1) =	vsort.ascd.msk.u32 $0xffff, v7, v8;
	_ =	sdelay $0xd  }
0x445: {  	v8, v7, _ =	vpop (xrf1)  }
0x446: {  	v8 =	vshrl.u32 v8, $0x4  }
0x447: {  	v8 =	vxor.u32 $0x8000000, v8  }
0x448: {  	[tilespmem:$0x1D580] =	vst v8;
	v9 =	vsub.s32 v8, v0  }
0x449: {  	v10 =	vld.idx.msk [tilespmem:v4+s9+$0x0], $0xffff;
	vm2 =	vgt.s32 v9, $0x0  }
0x44a: {  	v11 =	vnsel vm2, $0x0, v9;
	_ =	sdelay $0x3  }
.Ltmp26:
0x44b: {  	(pc) =	sbr.rel @p0 .LBB2_50-.Ltmp26, $4  }
0x44c: {  	vm2 =	vne.s32 v8, v10  }
0x44d: {  	vm3 =	vlt.u32 v9, $0xC40;
	vm2 =	vmor vm2, vm0  }
0x44e: {  	vm2 =	vmand vm2, vm3  }
0x44f: {  	v8 =	vmin.u32 v11, $0xC3F  }
0x450: {  	_ =	sdelay $0x4  }
0x451: {  	[tilespmem:v8+s10+$0x0] =	vst.idx.msk vm2, v7  }
0x452: {  	_ =	swait.ge [sflag:s2], $0x7000  }
0x453: {  	s12 =	sld [smem:$0x7F2]  }
0x454: {  	[sflag:s2] =	ssyncset.done $0x0  }
0x455: {  	[sflag:s2] =	ssyncadd.s32 $0xFFFF9000  }
0x456: {  	[hbm4b:s12+s4] =	stream.linear.scatter [tilespmem:s23], [sflag:$0x6], $0x7000, $0x38;
	[tilespmem:$0x1D600] =	vst v63  }
0x457: {  	_ =	swait.ge [sflag:s6], $0x7000  }
0x458: {  	s28 =	sld [smem:$0x7F3]  }
0x459: {  	[sflag:s6] =	ssyncset.done $0x0  }
0x45a: {  	s12 =	simm.s32 $0x3780;
	[sflag:s6] =	ssyncadd.s32 $0xFFFF9000  }
0x45b: {  	[tilespmem:s22], [sflag:$0x3] =	stream.linear.gather [hbm4b:s28+s4], $0x7000, $0x38;
	[tilespmem:$0x1D600] =	vst v63  }
0x45c: {  	v7 =	vld [tilespmem:s12+$0x0];
	_ =	sdelay $0x4  }
0x45d: {  	v7 =	vshll.u32 v7, $0x4  }
0x45e: {  	v8 =	vor.u32 s12, v2;
	v7 =	vxor.u32 v3, v7  }
0x45f: {  	(xrf1) =	vsort.ascd.msk.u32 $0xffff, v7, v8;
	_ =	sdelay $0xd  }
0x460: {  	v8, v7, _ =	vpop (xrf1)  }
0x461: {  	v8 =	vshrl.u32 v8, $0x4  }
0x462: {  	v8 =	vxor.u32 $0x8000000, v8  }
0x463: {  	[tilespmem:$0x1D580] =	vst v8  }
0x464: {  	v9 =	vld.idx.msk [tilespmem:v4+s9+$0x0], $0xffff;
	_ =	sdelay $0x3  }
0x465: {  	v10 =	vsub.s32 v8, v0  }
0x466: {  	vm2 =	vgt.s32 v10, $0x0;
	vm3 =	vne.s32 v8, v9  }
0x467: {  	v8 =	vnsel vm2, $0x0, v10;
	vm2 =	vlt.u32 v10, $0xC40;
	vm3 =	vmor vm3, vm0  }
0x468: {  	vm2 =	vmand vm3, vm2  }
0x469: {  	s20 =	simm.s32 $0x3790;
	v8 =	vmin.u32 v8, $0xC3F  }
.LBB2_52:
0x46a: {  	_ =	sdelay $0x2  }
0x46b: {  	p0 =	sne.s32 s20, $0x39C0  }
0x46c: {  	[tilespmem:v8+s10+$0x0] =	vst.idx.msk vm2, v7;
	s12 =	sadd.s32 $0x10, s12;
	s21 =	smov.u32 s20;
	s20 =	sadd.s32 $0x10, s20  }
0x46d: {  	v7 =	vld [tilespmem:s12+$0x0];
	_ =	sdelay $0x4  }
0x46e: {  	v7 =	vshll.u32 v7, $0x4  }
0x46f: {  	v8 =	vor.u32 s21, v2;
	v7 =	vxor.u32 v3, v7  }
0x470: {  	(xrf1) =	vsort.ascd.msk.u32 $0xffff, v7, v8;
	_ =	sdelay $0xd  }
0x471: {  	v8, v7, _ =	vpop (xrf1)  }
0x472: {  	v8 =	vshrl.u32 v8, $0x4  }
0x473: {  	v8 =	vxor.u32 $0x8000000, v8  }
0x474: {  	[tilespmem:$0x1D580] =	vst v8;
	v9 =	vsub.s32 v8, v0  }
0x475: {  	v10 =	vld.idx.msk [tilespmem:v4+s9+$0x0], $0xffff;
	vm2 =	vgt.s32 v9, $0x0  }
0x476: {  	v11 =	vnsel vm2, $0x0, v9;
	_ =	sdelay $0x3  }
.Ltmp27:
0x477: {  	(pc) =	sbr.rel @p0 .LBB2_52-.Ltmp27, $4  }
0x478: {  	vm2 =	vne.s32 v8, v10  }
0x479: {  	vm3 =	vlt.u32 v9, $0xC40;
	vm2 =	vmor vm2, vm0  }
0x47a: {  	vm2 =	vmand vm2, vm3  }
0x47b: {  	v8 =	vmin.u32 v11, $0xC3F  }
0x47c: {  	_ =	sdelay $0x4  }
0x47d: {  	[tilespmem:v8+s10+$0x0] =	vst.idx.msk vm2, v7  }
0x47e: {  	_ =	swait.ge [sflag:s1], $0x7000  }
0x47f: {  	s12 =	sld [smem:$0x7F4]  }
0x480: {  	[sflag:s1] =	ssyncset.done $0x0  }
0x481: {  	[sflag:s1] =	ssyncadd.s32 $0xFFFF9000  }
0x482: {  	[hbm4b:s12+s4] =	stream.linear.scatter [tilespmem:s22], [sflag:$0x5], $0x7000, $0x38;
	[tilespmem:$0x1D600] =	vst v63  }
0x483: {  	_ =	swait.ge [sflag:s7], $0x7000  }
0x484: {  	s28 =	sld [smem:$0x7F5]  }
0x485: {  	[sflag:s7] =	ssyncset.done $0x0  }
0x486: {  	s12 =	simm.s32 $0x39D0;
	[sflag:s7] =	ssyncadd.s32 $0xFFFF9000  }
0x487: {  	[tilespmem:s23], [sflag:$0x4] =	stream.linear.gather [hbm4b:s28+s4], $0x7000, $0x38;
	[tilespmem:$0x1D600] =	vst v63  }
0x488: {  	v7 =	vld [tilespmem:s12+$0x0];
	_ =	sdelay $0x4  }
0x489: {  	v7 =	vshll.u32 v7, $0x4  }
0x48a: {  	v8 =	vor.u32 s12, v2;
	v7 =	vxor.u32 v3, v7  }
0x48b: {  	(xrf1) =	vsort.ascd.msk.u32 $0xffff, v7, v8;
	_ =	sdelay $0xd  }
0x48c: {  	v8, v7, _ =	vpop (xrf1)  }
0x48d: {  	v8 =	vshrl.u32 v8, $0x4  }
0x48e: {  	v8 =	vxor.u32 $0x8000000, v8  }
0x48f: {  	[tilespmem:$0x1D580] =	vst v8  }
0x490: {  	v9 =	vld.idx.msk [tilespmem:v4+s9+$0x0], $0xffff;
	_ =	sdelay $0x3  }
0x491: {  	v10 =	vsub.s32 v8, v0  }
0x492: {  	vm2 =	vgt.s32 v10, $0x0;
	vm3 =	vne.s32 v8, v9  }
0x493: {  	v8 =	vnsel vm2, $0x0, v10;
	vm2 =	vlt.u32 v10, $0xC40;
	vm3 =	vmor vm3, vm0  }
0x494: {  	vm2 =	vmand vm3, vm2  }
0x495: {  	s20 =	simm.s32 $0x39E0;
	v8 =	vmin.u32 v8, $0xC3F  }
.LBB2_54:
0x496: {  	_ =	sdelay $0x2  }
0x497: {  	p0 =	sne.s32 s20, $0x3C10  }
0x498: {  	[tilespmem:v8+s10+$0x0] =	vst.idx.msk vm2, v7;
	s12 =	sadd.s32 $0x10, s12;
	s21 =	smov.u32 s20;
	s20 =	sadd.s32 $0x10, s20  }
0x499: {  	v7 =	vld [tilespmem:s12+$0x0];
	_ =	sdelay $0x4  }
0x49a: {  	v7 =	vshll.u32 v7, $0x4  }
0x49b: {  	v8 =	vor.u32 s21, v2;
	v7 =	vxor.u32 v3, v7  }
0x49c: {  	(xrf1) =	vsort.ascd.msk.u32 $0xffff, v7, v8;
	_ =	sdelay $0xd  }
0x49d: {  	v8, v7, _ =	vpop (xrf1)  }
0x49e: {  	v8 =	vshrl.u32 v8, $0x4  }
0x49f: {  	v8 =	vxor.u32 $0x8000000, v8  }
0x4a0: {  	[tilespmem:$0x1D580] =	vst v8;
	v9 =	vsub.s32 v8, v0  }
0x4a1: {  	v10 =	vld.idx.msk [tilespmem:v4+s9+$0x0], $0xffff;
	vm2 =	vgt.s32 v9, $0x0  }
0x4a2: {  	v11 =	vnsel vm2, $0x0, v9;
	_ =	sdelay $0x3  }
.Ltmp28:
0x4a3: {  	(pc) =	sbr.rel @p0 .LBB2_54-.Ltmp28, $4  }
0x4a4: {  	vm2 =	vne.s32 v8, v10  }
0x4a5: {  	vm3 =	vlt.u32 v9, $0xC40;
	vm2 =	vmor vm2, vm0  }
0x4a6: {  	vm2 =	vmand vm2, vm3  }
0x4a7: {  	v8 =	vmin.u32 v11, $0xC3F  }
0x4a8: {  	_ =	sdelay $0x4  }
0x4a9: {  	[tilespmem:v8+s10+$0x0] =	vst.idx.msk vm2, v7  }
0x4aa: {  	_ =	swait.ge [sflag:s2], $0x7000  }
0x4ab: {  	s12 =	sld [smem:$0x7F6]  }
0x4ac: {  	[sflag:s2] =	ssyncset.done $0x0  }
0x4ad: {  	[sflag:s2] =	ssyncadd.s32 $0xFFFF9000  }
0x4ae: {  	[hbm4b:s12+s4] =	stream.linear.scatter [tilespmem:s23], [sflag:$0x6], $0x7000, $0x38;
	[tilespmem:$0x1D600] =	vst v63  }
0x4af: {  	_ =	swait.ge [sflag:s6], $0x7000  }
0x4b0: {  	s28 =	sld [smem:$0x7F9]  }
0x4b1: {  	[sflag:s6] =	ssyncset.done $0x0  }
0x4b2: {  	s12 =	simm.s32 $0x3C20;
	[sflag:s6] =	ssyncadd.s32 $0xFFFF9000  }
0x4b3: {  	[tilespmem:s22], [sflag:$0x3] =	stream.linear.gather [hbm4b:s28+s4], $0x7000, $0x38;
	[tilespmem:$0x1D600] =	vst v63  }
0x4b4: {  	v7 =	vld [tilespmem:s12+$0x0];
	_ =	sdelay $0x4  }
0x4b5: {  	v7 =	vshll.u32 v7, $0x4  }
0x4b6: {  	v8 =	vor.u32 s12, v2;
	v7 =	vxor.u32 v3, v7  }
0x4b7: {  	(xrf1) =	vsort.ascd.msk.u32 $0xffff, v7, v8;
	_ =	sdelay $0xd  }
0x4b8: {  	v8, v7, _ =	vpop (xrf1)  }
0x4b9: {  	v8 =	vshrl.u32 v8, $0x4  }
0x4ba: {  	v8 =	vxor.u32 $0x8000000, v8  }
0x4bb: {  	[tilespmem:$0x1D580] =	vst v8  }
0x4bc: {  	v9 =	vld.idx.msk [tilespmem:v4+s9+$0x0], $0xffff;
	_ =	sdelay $0x3  }
0x4bd: {  	v10 =	vsub.s32 v8, v0  }
0x4be: {  	vm2 =	vgt.s32 v10, $0x0;
	vm3 =	vne.s32 v8, v9  }
0x4bf: {  	v8 =	vnsel vm2, $0x0, v10;
	vm2 =	vlt.u32 v10, $0xC40;
	vm3 =	vmor vm3, vm0  }
0x4c0: {  	vm2 =	vmand vm3, vm2  }
0x4c1: {  	s20 =	simm.s32 $0x3C30;
	v8 =	vmin.u32 v8, $0xC3F  }
.LBB2_56:
0x4c2: {  	_ =	sdelay $0x2  }
0x4c3: {  	p0 =	sne.s32 s20, $0x3E60  }
0x4c4: {  	[tilespmem:v8+s10+$0x0] =	vst.idx.msk vm2, v7;
	s12 =	sadd.s32 $0x10, s12;
	s21 =	smov.u32 s20;
	s20 =	sadd.s32 $0x10, s20  }
0x4c5: {  	v7 =	vld [tilespmem:s12+$0x0];
	_ =	sdelay $0x4  }
0x4c6: {  	v7 =	vshll.u32 v7, $0x4  }
0x4c7: {  	v8 =	vor.u32 s21, v2;
	v7 =	vxor.u32 v3, v7  }
0x4c8: {  	(xrf1) =	vsort.ascd.msk.u32 $0xffff, v7, v8;
	_ =	sdelay $0xd  }
0x4c9: {  	v8, v7, _ =	vpop (xrf1)  }
0x4ca: {  	v8 =	vshrl.u32 v8, $0x4  }
0x4cb: {  	v8 =	vxor.u32 $0x8000000, v8  }
0x4cc: {  	[tilespmem:$0x1D580] =	vst v8;
	v9 =	vsub.s32 v8, v0  }
0x4cd: {  	v10 =	vld.idx.msk [tilespmem:v4+s9+$0x0], $0xffff;
	vm2 =	vgt.s32 v9, $0x0  }
0x4ce: {  	v11 =	vnsel vm2, $0x0, v9;
	_ =	sdelay $0x3  }
.Ltmp29:
0x4cf: {  	(pc) =	sbr.rel @p0 .LBB2_56-.Ltmp29, $4  }
0x4d0: {  	vm2 =	vne.s32 v8, v10  }
0x4d1: {  	vm3 =	vlt.u32 v9, $0xC40;
	vm2 =	vmor vm2, vm0  }
0x4d2: {  	vm2 =	vmand vm2, vm3  }
0x4d3: {  	v8 =	vmin.u32 v11, $0xC3F  }
0x4d4: {  	_ =	sdelay $0x4  }
0x4d5: {  	[tilespmem:v8+s10+$0x0] =	vst.idx.msk vm2, v7  }
0x4d6: {  	_ =	swait.ge [sflag:s1], $0x7000  }
0x4d7: {  	s12 =	sld [smem:$0x7FA]  }
0x4d8: {  	[sflag:s1] =	ssyncset.done $0x0  }
0x4d9: {  	[sflag:s1] =	ssyncadd.s32 $0xFFFF9000  }
0x4da: {  	[hbm4b:s12+s4] =	stream.linear.scatter [tilespmem:s22], [sflag:$0x5], $0x7000, $0x38;
	[tilespmem:$0x1D600] =	vst v63  }
0x4db: {  	_ =	swait.ge [sflag:s7], $0x7000  }
0x4dc: {  	s28 =	sld [smem:$0x7FB]  }
0x4dd: {  	[sflag:s7] =	ssyncset.done $0x0  }
0x4de: {  	s12 =	simm.s32 $0x3E70;
	[sflag:s7] =	ssyncadd.s32 $0xFFFF9000  }
0x4df: {  	[tilespmem:s23], [sflag:$0x4] =	stream.linear.gather [hbm4b:s28+s4], $0x7000, $0x38;
	[tilespmem:$0x1D600] =	vst v63  }
0x4e0: {  	v7 =	vld [tilespmem:s12+$0x0];
	_ =	sdelay $0x4  }
0x4e1: {  	v7 =	vshll.u32 v7, $0x4  }
0x4e2: {  	v8 =	vor.u32 s12, v2;
	v7 =	vxor.u32 v3, v7  }
0x4e3: {  	(xrf1) =	vsort.ascd.msk.u32 $0xffff, v7, v8;
	_ =	sdelay $0xd  }
0x4e4: {  	v8, v7, _ =	vpop (xrf1)  }
0x4e5: {  	v8 =	vshrl.u32 v8, $0x4  }
0x4e6: {  	v8 =	vxor.u32 $0x8000000, v8  }
0x4e7: {  	[tilespmem:$0x1D580] =	vst v8  }
0x4e8: {  	v9 =	vld.idx.msk [tilespmem:v4+s9+$0x0], $0xffff;
	_ =	sdelay $0x3  }
0x4e9: {  	v10 =	vsub.s32 v8, v0  }
0x4ea: {  	vm2 =	vgt.s32 v10, $0x0;
	vm3 =	vne.s32 v8, v9  }
0x4eb: {  	v8 =	vnsel vm2, $0x0, v10;
	vm2 =	vlt.u32 v10, $0xC40;
	vm3 =	vmor vm3, vm0  }
0x4ec: {  	vm2 =	vmand vm3, vm2  }
0x4ed: {  	s20 =	simm.s32 $0x3E80;
	v8 =	vmin.u32 v8, $0xC3F  }
.LBB2_58:
0x4ee: {  	_ =	sdelay $0x2  }
0x4ef: {  	p0 =	sne.s32 s20, $0x3FF0  }
0x4f0: {  	[tilespmem:v8+s10+$0x0] =	vst.idx.msk vm2, v7;
	s12 =	sadd.s32 $0x10, s12;
	s21 =	smov.u32 s20;
	s20 =	sadd.s32 $0x10, s20  }
0x4f1: {  	v7 =	vld [tilespmem:s12+$0x0];
	_ =	sdelay $0x4  }
0x4f2: {  	v7 =	vshll.u32 v7, $0x4  }
0x4f3: {  	v8 =	vor.u32 s21, v2;
	v7 =	vxor.u32 v3, v7  }
0x4f4: {  	(xrf1) =	vsort.ascd.msk.u32 $0xffff, v7, v8;
	_ =	sdelay $0xd  }
0x4f5: {  	v8, v7, _ =	vpop (xrf1)  }
0x4f6: {  	v8 =	vshrl.u32 v8, $0x4  }
0x4f7: {  	v8 =	vxor.u32 $0x8000000, v8  }
0x4f8: {  	[tilespmem:$0x1D580] =	vst v8;
	v9 =	vsub.s32 v8, v0  }
0x4f9: {  	v10 =	vld.idx.msk [tilespmem:v4+s9+$0x0], $0xffff;
	vm2 =	vgt.s32 v9, $0x0  }
0x4fa: {  	v11 =	vnsel vm2, $0x0, v9;
	_ =	sdelay $0x3  }
.Ltmp30:
0x4fb: {  	(pc) =	sbr.rel @p0 .LBB2_58-.Ltmp30, $4  }
0x4fc: {  	vm2 =	vne.s32 v8, v10  }
0x4fd: {  	vm3 =	vlt.u32 v9, $0xC40;
	vm2 =	vmor vm2, vm0  }
0x4fe: {  	vm2 =	vmand vm2, vm3  }
0x4ff: {  	v8 =	vmin.u32 v11, $0xC3F  }
0x500: {  	_ =	sdelay $0x4  }
0x501: {  	[tilespmem:v8+s10+$0x0] =	vst.idx.msk vm2, v7  }
0x502: {  	_ =	swait.ge [sflag:s2], $0x7000  }
0x503: {  	s12 =	sld [smem:$0x7FC]  }
0x504: {  	[sflag:s2] =	ssyncset.done $0x0  }
0x505: {  	s20 =	simm.s32 $0x0;
	[sflag:s2] =	ssyncadd.s32 $0xFFFF9000  }
0x506: {  	[hbm4b:s12+s20] =	stream.linear.scatter [tilespmem:s23], [sflag:$0x6], $0x7000, $0x38;
	[tilespmem:$0x1D600] =	vst v63  }
0x507: {  	_ =	swait.ge [sflag:s6], $0x7000  }
0x508: {  	[sflag:s6] =	ssyncset.done $0x0  }
0x509: {  	[sflag:s6] =	ssyncadd.s32 $0xFFFF9000  }
0x50a: {  	_ =	swait.ge [sflag:s7], $0x7000  }
0x50b: {  	[sflag:s7] =	ssyncset.done $0x0  }
0x50c: {  	s28 =	simm.s32 $0x4000;
	[sflag:s7] =	ssyncadd.s32 $0xFFFF9000  }
0x50d: {  	v7 =	vld [tilespmem:s28+$0x0];
	_ =	sdelay $0x4  }
0x50e: {  	vm2 =	vgt.s32 v7, $0xFFFFFFFF  }
0x50f: {  	v8 =	vsel vm2, $0x1, v5  }
0x510: {  	(xrf0) =	vadd.scan.msk.s32 $0xffff, v8;
	_ =	sdelay $0x2  }
0x511: {  	v8 =	vor.u32 s20, v2;
	_ =	sdelay $0x2  }
0x512: {  	[tilespmem:s20+$0x5900] =	vst.msk vm2, v8;
	v8, _, _ =	vpop (xrf0)  }
0x513: {  	(v2sf) =	vpush v8, $0xF;
	_ =	sdelay $0x1  }
0x514: {  	s21 =	simm.s32 $0x4010;
	[tilespmem:s20+$0x4C80] =	vst.msk vm2, v7  }
0x515: {  	s22 =	simm.s32 $0x20;
	s12 =	simm.s32 $0x10;
	v7 =	vld [tilespmem:s21+$0x0]  }
.LBB2_60:
0x516: {  	p0 =	sne.s32 s22, $0xC30;
	_ =	sdelay $0x3  }
0x517: {  	vm2 =	vgt.s32 v7, $0xFFFFFFFF  }
0x518: {  	v8 =	vsel vm2, $0x1, v5  }
0x519: {  	(xrf0) =	vadd.scan.msk.s32 $0xffff, v8;
	_ =	sdelay $0x4  }
0x51a: {  	s23 =	spop (v2sf)  }
.Ltmp31:
0x51b: {  	v8 =	vor.u32 s12, v2;
	s12 =	smov.u32 s22;
	v9, _, _ =	vpop (xrf0);
	s20 =	sadd.s32 s20, s23;
	(pc) =	sbr.rel @p0 .LBB2_60-.Ltmp31, $4  }
0x51c: {  	[tilespmem:s20+$0x5900] =	vst.msk vm2, v8;
	(v2sf) =	vpush v9, $0xF  }
0x51d: {  	[tilespmem:s20+$0x4C80] =	vst.msk vm2, v7  }
0x51e: {  	s21 =	sadd.s32 $0x10, s21  }
0x51f: {  	s22 =	sadd.s32 $0x10, s22;
	v7 =	vld [tilespmem:s21+$0x0]  }
0x520: {  	_ =	sdelay $0x3  }
0x521: {  	vm2 =	vgt.s32 v7, $0xFFFFFFFF  }
0x522: {  	v8 =	vsel vm2, $0x1, v5  }
0x523: {  	(xrf0) =	vadd.scan.msk.s32 $0xffff, v8;
	_ =	sdelay $0x5  }
0x524: {  	v8, _, _ =	vpop (xrf0)  }
0x525: {  	(v2sf) =	vpush v8, $0xF;
	_ =	sdelay $0xd  }
0x526: {  	s21 =	spop (v2sf)  }
0x527: {  	s25 =	sadd.s32 s20, s21;
	s2 =	spop (v2sf)  }
0x528: {  	s22 =	sadd.s32 s25, s2  }
0x529: {  	s23 =	sadd.s32 $0xFFFFFFFF, s22  }
0x52a: {  	p0 =	sgt.s32 s23, $0x0  }
0x52b: {  	p1 =	slt.s32 s23, $0x1;
	s23 =	simm.s32 @!p0 $0x0  }
0x52c: {  	s6 =	sand.u32 $0xF, s23  }
0x52d: {  	p4 =	sne.s32 s6, $0x0  }
0x52e: {  	p0 =	por !p1, !p4  }
0x52f: {  	s21 =	simm.s32 $0x1;
	s7 =	sadd.s32 $0x7F, s22;
	p0 =	por !p0, !p0  }
0x530: {  	s24 =	sshra.s32 s7, $0x1F;
	s26 =	sshrl.u32 s23, $0x4;
	s21 =	simm.s32 @!p0 $0x0  }
0x531: {  	s28 =	sshrl.u32 s24, $0x19;
	s24 =	ssub.s32 s26, s21  }
0x532: {  	p2 =	slt.s32 s24, $0xBF;
	s21 =	smov.u32 s24  }
0x533: {  	s21 =	simm.s32 @!p2 $0xBF  }
0x534: {  	s21 =	sadd.s32 $0x9, s21  }
0x535: {  	s26 =	sand.u32 $0x7F, s7;
	p1 =	sge.s32 s24, s21  }
.Ltmp32:
0x536: {  	p5 =	slt.s32 s7, $0x1;
	p6 =	sne.s32 s26, $0x0;
	(pc) =	sbr.rel @p1 .LBB2_69-.Ltmp32, $4  }
0x537: {  	p0 =	por !p5, !p6  }
0x538: {  	v8 =	vor.u32 s12, v2;
	s12 =	simm.s32 $0x1;
	s20 =	sadd.s32 s28, s7;
	p0 =	por !p0, !p0  }
0x539: {  	[smem:$0x7DF] =	sst s0;
	[tilespmem:s25+$0x5900] =	vst.msk vm2, v8;
	s20 =	sshra.s32 s20, $0x7;
	s12 =	simm.s32 @!p0 $0x0  }
0x53a: {  	[tilespmem:s25+$0x4C80] =	vst.msk vm2, v7;
	s28 =	simm.s32 $0x8D80;
	s26 =	simm.s32 $0x8580;
	s12 =	ssub.s32 s20, s12  }
0x53b: {  	v7 =	vmov s23  }
0x53c: {  	v8 =	vbroadcast v7, $0x0;
	_ =	sdelay $0x3  }
0x53d: {  	s23 =	sshll.u32 s24, $0x4;
	s24 =	sadd.s32 $0x1, s24  }
0x53e: {  	p2 =	slt.u32 s24, s21  }
.Ltmp33:
0x53f: {  	v7 =	vld.idx.msk [tilespmem:v8+s17+$0x0], $0xffff;
	(pc) =	sbr.rel @!p2 .LBB2_63-.Ltmp33, $4  }
0x540: {  	s25 =	sshll.u32 s12, $0x7;
	v8 =	vld.idx.msk [tilespmem:v8+s18+$0x0], $0xffff  }
0x541: {  	v9 =	vmov s22;
	v10 =	vmov s25;
	v11 =	vor.u32 s23, v2  }
0x542: {  	vm2 =	vge.s32 v11, v9;
	vm3 =	vlt.s32 v11, v10;
	vm5 =	vgt.s32 v11, $0x0  }
0x543: {  	p1 =	por $0x0, $0x0;
	vm4 =	vmand vm2, vm3;
	v12 =	vnsel vm5, $0x0, v11  }
0x544: {  	s22 =	sadd.s32 $0x10, s23;
	s23 =	sadd.s32 $0x1, s24  }
0x545: {  	v11 =	vmin.u32 v12, $0xC7F;
	p2 =	slt.u32 s23, s21  }
.Ltmp34:
0x546: {  	vm2 =	vmmov vm4;
	(pc) =	sbr.rel @!p2 .LBB2_65-.Ltmp34, $4  }
0x547: {  	_ = 	snop  }
0x548: {  	v12 =	vor.u32 s22, v2  }
0x549: {  	vm3 =	vge.s32 v12, v9;
	vm5 =	vlt.s32 v12, v10;
	vm6 =	vgt.s32 v12, $0x0  }
0x54a: {  	p1 =	por $0x1, $0x1;
	vm3 =	vmand vm3, vm5;
	v12 =	vnsel vm6, $0x0, v12;
	[tilespmem:v11+s17+$0x0] =	vst.idx.msk vm4, v7  }
.LBB2_66:
0x54b: {  	s23 =	sadd.s32 $0x1, s23  }
0x54c: {  	[tilespmem:v11+s18+$0x0] =	vst.idx.msk vm2, v8;
	v11 =	vmin.u32 v12, $0xC7F;
	vm2 =	vmmov vm3;
	p2 =	slt.u32 s23, s21  }
.Ltmp35:
0x54d: {  	(pc) =	sbr.rel @p2 .LBB2_66-.Ltmp35, $4  }
0x54e: {  	s22 =	sadd.s32 $0x10, s22  }
0x54f: {  	v12 =	vor.u32 s22, v2  }
0x550: {  	vm4 =	vge.s32 v12, v9;
	vm5 =	vlt.s32 v12, v10;
	vm6 =	vgt.s32 v12, $0x0  }
0x551: {  	v12 =	vnsel vm6, $0x0, v12;
	[tilespmem:v11+s17+$0x0] =	vst.idx.msk vm3, v7;
	vm3 =	vmand vm4, vm5  }
0x552: {  	vm4 =	vmmov vm3  }
.LBB2_68:
0x553: {  	_ = 	snop  }
0x554: {  	v9 =	vmin.u32 v12, $0xC7F;
	_ =	sdelay $0x3  }
0x555: {  	[tilespmem:v11+s18+$0x0] =	vst.idx.msk @p1 vm2, v8  }
0x556: {  	[tilespmem:v9+s17+$0x0] =	vst.idx.msk vm4, v7  }
0x557: {  	vm3 =	vmmov vm4;
	[tilespmem:v9+s18+$0x0] =	vst.idx.msk vm4, v8  }
.LBB2_69:
0x558: {  	p1 =	slt.s32 s12, $0x1  }
.Ltmp36:
0x559: {  	_ = 	snop;
	(pc) =	sbr.rel @p1 .LBB2_76-.Ltmp36, $1  }
0x55a: {  	_ =	sdelay $0x3  }
0x55b: {  	s21 =	simm.s32 $0xFFFFFFFF  }
0x55c: {  	s21 =	simm.s32 @!p0 $0x0  }
0x55d: {  	s22 =	sshll.u32 s20, $0x3;
	s20 =	simm.s32 $0x0;
	s21 =	sshll.u32 s21, $0x3  }
0x55e: {  	s23 =	simm.s32 $0x0;
	s24 =	simm.s32 $0x5900;
	s21 =	sadd.s32 s21, s22  }
0x55f: {  	s25 =	sand.u32 $0x70, s20;
	s23 =	sand.u32 $0xFFFFFF80, s23;
	p0 =	seq.s32 s21, $0x1  }
.Ltmp37:
0x560: {  	v8 =	vld [tilespmem:s24+$0x0];
	s23 =	sor.u32 s25, s23;
	(pc) =	sbr.rel @p0 .LBB2_72-.Ltmp37, $2  }
0x561: {  	v7 =	vor.u32 s23, v2;
	_ =	sdelay $0x2  }
0x562: {  	s22 =	simm.s32 $0x1;
	s23 =	simm.s32 $0x5910  }
.LBB2_71:
0x563: {  	s24 =	sshll.u32 s22, $0x4;
	s22 =	sadd.s32 $0x1, s22;
	v8 =	vadd.s32 v0, v8;
	s20 =	sadd.s32 $0x10, s20  }
0x564: {  	s25 =	sand.u32 $0x70, s20;
	s24 =	sand.u32 $0xFFFFFF80, s24;
	p0 =	seq.s32 s21, s22;
	[tilespmem:v7+s19+$0x0] =	vst.idx.msk $0xffff, v8  }
.Ltmp38:
0x565: {  	v8 =	vld [tilespmem:s23+$0x0];
	s24 =	sor.u32 s25, s24;
	(pc) =	sbr.rel @!p0 .LBB2_71-.Ltmp38, $2  }
0x566: {  	v7 =	vor.u32 s24, v2;
	_ =	sdelay $0x2  }
0x567: {  	s23 =	sadd.s32 $0x10, s23  }
.LBB2_72:
0x568: {  	_ =	sdelay $0x1  }
0x569: {  	s22 =	simm.s32 $0xF580;
	s23 =	simm.s32 $0x16580;
	s24 =	simm.s32 $0x7580  }
0x56a: {  	v8 =	vadd.s32 v0, v8;
	s20 =	simm.s32 $0x4CC0;
	s21 =	simm.s32 $0x65C0;
	s25 =	simm.s32 $0x7D80  }
0x56b: {  	s2 =	simm.s32 $0xAD80;
	s0 =	simm.s32 $0xB580;
	s1 =	simm.s32 $0xBD80;
	[tilespmem:v7+s19+$0x0] =	vst.idx.msk $0xffff, v8  }
0x56c: {  	s6 =	simm.s32 $0xC580;
	s7 =	simm.s32 $0xCD80;
	[bflag:$0x0] =	sbarrier.arrive $0xFFFF  }
.LBB2_73:
0x56d: {  	v7 =	vld [tilespmem:s20+$0xFFFFFFC0];
	_ =	sdelay $0x4  }
0x56e: {  	v8 =	vshll.u32 v7, $0x1  }
0x56f: {  	v7 =	vand.u32 $0x7, v7;
	v8 =	vand.u32 $0xFFFFFFF0, v8  }
0x570: {  	v9 =	vor.u32 v7, v8;
	v7 =	vshrl.u32 v2, $0x3  }
0x571: {  	v10 =	vperm.xlane v9, v6;
	v7 =	vmul.u32 $0x8, v7  }
0x572: {  	v8 =	vor.u32 $0x8, v2  }
0x573: {  	v9 =	vperm.xlane v9, v8;
	v10 =	vadd.s32 v7, v10;
	_ =	sdelay $0x1  }
0x574: {  	v9 =	vadd.s32 v7, v9;
	_ =	sdelay $0x2  }
0x575: {  	[tilespmem:s24], [sflag:$0x1] =	stream.indirect_vreg.gather [hbm4b:s5+s4], $0x80, v10, vm1, $0xb8;
	[tilespmem:$0x1D600] =	vst v63  }
0x576: {  	_ = 	snop  }
0x577: {  	[tilespmem:s25], [sflag:$0x1] =	stream.indirect_vreg.gather [hbm4b:s5+s4], $0x80, v9, vm1, $0xb8;
	[tilespmem:$0x1D600] =	vst v63  }
0x578: {  	v9 =	vld [tilespmem:s20+$0xFFFFFFD0];
	_ =	sdelay $0x4  }
0x579: {  	v48 =	vshll.u32 v9, $0x1  }
0x57a: {  	v9 =	vand.u32 $0x7, v9;
	v10 =	vand.u32 $0xFFFFFFF0, v48  }
0x57b: {  	v9 =	vor.u32 v9, v10  }
0x57c: {  	v10 =	vperm.xlane v9, v6;
	_ =	sdelay $0x1  }
0x57d: {  	v9 =	vperm.xlane v9, v8;
	v10 =	vadd.s32 v7, v10;
	_ =	sdelay $0x1  }
0x57e: {  	v9 =	vadd.s32 v7, v9;
	_ =	sdelay $0x2  }
0x57f: {  	[tilespmem:s26], [sflag:$0x1] =	stream.indirect_vreg.gather [hbm4b:s5+s4], $0x80, v10, vm1, $0xb8;
	[tilespmem:$0x1D600] =	vst v63  }
0x580: {  	_ = 	snop  }
0x581: {  	[tilespmem:s28], [sflag:$0x1] =	stream.indirect_vreg.gather [hbm4b:s5+s4], $0x80, v9, vm1, $0xb8;
	[tilespmem:$0x1D600] =	vst v63  }
0x582: {  	v9 =	vld [tilespmem:s20+$0xFFFFFFE0];
	_ =	sdelay $0x4  }
0x583: {  	v49 =	vshll.u32 v9, $0x1  }
0x584: {  	v9 =	vand.u32 $0x7, v9;
	v10 =	vand.u32 $0xFFFFFFF0, v49  }
0x585: {  	v9 =	vor.u32 v9, v10  }
0x586: {  	v10 =	vperm.xlane v9, v6;
	_ =	sdelay $0x1  }
0x587: {  	v9 =	vperm.xlane v9, v8;
	v10 =	vadd.s32 v7, v10;
	_ =	sdelay $0x1  }
0x588: {  	v9 =	vadd.s32 v7, v9;
	_ =	sdelay $0x2  }
0x589: {  	[tilespmem:s29], [sflag:$0x1] =	stream.indirect_vreg.gather [hbm4b:s5+s4], $0x80, v10, vm1, $0xb8;
	[tilespmem:$0x1D600] =	vst v63  }
0x58a: {  	_ = 	snop  }
0x58b: {  	[tilespmem:s30], [sflag:$0x1] =	stream.indirect_vreg.gather [hbm4b:s5+s4], $0x80, v9, vm1, $0xb8;
	[tilespmem:$0x1D600] =	vst v63  }
0x58c: {  	v9 =	vld [tilespmem:s20+$0xFFFFFFF0];
	_ =	sdelay $0x4  }
0x58d: {  	v50 =	vshll.u32 v9, $0x1  }
0x58e: {  	v9 =	vand.u32 $0x7, v9;
	v10 =	vand.u32 $0xFFFFFFF0, v50  }
0x58f: {  	v9 =	vor.u32 v9, v10  }
0x590: {  	v10 =	vperm.xlane v9, v6;
	_ =	sdelay $0x1  }
0x591: {  	v9 =	vperm.xlane v9, v8;
	v10 =	vadd.s32 v7, v10;
	_ =	sdelay $0x1  }
0x592: {  	v9 =	vadd.s32 v7, v9;
	_ =	sdelay $0x2  }
0x593: {  	[tilespmem:s31], [sflag:$0x1] =	stream.indirect_vreg.gather [hbm4b:s5+s4], $0x80, v10, vm1, $0xb8;
	[tilespmem:$0x1D600] =	vst v63  }
0x594: {  	_ = 	snop  }
0x595: {  	[tilespmem:s2], [sflag:$0x1] =	stream.indirect_vreg.gather [hbm4b:s5+s4], $0x80, v9, vm1, $0xb8;
	[tilespmem:$0x1D600] =	vst v63  }
0x596: {  	v9 =	vld [tilespmem:s20+$0x0];
	_ =	sdelay $0x4  }
0x597: {  	v51 =	vshll.u32 v9, $0x1  }
0x598: {  	v9 =	vand.u32 $0x7, v9;
	v10 =	vand.u32 $0xFFFFFFF0, v51  }
0x599: {  	v9 =	vor.u32 v9, v10  }
0x59a: {  	v10 =	vperm.xlane v9, v6;
	_ =	sdelay $0x1  }
0x59b: {  	v9 =	vperm.xlane v9, v8;
	v10 =	vadd.s32 v7, v10;
	_ =	sdelay $0x1  }
0x59c: {  	v9 =	vadd.s32 v7, v9;
	_ =	sdelay $0x2  }
0x59d: {  	[tilespmem:s0], [sflag:$0x1] =	stream.indirect_vreg.gather [hbm4b:s5+s4], $0x80, v10, vm1, $0xb8;
	[tilespmem:$0x1D600] =	vst v63  }
0x59e: {  	_ = 	snop  }
0x59f: {  	[tilespmem:s1], [sflag:$0x1] =	stream.indirect_vreg.gather [hbm4b:s5+s4], $0x80, v9, vm1, $0xb8;
	[tilespmem:$0x1D600] =	vst v63  }
0x5a0: {  	v9 =	vld [tilespmem:s20+$0x10];
	_ =	sdelay $0x4  }
0x5a1: {  	v52 =	vshll.u32 v9, $0x1  }
0x5a2: {  	v9 =	vand.u32 $0x7, v9;
	v10 =	vand.u32 $0xFFFFFFF0, v52  }
0x5a3: {  	v9 =	vor.u32 v9, v10  }
0x5a4: {  	v10 =	vperm.xlane v9, v6;
	_ =	sdelay $0x1  }
0x5a5: {  	v9 =	vperm.xlane v9, v8;
	v10 =	vadd.s32 v7, v10;
	_ =	sdelay $0x1  }
0x5a6: {  	v9 =	vadd.s32 v7, v9;
	_ =	sdelay $0x2  }
0x5a7: {  	[tilespmem:s6], [sflag:$0x1] =	stream.indirect_vreg.gather [hbm4b:s5+s4], $0x80, v10, vm1, $0xb8;
	[tilespmem:$0x1D600] =	vst v63  }
0x5a8: {  	_ = 	snop  }
0x5a9: {  	[tilespmem:s7], [sflag:$0x1] =	stream.indirect_vreg.gather [hbm4b:s5+s4], $0x80, v9, vm1, $0xb8;
	[tilespmem:$0x1D600] =	vst v63  }
0x5aa: {  	v9 =	vld [tilespmem:s20+$0x20];
	_ =	sdelay $0x4  }
0x5ab: {  	v53 =	vshll.u32 v9, $0x1  }
0x5ac: {  	v9 =	vand.u32 $0x7, v9;
	v10 =	vand.u32 $0xFFFFFFF0, v53  }
0x5ad: {  	v9 =	vor.u32 v9, v10  }
0x5ae: {  	v10 =	vperm.xlane v9, v6;
	_ =	sdelay $0x1  }
0x5af: {  	v9 =	vperm.xlane v9, v8;
	v10 =	vadd.s32 v7, v10;
	_ =	sdelay $0x1  }
0x5b0: {  	v9 =	vadd.s32 v7, v9;
	_ =	sdelay $0x2  }
0x5b1: {  	[tilespmem:s11], [sflag:$0x1] =	stream.indirect_vreg.gather [hbm4b:s5+s4], $0x80, v10, vm1, $0xb8;
	[tilespmem:$0x1D600] =	vst v63  }
0x5b2: {  	_ = 	snop  }
0x5b3: {  	[tilespmem:s13], [sflag:$0x1] =	stream.indirect_vreg.gather [hbm4b:s5+s4], $0x80, v9, vm1, $0xb8;
	[tilespmem:$0x1D600] =	vst v63  }
0x5b4: {  	v9 =	vld [tilespmem:s20+$0x30];
	_ =	sdelay $0x4  }
0x5b5: {  	v54 =	vshll.u32 v9, $0x1  }
0x5b6: {  	v9 =	vand.u32 $0x7, v9;
	v10 =	vand.u32 $0xFFFFFFF0, v54  }
0x5b7: {  	v9 =	vor.u32 v9, v10  }
0x5b8: {  	v10 =	vperm.xlane v9, v6;
	_ =	sdelay $0x1  }
0x5b9: {  	v9 =	vperm.xlane v9, v8;
	v10 =	vadd.s32 v7, v10;
	_ =	sdelay $0x1  }
0x5ba: {  	v9 =	vadd.s32 v7, v9;
	_ =	sdelay $0x2  }
0x5bb: {  	[tilespmem:s14], [sflag:$0x1] =	stream.indirect_vreg.gather [hbm4b:s5+s4], $0x80, v10, vm1, $0xb8;
	[tilespmem:$0x1D600] =	vst v63  }
0x5bc: {  	_ = 	snop  }
0x5bd: {  	[tilespmem:s15], [sflag:$0x1] =	stream.indirect_vreg.gather [hbm4b:s5+s4], $0x80, v9, vm1, $0xb8;
	[tilespmem:$0x1D600] =	vst v63  }
0x5be: {  	_ =	swait.ge [sflag:s16], $0x8000  }
0x5bf: {  	[sflag:s16] =	ssyncset.done $0x0  }
0x5c0: {  	[sflag:s16] =	ssyncadd.s32 $0xFFFF8000  }
0x5c1: {  	v55 =	vld [tilespmem:s21+$0xFFFFFFC0];
	_ =	sdelay $0x4  }
0x5c2: {  	v56 =	vshll.u32 v55, $0x1  }
0x5c3: {  	v9 =	vand.u32 $0x7, v55;
	v10 =	vand.u32 $0xFFFFFFF0, v56  }
0x5c4: {  	v9 =	vor.u32 v9, v10  }
0x5c5: {  	v10 =	vperm.xlane v9, v6;
	_ =	sdelay $0x1  }
0x5c6: {  	v9 =	vperm.xlane v9, v8;
	v10 =	vadd.s32 v7, v10;
	_ =	sdelay $0x1  }
0x5c7: {  	v9 =	vadd.s32 v7, v9;
	_ =	sdelay $0x2  }
0x5c8: {  	[hbm4b:s3+s4] =	stream.indirect_vreg.scatter [tilespmem:s24], [sflag:$0x2], $0x80, v10, vm1, $0xb8;
	[tilespmem:$0x1D600] =	vst v63  }
0x5c9: {  	_ = 	snop  }
0x5ca: {  	[hbm4b:s3+s4] =	stream.indirect_vreg.scatter [tilespmem:s25], [sflag:$0x2], $0x80, v9, vm1, $0xb8;
	[tilespmem:$0x1D600] =	vst v63  }
0x5cb: {  	v9 =	vld [tilespmem:s21+$0xFFFFFFD0];
	_ =	sdelay $0x4  }
0x5cc: {  	v57 =	vshll.u32 v9, $0x1  }
0x5cd: {  	v9 =	vand.u32 $0x7, v9;
	v10 =	vand.u32 $0xFFFFFFF0, v57  }
0x5ce: {  	v9 =	vor.u32 v9, v10  }
0x5cf: {  	v10 =	vperm.xlane v9, v6;
	_ =	sdelay $0x1  }
0x5d0: {  	v9 =	vperm.xlane v9, v8;
	v10 =	vadd.s32 v7, v10;
	_ =	sdelay $0x1  }
0x5d1: {  	v9 =	vadd.s32 v7, v9;
	_ =	sdelay $0x2  }
0x5d2: {  	[hbm4b:s3+s4] =	stream.indirect_vreg.scatter [tilespmem:s26], [sflag:$0x2], $0x80, v10, vm1, $0xb8;
	[tilespmem:$0x1D600] =	vst v63  }
0x5d3: {  	_ = 	snop  }
0x5d4: {  	[hbm4b:s3+s4] =	stream.indirect_vreg.scatter [tilespmem:s28], [sflag:$0x2], $0x80, v9, vm1, $0xb8;
	[tilespmem:$0x1D600] =	vst v63  }
0x5d5: {  	v9 =	vld [tilespmem:s21+$0xFFFFFFE0];
	_ =	sdelay $0x4  }
0x5d6: {  	v58 =	vshll.u32 v9, $0x1  }
0x5d7: {  	v9 =	vand.u32 $0x7, v9;
	v10 =	vand.u32 $0xFFFFFFF0, v58  }
0x5d8: {  	v9 =	vor.u32 v9, v10  }
0x5d9: {  	v10 =	vperm.xlane v9, v6;
	_ =	sdelay $0x1  }
0x5da: {  	v9 =	vperm.xlane v9, v8;
	v10 =	vadd.s32 v7, v10;
	_ =	sdelay $0x1  }
0x5db: {  	v9 =	vadd.s32 v7, v9;
	_ =	sdelay $0x2  }
0x5dc: {  	[hbm4b:s3+s4] =	stream.indirect_vreg.scatter [tilespmem:s29], [sflag:$0x2], $0x80, v10, vm1, $0xb8;
	[tilespmem:$0x1D600] =	vst v63  }
0x5dd: {  	_ = 	snop  }
0x5de: {  	[hbm4b:s3+s4] =	stream.indirect_vreg.scatter [tilespmem:s30], [sflag:$0x2], $0x80, v9, vm1, $0xb8;
	[tilespmem:$0x1D600] =	vst v63  }
0x5df: {  	v9 =	vld [tilespmem:s21+$0xFFFFFFF0];
	_ =	sdelay $0x4  }
0x5e0: {  	v59 =	vshll.u32 v9, $0x1  }
0x5e1: {  	v9 =	vand.u32 $0x7, v9;
	v10 =	vand.u32 $0xFFFFFFF0, v59  }
0x5e2: {  	v9 =	vor.u32 v9, v10  }
0x5e3: {  	v10 =	vperm.xlane v9, v6;
	_ =	sdelay $0x1  }
0x5e4: {  	v9 =	vperm.xlane v9, v8;
	v10 =	vadd.s32 v7, v10;
	_ =	sdelay $0x1  }
0x5e5: {  	v9 =	vadd.s32 v7, v9;
	_ =	sdelay $0x2  }
0x5e6: {  	[hbm4b:s3+s4] =	stream.indirect_vreg.scatter [tilespmem:s31], [sflag:$0x2], $0x80, v10, vm1, $0xb8;
	[tilespmem:$0x1D600] =	vst v63  }
0x5e7: {  	_ = 	snop  }
0x5e8: {  	[hbm4b:s3+s4] =	stream.indirect_vreg.scatter [tilespmem:s2], [sflag:$0x2], $0x80, v9, vm1, $0xb8;
	[tilespmem:$0x1D600] =	vst v63  }
0x5e9: {  	v9 =	vld [tilespmem:s21+$0x0];
	_ =	sdelay $0x4  }
0x5ea: {  	v60 =	vshll.u32 v9, $0x1  }
0x5eb: {  	v9 =	vand.u32 $0x7, v9;
	v10 =	vand.u32 $0xFFFFFFF0, v60  }
0x5ec: {  	v9 =	vor.u32 v9, v10  }
0x5ed: {  	v10 =	vperm.xlane v9, v6;
	_ =	sdelay $0x1  }
0x5ee: {  	v9 =	vperm.xlane v9, v8;
	v10 =	vadd.s32 v7, v10;
	_ =	sdelay $0x1  }
0x5ef: {  	v9 =	vadd.s32 v7, v9;
	_ =	sdelay $0x2  }
0x5f0: {  	[hbm4b:s3+s4] =	stream.indirect_vreg.scatter [tilespmem:s0], [sflag:$0x2], $0x80, v10, vm1, $0xb8;
	[tilespmem:$0x1D600] =	vst v63  }
0x5f1: {  	_ = 	snop  }
0x5f2: {  	[hbm4b:s3+s4] =	stream.indirect_vreg.scatter [tilespmem:s1], [sflag:$0x2], $0x80, v9, vm1, $0xb8;
	[tilespmem:$0x1D600] =	vst v63  }
0x5f3: {  	v9 =	vld [tilespmem:s21+$0x10];
	_ =	sdelay $0x4  }
0x5f4: {  	v61 =	vshll.u32 v9, $0x1  }
0x5f5: {  	v9 =	vand.u32 $0x7, v9;
	v10 =	vand.u32 $0xFFFFFFF0, v61  }
0x5f6: {  	v9 =	vor.u32 v9, v10  }
0x5f7: {  	v10 =	vperm.xlane v9, v6;
	_ =	sdelay $0x1  }
0x5f8: {  	v9 =	vperm.xlane v9, v8;
	v10 =	vadd.s32 v7, v10;
	_ =	sdelay $0x1  }
0x5f9: {  	v9 =	vadd.s32 v7, v9;
	_ =	sdelay $0x2  }
0x5fa: {  	[hbm4b:s3+s4] =	stream.indirect_vreg.scatter [tilespmem:s6], [sflag:$0x2], $0x80, v10, vm1, $0xb8;
	[tilespmem:$0x1D600] =	vst v63  }
0x5fb: {  	_ = 	snop  }
0x5fc: {  	[hbm4b:s3+s4] =	stream.indirect_vreg.scatter [tilespmem:s7], [sflag:$0x2], $0x80, v9, vm1, $0xb8;
	[tilespmem:$0x1D600] =	vst v63  }
0x5fd: {  	v9 =	vld [tilespmem:s21+$0x20];
	_ =	sdelay $0x4  }
0x5fe: {  	v62 =	vshll.u32 v9, $0x1  }
0x5ff: {  	v9 =	vand.u32 $0x7, v9;
	v10 =	vand.u32 $0xFFFFFFF0, v62  }
0x600: {  	v9 =	vor.u32 v9, v10  }
0x601: {  	v10 =	vperm.xlane v9, v6;
	_ =	sdelay $0x1  }
0x602: {  	v9 =	vperm.xlane v9, v8;
	v10 =	vadd.s32 v7, v10;
	_ =	sdelay $0x1  }
0x603: {  	v9 =	vadd.s32 v7, v9;
	_ =	sdelay $0x2  }
0x604: {  	[hbm4b:s3+s4] =	stream.indirect_vreg.scatter [tilespmem:s11], [sflag:$0x2], $0x80, v10, vm1, $0xb8;
	[tilespmem:$0x1D600] =	vst v63  }
0x605: {  	_ = 	snop  }
0x606: {  	[hbm4b:s3+s4] =	stream.indirect_vreg.scatter [tilespmem:s13], [sflag:$0x2], $0x80, v9, vm1, $0xb8;
	[tilespmem:$0x1D600] =	vst v63  }
0x607: {  	v9 =	vld [tilespmem:s21+$0x30];
	_ =	sdelay $0x4  }
0x608: {  	v63 =	vshll.u32 v9, $0x1  }
0x609: {  	v9 =	vand.u32 $0x7, v9;
	v10 =	vand.u32 $0xFFFFFFF0, v63  }
0x60a: {  	v9 =	vor.u32 v9, v10  }
0x60b: {  	v10 =	vperm.xlane v9, v6;
	_ =	sdelay $0x1  }
0x60c: {  	v8 =	vperm.xlane v9, v8;
	v10 =	vadd.s32 v7, v10;
	_ =	sdelay $0x1  }
0x60d: {  	v7 =	vadd.s32 v7, v8;
	_ =	sdelay $0x1  }
0x60e: {  	p0 =	sne.s32 s12, $0x1  }
0x60f: {  	[hbm4b:s3+s4] =	stream.indirect_vreg.scatter [tilespmem:s14], [sflag:$0x2], $0x80, v10, vm1, $0xb8;
	[tilespmem:$0x1D600] =	vst v63  }
.Ltmp39:
0x610: {  	_ = 	snop;
	(pc) =	sbr.rel @p0 .LBB2_73-.Ltmp39, $4  }
0x611: {  	[hbm4b:s3+s4] =	stream.indirect_vreg.scatter [tilespmem:s15], [sflag:$0x2], $0x80, v7, vm1, $0xb8;
	[tilespmem:$0x1D600] =	vst v63  }
0x612: {  	_ =	swait.ge [sflag:s8], $0x8000  }
0x613: {  	s12 =	sadd.s32 $0xFFFFFFFF, s12;
	[sflag:s8] =	ssyncset.done $0x0  }
0x614: {  	s20 =	sadd.s32 $0x80, s20;
	s21 =	sadd.s32 $0x80, s21;
	[sflag:s8] =	ssyncadd.s32 $0xFFFF8000  }
.Ltmp40:
0x615: {  	_ = 	snop;
	(pc) =	sbr.rel .LBB2_74-.Ltmp40, $1  }
0x616: {  	_ =	sdelay $0x3  }
.LBB2_63:
.Ltmp41:
0x617: {  	(pc) =	sbr.rel .LBB2_68-.Ltmp41, $2  }
0x618: {  	_ =	sdelay $0x2  }
0x619: {  	_ = 	snop  }
.LBB2_65:
.Ltmp42:
0x61a: {  	(pc) =	sbr.rel .LBB2_68-.Ltmp42, $2  }
0x61b: {  	_ =	sdelay $0x2  }
0x61c: {  	vm4 =	vmmov vm3  }
.LBB2_75:
0x61d: {  	_ =	sfence.sel $0x180000  }
0x61e: {  	[bflag:$0x0] =	sbarrier.arrive $0xFFFF  }
0x61f: {  	_ =	strace $0x90000047  }
0x620: {  	s0 =	stileid.u32;
	[bflag:$0x2] =	sbarrier.arrive $0xFFFF  }
0x621: {  	p0 =	sne.s32 s0, $0x0;
	s0 =	rddreg [dreg:$0x4]  }
0x622: {  	s0 =	sadd.s32 @!p0 $0x100000, s0  }
0x623: {  	[sflag:s0] =	ssyncadd.tile.s32 @!p0 $0x1;
	_ =	shalt  }
.Lfunc_end2:
_tile_overlayer_lowered:
.L_overlay_start_2:
0x624: {  	(tag) =	ssettag $0x2  }
0x625: {  	s0 =	rddreg [dreg:$0x0];
	s2 =	stileid.u32  }
0x626: {  	s1 =	rddreg [dreg:$0x1];
	p0 =	sne.s32 s2, $0x0  }
0x627: {  	s3 =	rddreg [dreg:$0x2];
	[bflag:$0x3] =	sbarrier.arrive $0xFFFF;
	s2 =	simm.s32 @!p0 $0x1C07  }
0x628: {  	[timem:s3], [sflag:s2] =	dma.local @!p0 [hbm:s0], s1  }
0x629: {  	s0 =	simm.s32 @!p0 $0x7  }
0x62a: {  	_ =	swait.ge @!p0 [sflag:s0], s1  }
0x62b: {  	s1 =	ssub.s32 @!p0 $0x0, s1;
	[sflag:s0] =	ssyncset.done @!p0 $0x0  }
0x62c: {  	[sflag:s0] =	ssyncadd.s32 @!p0 s1  }
0x62d: {  	[bflag:$0x3] =	sbarrier.arrive $0xFFFF  }
0x62e: {  	_ =	shalt  }

</sc_bundles>
